<compile_context>
chip_gen: v7x
topology: tpu7x:2x2x1
jax: 0.10.2.dev20260603
libtpu: 0.0.44.dev20260713+nightly
codegen_flags: <defaults>
</compile_context>

<pallas_src>
import jax
import jax.numpy as jnp
from jax import lax
from jax.experimental import pallas as pl
from jax.experimental.pallas import tpu as pltpu
from jax.experimental.pallas import tpu_sc as plsc

CAP = 1000000
DIM = 64
B = 16384

_info = plsc.get_sparse_core_info()
NC, NS, L = _info.num_cores, _info.num_subcores, _info.num_lanes
NW = NC * NS
BPW = B // NW
NCHUNK = 4
CROWS = BPW // NCHUNK


def _body(mem_h, val_h, idx_h, out_h, idx_v, adj_v,
          adj0, adj1, adj2, adj3,
          aval0, aval1, aval2, aval3,
          rows_v, fix_v, sg1, sg2, sw):
    adjb = (adj0, adj1, adj2, adj3)
    avalb = (aval0, aval1, aval2, aval3)

    wid = lax.axis_index("s") * NC + lax.axis_index("c")
    base = wid * BPW
    pltpu.sync_copy(idx_h.at[pl.ds(base, BPW)], idx_v)

    iota0 = lax.iota(jnp.int32, L)
    for c in range(BPW // L):
        j, o = divmod(c * L, CROWS)
        iv = idx_v[pl.ds(c * L, L)]
        adj = iv + B
        adj = jnp.where(adj >= CAP, adj - CAP, adj)
        m = adj < B
        adjb[j][pl.ds(o, L)] = adj
        adj_v[pl.ds(c * L, L)] = adj
        avalb[j][pl.ds(o, L)] = jnp.where(m, adj, base + c * L + iota0)

    g1, g2 = [], []
    for j in range(NCHUNK):
        g1.append(pltpu.async_copy(mem_h.at[adjb[j]],
                                   rows_v.at[pl.ds(j * CROWS, CROWS)], sg1))
        g2.append(pltpu.async_copy(val_h.at[avalb[j]],
                                   fix_v.at[pl.ds(j * CROWS, CROWS)], sg2))

    iota = lax.iota(jnp.int32, L)
    ws = []
    for j in range(NCHUNK):
        g1[j].wait()
        g2[j].wait()

        def patch(c, carry):
            adj = adj_v[pl.ds(c * L, L)]
            m = adj < B
            lid = c * L + iota
            for d in range(DIM):
                col = jnp.full((L,), d, jnp.int32)
                x = plsc.load_gather(fix_v, [lid, col], mask=m)
                plsc.store_scatter(rows_v, [lid, col], x, mask=m)
            return carry

        lax.fori_loop(j * (CROWS // L), (j + 1) * (CROWS // L), patch, 0)
        ws.append(pltpu.async_copy(rows_v.at[pl.ds(j * CROWS, CROWS)],
                                   out_h.at[pl.ds(base + j * CROWS, CROWS)],
                                   sw))
    for d in ws:
        d.wait()


@jax.jit
def kernel(mem, val, idx):
    scratch = ([pltpu.VMEM((BPW,), jnp.int32) for _ in range(2)]
               + [pltpu.VMEM((CROWS,), jnp.int32) for _ in range(2 * NCHUNK)]
               + [pltpu.VMEM((BPW, DIM), jnp.float32) for _ in range(2)]
               + [pltpu.SemaphoreType.DMA for _ in range(3)])
    return pl.kernel(
        _body,
        out_type=jax.ShapeDtypeStruct((B, DIM), jnp.float32),
        scratch_types=scratch,
        mesh=plsc.VectorSubcoreMesh(core_axis_name="c", subcore_axis_name="s"),
        compiler_params=pltpu.CompilerParams(use_tc_tiling_on_sc=False,
                                             needs_layout_passes=False),
    )(mem, val, idx)

# --- scband reference (transcript-rebuilt; emitter-appended) ---
"""Pipeline reference for scband-data-buffer-53420803227965 (READ-ONLY COPY).

The authoritative reference and input builder live on the scoring server;
editing this copy changes nothing except your own understanding.
"""

import jax, jax.numpy as jnp
import numpy as np

CAPACITY = 1000000
DIM = 64
BATCH = 16384


def setup_inputs(seed: int = 0) -> dict:
    key = jax.random.key(seed)
    k1, k2, k3 = jax.random.split(key, 3)
    mem = jax.random.normal(k1, (CAPACITY, DIM), dtype=jnp.float32)
    val = jax.random.normal(k2, (BATCH, DIM), dtype=jnp.float32)
    idx = jax.random.randint(k3, (BATCH,), 0, CAPACITY, dtype=jnp.int32)
    return {"mem": mem, "val": val, "idx": idx}


def reference(mem, val, idx):
    # DataBuffer semantics: buffer starts full (current_size == capacity,
    # current_pos == 0). add_batch scatters the new batch at the circular
    # write cursor, then get_batch_by_indices gathers by logical index
    # (index 0 == earliest element still in the buffer).
    capacity = mem.shape[0]
    n = val.shape[0]
    pos = 0
    size = capacity
    # add_batch: circular scatter-overwrite
    wr_idx = (pos + jnp.arange(n, dtype=jnp.int32)) % capacity
    mem2 = mem.at[wr_idx].set(val)
    new_pos = (pos + n) % capacity
    new_size = min(size + n, capacity)
    # get_batch_by_indices: logical->physical index remap, then gather
    adj = (idx + (new_pos - new_size)) % capacity
    out = jnp.take(mem2, adj, axis=0)
    return out

if __name__ == "__main__":
    import jax
    _d = setup_inputs()
    print(jax.jit(kernel)(*tuple(_d.values())))

</pallas_src>

<mosaic_0001>
#map = affine_map<(d0, d1) -> (0, 0)>
#map1 = affine_map<(d0, d1) -> (0)>
module attributes {stable_mosaic.version = 14 : i64} {
  func.func @_body(%arg0: i32, %arg1: i32, %arg2: memref<1000000x64xf32, #tpu.memory_space<hbm>>, %arg3: memref<16384x64xf32, #tpu.memory_space<hbm>>, %arg4: memref<16384xi32, #tpu.memory_space<hbm>>, %arg5: memref<16384x64xf32, #tpu.memory_space<hbm>>, %arg6: memref<512xi32, #tpu.memory_space<vmem>>, %arg7: memref<512xi32, #tpu.memory_space<vmem>>, %arg8: memref<128xi32, #tpu.memory_space<vmem>>, %arg9: memref<128xi32, #tpu.memory_space<vmem>>, %arg10: memref<128xi32, #tpu.memory_space<vmem>>, %arg11: memref<128xi32, #tpu.memory_space<vmem>>, %arg12: memref<128xi32, #tpu.memory_space<vmem>>, %arg13: memref<128xi32, #tpu.memory_space<vmem>>, %arg14: memref<128xi32, #tpu.memory_space<vmem>>, %arg15: memref<128xi32, #tpu.memory_space<vmem>>, %arg16: memref<512x64xf32, #tpu.memory_space<vmem>>, %arg17: memref<512x64xf32, #tpu.memory_space<vmem>>, %arg18: memref<!tpu.dma_semaphore, #tpu.memory_space<semaphore_mem>>, %arg19: memref<!tpu.dma_semaphore, #tpu.memory_space<semaphore_mem>>, %arg20: memref<!tpu.dma_semaphore, #tpu.memory_space<semaphore_mem>>) attributes {dimension_semantics = [#tpu.dimension_semantics<core_parallel>, #tpu.dimension_semantics<subcore_parallel>], iteration_bounds = array<i64: 2, 16>, scalar_prefetch = 0 : i64, scratch_operands = 15 : i64, tpu.core_type = #tpu.core_type<sc_vector_subcore>, window_params = [{transform_indices = #map}, {transform_indices = #map}, {transform_indices = #map1}, {transform_indices = #map}]} {
    %mul3A = arith.constant 2 : i32
    %mul3A_0 = arith.muli %arg1, %mul3A : i32
    %add3A = arith.addi %mul3A_0, %arg0 : i32
    %mul3A_1 = arith.constant 512 : i32
    %mul3A_2 = arith.muli %add3A, %mul3A_1 : i32
    "tpu.region"() ({
      %run_scoped3A = tpu.sem_alloc : memref<!tpu.dma_semaphore, #tpu.memory_space<semaphore_mem>>
      %dma_start3A_1035 = tpu.memref_slice %arg4[%mul3A_2] : memref<16384xi32, #tpu.memory_space<hbm>> -> memref<512xi32, #tpu.memory_space<hbm>>
      %dma_start3A_1036 = tpu.memref_slice %arg4[%mul3A_2] : memref<16384xi32, #tpu.memory_space<hbm>> -> memref<512xi32, #tpu.memory_space<hbm>>
      tpu.enqueue_dma source(%dma_start3A_1036 : memref<512xi32, #tpu.memory_space<hbm>>) target(%arg6 : memref<512xi32, #tpu.memory_space<vmem>>) target_semaphore(%run_scoped3A : memref<!tpu.dma_semaphore, #tpu.memory_space<semaphore_mem>>)
      %dma_wait3A_1037 = tpu.memref_slice %arg4[%mul3A_2] : memref<16384xi32, #tpu.memory_space<hbm>> -> memref<512xi32, #tpu.memory_space<hbm>>
      %dma_wait3A_1038 = tpu.memref_slice %arg4[%mul3A_2] : memref<16384xi32, #tpu.memory_space<hbm>> -> memref<512xi32, #tpu.memory_space<hbm>>
      tpu.wait_dma2 semaphore(%run_scoped3A : memref<!tpu.dma_semaphore, #tpu.memory_space<semaphore_mem>>) src(%dma_wait3A_1038 : memref<512xi32, #tpu.memory_space<hbm>>) dst(%arg6 : memref<512xi32, #tpu.memory_space<vmem>>)
      tpu.yield
    }) : () -> ()
    %iota3A = tpu.iota {dimensions = array<i32: 0>} : vector<16xi32>
    %get3A = arith.constant 0 : index
    %get3A_3 = tpu.vector_load %arg6[%get3A] {strides = array<i32>} : memref<512xi32, #tpu.memory_space<vmem>>, vector<16xi32>,
    %add3A_4 = arith.constant 16384 : i32
    %add3A_5 = vector.broadcast %add3A_4 : i32 to vector<16xi32>
    %add3A_6 = arith.addi %get3A_3, %add3A_5 : vector<16xi32>
    %ge3A = arith.constant 1000000 : i32
    %ge3A_7 = vector.broadcast %ge3A : i32 to vector<16xi32>
    %ge3A_8 = arith.cmpi sge, %add3A_6, %ge3A_7 : vector<16xi32>
    %sub3A = arith.constant 1000000 : i32
    %sub3A_9 = vector.broadcast %sub3A : i32 to vector<16xi32>
    %sub3A_10 = arith.subi %add3A_6, %sub3A_9 : vector<16xi32>
    %select_n3A = arith.select %ge3A_8, %sub3A_10, %add3A_6 : vector<16xi1>, vector<16xi32>
    %lt3A = arith.constant 16384 : i32
    %lt3A_11 = vector.broadcast %lt3A : i32 to vector<16xi32>
    %lt3A_12 = arith.cmpi slt, %select_n3A, %lt3A_11 : vector<16xi32>
    %swap3A = arith.constant 0 : index
    %swap3A_13 = tpu.vector_load %arg8[%swap3A] {strides = array<i32>} : memref<128xi32, #tpu.memory_space<vmem>>, vector<16xi32>,
    tpu.vector_store %arg8[%swap3A], %select_n3A {strides = array<i32>} : memref<128xi32, #tpu.memory_space<vmem>>, vector<16xi32>,
    %swap3A_14 = arith.constant 0 : index
    %swap3A_15 = tpu.vector_load %arg7[%swap3A_14] {strides = array<i32>} : memref<512xi32, #tpu.memory_space<vmem>>, vector<16xi32>,
    tpu.vector_store %arg7[%swap3A_14], %select_n3A {strides = array<i32>} : memref<512xi32, #tpu.memory_space<vmem>>, vector<16xi32>,
    %add3A_16 = arith.constant 0 : i32
    %add3A_17 = arith.addi %mul3A_2, %add3A_16 : i32
    %add3A_18 = vector.broadcast %add3A_17 : i32 to vector<16xi32>
    %add3A_19 = arith.addi %add3A_18, %iota3A : vector<16xi32>
    %select_n3A_20 = arith.select %lt3A_12, %select_n3A, %add3A_19 : vector<16xi1>, vector<16xi32>
    %swap3A_21 = arith.constant 0 : index
    %swap3A_22 = tpu.vector_load %arg12[%swap3A_21] {strides = array<i32>} : memref<128xi32, #tpu.memory_space<vmem>>, vector<16xi32>,
    tpu.vector_store %arg12[%swap3A_21], %select_n3A_20 {strides = array<i32>} : memref<128xi32, #tpu.memory_space<vmem>>, vector<16xi32>,
    %get3A_23 = arith.constant 16 : index
    %get3A_24 = tpu.vector_load %arg6[%get3A_23] {strides = array<i32>} : memref<512xi32, #tpu.memory_space<vmem>>, vector<16xi32>,
    %add3A_25 = arith.constant 16384 : i32
    %add3A_26 = vector.broadcast %add3A_25 : i32 to vector<16xi32>
    %add3A_27 = arith.addi %get3A_24, %add3A_26 : vector<16xi32>
    %ge3A_28 = arith.constant 1000000 : i32
    %ge3A_29 = vector.broadcast %ge3A_28 : i32 to vector<16xi32>
    %ge3A_30 = arith.cmpi sge, %add3A_27, %ge3A_29 : vector<16xi32>
    %sub3A_31 = arith.constant 1000000 : i32
    %sub3A_32 = vector.broadcast %sub3A_31 : i32 to vector<16xi32>
    %sub3A_33 = arith.subi %add3A_27, %sub3A_32 : vector<16xi32>
    %select_n3A_34 = arith.select %ge3A_30, %sub3A_33, %add3A_27 : vector<16xi1>, vector<16xi32>
    %lt3A_35 = arith.constant 16384 : i32
    %lt3A_36 = vector.broadcast %lt3A_35 : i32 to vector<16xi32>
    %lt3A_37 = arith.cmpi slt, %select_n3A_34, %lt3A_36 : vector<16xi32>
    %swap3A_38 = arith.constant 16 : index
    %swap3A_39 = tpu.vector_load %arg8[%swap3A_38] {strides = array<i32>} : memref<128xi32, #tpu.memory_space<vmem>>, vector<16xi32>,
    tpu.vector_store %arg8[%swap3A_38], %select_n3A_34 {strides = array<i32>} : memref<128xi32, #tpu.memory_space<vmem>>, vector<16xi32>,
    %swap3A_40 = arith.constant 16 : index
    %swap3A_41 = tpu.vector_load %arg7[%swap3A_40] {strides = array<i32>} : memref<512xi32, #tpu.memory_space<vmem>>, vector<16xi32>,
    tpu.vector_store %arg7[%swap3A_40], %select_n3A_34 {strides = array<i32>} : memref<512xi32, #tpu.memory_space<vmem>>, vector<16xi32>,
    %add3A_42 = arith.constant 16 : i32
    %add3A_43 = arith.addi %mul3A_2, %add3A_42 : i32
    %add3A_44 = vector.broadcast %add3A_43 : i32 to vector<16xi32>
    %add3A_45 = arith.addi %add3A_44, %iota3A : vector<16xi32>
    %select_n3A_46 = arith.select %lt3A_37, %select_n3A_34, %add3A_45 : vector<16xi1>, vector<16xi32>
    %swap3A_47 = arith.constant 16 : index
    %swap3A_48 = tpu.vector_load %arg12[%swap3A_47] {strides = array<i32>} : memref<128xi32, #tpu.memory_space<vmem>>, vector<16xi32>,
    tpu.vector_store %arg12[%swap3A_47], %select_n3A_46 {strides = array<i32>} : memref<128xi32, #tpu.memory_space<vmem>>, vector<16xi32>,
    %get3A_49 = arith.constant 32 : index
    %get3A_50 = tpu.vector_load %arg6[%get3A_49] {strides = array<i32>} : memref<512xi32, #tpu.memory_space<vmem>>, vector<16xi32>,
    %add3A_51 = arith.constant 16384 : i32
    %add3A_52 = vector.broadcast %add3A_51 : i32 to vector<16xi32>
    %add3A_53 = arith.addi %get3A_50, %add3A_52 : vector<16xi32>
    %ge3A_54 = arith.constant 1000000 : i32
    %ge3A_55 = vector.broadcast %ge3A_54 : i32 to vector<16xi32>
    %ge3A_56 = arith.cmpi sge, %add3A_53, %ge3A_55 : vector<16xi32>
    %sub3A_57 = arith.constant 1000000 : i32
    %sub3A_58 = vector.broadcast %sub3A_57 : i32 to vector<16xi32>
    %sub3A_59 = arith.subi %add3A_53, %sub3A_58 : vector<16xi32>
    %select_n3A_60 = arith.select %ge3A_56, %sub3A_59, %add3A_53 : vector<16xi1>, vector<16xi32>
    %lt3A_61 = arith.constant 16384 : i32
    %lt3A_62 = vector.broadcast %lt3A_61 : i32 to vector<16xi32>
    %lt3A_63 = arith.cmpi slt, %select_n3A_60, %lt3A_62 : vector<16xi32>
    %swap3A_64 = arith.constant 32 : index
    %swap3A_65 = tpu.vector_load %arg8[%swap3A_64] {strides = array<i32>} : memref<128xi32, #tpu.memory_space<vmem>>, vector<16xi32>,
    tpu.vector_store %arg8[%swap3A_64], %select_n3A_60 {strides = array<i32>} : memref<128xi32, #tpu.memory_space<vmem>>, vector<16xi32>,
    %swap3A_66 = arith.constant 32 : index
    %swap3A_67 = tpu.vector_load %arg7[%swap3A_66] {strides = array<i32>} : memref<512xi32, #tpu.memory_space<vmem>>, vector<16xi32>,
    tpu.vector_store %arg7[%swap3A_66], %select_n3A_60 {strides = array<i32>} : memref<512xi32, #tpu.memory_space<vmem>>, vector<16xi32>,
    %add3A_68 = arith.constant 32 : i32
    %add3A_69 = arith.addi %mul3A_2, %add3A_68 : i32
    %add3A_70 = vector.broadcast %add3A_69 : i32 to vector<16xi32>
    %add3A_71 = arith.addi %add3A_70, %iota3A : vector<16xi32>
    %select_n3A_72 = arith.select %lt3A_63, %select_n3A_60, %add3A_71 : vector<16xi1>, vector<16xi32>
    %swap3A_73 = arith.constant 32 : index
    %swap3A_74 = tpu.vector_load %arg12[%swap3A_73] {strides = array<i32>} : memref<128xi32, #tpu.memory_space<vmem>>, vector<16xi32>,
    tpu.vector_store %arg12[%swap3A_73], %select_n3A_72 {strides = array<i32>} : memref<128xi32, #tpu.memory_space<vmem>>, vector<16xi32>,
    %get3A_75 = arith.constant 48 : index
    %get3A_76 = tpu.vector_load %arg6[%get3A_75] {strides = array<i32>} : memref<512xi32, #tpu.memory_space<vmem>>, vector<16xi32>,
    %add3A_77 = arith.constant 16384 : i32
    %add3A_78 = vector.broadcast %add3A_77 : i32 to vector<16xi32>
    %add3A_79 = arith.addi %get3A_76, %add3A_78 : vector<16xi32>
    %ge3A_80 = arith.constant 1000000 : i32
    %ge3A_81 = vector.broadcast %ge3A_80 : i32 to vector<16xi32>
    %ge3A_82 = arith.cmpi sge, %add3A_79, %ge3A_81 : vector<16xi32>
    %sub3A_83 = arith.constant 1000000 : i32
    %sub3A_84 = vector.broadcast %sub3A_83 : i32 to vector<16xi32>
    %sub3A_85 = arith.subi %add3A_79, %sub3A_84 : vector<16xi32>
    %select_n3A_86 = arith.select %ge3A_82, %sub3A_85, %add3A_79 : vector<16xi1>, vector<16xi32>
    %lt3A_87 = arith.constant 16384 : i32
    %lt3A_88 = vector.broadcast %lt3A_87 : i32 to vector<16xi32>
    %lt3A_89 = arith.cmpi slt, %select_n3A_86, %lt3A_88 : vector<16xi32>
    %swap3A_90 = arith.constant 48 : index
    %swap3A_91 = tpu.vector_load %arg8[%swap3A_90] {strides = array<i32>} : memref<128xi32, #tpu.memory_space<vmem>>, vector<16xi32>,
    tpu.vector_store %arg8[%swap3A_90], %select_n3A_86 {strides = array<i32>} : memref<128xi32, #tpu.memory_space<vmem>>, vector<16xi32>,
    %swap3A_92 = arith.constant 48 : index
    %swap3A_93 = tpu.vector_load %arg7[%swap3A_92] {strides = array<i32>} : memref<512xi32, #tpu.memory_space<vmem>>, vector<16xi32>,
    tpu.vector_store %arg7[%swap3A_92], %select_n3A_86 {strides = array<i32>} : memref<512xi32, #tpu.memory_space<vmem>>, vector<16xi32>,
    %add3A_94 = arith.constant 48 : i32
    %add3A_95 = arith.addi %mul3A_2, %add3A_94 : i32
    %add3A_96 = vector.broadcast %add3A_95 : i32 to vector<16xi32>
    %add3A_97 = arith.addi %add3A_96, %iota3A : vector<16xi32>
    %select_n3A_98 = arith.select %lt3A_89, %select_n3A_86, %add3A_97 : vector<16xi1>, vector<16xi32>
    %swap3A_99 = arith.constant 48 : index
    %swap3A_100 = tpu.vector_load %arg12[%swap3A_99] {strides = array<i32>} : memref<128xi32, #tpu.memory_space<vmem>>, vector<16xi32>,
    tpu.vector_store %arg12[%swap3A_99], %select_n3A_98 {strides = array<i32>} : memref<128xi32, #tpu.memory_space<vmem>>, vector<16xi32>,
    %get3A_101 = arith.constant 64 : index
    %get3A_102 = tpu.vector_load %arg6[%get3A_101] {strides = array<i32>} : memref<512xi32, #tpu.memory_space<vmem>>, vector<16xi32>,
    %add3A_103 = arith.constant 16384 : i32
    %add3A_104 = vector.broadcast %add3A_103 : i32 to vector<16xi32>
    %add3A_105 = arith.addi %get3A_102, %add3A_104 : vector<16xi32>
    %ge3A_106 = arith.constant 1000000 : i32
    %ge3A_107 = vector.broadcast %ge3A_106 : i32 to vector<16xi32>
    %ge3A_108 = arith.cmpi sge, %add3A_105, %ge3A_107 : vector<16xi32>
    %sub3A_109 = arith.constant 1000000 : i32
    %sub3A_110 = vector.broadcast %sub3A_109 : i32 to vector<16xi32>
    %sub3A_111 = arith.subi %add3A_105, %sub3A_110 : vector<16xi32>
    %select_n3A_112 = arith.select %ge3A_108, %sub3A_111, %add3A_105 : vector<16xi1>, vector<16xi32>
    %lt3A_113 = arith.constant 16384 : i32
    %lt3A_114 = vector.broadcast %lt3A_113 : i32 to vector<16xi32>
    %lt3A_115 = arith.cmpi slt, %select_n3A_112, %lt3A_114 : vector<16xi32>
    %swap3A_116 = arith.constant 64 : index
    %swap3A_117 = tpu.vector_load %arg8[%swap3A_116] {strides = array<i32>} : memref<128xi32, #tpu.memory_space<vmem>>, vector<16xi32>,
    tpu.vector_store %arg8[%swap3A_116], %select_n3A_112 {strides = array<i32>} : memref<128xi32, #tpu.memory_space<vmem>>, vector<16xi32>,
    %swap3A_118 = arith.constant 64 : index
    %swap3A_119 = tpu.vector_load %arg7[%swap3A_118] {strides = array<i32>} : memref<512xi32, #tpu.memory_space<vmem>>, vector<16xi32>,
    tpu.vector_store %arg7[%swap3A_118], %select_n3A_112 {strides = array<i32>} : memref<512xi32, #tpu.memory_space<vmem>>, vector<16xi32>,
    %add3A_120 = arith.constant 64 : i32
    %add3A_121 = arith.addi %mul3A_2, %add3A_120 : i32
    %add3A_122 = vector.broadcast %add3A_121 : i32 to vector<16xi32>
    %add3A_123 = arith.addi %add3A_122, %iota3A : vector<16xi32>
    %select_n3A_124 = arith.select %lt3A_115, %select_n3A_112, %add3A_123 : vector<16xi1>, vector<16xi32>
    %swap3A_125 = arith.constant 64 : index
    %swap3A_126 = tpu.vector_load %arg12[%swap3A_125] {strides = array<i32>} : memref<128xi32, #tpu.memory_space<vmem>>, vector<16xi32>,
    tpu.vector_store %arg12[%swap3A_125], %select_n3A_124 {strides = array<i32>} : memref<128xi32, #tpu.memory_space<vmem>>, vector<16xi32>,
    %get3A_127 = arith.constant 80 : index
    %get3A_128 = tpu.vector_load %arg6[%get3A_127] {strides = array<i32>} : memref<512xi32, #tpu.memory_space<vmem>>, vector<16xi32>,
    %add3A_129 = arith.constant 16384 : i32
    %add3A_130 = vector.broadcast %add3A_129 : i32 to vector<16xi32>
    %add3A_131 = arith.addi %get3A_128, %add3A_130 : vector<16xi32>
    %ge3A_132 = arith.constant 1000000 : i32
    %ge3A_133 = vector.broadcast %ge3A_132 : i32 to vector<16xi32>
    %ge3A_134 = arith.cmpi sge, %add3A_131, %ge3A_133 : vector<16xi32>
    %sub3A_135 = arith.constant 1000000 : i32
    %sub3A_136 = vector.broadcast %sub3A_135 : i32 to vector<16xi32>
    %sub3A_137 = arith.subi %add3A_131, %sub3A_136 : vector<16xi32>
    %select_n3A_138 = arith.select %ge3A_134, %sub3A_137, %add3A_131 : vector<16xi1>, vector<16xi32>
    %lt3A_139 = arith.constant 16384 : i32
    %lt3A_140 = vector.broadcast %lt3A_139 : i32 to vector<16xi32>
    %lt3A_141 = arith.cmpi slt, %select_n3A_138, %lt3A_140 : vector<16xi32>
    %swap3A_142 = arith.constant 80 : index
    %swap3A_143 = tpu.vector_load %arg8[%swap3A_142] {strides = array<i32>} : memref<128xi32, #tpu.memory_space<vmem>>, vector<16xi32>,
    tpu.vector_store %arg8[%swap3A_142], %select_n3A_138 {strides = array<i32>} : memref<128xi32, #tpu.memory_space<vmem>>, vector<16xi32>,
    %swap3A_144 = arith.constant 80 : index
    %swap3A_145 = tpu.vector_load %arg7[%swap3A_144] {strides = array<i32>} : memref<512xi32, #tpu.memory_space<vmem>>, vector<16xi32>,
    tpu.vector_store %arg7[%swap3A_144], %select_n3A_138 {strides = array<i32>} : memref<512xi32, #tpu.memory_space<vmem>>, vector<16xi32>,
    %add3A_146 = arith.constant 80 : i32
    %add3A_147 = arith.addi %mul3A_2, %add3A_146 : i32
    %add3A_148 = vector.broadcast %add3A_147 : i32 to vector<16xi32>
    %add3A_149 = arith.addi %add3A_148, %iota3A : vector<16xi32>
    %select_n3A_150 = arith.select %lt3A_141, %select_n3A_138, %add3A_149 : vector<16xi1>, vector<16xi32>
    %swap3A_151 = arith.constant 80 : index
    %swap3A_152 = tpu.vector_load %arg12[%swap3A_151] {strides = array<i32>} : memref<128xi32, #tpu.memory_space<vmem>>, vector<16xi32>,
    tpu.vector_store %arg12[%swap3A_151], %select_n3A_150 {strides = array<i32>} : memref<128xi32, #tpu.memory_space<vmem>>, vector<16xi32>,
    %get3A_153 = arith.constant 96 : index
    %get3A_154 = tpu.vector_load %arg6[%get3A_153] {strides = array<i32>} : memref<512xi32, #tpu.memory_space<vmem>>, vector<16xi32>,
    %add3A_155 = arith.constant 16384 : i32
    %add3A_156 = vector.broadcast %add3A_155 : i32 to vector<16xi32>
    %add3A_157 = arith.addi %get3A_154, %add3A_156 : vector<16xi32>
    %ge3A_158 = arith.constant 1000000 : i32
    %ge3A_159 = vector.broadcast %ge3A_158 : i32 to vector<16xi32>
    %ge3A_160 = arith.cmpi sge, %add3A_157, %ge3A_159 : vector<16xi32>
    %sub3A_161 = arith.constant 1000000 : i32
    %sub3A_162 = vector.broadcast %sub3A_161 : i32 to vector<16xi32>
    %sub3A_163 = arith.subi %add3A_157, %sub3A_162 : vector<16xi32>
    %select_n3A_164 = arith.select %ge3A_160, %sub3A_163, %add3A_157 : vector<16xi1>, vector<16xi32>
    %lt3A_165 = arith.constant 16384 : i32
    %lt3A_166 = vector.broadcast %lt3A_165 : i32 to vector<16xi32>
    %lt3A_167 = arith.cmpi slt, %select_n3A_164, %lt3A_166 : vector<16xi32>
    %swap3A_168 = arith.constant 96 : index
    %swap3A_169 = tpu.vector_load %arg8[%swap3A_168] {strides = array<i32>} : memref<128xi32, #tpu.memory_space<vmem>>, vector<16xi32>,
    tpu.vector_store %arg8[%swap3A_168], %select_n3A_164 {strides = array<i32>} : memref<128xi32, #tpu.memory_space<vmem>>, vector<16xi32>,
    %swap3A_170 = arith.constant 96 : index
    %swap3A_171 = tpu.vector_load %arg7[%swap3A_170] {strides = array<i32>} : memref<512xi32, #tpu.memory_space<vmem>>, vector<16xi32>,
    tpu.vector_store %arg7[%swap3A_170], %select_n3A_164 {strides = array<i32>} : memref<512xi32, #tpu.memory_space<vmem>>, vector<16xi32>,
    %add3A_172 = arith.constant 96 : i32
    %add3A_173 = arith.addi %mul3A_2, %add3A_172 : i32
    %add3A_174 = vector.broadcast %add3A_173 : i32 to vector<16xi32>
    %add3A_175 = arith.addi %add3A_174, %iota3A : vector<16xi32>
    %select_n3A_176 = arith.select %lt3A_167, %select_n3A_164, %add3A_175 : vector<16xi1>, vector<16xi32>
    %swap3A_177 = arith.constant 96 : index
    %swap3A_178 = tpu.vector_load %arg12[%swap3A_177] {strides = array<i32>} : memref<128xi32, #tpu.memory_space<vmem>>, vector<16xi32>,
    tpu.vector_store %arg12[%swap3A_177], %select_n3A_176 {strides = array<i32>} : memref<128xi32, #tpu.memory_space<vmem>>, vector<16xi32>,
    %get3A_179 = arith.constant 112 : index
    %get3A_180 = tpu.vector_load %arg6[%get3A_179] {strides = array<i32>} : memref<512xi32, #tpu.memory_space<vmem>>, vector<16xi32>,
    %add3A_181 = arith.constant 16384 : i32
    %add3A_182 = vector.broadcast %add3A_181 : i32 to vector<16xi32>
    %add3A_183 = arith.addi %get3A_180, %add3A_182 : vector<16xi32>
    %ge3A_184 = arith.constant 1000000 : i32
    %ge3A_185 = vector.broadcast %ge3A_184 : i32 to vector<16xi32>
    %ge3A_186 = arith.cmpi sge, %add3A_183, %ge3A_185 : vector<16xi32>
    %sub3A_187 = arith.constant 1000000 : i32
    %sub3A_188 = vector.broadcast %sub3A_187 : i32 to vector<16xi32>
    %sub3A_189 = arith.subi %add3A_183, %sub3A_188 : vector<16xi32>
    %select_n3A_190 = arith.select %ge3A_186, %sub3A_189, %add3A_183 : vector<16xi1>, vector<16xi32>
    %lt3A_191 = arith.constant 16384 : i32
    %lt3A_192 = vector.broadcast %lt3A_191 : i32 to vector<16xi32>
    %lt3A_193 = arith.cmpi slt, %select_n3A_190, %lt3A_192 : vector<16xi32>
    %swap3A_194 = arith.constant 112 : index
    %swap3A_195 = tpu.vector_load %arg8[%swap3A_194] {strides = array<i32>} : memref<128xi32, #tpu.memory_space<vmem>>, vector<16xi32>,
    tpu.vector_store %arg8[%swap3A_194], %select_n3A_190 {strides = array<i32>} : memref<128xi32, #tpu.memory_space<vmem>>, vector<16xi32>,
    %swap3A_196 = arith.constant 112 : index
    %swap3A_197 = tpu.vector_load %arg7[%swap3A_196] {strides = array<i32>} : memref<512xi32, #tpu.memory_space<vmem>>, vector<16xi32>,
    tpu.vector_store %arg7[%swap3A_196], %select_n3A_190 {strides = array<i32>} : memref<512xi32, #tpu.memory_space<vmem>>, vector<16xi32>,
    %add3A_198 = arith.constant 112 : i32
    %add3A_199 = arith.addi %mul3A_2, %add3A_198 : i32
    %add3A_200 = vector.broadcast %add3A_199 : i32 to vector<16xi32>
    %add3A_201 = arith.addi %add3A_200, %iota3A : vector<16xi32>
    %select_n3A_202 = arith.select %lt3A_193, %select_n3A_190, %add3A_201 : vector<16xi1>, vector<16xi32>
    %swap3A_203 = arith.constant 112 : index
    %swap3A_204 = tpu.vector_load %arg12[%swap3A_203] {strides = array<i32>} : memref<128xi32, #tpu.memory_space<vmem>>, vector<16xi32>,
    tpu.vector_store %arg12[%swap3A_203], %select_n3A_202 {strides = array<i32>} : memref<128xi32, #tpu.memory_space<vmem>>, vector<16xi32>,
    %get3A_205 = arith.constant 128 : index
    %get3A_206 = tpu.vector_load %arg6[%get3A_205] {strides = array<i32>} : memref<512xi32, #tpu.memory_space<vmem>>, vector<16xi32>,
    %add3A_207 = arith.constant 16384 : i32
    %add3A_208 = vector.broadcast %add3A_207 : i32 to vector<16xi32>
    %add3A_209 = arith.addi %get3A_206, %add3A_208 : vector<16xi32>
    %ge3A_210 = arith.constant 1000000 : i32
    %ge3A_211 = vector.broadcast %ge3A_210 : i32 to vector<16xi32>
    %ge3A_212 = arith.cmpi sge, %add3A_209, %ge3A_211 : vector<16xi32>
    %sub3A_213 = arith.constant 1000000 : i32
    %sub3A_214 = vector.broadcast %sub3A_213 : i32 to vector<16xi32>
    %sub3A_215 = arith.subi %add3A_209, %sub3A_214 : vector<16xi32>
    %select_n3A_216 = arith.select %ge3A_212, %sub3A_215, %add3A_209 : vector<16xi1>, vector<16xi32>
    %lt3A_217 = arith.constant 16384 : i32
    %lt3A_218 = vector.broadcast %lt3A_217 : i32 to vector<16xi32>
    %lt3A_219 = arith.cmpi slt, %select_n3A_216, %lt3A_218 : vector<16xi32>
    %swap3A_220 = arith.constant 0 : index
    %swap3A_221 = tpu.vector_load %arg9[%swap3A_220] {strides = array<i32>} : memref<128xi32, #tpu.memory_space<vmem>>, vector<16xi32>,
    tpu.vector_store %arg9[%swap3A_220], %select_n3A_216 {strides = array<i32>} : memref<128xi32, #tpu.memory_space<vmem>>, vector<16xi32>,
    %swap3A_222 = arith.constant 128 : index
    %swap3A_223 = tpu.vector_load %arg7[%swap3A_222] {strides = array<i32>} : memref<512xi32, #tpu.memory_space<vmem>>, vector<16xi32>,
    tpu.vector_store %arg7[%swap3A_222], %select_n3A_216 {strides = array<i32>} : memref<512xi32, #tpu.memory_space<vmem>>, vector<16xi32>,
    %add3A_224 = arith.constant 128 : i32
    %add3A_225 = arith.addi %mul3A_2, %add3A_224 : i32
    %add3A_226 = vector.broadcast %add3A_225 : i32 to vector<16xi32>
    %add3A_227 = arith.addi %add3A_226, %iota3A : vector<16xi32>
    %select_n3A_228 = arith.select %lt3A_219, %select_n3A_216, %add3A_227 : vector<16xi1>, vector<16xi32>
    %swap3A_229 = arith.constant 0 : index
    %swap3A_230 = tpu.vector_load %arg13[%swap3A_229] {strides = array<i32>} : memref<128xi32, #tpu.memory_space<vmem>>, vector<16xi32>,
    tpu.vector_store %arg13[%swap3A_229], %select_n3A_228 {strides = array<i32>} : memref<128xi32, #tpu.memory_space<vmem>>, vector<16xi32>,
    %get3A_231 = arith.constant 144 : index
    %get3A_232 = tpu.vector_load %arg6[%get3A_231] {strides = array<i32>} : memref<512xi32, #tpu.memory_space<vmem>>, vector<16xi32>,
    %add3A_233 = arith.constant 16384 : i32
    %add3A_234 = vector.broadcast %add3A_233 : i32 to vector<16xi32>
    %add3A_235 = arith.addi %get3A_232, %add3A_234 : vector<16xi32>
    %ge3A_236 = arith.constant 1000000 : i32
    %ge3A_237 = vector.broadcast %ge3A_236 : i32 to vector<16xi32>
    %ge3A_238 = arith.cmpi sge, %add3A_235, %ge3A_237 : vector<16xi32>
    %sub3A_239 = arith.constant 1000000 : i32
    %sub3A_240 = vector.broadcast %sub3A_239 : i32 to vector<16xi32>
    %sub3A_241 = arith.subi %add3A_235, %sub3A_240 : vector<16xi32>
    %select_n3A_242 = arith.select %ge3A_238, %sub3A_241, %add3A_235 : vector<16xi1>, vector<16xi32>
    %lt3A_243 = arith.constant 16384 : i32
    %lt3A_244 = vector.broadcast %lt3A_243 : i32 to vector<16xi32>
    %lt3A_245 = arith.cmpi slt, %select_n3A_242, %lt3A_244 : vector<16xi32>
    %swap3A_246 = arith.constant 16 : index
    %swap3A_247 = tpu.vector_load %arg9[%swap3A_246] {strides = array<i32>} : memref<128xi32, #tpu.memory_space<vmem>>, vector<16xi32>,
    tpu.vector_store %arg9[%swap3A_246], %select_n3A_242 {strides = array<i32>} : memref<128xi32, #tpu.memory_space<vmem>>, vector<16xi32>,
    %swap3A_248 = arith.constant 144 : index
    %swap3A_249 = tpu.vector_load %arg7[%swap3A_248] {strides = array<i32>} : memref<512xi32, #tpu.memory_space<vmem>>, vector<16xi32>,
    tpu.vector_store %arg7[%swap3A_248], %select_n3A_242 {strides = array<i32>} : memref<512xi32, #tpu.memory_space<vmem>>, vector<16xi32>,
    %add3A_250 = arith.constant 144 : i32
    %add3A_251 = arith.addi %mul3A_2, %add3A_250 : i32
    %add3A_252 = vector.broadcast %add3A_251 : i32 to vector<16xi32>
    %add3A_253 = arith.addi %add3A_252, %iota3A : vector<16xi32>
    %select_n3A_254 = arith.select %lt3A_245, %select_n3A_242, %add3A_253 : vector<16xi1>, vector<16xi32>
    %swap3A_255 = arith.constant 16 : index
    %swap3A_256 = tpu.vector_load %arg13[%swap3A_255] {strides = array<i32>} : memref<128xi32, #tpu.memory_space<vmem>>, vector<16xi32>,
    tpu.vector_store %arg13[%swap3A_255], %select_n3A_254 {strides = array<i32>} : memref<128xi32, #tpu.memory_space<vmem>>, vector<16xi32>,
    %get3A_257 = arith.constant 160 : index
    %get3A_258 = tpu.vector_load %arg6[%get3A_257] {strides = array<i32>} : memref<512xi32, #tpu.memory_space<vmem>>, vector<16xi32>,
    %add3A_259 = arith.constant 16384 : i32
    %add3A_260 = vector.broadcast %add3A_259 : i32 to vector<16xi32>
    %add3A_261 = arith.addi %get3A_258, %add3A_260 : vector<16xi32>
    %ge3A_262 = arith.constant 1000000 : i32
    %ge3A_263 = vector.broadcast %ge3A_262 : i32 to vector<16xi32>
    %ge3A_264 = arith.cmpi sge, %add3A_261, %ge3A_263 : vector<16xi32>
    %sub3A_265 = arith.constant 1000000 : i32
    %sub3A_266 = vector.broadcast %sub3A_265 : i32 to vector<16xi32>
    %sub3A_267 = arith.subi %add3A_261, %sub3A_266 : vector<16xi32>
    %select_n3A_268 = arith.select %ge3A_264, %sub3A_267, %add3A_261 : vector<16xi1>, vector<16xi32>
    %lt3A_269 = arith.constant 16384 : i32
    %lt3A_270 = vector.broadcast %lt3A_269 : i32 to vector<16xi32>
    %lt3A_271 = arith.cmpi slt, %select_n3A_268, %lt3A_270 : vector<16xi32>
    %swap3A_272 = arith.constant 32 : index
    %swap3A_273 = tpu.vector_load %arg9[%swap3A_272] {strides = array<i32>} : memref<128xi32, #tpu.memory_space<vmem>>, vector<16xi32>,
    tpu.vector_store %arg9[%swap3A_272], %select_n3A_268 {strides = array<i32>} : memref<128xi32, #tpu.memory_space<vmem>>, vector<16xi32>,
    %swap3A_274 = arith.constant 160 : index
    %swap3A_275 = tpu.vector_load %arg7[%swap3A_274] {strides = array<i32>} : memref<512xi32, #tpu.memory_space<vmem>>, vector<16xi32>,
    tpu.vector_store %arg7[%swap3A_274], %select_n3A_268 {strides = array<i32>} : memref<512xi32, #tpu.memory_space<vmem>>, vector<16xi32>,
    %add3A_276 = arith.constant 160 : i32
    %add3A_277 = arith.addi %mul3A_2, %add3A_276 : i32
    %add3A_278 = vector.broadcast %add3A_277 : i32 to vector<16xi32>
    %add3A_279 = arith.addi %add3A_278, %iota3A : vector<16xi32>
    %select_n3A_280 = arith.select %lt3A_271, %select_n3A_268, %add3A_279 : vector<16xi1>, vector<16xi32>
    %swap3A_281 = arith.constant 32 : index
    %swap3A_282 = tpu.vector_load %arg13[%swap3A_281] {strides = array<i32>} : memref<128xi32, #tpu.memory_space<vmem>>, vector<16xi32>,
    tpu.vector_store %arg13[%swap3A_281], %select_n3A_280 {strides = array<i32>} : memref<128xi32, #tpu.memory_space<vmem>>, vector<16xi32>,
    %get3A_283 = arith.constant 176 : index
    %get3A_284 = tpu.vector_load %arg6[%get3A_283] {strides = array<i32>} : memref<512xi32, #tpu.memory_space<vmem>>, vector<16xi32>,
    %add3A_285 = arith.constant 16384 : i32
    %add3A_286 = vector.broadcast %add3A_285 : i32 to vector<16xi32>
    %add3A_287 = arith.addi %get3A_284, %add3A_286 : vector<16xi32>
    %ge3A_288 = arith.constant 1000000 : i32
    %ge3A_289 = vector.broadcast %ge3A_288 : i32 to vector<16xi32>
    %ge3A_290 = arith.cmpi sge, %add3A_287, %ge3A_289 : vector<16xi32>
    %sub3A_291 = arith.constant 1000000 : i32
    %sub3A_292 = vector.broadcast %sub3A_291 : i32 to vector<16xi32>
    %sub3A_293 = arith.subi %add3A_287, %sub3A_292 : vector<16xi32>
    %select_n3A_294 = arith.select %ge3A_290, %sub3A_293, %add3A_287 : vector<16xi1>, vector<16xi32>
    %lt3A_295 = arith.constant 16384 : i32
    %lt3A_296 = vector.broadcast %lt3A_295 : i32 to vector<16xi32>
    %lt3A_297 = arith.cmpi slt, %select_n3A_294, %lt3A_296 : vector<16xi32>
    %swap3A_298 = arith.constant 48 : index
    %swap3A_299 = tpu.vector_load %arg9[%swap3A_298] {strides = array<i32>} : memref<128xi32, #tpu.memory_space<vmem>>, vector<16xi32>,
    tpu.vector_store %arg9[%swap3A_298], %select_n3A_294 {strides = array<i32>} : memref<128xi32, #tpu.memory_space<vmem>>, vector<16xi32>,
    %swap3A_300 = arith.constant 176 : index
    %swap3A_301 = tpu.vector_load %arg7[%swap3A_300] {strides = array<i32>} : memref<512xi32, #tpu.memory_space<vmem>>, vector<16xi32>,
    tpu.vector_store %arg7[%swap3A_300], %select_n3A_294 {strides = array<i32>} : memref<512xi32, #tpu.memory_space<vmem>>, vector<16xi32>,
    %add3A_302 = arith.constant 176 : i32
    %add3A_303 = arith.addi %mul3A_2, %add3A_302 : i32
    %add3A_304 = vector.broadcast %add3A_303 : i32 to vector<16xi32>
    %add3A_305 = arith.addi %add3A_304, %iota3A : vector<16xi32>
    %select_n3A_306 = arith.select %lt3A_297, %select_n3A_294, %add3A_305 : vector<16xi1>, vector<16xi32>
    %swap3A_307 = arith.constant 48 : index
    %swap3A_308 = tpu.vector_load %arg13[%swap3A_307] {strides = array<i32>} : memref<128xi32, #tpu.memory_space<vmem>>, vector<16xi32>,
    tpu.vector_store %arg13[%swap3A_307], %select_n3A_306 {strides = array<i32>} : memref<128xi32, #tpu.memory_space<vmem>>, vector<16xi32>,
    %get3A_309 = arith.constant 192 : index
    %get3A_310 = tpu.vector_load %arg6[%get3A_309] {strides = array<i32>} : memref<512xi32, #tpu.memory_space<vmem>>, vector<16xi32>,
    %add3A_311 = arith.constant 16384 : i32
    %add3A_312 = vector.broadcast %add3A_311 : i32 to vector<16xi32>
    %add3A_313 = arith.addi %get3A_310, %add3A_312 : vector<16xi32>
    %ge3A_314 = arith.constant 1000000 : i32
    %ge3A_315 = vector.broadcast %ge3A_314 : i32 to vector<16xi32>
    %ge3A_316 = arith.cmpi sge, %add3A_313, %ge3A_315 : vector<16xi32>
    %sub3A_317 = arith.constant 1000000 : i32
    %sub3A_318 = vector.broadcast %sub3A_317 : i32 to vector<16xi32>
    %sub3A_319 = arith.subi %add3A_313, %sub3A_318 : vector<16xi32>
    %select_n3A_320 = arith.select %ge3A_316, %sub3A_319, %add3A_313 : vector<16xi1>, vector<16xi32>
    %lt3A_321 = arith.constant 16384 : i32
    %lt3A_322 = vector.broadcast %lt3A_321 : i32 to vector<16xi32>
    %lt3A_323 = arith.cmpi slt, %select_n3A_320, %lt3A_322 : vector<16xi32>
    %swap3A_324 = arith.constant 64 : index
    %swap3A_325 = tpu.vector_load %arg9[%swap3A_324] {strides = array<i32>} : memref<128xi32, #tpu.memory_space<vmem>>, vector<16xi32>,
    tpu.vector_store %arg9[%swap3A_324], %select_n3A_320 {strides = array<i32>} : memref<128xi32, #tpu.memory_space<vmem>>, vector<16xi32>,
    %swap3A_326 = arith.constant 192 : index
    %swap3A_327 = tpu.vector_load %arg7[%swap3A_326] {strides = array<i32>} : memref<512xi32, #tpu.memory_space<vmem>>, vector<16xi32>,
    tpu.vector_store %arg7[%swap3A_326], %select_n3A_320 {strides = array<i32>} : memref<512xi32, #tpu.memory_space<vmem>>, vector<16xi32>,
    %add3A_328 = arith.constant 192 : i32
    %add3A_329 = arith.addi %mul3A_2, %add3A_328 : i32
    %add3A_330 = vector.broadcast %add3A_329 : i32 to vector<16xi32>
    %add3A_331 = arith.addi %add3A_330, %iota3A : vector<16xi32>
    %select_n3A_332 = arith.select %lt3A_323, %select_n3A_320, %add3A_331 : vector<16xi1>, vector<16xi32>
    %swap3A_333 = arith.constant 64 : index
    %swap3A_334 = tpu.vector_load %arg13[%swap3A_333] {strides = array<i32>} : memref<128xi32, #tpu.memory_space<vmem>>, vector<16xi32>,
    tpu.vector_store %arg13[%swap3A_333], %select_n3A_332 {strides = array<i32>} : memref<128xi32, #tpu.memory_space<vmem>>, vector<16xi32>,
    %get3A_335 = arith.constant 208 : index
    %get3A_336 = tpu.vector_load %arg6[%get3A_335] {strides = array<i32>} : memref<512xi32, #tpu.memory_space<vmem>>, vector<16xi32>,
    %add3A_337 = arith.constant 16384 : i32
    %add3A_338 = vector.broadcast %add3A_337 : i32 to vector<16xi32>
    %add3A_339 = arith.addi %get3A_336, %add3A_338 : vector<16xi32>
    %ge3A_340 = arith.constant 1000000 : i32
    %ge3A_341 = vector.broadcast %ge3A_340 : i32 to vector<16xi32>
    %ge3A_342 = arith.cmpi sge, %add3A_339, %ge3A_341 : vector<16xi32>
    %sub3A_343 = arith.constant 1000000 : i32
    %sub3A_344 = vector.broadcast %sub3A_343 : i32 to vector<16xi32>
    %sub3A_345 = arith.subi %add3A_339, %sub3A_344 : vector<16xi32>
    %select_n3A_346 = arith.select %ge3A_342, %sub3A_345, %add3A_339 : vector<16xi1>, vector<16xi32>
    %lt3A_347 = arith.constant 16384 : i32
    %lt3A_348 = vector.broadcast %lt3A_347 : i32 to vector<16xi32>
    %lt3A_349 = arith.cmpi slt, %select_n3A_346, %lt3A_348 : vector<16xi32>
    %swap3A_350 = arith.constant 80 : index
    %swap3A_351 = tpu.vector_load %arg9[%swap3A_350] {strides = array<i32>} : memref<128xi32, #tpu.memory_space<vmem>>, vector<16xi32>,
    tpu.vector_store %arg9[%swap3A_350], %select_n3A_346 {strides = array<i32>} : memref<128xi32, #tpu.memory_space<vmem>>, vector<16xi32>,
    %swap3A_352 = arith.constant 208 : index
    %swap3A_353 = tpu.vector_load %arg7[%swap3A_352] {strides = array<i32>} : memref<512xi32, #tpu.memory_space<vmem>>, vector<16xi32>,
    tpu.vector_store %arg7[%swap3A_352], %select_n3A_346 {strides = array<i32>} : memref<512xi32, #tpu.memory_space<vmem>>, vector<16xi32>,
    %add3A_354 = arith.constant 208 : i32
    %add3A_355 = arith.addi %mul3A_2, %add3A_354 : i32
    %add3A_356 = vector.broadcast %add3A_355 : i32 to vector<16xi32>
    %add3A_357 = arith.addi %add3A_356, %iota3A : vector<16xi32>
    %select_n3A_358 = arith.select %lt3A_349, %select_n3A_346, %add3A_357 : vector<16xi1>, vector<16xi32>
    %swap3A_359 = arith.constant 80 : index
    %swap3A_360 = tpu.vector_load %arg13[%swap3A_359] {strides = array<i32>} : memref<128xi32, #tpu.memory_space<vmem>>, vector<16xi32>,
    tpu.vector_store %arg13[%swap3A_359], %select_n3A_358 {strides = array<i32>} : memref<128xi32, #tpu.memory_space<vmem>>, vector<16xi32>,
    %get3A_361 = arith.constant 224 : index
    %get3A_362 = tpu.vector_load %arg6[%get3A_361] {strides = array<i32>} : memref<512xi32, #tpu.memory_space<vmem>>, vector<16xi32>,
    %add3A_363 = arith.constant 16384 : i32
    %add3A_364 = vector.broadcast %add3A_363 : i32 to vector<16xi32>
    %add3A_365 = arith.addi %get3A_362, %add3A_364 : vector<16xi32>
    %ge3A_366 = arith.constant 1000000 : i32
    %ge3A_367 = vector.broadcast %ge3A_366 : i32 to vector<16xi32>
    %ge3A_368 = arith.cmpi sge, %add3A_365, %ge3A_367 : vector<16xi32>
    %sub3A_369 = arith.constant 1000000 : i32
    %sub3A_370 = vector.broadcast %sub3A_369 : i32 to vector<16xi32>
    %sub3A_371 = arith.subi %add3A_365, %sub3A_370 : vector<16xi32>
    %select_n3A_372 = arith.select %ge3A_368, %sub3A_371, %add3A_365 : vector<16xi1>, vector<16xi32>
    %lt3A_373 = arith.constant 16384 : i32
    %lt3A_374 = vector.broadcast %lt3A_373 : i32 to vector<16xi32>
    %lt3A_375 = arith.cmpi slt, %select_n3A_372, %lt3A_374 : vector<16xi32>
    %swap3A_376 = arith.constant 96 : index
    %swap3A_377 = tpu.vector_load %arg9[%swap3A_376] {strides = array<i32>} : memref<128xi32, #tpu.memory_space<vmem>>, vector<16xi32>,
    tpu.vector_store %arg9[%swap3A_376], %select_n3A_372 {strides = array<i32>} : memref<128xi32, #tpu.memory_space<vmem>>, vector<16xi32>,
    %swap3A_378 = arith.constant 224 : index
    %swap3A_379 = tpu.vector_load %arg7[%swap3A_378] {strides = array<i32>} : memref<512xi32, #tpu.memory_space<vmem>>, vector<16xi32>,
    tpu.vector_store %arg7[%swap3A_378], %select_n3A_372 {strides = array<i32>} : memref<512xi32, #tpu.memory_space<vmem>>, vector<16xi32>,
    %add3A_380 = arith.constant 224 : i32
    %add3A_381 = arith.addi %mul3A_2, %add3A_380 : i32
    %add3A_382 = vector.broadcast %add3A_381 : i32 to vector<16xi32>
    %add3A_383 = arith.addi %add3A_382, %iota3A : vector<16xi32>
    %select_n3A_384 = arith.select %lt3A_375, %select_n3A_372, %add3A_383 : vector<16xi1>, vector<16xi32>
    %swap3A_385 = arith.constant 96 : index
    %swap3A_386 = tpu.vector_load %arg13[%swap3A_385] {strides = array<i32>} : memref<128xi32, #tpu.memory_space<vmem>>, vector<16xi32>,
    tpu.vector_store %arg13[%swap3A_385], %select_n3A_384 {strides = array<i32>} : memref<128xi32, #tpu.memory_space<vmem>>, vector<16xi32>,
    %get3A_387 = arith.constant 240 : index
    %get3A_388 = tpu.vector_load %arg6[%get3A_387] {strides = array<i32>} : memref<512xi32, #tpu.memory_space<vmem>>, vector<16xi32>,
    %add3A_389 = arith.constant 16384 : i32
    %add3A_390 = vector.broadcast %add3A_389 : i32 to vector<16xi32>
    %add3A_391 = arith.addi %get3A_388, %add3A_390 : vector<16xi32>
    %ge3A_392 = arith.constant 1000000 : i32
    %ge3A_393 = vector.broadcast %ge3A_392 : i32 to vector<16xi32>
    %ge3A_394 = arith.cmpi sge, %add3A_391, %ge3A_393 : vector<16xi32>
    %sub3A_395 = arith.constant 1000000 : i32
    %sub3A_396 = vector.broadcast %sub3A_395 : i32 to vector<16xi32>
    %sub3A_397 = arith.subi %add3A_391, %sub3A_396 : vector<16xi32>
    %select_n3A_398 = arith.select %ge3A_394, %sub3A_397, %add3A_391 : vector<16xi1>, vector<16xi32>
    %lt3A_399 = arith.constant 16384 : i32
    %lt3A_400 = vector.broadcast %lt3A_399 : i32 to vector<16xi32>
    %lt3A_401 = arith.cmpi slt, %select_n3A_398, %lt3A_400 : vector<16xi32>
    %swap3A_402 = arith.constant 112 : index
    %swap3A_403 = tpu.vector_load %arg9[%swap3A_402] {strides = array<i32>} : memref<128xi32, #tpu.memory_space<vmem>>, vector<16xi32>,
    tpu.vector_store %arg9[%swap3A_402], %select_n3A_398 {strides = array<i32>} : memref<128xi32, #tpu.memory_space<vmem>>, vector<16xi32>,
    %swap3A_404 = arith.constant 240 : index
    %swap3A_405 = tpu.vector_load %arg7[%swap3A_404] {strides = array<i32>} : memref<512xi32, #tpu.memory_space<vmem>>, vector<16xi32>,
    tpu.vector_store %arg7[%swap3A_404], %select_n3A_398 {strides = array<i32>} : memref<512xi32, #tpu.memory_space<vmem>>, vector<16xi32>,
    %add3A_406 = arith.constant 240 : i32
    %add3A_407 = arith.addi %mul3A_2, %add3A_406 : i32
    %add3A_408 = vector.broadcast %add3A_407 : i32 to vector<16xi32>
    %add3A_409 = arith.addi %add3A_408, %iota3A : vector<16xi32>
    %select_n3A_410 = arith.select %lt3A_401, %select_n3A_398, %add3A_409 : vector<16xi1>, vector<16xi32>
    %swap3A_411 = arith.constant 112 : index
    %swap3A_412 = tpu.vector_load %arg13[%swap3A_411] {strides = array<i32>} : memref<128xi32, #tpu.memory_space<vmem>>, vector<16xi32>,
    tpu.vector_store %arg13[%swap3A_411], %select_n3A_410 {strides = array<i32>} : memref<128xi32, #tpu.memory_space<vmem>>, vector<16xi32>,
    %get3A_413 = arith.constant 256 : index
    %get3A_414 = tpu.vector_load %arg6[%get3A_413] {strides = array<i32>} : memref<512xi32, #tpu.memory_space<vmem>>, vector<16xi32>,
    %add3A_415 = arith.constant 16384 : i32
    %add3A_416 = vector.broadcast %add3A_415 : i32 to vector<16xi32>
    %add3A_417 = arith.addi %get3A_414, %add3A_416 : vector<16xi32>
    %ge3A_418 = arith.constant 1000000 : i32
    %ge3A_419 = vector.broadcast %ge3A_418 : i32 to vector<16xi32>
    %ge3A_420 = arith.cmpi sge, %add3A_417, %ge3A_419 : vector<16xi32>
    %sub3A_421 = arith.constant 1000000 : i32
    %sub3A_422 = vector.broadcast %sub3A_421 : i32 to vector<16xi32>
    %sub3A_423 = arith.subi %add3A_417, %sub3A_422 : vector<16xi32>
    %select_n3A_424 = arith.select %ge3A_420, %sub3A_423, %add3A_417 : vector<16xi1>, vector<16xi32>
    %lt3A_425 = arith.constant 16384 : i32
    %lt3A_426 = vector.broadcast %lt3A_425 : i32 to vector<16xi32>
    %lt3A_427 = arith.cmpi slt, %select_n3A_424, %lt3A_426 : vector<16xi32>
    %swap3A_428 = arith.constant 0 : index
    %swap3A_429 = tpu.vector_load %arg10[%swap3A_428] {strides = array<i32>} : memref<128xi32, #tpu.memory_space<vmem>>, vector<16xi32>,
    tpu.vector_store %arg10[%swap3A_428], %select_n3A_424 {strides = array<i32>} : memref<128xi32, #tpu.memory_space<vmem>>, vector<16xi32>,
    %swap3A_430 = arith.constant 256 : index
    %swap3A_431 = tpu.vector_load %arg7[%swap3A_430] {strides = array<i32>} : memref<512xi32, #tpu.memory_space<vmem>>, vector<16xi32>,
    tpu.vector_store %arg7[%swap3A_430], %select_n3A_424 {strides = array<i32>} : memref<512xi32, #tpu.memory_space<vmem>>, vector<16xi32>,
    %add3A_432 = arith.constant 256 : i32
    %add3A_433 = arith.addi %mul3A_2, %add3A_432 : i32
    %add3A_434 = vector.broadcast %add3A_433 : i32 to vector<16xi32>
    %add3A_435 = arith.addi %add3A_434, %iota3A : vector<16xi32>
    %select_n3A_436 = arith.select %lt3A_427, %select_n3A_424, %add3A_435 : vector<16xi1>, vector<16xi32>
    %swap3A_437 = arith.constant 0 : index
    %swap3A_438 = tpu.vector_load %arg14[%swap3A_437] {strides = array<i32>} : memref<128xi32, #tpu.memory_space<vmem>>, vector<16xi32>,
    tpu.vector_store %arg14[%swap3A_437], %select_n3A_436 {strides = array<i32>} : memref<128xi32, #tpu.memory_space<vmem>>, vector<16xi32>,
    %get3A_439 = arith.constant 272 : index
    %get3A_440 = tpu.vector_load %arg6[%get3A_439] {strides = array<i32>} : memref<512xi32, #tpu.memory_space<vmem>>, vector<16xi32>,
    %add3A_441 = arith.constant 16384 : i32
    %add3A_442 = vector.broadcast %add3A_441 : i32 to vector<16xi32>
    %add3A_443 = arith.addi %get3A_440, %add3A_442 : vector<16xi32>
    %ge3A_444 = arith.constant 1000000 : i32
    %ge3A_445 = vector.broadcast %ge3A_444 : i32 to vector<16xi32>
    %ge3A_446 = arith.cmpi sge, %add3A_443, %ge3A_445 : vector<16xi32>
    %sub3A_447 = arith.constant 1000000 : i32
    %sub3A_448 = vector.broadcast %sub3A_447 : i32 to vector<16xi32>
    %sub3A_449 = arith.subi %add3A_443, %sub3A_448 : vector<16xi32>
    %select_n3A_450 = arith.select %ge3A_446, %sub3A_449, %add3A_443 : vector<16xi1>, vector<16xi32>
    %lt3A_451 = arith.constant 16384 : i32
    %lt3A_452 = vector.broadcast %lt3A_451 : i32 to vector<16xi32>
    %lt3A_453 = arith.cmpi slt, %select_n3A_450, %lt3A_452 : vector<16xi32>
    %swap3A_454 = arith.constant 16 : index
    %swap3A_455 = tpu.vector_load %arg10[%swap3A_454] {strides = array<i32>} : memref<128xi32, #tpu.memory_space<vmem>>, vector<16xi32>,
    tpu.vector_store %arg10[%swap3A_454], %select_n3A_450 {strides = array<i32>} : memref<128xi32, #tpu.memory_space<vmem>>, vector<16xi32>,
    %swap3A_456 = arith.constant 272 : index
    %swap3A_457 = tpu.vector_load %arg7[%swap3A_456] {strides = array<i32>} : memref<512xi32, #tpu.memory_space<vmem>>, vector<16xi32>,
    tpu.vector_store %arg7[%swap3A_456], %select_n3A_450 {strides = array<i32>} : memref<512xi32, #tpu.memory_space<vmem>>, vector<16xi32>,
    %add3A_458 = arith.constant 272 : i32
    %add3A_459 = arith.addi %mul3A_2, %add3A_458 : i32
    %add3A_460 = vector.broadcast %add3A_459 : i32 to vector<16xi32>
    %add3A_461 = arith.addi %add3A_460, %iota3A : vector<16xi32>
    %select_n3A_462 = arith.select %lt3A_453, %select_n3A_450, %add3A_461 : vector<16xi1>, vector<16xi32>
    %swap3A_463 = arith.constant 16 : index
    %swap3A_464 = tpu.vector_load %arg14[%swap3A_463] {strides = array<i32>} : memref<128xi32, #tpu.memory_space<vmem>>, vector<16xi32>,
    tpu.vector_store %arg14[%swap3A_463], %select_n3A_462 {strides = array<i32>} : memref<128xi32, #tpu.memory_space<vmem>>, vector<16xi32>,
    %get3A_465 = arith.constant 288 : index
    %get3A_466 = tpu.vector_load %arg6[%get3A_465] {strides = array<i32>} : memref<512xi32, #tpu.memory_space<vmem>>, vector<16xi32>,
    %add3A_467 = arith.constant 16384 : i32
    %add3A_468 = vector.broadcast %add3A_467 : i32 to vector<16xi32>
    %add3A_469 = arith.addi %get3A_466, %add3A_468 : vector<16xi32>
    %ge3A_470 = arith.constant 1000000 : i32
    %ge3A_471 = vector.broadcast %ge3A_470 : i32 to vector<16xi32>
    %ge3A_472 = arith.cmpi sge, %add3A_469, %ge3A_471 : vector<16xi32>
    %sub3A_473 = arith.constant 1000000 : i32
    %sub3A_474 = vector.broadcast %sub3A_473 : i32 to vector<16xi32>
    %sub3A_475 = arith.subi %add3A_469, %sub3A_474 : vector<16xi32>
    %select_n3A_476 = arith.select %ge3A_472, %sub3A_475, %add3A_469 : vector<16xi1>, vector<16xi32>
    %lt3A_477 = arith.constant 16384 : i32
    %lt3A_478 = vector.broadcast %lt3A_477 : i32 to vector<16xi32>
    %lt3A_479 = arith.cmpi slt, %select_n3A_476, %lt3A_478 : vector<16xi32>
    %swap3A_480 = arith.constant 32 : index
    %swap3A_481 = tpu.vector_load %arg10[%swap3A_480] {strides = array<i32>} : memref<128xi32, #tpu.memory_space<vmem>>, vector<16xi32>,
    tpu.vector_store %arg10[%swap3A_480], %select_n3A_476 {strides = array<i32>} : memref<128xi32, #tpu.memory_space<vmem>>, vector<16xi32>,
    %swap3A_482 = arith.constant 288 : index
    %swap3A_483 = tpu.vector_load %arg7[%swap3A_482] {strides = array<i32>} : memref<512xi32, #tpu.memory_space<vmem>>, vector<16xi32>,
    tpu.vector_store %arg7[%swap3A_482], %select_n3A_476 {strides = array<i32>} : memref<512xi32, #tpu.memory_space<vmem>>, vector<16xi32>,
    %add3A_484 = arith.constant 288 : i32
    %add3A_485 = arith.addi %mul3A_2, %add3A_484 : i32
    %add3A_486 = vector.broadcast %add3A_485 : i32 to vector<16xi32>
    %add3A_487 = arith.addi %add3A_486, %iota3A : vector<16xi32>
    %select_n3A_488 = arith.select %lt3A_479, %select_n3A_476, %add3A_487 : vector<16xi1>, vector<16xi32>
    %swap3A_489 = arith.constant 32 : index
    %swap3A_490 = tpu.vector_load %arg14[%swap3A_489] {strides = array<i32>} : memref<128xi32, #tpu.memory_space<vmem>>, vector<16xi32>,
    tpu.vector_store %arg14[%swap3A_489], %select_n3A_488 {strides = array<i32>} : memref<128xi32, #tpu.memory_space<vmem>>, vector<16xi32>,
    %get3A_491 = arith.constant 304 : index
    %get3A_492 = tpu.vector_load %arg6[%get3A_491] {strides = array<i32>} : memref<512xi32, #tpu.memory_space<vmem>>, vector<16xi32>,
    %add3A_493 = arith.constant 16384 : i32
    %add3A_494 = vector.broadcast %add3A_493 : i32 to vector<16xi32>
    %add3A_495 = arith.addi %get3A_492, %add3A_494 : vector<16xi32>
    %ge3A_496 = arith.constant 1000000 : i32
    %ge3A_497 = vector.broadcast %ge3A_496 : i32 to vector<16xi32>
    %ge3A_498 = arith.cmpi sge, %add3A_495, %ge3A_497 : vector<16xi32>
    %sub3A_499 = arith.constant 1000000 : i32
    %sub3A_500 = vector.broadcast %sub3A_499 : i32 to vector<16xi32>
    %sub3A_501 = arith.subi %add3A_495, %sub3A_500 : vector<16xi32>
    %select_n3A_502 = arith.select %ge3A_498, %sub3A_501, %add3A_495 : vector<16xi1>, vector<16xi32>
    %lt3A_503 = arith.constant 16384 : i32
    %lt3A_504 = vector.broadcast %lt3A_503 : i32 to vector<16xi32>
    %lt3A_505 = arith.cmpi slt, %select_n3A_502, %lt3A_504 : vector<16xi32>
    %swap3A_506 = arith.constant 48 : index
    %swap3A_507 = tpu.vector_load %arg10[%swap3A_506] {strides = array<i32>} : memref<128xi32, #tpu.memory_space<vmem>>, vector<16xi32>,
    tpu.vector_store %arg10[%swap3A_506], %select_n3A_502 {strides = array<i32>} : memref<128xi32, #tpu.memory_space<vmem>>, vector<16xi32>,
    %swap3A_508 = arith.constant 304 : index
    %swap3A_509 = tpu.vector_load %arg7[%swap3A_508] {strides = array<i32>} : memref<512xi32, #tpu.memory_space<vmem>>, vector<16xi32>,
    tpu.vector_store %arg7[%swap3A_508], %select_n3A_502 {strides = array<i32>} : memref<512xi32, #tpu.memory_space<vmem>>, vector<16xi32>,
    %add3A_510 = arith.constant 304 : i32
    %add3A_511 = arith.addi %mul3A_2, %add3A_510 : i32
    %add3A_512 = vector.broadcast %add3A_511 : i32 to vector<16xi32>
    %add3A_513 = arith.addi %add3A_512, %iota3A : vector<16xi32>
    %select_n3A_514 = arith.select %lt3A_505, %select_n3A_502, %add3A_513 : vector<16xi1>, vector<16xi32>
    %swap3A_515 = arith.constant 48 : index
    %swap3A_516 = tpu.vector_load %arg14[%swap3A_515] {strides = array<i32>} : memref<128xi32, #tpu.memory_space<vmem>>, vector<16xi32>,
    tpu.vector_store %arg14[%swap3A_515], %select_n3A_514 {strides = array<i32>} : memref<128xi32, #tpu.memory_space<vmem>>, vector<16xi32>,
    %get3A_517 = arith.constant 320 : index
    %get3A_518 = tpu.vector_load %arg6[%get3A_517] {strides = array<i32>} : memref<512xi32, #tpu.memory_space<vmem>>, vector<16xi32>,
    %add3A_519 = arith.constant 16384 : i32
    %add3A_520 = vector.broadcast %add3A_519 : i32 to vector<16xi32>
    %add3A_521 = arith.addi %get3A_518, %add3A_520 : vector<16xi32>
    %ge3A_522 = arith.constant 1000000 : i32
    %ge3A_523 = vector.broadcast %ge3A_522 : i32 to vector<16xi32>
    %ge3A_524 = arith.cmpi sge, %add3A_521, %ge3A_523 : vector<16xi32>
    %sub3A_525 = arith.constant 1000000 : i32
    %sub3A_526 = vector.broadcast %sub3A_525 : i32 to vector<16xi32>
    %sub3A_527 = arith.subi %add3A_521, %sub3A_526 : vector<16xi32>
    %select_n3A_528 = arith.select %ge3A_524, %sub3A_527, %add3A_521 : vector<16xi1>, vector<16xi32>
    %lt3A_529 = arith.constant 16384 : i32
    %lt3A_530 = vector.broadcast %lt3A_529 : i32 to vector<16xi32>
    %lt3A_531 = arith.cmpi slt, %select_n3A_528, %lt3A_530 : vector<16xi32>
    %swap3A_532 = arith.constant 64 : index
    %swap3A_533 = tpu.vector_load %arg10[%swap3A_532] {strides = array<i32>} : memref<128xi32, #tpu.memory_space<vmem>>, vector<16xi32>,
    tpu.vector_store %arg10[%swap3A_532], %select_n3A_528 {strides = array<i32>} : memref<128xi32, #tpu.memory_space<vmem>>, vector<16xi32>,
    %swap3A_534 = arith.constant 320 : index
    %swap3A_535 = tpu.vector_load %arg7[%swap3A_534] {strides = array<i32>} : memref<512xi32, #tpu.memory_space<vmem>>, vector<16xi32>,
    tpu.vector_store %arg7[%swap3A_534], %select_n3A_528 {strides = array<i32>} : memref<512xi32, #tpu.memory_space<vmem>>, vector<16xi32>,
    %add3A_536 = arith.constant 320 : i32
    %add3A_537 = arith.addi %mul3A_2, %add3A_536 : i32
    %add3A_538 = vector.broadcast %add3A_537 : i32 to vector<16xi32>
    %add3A_539 = arith.addi %add3A_538, %iota3A : vector<16xi32>
    %select_n3A_540 = arith.select %lt3A_531, %select_n3A_528, %add3A_539 : vector<16xi1>, vector<16xi32>
    %swap3A_541 = arith.constant 64 : index
    %swap3A_542 = tpu.vector_load %arg14[%swap3A_541] {strides = array<i32>} : memref<128xi32, #tpu.memory_space<vmem>>, vector<16xi32>,
    tpu.vector_store %arg14[%swap3A_541], %select_n3A_540 {strides = array<i32>} : memref<128xi32, #tpu.memory_space<vmem>>, vector<16xi32>,
    %get3A_543 = arith.constant 336 : index
    %get3A_544 = tpu.vector_load %arg6[%get3A_543] {strides = array<i32>} : memref<512xi32, #tpu.memory_space<vmem>>, vector<16xi32>,
    %add3A_545 = arith.constant 16384 : i32
    %add3A_546 = vector.broadcast %add3A_545 : i32 to vector<16xi32>
    %add3A_547 = arith.addi %get3A_544, %add3A_546 : vector<16xi32>
    %ge3A_548 = arith.constant 1000000 : i32
    %ge3A_549 = vector.broadcast %ge3A_548 : i32 to vector<16xi32>
    %ge3A_550 = arith.cmpi sge, %add3A_547, %ge3A_549 : vector<16xi32>
    %sub3A_551 = arith.constant 1000000 : i32
    %sub3A_552 = vector.broadcast %sub3A_551 : i32 to vector<16xi32>
    %sub3A_553 = arith.subi %add3A_547, %sub3A_552 : vector<16xi32>
    %select_n3A_554 = arith.select %ge3A_550, %sub3A_553, %add3A_547 : vector<16xi1>, vector<16xi32>
    %lt3A_555 = arith.constant 16384 : i32
    %lt3A_556 = vector.broadcast %lt3A_555 : i32 to vector<16xi32>
    %lt3A_557 = arith.cmpi slt, %select_n3A_554, %lt3A_556 : vector<16xi32>
    %swap3A_558 = arith.constant 80 : index
    %swap3A_559 = tpu.vector_load %arg10[%swap3A_558] {strides = array<i32>} : memref<128xi32, #tpu.memory_space<vmem>>, vector<16xi32>,
    tpu.vector_store %arg10[%swap3A_558], %select_n3A_554 {strides = array<i32>} : memref<128xi32, #tpu.memory_space<vmem>>, vector<16xi32>,
    %swap3A_560 = arith.constant 336 : index
    %swap3A_561 = tpu.vector_load %arg7[%swap3A_560] {strides = array<i32>} : memref<512xi32, #tpu.memory_space<vmem>>, vector<16xi32>,
    tpu.vector_store %arg7[%swap3A_560], %select_n3A_554 {strides = array<i32>} : memref<512xi32, #tpu.memory_space<vmem>>, vector<16xi32>,
    %add3A_562 = arith.constant 336 : i32
    %add3A_563 = arith.addi %mul3A_2, %add3A_562 : i32
    %add3A_564 = vector.broadcast %add3A_563 : i32 to vector<16xi32>
    %add3A_565 = arith.addi %add3A_564, %iota3A : vector<16xi32>
    %select_n3A_566 = arith.select %lt3A_557, %select_n3A_554, %add3A_565 : vector<16xi1>, vector<16xi32>
    %swap3A_567 = arith.constant 80 : index
    %swap3A_568 = tpu.vector_load %arg14[%swap3A_567] {strides = array<i32>} : memref<128xi32, #tpu.memory_space<vmem>>, vector<16xi32>,
    tpu.vector_store %arg14[%swap3A_567], %select_n3A_566 {strides = array<i32>} : memref<128xi32, #tpu.memory_space<vmem>>, vector<16xi32>,
    %get3A_569 = arith.constant 352 : index
    %get3A_570 = tpu.vector_load %arg6[%get3A_569] {strides = array<i32>} : memref<512xi32, #tpu.memory_space<vmem>>, vector<16xi32>,
    %add3A_571 = arith.constant 16384 : i32
    %add3A_572 = vector.broadcast %add3A_571 : i32 to vector<16xi32>
    %add3A_573 = arith.addi %get3A_570, %add3A_572 : vector<16xi32>
    %ge3A_574 = arith.constant 1000000 : i32
    %ge3A_575 = vector.broadcast %ge3A_574 : i32 to vector<16xi32>
    %ge3A_576 = arith.cmpi sge, %add3A_573, %ge3A_575 : vector<16xi32>
    %sub3A_577 = arith.constant 1000000 : i32
    %sub3A_578 = vector.broadcast %sub3A_577 : i32 to vector<16xi32>
    %sub3A_579 = arith.subi %add3A_573, %sub3A_578 : vector<16xi32>
    %select_n3A_580 = arith.select %ge3A_576, %sub3A_579, %add3A_573 : vector<16xi1>, vector<16xi32>
    %lt3A_581 = arith.constant 16384 : i32
    %lt3A_582 = vector.broadcast %lt3A_581 : i32 to vector<16xi32>
    %lt3A_583 = arith.cmpi slt, %select_n3A_580, %lt3A_582 : vector<16xi32>
    %swap3A_584 = arith.constant 96 : index
    %swap3A_585 = tpu.vector_load %arg10[%swap3A_584] {strides = array<i32>} : memref<128xi32, #tpu.memory_space<vmem>>, vector<16xi32>,
    tpu.vector_store %arg10[%swap3A_584], %select_n3A_580 {strides = array<i32>} : memref<128xi32, #tpu.memory_space<vmem>>, vector<16xi32>,
    %swap3A_586 = arith.constant 352 : index
    %swap3A_587 = tpu.vector_load %arg7[%swap3A_586] {strides = array<i32>} : memref<512xi32, #tpu.memory_space<vmem>>, vector<16xi32>,
    tpu.vector_store %arg7[%swap3A_586], %select_n3A_580 {strides = array<i32>} : memref<512xi32, #tpu.memory_space<vmem>>, vector<16xi32>,
    %add3A_588 = arith.constant 352 : i32
    %add3A_589 = arith.addi %mul3A_2, %add3A_588 : i32
    %add3A_590 = vector.broadcast %add3A_589 : i32 to vector<16xi32>
    %add3A_591 = arith.addi %add3A_590, %iota3A : vector<16xi32>
    %select_n3A_592 = arith.select %lt3A_583, %select_n3A_580, %add3A_591 : vector<16xi1>, vector<16xi32>
    %swap3A_593 = arith.constant 96 : index
    %swap3A_594 = tpu.vector_load %arg14[%swap3A_593] {strides = array<i32>} : memref<128xi32, #tpu.memory_space<vmem>>, vector<16xi32>,
    tpu.vector_store %arg14[%swap3A_593], %select_n3A_592 {strides = array<i32>} : memref<128xi32, #tpu.memory_space<vmem>>, vector<16xi32>,
    %get3A_595 = arith.constant 368 : index
    %get3A_596 = tpu.vector_load %arg6[%get3A_595] {strides = array<i32>} : memref<512xi32, #tpu.memory_space<vmem>>, vector<16xi32>,
    %add3A_597 = arith.constant 16384 : i32
    %add3A_598 = vector.broadcast %add3A_597 : i32 to vector<16xi32>
    %add3A_599 = arith.addi %get3A_596, %add3A_598 : vector<16xi32>
    %ge3A_600 = arith.constant 1000000 : i32
    %ge3A_601 = vector.broadcast %ge3A_600 : i32 to vector<16xi32>
    %ge3A_602 = arith.cmpi sge, %add3A_599, %ge3A_601 : vector<16xi32>
    %sub3A_603 = arith.constant 1000000 : i32
    %sub3A_604 = vector.broadcast %sub3A_603 : i32 to vector<16xi32>
    %sub3A_605 = arith.subi %add3A_599, %sub3A_604 : vector<16xi32>
    %select_n3A_606 = arith.select %ge3A_602, %sub3A_605, %add3A_599 : vector<16xi1>, vector<16xi32>
    %lt3A_607 = arith.constant 16384 : i32
    %lt3A_608 = vector.broadcast %lt3A_607 : i32 to vector<16xi32>
    %lt3A_609 = arith.cmpi slt, %select_n3A_606, %lt3A_608 : vector<16xi32>
    %swap3A_610 = arith.constant 112 : index
    %swap3A_611 = tpu.vector_load %arg10[%swap3A_610] {strides = array<i32>} : memref<128xi32, #tpu.memory_space<vmem>>, vector<16xi32>,
    tpu.vector_store %arg10[%swap3A_610], %select_n3A_606 {strides = array<i32>} : memref<128xi32, #tpu.memory_space<vmem>>, vector<16xi32>,
    %swap3A_612 = arith.constant 368 : index
    %swap3A_613 = tpu.vector_load %arg7[%swap3A_612] {strides = array<i32>} : memref<512xi32, #tpu.memory_space<vmem>>, vector<16xi32>,
    tpu.vector_store %arg7[%swap3A_612], %select_n3A_606 {strides = array<i32>} : memref<512xi32, #tpu.memory_space<vmem>>, vector<16xi32>,
    %add3A_614 = arith.constant 368 : i32
    %add3A_615 = arith.addi %mul3A_2, %add3A_614 : i32
    %add3A_616 = vector.broadcast %add3A_615 : i32 to vector<16xi32>
    %add3A_617 = arith.addi %add3A_616, %iota3A : vector<16xi32>
    %select_n3A_618 = arith.select %lt3A_609, %select_n3A_606, %add3A_617 : vector<16xi1>, vector<16xi32>
    %swap3A_619 = arith.constant 112 : index
    %swap3A_620 = tpu.vector_load %arg14[%swap3A_619] {strides = array<i32>} : memref<128xi32, #tpu.memory_space<vmem>>, vector<16xi32>,
    tpu.vector_store %arg14[%swap3A_619], %select_n3A_618 {strides = array<i32>} : memref<128xi32, #tpu.memory_space<vmem>>, vector<16xi32>,
    %get3A_621 = arith.constant 384 : index
    %get3A_622 = tpu.vector_load %arg6[%get3A_621] {strides = array<i32>} : memref<512xi32, #tpu.memory_space<vmem>>, vector<16xi32>,
    %add3A_623 = arith.constant 16384 : i32
    %add3A_624 = vector.broadcast %add3A_623 : i32 to vector<16xi32>
    %add3A_625 = arith.addi %get3A_622, %add3A_624 : vector<16xi32>
    %ge3A_626 = arith.constant 1000000 : i32
    %ge3A_627 = vector.broadcast %ge3A_626 : i32 to vector<16xi32>
    %ge3A_628 = arith.cmpi sge, %add3A_625, %ge3A_627 : vector<16xi32>
    %sub3A_629 = arith.constant 1000000 : i32
    %sub3A_630 = vector.broadcast %sub3A_629 : i32 to vector<16xi32>
    %sub3A_631 = arith.subi %add3A_625, %sub3A_630 : vector<16xi32>
    %select_n3A_632 = arith.select %ge3A_628, %sub3A_631, %add3A_625 : vector<16xi1>, vector<16xi32>
    %lt3A_633 = arith.constant 16384 : i32
    %lt3A_634 = vector.broadcast %lt3A_633 : i32 to vector<16xi32>
    %lt3A_635 = arith.cmpi slt, %select_n3A_632, %lt3A_634 : vector<16xi32>
    %swap3A_636 = arith.constant 0 : index
    %swap3A_637 = tpu.vector_load %arg11[%swap3A_636] {strides = array<i32>} : memref<128xi32, #tpu.memory_space<vmem>>, vector<16xi32>,
    tpu.vector_store %arg11[%swap3A_636], %select_n3A_632 {strides = array<i32>} : memref<128xi32, #tpu.memory_space<vmem>>, vector<16xi32>,
    %swap3A_638 = arith.constant 384 : index
    %swap3A_639 = tpu.vector_load %arg7[%swap3A_638] {strides = array<i32>} : memref<512xi32, #tpu.memory_space<vmem>>, vector<16xi32>,
    tpu.vector_store %arg7[%swap3A_638], %select_n3A_632 {strides = array<i32>} : memref<512xi32, #tpu.memory_space<vmem>>, vector<16xi32>,
    %add3A_640 = arith.constant 384 : i32
    %add3A_641 = arith.addi %mul3A_2, %add3A_640 : i32
    %add3A_642 = vector.broadcast %add3A_641 : i32 to vector<16xi32>
    %add3A_643 = arith.addi %add3A_642, %iota3A : vector<16xi32>
    %select_n3A_644 = arith.select %lt3A_635, %select_n3A_632, %add3A_643 : vector<16xi1>, vector<16xi32>
    %swap3A_645 = arith.constant 0 : index
    %swap3A_646 = tpu.vector_load %arg15[%swap3A_645] {strides = array<i32>} : memref<128xi32, #tpu.memory_space<vmem>>, vector<16xi32>,
    tpu.vector_store %arg15[%swap3A_645], %select_n3A_644 {strides = array<i32>} : memref<128xi32, #tpu.memory_space<vmem>>, vector<16xi32>,
    %get3A_647 = arith.constant 400 : index
    %get3A_648 = tpu.vector_load %arg6[%get3A_647] {strides = array<i32>} : memref<512xi32, #tpu.memory_space<vmem>>, vector<16xi32>,
    %add3A_649 = arith.constant 16384 : i32
    %add3A_650 = vector.broadcast %add3A_649 : i32 to vector<16xi32>
    %add3A_651 = arith.addi %get3A_648, %add3A_650 : vector<16xi32>
    %ge3A_652 = arith.constant 1000000 : i32
    %ge3A_653 = vector.broadcast %ge3A_652 : i32 to vector<16xi32>
    %ge3A_654 = arith.cmpi sge, %add3A_651, %ge3A_653 : vector<16xi32>
    %sub3A_655 = arith.constant 1000000 : i32
    %sub3A_656 = vector.broadcast %sub3A_655 : i32 to vector<16xi32>
    %sub3A_657 = arith.subi %add3A_651, %sub3A_656 : vector<16xi32>
    %select_n3A_658 = arith.select %ge3A_654, %sub3A_657, %add3A_651 : vector<16xi1>, vector<16xi32>
    %lt3A_659 = arith.constant 16384 : i32
    %lt3A_660 = vector.broadcast %lt3A_659 : i32 to vector<16xi32>
    %lt3A_661 = arith.cmpi slt, %select_n3A_658, %lt3A_660 : vector<16xi32>
    %swap3A_662 = arith.constant 16 : index
    %swap3A_663 = tpu.vector_load %arg11[%swap3A_662] {strides = array<i32>} : memref<128xi32, #tpu.memory_space<vmem>>, vector<16xi32>,
    tpu.vector_store %arg11[%swap3A_662], %select_n3A_658 {strides = array<i32>} : memref<128xi32, #tpu.memory_space<vmem>>, vector<16xi32>,
    %swap3A_664 = arith.constant 400 : index
    %swap3A_665 = tpu.vector_load %arg7[%swap3A_664] {strides = array<i32>} : memref<512xi32, #tpu.memory_space<vmem>>, vector<16xi32>,
    tpu.vector_store %arg7[%swap3A_664], %select_n3A_658 {strides = array<i32>} : memref<512xi32, #tpu.memory_space<vmem>>, vector<16xi32>,
    %add3A_666 = arith.constant 400 : i32
    %add3A_667 = arith.addi %mul3A_2, %add3A_666 : i32
    %add3A_668 = vector.broadcast %add3A_667 : i32 to vector<16xi32>
    %add3A_669 = arith.addi %add3A_668, %iota3A : vector<16xi32>
    %select_n3A_670 = arith.select %lt3A_661, %select_n3A_658, %add3A_669 : vector<16xi1>, vector<16xi32>
    %swap3A_671 = arith.constant 16 : index
    %swap3A_672 = tpu.vector_load %arg15[%swap3A_671] {strides = array<i32>} : memref<128xi32, #tpu.memory_space<vmem>>, vector<16xi32>,
    tpu.vector_store %arg15[%swap3A_671], %select_n3A_670 {strides = array<i32>} : memref<128xi32, #tpu.memory_space<vmem>>, vector<16xi32>,
    %get3A_673 = arith.constant 416 : index
    %get3A_674 = tpu.vector_load %arg6[%get3A_673] {strides = array<i32>} : memref<512xi32, #tpu.memory_space<vmem>>, vector<16xi32>,
    %add3A_675 = arith.constant 16384 : i32
    %add3A_676 = vector.broadcast %add3A_675 : i32 to vector<16xi32>
    %add3A_677 = arith.addi %get3A_674, %add3A_676 : vector<16xi32>
    %ge3A_678 = arith.constant 1000000 : i32
    %ge3A_679 = vector.broadcast %ge3A_678 : i32 to vector<16xi32>
    %ge3A_680 = arith.cmpi sge, %add3A_677, %ge3A_679 : vector<16xi32>
    %sub3A_681 = arith.constant 1000000 : i32
    %sub3A_682 = vector.broadcast %sub3A_681 : i32 to vector<16xi32>
    %sub3A_683 = arith.subi %add3A_677, %sub3A_682 : vector<16xi32>
    %select_n3A_684 = arith.select %ge3A_680, %sub3A_683, %add3A_677 : vector<16xi1>, vector<16xi32>
    %lt3A_685 = arith.constant 16384 : i32
    %lt3A_686 = vector.broadcast %lt3A_685 : i32 to vector<16xi32>
    %lt3A_687 = arith.cmpi slt, %select_n3A_684, %lt3A_686 : vector<16xi32>
    %swap3A_688 = arith.constant 32 : index
    %swap3A_689 = tpu.vector_load %arg11[%swap3A_688] {strides = array<i32>} : memref<128xi32, #tpu.memory_space<vmem>>, vector<16xi32>,
    tpu.vector_store %arg11[%swap3A_688], %select_n3A_684 {strides = array<i32>} : memref<128xi32, #tpu.memory_space<vmem>>, vector<16xi32>,
    %swap3A_690 = arith.constant 416 : index
    %swap3A_691 = tpu.vector_load %arg7[%swap3A_690] {strides = array<i32>} : memref<512xi32, #tpu.memory_space<vmem>>, vector<16xi32>,
    tpu.vector_store %arg7[%swap3A_690], %select_n3A_684 {strides = array<i32>} : memref<512xi32, #tpu.memory_space<vmem>>, vector<16xi32>,
    %add3A_692 = arith.constant 416 : i32
    %add3A_693 = arith.addi %mul3A_2, %add3A_692 : i32
    %add3A_694 = vector.broadcast %add3A_693 : i32 to vector<16xi32>
    %add3A_695 = arith.addi %add3A_694, %iota3A : vector<16xi32>
    %select_n3A_696 = arith.select %lt3A_687, %select_n3A_684, %add3A_695 : vector<16xi1>, vector<16xi32>
    %swap3A_697 = arith.constant 32 : index
    %swap3A_698 = tpu.vector_load %arg15[%swap3A_697] {strides = array<i32>} : memref<128xi32, #tpu.memory_space<vmem>>, vector<16xi32>,
    tpu.vector_store %arg15[%swap3A_697], %select_n3A_696 {strides = array<i32>} : memref<128xi32, #tpu.memory_space<vmem>>, vector<16xi32>,
    %get3A_699 = arith.constant 432 : index
    %get3A_700 = tpu.vector_load %arg6[%get3A_699] {strides = array<i32>} : memref<512xi32, #tpu.memory_space<vmem>>, vector<16xi32>,
    %add3A_701 = arith.constant 16384 : i32
    %add3A_702 = vector.broadcast %add3A_701 : i32 to vector<16xi32>
    %add3A_703 = arith.addi %get3A_700, %add3A_702 : vector<16xi32>
    %ge3A_704 = arith.constant 1000000 : i32
    %ge3A_705 = vector.broadcast %ge3A_704 : i32 to vector<16xi32>
    %ge3A_706 = arith.cmpi sge, %add3A_703, %ge3A_705 : vector<16xi32>
    %sub3A_707 = arith.constant 1000000 : i32
    %sub3A_708 = vector.broadcast %sub3A_707 : i32 to vector<16xi32>
    %sub3A_709 = arith.subi %add3A_703, %sub3A_708 : vector<16xi32>
    %select_n3A_710 = arith.select %ge3A_706, %sub3A_709, %add3A_703 : vector<16xi1>, vector<16xi32>
    %lt3A_711 = arith.constant 16384 : i32
    %lt3A_712 = vector.broadcast %lt3A_711 : i32 to vector<16xi32>
    %lt3A_713 = arith.cmpi slt, %select_n3A_710, %lt3A_712 : vector<16xi32>
    %swap3A_714 = arith.constant 48 : index
    %swap3A_715 = tpu.vector_load %arg11[%swap3A_714] {strides = array<i32>} : memref<128xi32, #tpu.memory_space<vmem>>, vector<16xi32>,
    tpu.vector_store %arg11[%swap3A_714], %select_n3A_710 {strides = array<i32>} : memref<128xi32, #tpu.memory_space<vmem>>, vector<16xi32>,
    %swap3A_716 = arith.constant 432 : index
    %swap3A_717 = tpu.vector_load %arg7[%swap3A_716] {strides = array<i32>} : memref<512xi32, #tpu.memory_space<vmem>>, vector<16xi32>,
    tpu.vector_store %arg7[%swap3A_716], %select_n3A_710 {strides = array<i32>} : memref<512xi32, #tpu.memory_space<vmem>>, vector<16xi32>,
    %add3A_718 = arith.constant 432 : i32
    %add3A_719 = arith.addi %mul3A_2, %add3A_718 : i32
    %add3A_720 = vector.broadcast %add3A_719 : i32 to vector<16xi32>
    %add3A_721 = arith.addi %add3A_720, %iota3A : vector<16xi32>
    %select_n3A_722 = arith.select %lt3A_713, %select_n3A_710, %add3A_721 : vector<16xi1>, vector<16xi32>
    %swap3A_723 = arith.constant 48 : index
    %swap3A_724 = tpu.vector_load %arg15[%swap3A_723] {strides = array<i32>} : memref<128xi32, #tpu.memory_space<vmem>>, vector<16xi32>,
    tpu.vector_store %arg15[%swap3A_723], %select_n3A_722 {strides = array<i32>} : memref<128xi32, #tpu.memory_space<vmem>>, vector<16xi32>,
    %get3A_725 = arith.constant 448 : index
    %get3A_726 = tpu.vector_load %arg6[%get3A_725] {strides = array<i32>} : memref<512xi32, #tpu.memory_space<vmem>>, vector<16xi32>,
    %add3A_727 = arith.constant 16384 : i32
    %add3A_728 = vector.broadcast %add3A_727 : i32 to vector<16xi32>
    %add3A_729 = arith.addi %get3A_726, %add3A_728 : vector<16xi32>
    %ge3A_730 = arith.constant 1000000 : i32
    %ge3A_731 = vector.broadcast %ge3A_730 : i32 to vector<16xi32>
    %ge3A_732 = arith.cmpi sge, %add3A_729, %ge3A_731 : vector<16xi32>
    %sub3A_733 = arith.constant 1000000 : i32
    %sub3A_734 = vector.broadcast %sub3A_733 : i32 to vector<16xi32>
    %sub3A_735 = arith.subi %add3A_729, %sub3A_734 : vector<16xi32>
    %select_n3A_736 = arith.select %ge3A_732, %sub3A_735, %add3A_729 : vector<16xi1>, vector<16xi32>
    %lt3A_737 = arith.constant 16384 : i32
    %lt3A_738 = vector.broadcast %lt3A_737 : i32 to vector<16xi32>
    %lt3A_739 = arith.cmpi slt, %select_n3A_736, %lt3A_738 : vector<16xi32>
    %swap3A_740 = arith.constant 64 : index
    %swap3A_741 = tpu.vector_load %arg11[%swap3A_740] {strides = array<i32>} : memref<128xi32, #tpu.memory_space<vmem>>, vector<16xi32>,
    tpu.vector_store %arg11[%swap3A_740], %select_n3A_736 {strides = array<i32>} : memref<128xi32, #tpu.memory_space<vmem>>, vector<16xi32>,
    %swap3A_742 = arith.constant 448 : index
    %swap3A_743 = tpu.vector_load %arg7[%swap3A_742] {strides = array<i32>} : memref<512xi32, #tpu.memory_space<vmem>>, vector<16xi32>,
    tpu.vector_store %arg7[%swap3A_742], %select_n3A_736 {strides = array<i32>} : memref<512xi32, #tpu.memory_space<vmem>>, vector<16xi32>,
    %add3A_744 = arith.constant 448 : i32
    %add3A_745 = arith.addi %mul3A_2, %add3A_744 : i32
    %add3A_746 = vector.broadcast %add3A_745 : i32 to vector<16xi32>
    %add3A_747 = arith.addi %add3A_746, %iota3A : vector<16xi32>
    %select_n3A_748 = arith.select %lt3A_739, %select_n3A_736, %add3A_747 : vector<16xi1>, vector<16xi32>
    %swap3A_749 = arith.constant 64 : index
    %swap3A_750 = tpu.vector_load %arg15[%swap3A_749] {strides = array<i32>} : memref<128xi32, #tpu.memory_space<vmem>>, vector<16xi32>,
    tpu.vector_store %arg15[%swap3A_749], %select_n3A_748 {strides = array<i32>} : memref<128xi32, #tpu.memory_space<vmem>>, vector<16xi32>,
    %get3A_751 = arith.constant 464 : index
    %get3A_752 = tpu.vector_load %arg6[%get3A_751] {strides = array<i32>} : memref<512xi32, #tpu.memory_space<vmem>>, vector<16xi32>,
    %add3A_753 = arith.constant 16384 : i32
    %add3A_754 = vector.broadcast %add3A_753 : i32 to vector<16xi32>
    %add3A_755 = arith.addi %get3A_752, %add3A_754 : vector<16xi32>
    %ge3A_756 = arith.constant 1000000 : i32
    %ge3A_757 = vector.broadcast %ge3A_756 : i32 to vector<16xi32>
    %ge3A_758 = arith.cmpi sge, %add3A_755, %ge3A_757 : vector<16xi32>
    %sub3A_759 = arith.constant 1000000 : i32
    %sub3A_760 = vector.broadcast %sub3A_759 : i32 to vector<16xi32>
    %sub3A_761 = arith.subi %add3A_755, %sub3A_760 : vector<16xi32>
    %select_n3A_762 = arith.select %ge3A_758, %sub3A_761, %add3A_755 : vector<16xi1>, vector<16xi32>
    %lt3A_763 = arith.constant 16384 : i32
    %lt3A_764 = vector.broadcast %lt3A_763 : i32 to vector<16xi32>
    %lt3A_765 = arith.cmpi slt, %select_n3A_762, %lt3A_764 : vector<16xi32>
    %swap3A_766 = arith.constant 80 : index
    %swap3A_767 = tpu.vector_load %arg11[%swap3A_766] {strides = array<i32>} : memref<128xi32, #tpu.memory_space<vmem>>, vector<16xi32>,
    tpu.vector_store %arg11[%swap3A_766], %select_n3A_762 {strides = array<i32>} : memref<128xi32, #tpu.memory_space<vmem>>, vector<16xi32>,
    %swap3A_768 = arith.constant 464 : index
    %swap3A_769 = tpu.vector_load %arg7[%swap3A_768] {strides = array<i32>} : memref<512xi32, #tpu.memory_space<vmem>>, vector<16xi32>,
    tpu.vector_store %arg7[%swap3A_768], %select_n3A_762 {strides = array<i32>} : memref<512xi32, #tpu.memory_space<vmem>>, vector<16xi32>,
    %add3A_770 = arith.constant 464 : i32
    %add3A_771 = arith.addi %mul3A_2, %add3A_770 : i32
    %add3A_772 = vector.broadcast %add3A_771 : i32 to vector<16xi32>
    %add3A_773 = arith.addi %add3A_772, %iota3A : vector<16xi32>
    %select_n3A_774 = arith.select %lt3A_765, %select_n3A_762, %add3A_773 : vector<16xi1>, vector<16xi32>
    %swap3A_775 = arith.constant 80 : index
    %swap3A_776 = tpu.vector_load %arg15[%swap3A_775] {strides = array<i32>} : memref<128xi32, #tpu.memory_space<vmem>>, vector<16xi32>,
    tpu.vector_store %arg15[%swap3A_775], %select_n3A_774 {strides = array<i32>} : memref<128xi32, #tpu.memory_space<vmem>>, vector<16xi32>,
    %get3A_777 = arith.constant 480 : index
    %get3A_778 = tpu.vector_load %arg6[%get3A_777] {strides = array<i32>} : memref<512xi32, #tpu.memory_space<vmem>>, vector<16xi32>,
    %add3A_779 = arith.constant 16384 : i32
    %add3A_780 = vector.broadcast %add3A_779 : i32 to vector<16xi32>
    %add3A_781 = arith.addi %get3A_778, %add3A_780 : vector<16xi32>
    %ge3A_782 = arith.constant 1000000 : i32
    %ge3A_783 = vector.broadcast %ge3A_782 : i32 to vector<16xi32>
    %ge3A_784 = arith.cmpi sge, %add3A_781, %ge3A_783 : vector<16xi32>
    %sub3A_785 = arith.constant 1000000 : i32
    %sub3A_786 = vector.broadcast %sub3A_785 : i32 to vector<16xi32>
    %sub3A_787 = arith.subi %add3A_781, %sub3A_786 : vector<16xi32>
    %select_n3A_788 = arith.select %ge3A_784, %sub3A_787, %add3A_781 : vector<16xi1>, vector<16xi32>
    %lt3A_789 = arith.constant 16384 : i32
    %lt3A_790 = vector.broadcast %lt3A_789 : i32 to vector<16xi32>
    %lt3A_791 = arith.cmpi slt, %select_n3A_788, %lt3A_790 : vector<16xi32>
    %swap3A_792 = arith.constant 96 : index
    %swap3A_793 = tpu.vector_load %arg11[%swap3A_792] {strides = array<i32>} : memref<128xi32, #tpu.memory_space<vmem>>, vector<16xi32>,
    tpu.vector_store %arg11[%swap3A_792], %select_n3A_788 {strides = array<i32>} : memref<128xi32, #tpu.memory_space<vmem>>, vector<16xi32>,
    %swap3A_794 = arith.constant 480 : index
    %swap3A_795 = tpu.vector_load %arg7[%swap3A_794] {strides = array<i32>} : memref<512xi32, #tpu.memory_space<vmem>>, vector<16xi32>,
    tpu.vector_store %arg7[%swap3A_794], %select_n3A_788 {strides = array<i32>} : memref<512xi32, #tpu.memory_space<vmem>>, vector<16xi32>,
    %add3A_796 = arith.constant 480 : i32
    %add3A_797 = arith.addi %mul3A_2, %add3A_796 : i32
    %add3A_798 = vector.broadcast %add3A_797 : i32 to vector<16xi32>
    %add3A_799 = arith.addi %add3A_798, %iota3A : vector<16xi32>
    %select_n3A_800 = arith.select %lt3A_791, %select_n3A_788, %add3A_799 : vector<16xi1>, vector<16xi32>
    %swap3A_801 = arith.constant 96 : index
    %swap3A_802 = tpu.vector_load %arg15[%swap3A_801] {strides = array<i32>} : memref<128xi32, #tpu.memory_space<vmem>>, vector<16xi32>,
    tpu.vector_store %arg15[%swap3A_801], %select_n3A_800 {strides = array<i32>} : memref<128xi32, #tpu.memory_space<vmem>>, vector<16xi32>,
    %get3A_803 = arith.constant 496 : index
    %get3A_804 = tpu.vector_load %arg6[%get3A_803] {strides = array<i32>} : memref<512xi32, #tpu.memory_space<vmem>>, vector<16xi32>,
    %add3A_805 = arith.constant 16384 : i32
    %add3A_806 = vector.broadcast %add3A_805 : i32 to vector<16xi32>
    %add3A_807 = arith.addi %get3A_804, %add3A_806 : vector<16xi32>
    %ge3A_808 = arith.constant 1000000 : i32
    %ge3A_809 = vector.broadcast %ge3A_808 : i32 to vector<16xi32>
    %ge3A_810 = arith.cmpi sge, %add3A_807, %ge3A_809 : vector<16xi32>
    %sub3A_811 = arith.constant 1000000 : i32
    %sub3A_812 = vector.broadcast %sub3A_811 : i32 to vector<16xi32>
    %sub3A_813 = arith.subi %add3A_807, %sub3A_812 : vector<16xi32>
    %select_n3A_814 = arith.select %ge3A_810, %sub3A_813, %add3A_807 : vector<16xi1>, vector<16xi32>
    %lt3A_815 = arith.constant 16384 : i32
    %lt3A_816 = vector.broadcast %lt3A_815 : i32 to vector<16xi32>
    %lt3A_817 = arith.cmpi slt, %select_n3A_814, %lt3A_816 : vector<16xi32>
    %swap3A_818 = arith.constant 112 : index
    %swap3A_819 = tpu.vector_load %arg11[%swap3A_818] {strides = array<i32>} : memref<128xi32, #tpu.memory_space<vmem>>, vector<16xi32>,
    tpu.vector_store %arg11[%swap3A_818], %select_n3A_814 {strides = array<i32>} : memref<128xi32, #tpu.memory_space<vmem>>, vector<16xi32>,
    %swap3A_820 = arith.constant 496 : index
    %swap3A_821 = tpu.vector_load %arg7[%swap3A_820] {strides = array<i32>} : memref<512xi32, #tpu.memory_space<vmem>>, vector<16xi32>,
    tpu.vector_store %arg7[%swap3A_820], %select_n3A_814 {strides = array<i32>} : memref<512xi32, #tpu.memory_space<vmem>>, vector<16xi32>,
    %add3A_822 = arith.constant 496 : i32
    %add3A_823 = arith.addi %mul3A_2, %add3A_822 : i32
    %add3A_824 = vector.broadcast %add3A_823 : i32 to vector<16xi32>
    %add3A_825 = arith.addi %add3A_824, %iota3A : vector<16xi32>
    %select_n3A_826 = arith.select %lt3A_817, %select_n3A_814, %add3A_825 : vector<16xi1>, vector<16xi32>
    %swap3A_827 = arith.constant 112 : index
    %swap3A_828 = tpu.vector_load %arg15[%swap3A_827] {strides = array<i32>} : memref<128xi32, #tpu.memory_space<vmem>>, vector<16xi32>,
    tpu.vector_store %arg15[%swap3A_827], %select_n3A_826 {strides = array<i32>} : memref<128xi32, #tpu.memory_space<vmem>>, vector<16xi32>,
    %dma_start3A = arith.constant 0 : i32
    %dma_start3A_829 = arith.constant 0 : i32
    %dma_start3A_830 = tpu.memref_slice %arg16[%dma_start3A, %dma_start3A_829] : memref<512x64xf32, #tpu.memory_space<vmem>> -> memref<128x64xf32, #tpu.memory_space<vmem>>
    %dma_start3A_831 = arith.constant 0 : i32
    %dma_start3A_832 = arith.constant 0 : i32
    %dma_start3A_833 = tpu.memref_slice %arg2[%dma_start3A_831, %dma_start3A_832] : memref<1000000x64xf32, #tpu.memory_space<hbm>> -> memref<1000000x64xf32, #tpu.memory_space<hbm>>
    tpu.enqueue_indirect_dma source(%dma_start3A_833 : memref<1000000x64xf32, #tpu.memory_space<hbm>>) target(%dma_start3A_830 : memref<128x64xf32, #tpu.memory_space<vmem>>) offsets(%arg8 : memref<128xi32, #tpu.memory_space<vmem>>) semaphore(%arg18 : memref<!tpu.dma_semaphore, #tpu.memory_space<semaphore_mem>>)
    %dma_start3A_834 = arith.constant 0 : i32
    %dma_start3A_835 = arith.constant 0 : i32
    %dma_start3A_836 = tpu.memref_slice %arg17[%dma_start3A_834, %dma_start3A_835] : memref<512x64xf32, #tpu.memory_space<vmem>> -> memref<128x64xf32, #tpu.memory_space<vmem>>
    %dma_start3A_837 = arith.constant 0 : i32
    %dma_start3A_838 = arith.constant 0 : i32
    %dma_start3A_839 = tpu.memref_slice %arg3[%dma_start3A_837, %dma_start3A_838] : memref<16384x64xf32, #tpu.memory_space<hbm>> -> memref<16384x64xf32, #tpu.memory_space<hbm>>
    tpu.enqueue_indirect_dma source(%dma_start3A_839 : memref<16384x64xf32, #tpu.memory_space<hbm>>) target(%dma_start3A_836 : memref<128x64xf32, #tpu.memory_space<vmem>>) offsets(%arg12 : memref<128xi32, #tpu.memory_space<vmem>>) semaphore(%arg19 : memref<!tpu.dma_semaphore, #tpu.memory_space<semaphore_mem>>)
    %dma_start3A_840 = arith.constant 128 : i32
    %dma_start3A_841 = arith.constant 0 : i32
    %dma_start3A_842 = tpu.memref_slice %arg16[%dma_start3A_840, %dma_start3A_841] : memref<512x64xf32, #tpu.memory_space<vmem>> -> memref<128x64xf32, #tpu.memory_space<vmem>>
    %dma_start3A_843 = arith.constant 0 : i32
    %dma_start3A_844 = arith.constant 0 : i32
    %dma_start3A_845 = tpu.memref_slice %arg2[%dma_start3A_843, %dma_start3A_844] : memref<1000000x64xf32, #tpu.memory_space<hbm>> -> memref<1000000x64xf32, #tpu.memory_space<hbm>>
    tpu.enqueue_indirect_dma source(%dma_start3A_845 : memref<1000000x64xf32, #tpu.memory_space<hbm>>) target(%dma_start3A_842 : memref<128x64xf32, #tpu.memory_space<vmem>>) offsets(%arg9 : memref<128xi32, #tpu.memory_space<vmem>>) semaphore(%arg18 : memref<!tpu.dma_semaphore, #tpu.memory_space<semaphore_mem>>)
    %dma_start3A_846 = arith.constant 128 : i32
    %dma_start3A_847 = arith.constant 0 : i32
    %dma_start3A_848 = tpu.memref_slice %arg17[%dma_start3A_846, %dma_start3A_847] : memref<512x64xf32, #tpu.memory_space<vmem>> -> memref<128x64xf32, #tpu.memory_space<vmem>>
    %dma_start3A_849 = arith.constant 0 : i32
    %dma_start3A_850 = arith.constant 0 : i32
    %dma_start3A_851 = tpu.memref_slice %arg3[%dma_start3A_849, %dma_start3A_850] : memref<16384x64xf32, #tpu.memory_space<hbm>> -> memref<16384x64xf32, #tpu.memory_space<hbm>>
    tpu.enqueue_indirect_dma source(%dma_start3A_851 : memref<16384x64xf32, #tpu.memory_space<hbm>>) target(%dma_start3A_848 : memref<128x64xf32, #tpu.memory_space<vmem>>) offsets(%arg13 : memref<128xi32, #tpu.memory_space<vmem>>) semaphore(%arg19 : memref<!tpu.dma_semaphore, #tpu.memory_space<semaphore_mem>>)
    %dma_start3A_852 = arith.constant 256 : i32
    %dma_start3A_853 = arith.constant 0 : i32
    %dma_start3A_854 = tpu.memref_slice %arg16[%dma_start3A_852, %dma_start3A_853] : memref<512x64xf32, #tpu.memory_space<vmem>> -> memref<128x64xf32, #tpu.memory_space<vmem>>
    %dma_start3A_855 = arith.constant 0 : i32
    %dma_start3A_856 = arith.constant 0 : i32
    %dma_start3A_857 = tpu.memref_slice %arg2[%dma_start3A_855, %dma_start3A_856] : memref<1000000x64xf32, #tpu.memory_space<hbm>> -> memref<1000000x64xf32, #tpu.memory_space<hbm>>
    tpu.enqueue_indirect_dma source(%dma_start3A_857 : memref<1000000x64xf32, #tpu.memory_space<hbm>>) target(%dma_start3A_854 : memref<128x64xf32, #tpu.memory_space<vmem>>) offsets(%arg10 : memref<128xi32, #tpu.memory_space<vmem>>) semaphore(%arg18 : memref<!tpu.dma_semaphore, #tpu.memory_space<semaphore_mem>>)
    %dma_start3A_858 = arith.constant 256 : i32
    %dma_start3A_859 = arith.constant 0 : i32
    %dma_start3A_860 = tpu.memref_slice %arg17[%dma_start3A_858, %dma_start3A_859] : memref<512x64xf32, #tpu.memory_space<vmem>> -> memref<128x64xf32, #tpu.memory_space<vmem>>
    %dma_start3A_861 = arith.constant 0 : i32
    %dma_start3A_862 = arith.constant 0 : i32
    %dma_start3A_863 = tpu.memref_slice %arg3[%dma_start3A_861, %dma_start3A_862] : memref<16384x64xf32, #tpu.memory_space<hbm>> -> memref<16384x64xf32, #tpu.memory_space<hbm>>
    tpu.enqueue_indirect_dma source(%dma_start3A_863 : memref<16384x64xf32, #tpu.memory_space<hbm>>) target(%dma_start3A_860 : memref<128x64xf32, #tpu.memory_space<vmem>>) offsets(%arg14 : memref<128xi32, #tpu.memory_space<vmem>>) semaphore(%arg19 : memref<!tpu.dma_semaphore, #tpu.memory_space<semaphore_mem>>)
    %dma_start3A_864 = arith.constant 384 : i32
    %dma_start3A_865 = arith.constant 0 : i32
    %dma_start3A_866 = tpu.memref_slice %arg16[%dma_start3A_864, %dma_start3A_865] : memref<512x64xf32, #tpu.memory_space<vmem>> -> memref<128x64xf32, #tpu.memory_space<vmem>>
    %dma_start3A_867 = arith.constant 0 : i32
    %dma_start3A_868 = arith.constant 0 : i32
    %dma_start3A_869 = tpu.memref_slice %arg2[%dma_start3A_867, %dma_start3A_868] : memref<1000000x64xf32, #tpu.memory_space<hbm>> -> memref<1000000x64xf32, #tpu.memory_space<hbm>>
    tpu.enqueue_indirect_dma source(%dma_start3A_869 : memref<1000000x64xf32, #tpu.memory_space<hbm>>) target(%dma_start3A_866 : memref<128x64xf32, #tpu.memory_space<vmem>>) offsets(%arg11 : memref<128xi32, #tpu.memory_space<vmem>>) semaphore(%arg18 : memref<!tpu.dma_semaphore, #tpu.memory_space<semaphore_mem>>)
    %dma_start3A_870 = arith.constant 384 : i32
    %dma_start3A_871 = arith.constant 0 : i32
    %dma_start3A_872 = tpu.memref_slice %arg17[%dma_start3A_870, %dma_start3A_871] : memref<512x64xf32, #tpu.memory_space<vmem>> -> memref<128x64xf32, #tpu.memory_space<vmem>>
    %dma_start3A_873 = arith.constant 0 : i32
    %dma_start3A_874 = arith.constant 0 : i32
    %dma_start3A_875 = tpu.memref_slice %arg3[%dma_start3A_873, %dma_start3A_874] : memref<16384x64xf32, #tpu.memory_space<hbm>> -> memref<16384x64xf32, #tpu.memory_space<hbm>>
    tpu.enqueue_indirect_dma source(%dma_start3A_875 : memref<16384x64xf32, #tpu.memory_space<hbm>>) target(%dma_start3A_872 : memref<128x64xf32, #tpu.memory_space<vmem>>) offsets(%arg15 : memref<128xi32, #tpu.memory_space<vmem>>) semaphore(%arg19 : memref<!tpu.dma_semaphore, #tpu.memory_space<semaphore_mem>>)
    %iota3A_876 = tpu.iota {dimensions = array<i32: 0>} : vector<16xi32>
    %dma_wait3A = arith.constant 0 : i32
    %dma_wait3A_877 = arith.constant 0 : i32
    %dma_wait3A_878 = tpu.memref_slice %arg16[%dma_wait3A, %dma_wait3A_877] : memref<512x64xf32, #tpu.memory_space<vmem>> -> memref<128x64xf32, #tpu.memory_space<vmem>>
    %dma_wait3A_879 = arith.constant 0 : i32
    %dma_wait3A_880 = arith.constant 0 : i32
    %dma_wait3A_881 = tpu.memref_slice %arg2[%dma_wait3A_879, %dma_wait3A_880] : memref<1000000x64xf32, #tpu.memory_space<hbm>> -> memref<1000000x64xf32, #tpu.memory_space<hbm>>
    tpu.wait_indirect_dma semaphore(%arg18 : memref<!tpu.dma_semaphore, #tpu.memory_space<semaphore_mem>>) src(%dma_wait3A_881 : memref<1000000x64xf32, #tpu.memory_space<hbm>>) dst(%dma_wait3A_878 : memref<128x64xf32, #tpu.memory_space<vmem>>)
    %dma_wait3A_882 = arith.constant 0 : i32
    %dma_wait3A_883 = arith.constant 0 : i32
    %dma_wait3A_884 = tpu.memref_slice %arg17[%dma_wait3A_882, %dma_wait3A_883] : memref<512x64xf32, #tpu.memory_space<vmem>> -> memref<128x64xf32, #tpu.memory_space<vmem>>
    %dma_wait3A_885 = arith.constant 0 : i32
    %dma_wait3A_886 = arith.constant 0 : i32
    %dma_wait3A_887 = tpu.memref_slice %arg3[%dma_wait3A_885, %dma_wait3A_886] : memref<16384x64xf32, #tpu.memory_space<hbm>> -> memref<16384x64xf32, #tpu.memory_space<hbm>>
    tpu.wait_indirect_dma semaphore(%arg19 : memref<!tpu.dma_semaphore, #tpu.memory_space<semaphore_mem>>) src(%dma_wait3A_887 : memref<16384x64xf32, #tpu.memory_space<hbm>>) dst(%dma_wait3A_884 : memref<128x64xf32, #tpu.memory_space<vmem>>)
    %scan3A = arith.constant 0 : i32
    %scan3A_888 = arith.constant 0 : i32
    %scan3A_889 = arith.constant 8 : i32
    %scan3A_890 = arith.addi %scan3A_888, %scan3A_889 : i32
    %scan3A_891 = arith.constant 1 : i32
    scf.for %scan3A_1035 = %scan3A_888 to %scan3A_890 step %scan3A_891  : i32 {
      %mul3A_1036 = arith.constant 16 : i32
      %mul3A_1037 = arith.muli %scan3A_1035, %mul3A_1036 : i32
      %get3A_1038 = arith.index_cast %mul3A_1037 : i32 to index
      %get3A_1039 = tpu.vector_load %arg7[%get3A_1038] {strides = array<i32>} : memref<512xi32, #tpu.memory_space<vmem>>, vector<16xi32>,
      %lt3A_1040 = arith.constant 16384 : i32
      %lt3A_1041 = vector.broadcast %lt3A_1040 : i32 to vector<16xi32>
      %lt3A_1042 = arith.cmpi slt, %get3A_1039, %lt3A_1041 : vector<16xi32>
      %mul3A_1043 = arith.constant 16 : i32
      %mul3A_1044 = arith.muli %scan3A_1035, %mul3A_1043 : i32
      %add3A_1045 = vector.broadcast %mul3A_1044 : i32 to vector<16xi32>
      %add3A_1046 = arith.addi %add3A_1045, %iota3A_876 : vector<16xi32>
      %broadcast_in_dim3A = arith.constant 0 : i32
      %broadcast_in_dim3A_1047 = vector.broadcast %broadcast_in_dim3A : i32 to vector<16xi32>
      %gather3A = tpu.vector_load_idx %arg17[%add3A_1046, %broadcast_in_dim3A_1047] masked %lt3A_1042 : memref<512x64xf32, #tpu.memory_space<vmem>>[vector<16xi32>, vector<16xi32>], vector<16xf32>, vector<16xi1>
      tpu.vector_store_idx %arg16[%add3A_1046, %broadcast_in_dim3A_1047], %gather3A masked %lt3A_1042 : memref<512x64xf32, #tpu.memory_space<vmem>>[vector<16xi32>, vector<16xi32>], vector<16xf32>, vector<16xi1>
      %broadcast_in_dim3A_1048 = arith.constant 1 : i32
      %broadcast_in_dim3A_1049 = vector.broadcast %broadcast_in_dim3A_1048 : i32 to vector<16xi32>
      %gather3A_1050 = tpu.vector_load_idx %arg17[%add3A_1046, %broadcast_in_dim3A_1049] masked %lt3A_1042 : memref<512x64xf32, #tpu.memory_space<vmem>>[vector<16xi32>, vector<16xi32>], vector<16xf32>, vector<16xi1>
      tpu.vector_store_idx %arg16[%add3A_1046, %broadcast_in_dim3A_1049], %gather3A_1050 masked %lt3A_1042 : memref<512x64xf32, #tpu.memory_space<vmem>>[vector<16xi32>, vector<16xi32>], vector<16xf32>, vector<16xi1>
      %broadcast_in_dim3A_1051 = arith.constant 2 : i32
      %broadcast_in_dim3A_1052 = vector.broadcast %broadcast_in_dim3A_1051 : i32 to vector<16xi32>
      %gather3A_1053 = tpu.vector_load_idx %arg17[%add3A_1046, %broadcast_in_dim3A_1052] masked %lt3A_1042 : memref<512x64xf32, #tpu.memory_space<vmem>>[vector<16xi32>, vector<16xi32>], vector<16xf32>, vector<16xi1>
      tpu.vector_store_idx %arg16[%add3A_1046, %broadcast_in_dim3A_1052], %gather3A_1053 masked %lt3A_1042 : memref<512x64xf32, #tpu.memory_space<vmem>>[vector<16xi32>, vector<16xi32>], vector<16xf32>, vector<16xi1>
      %broadcast_in_dim3A_1054 = arith.constant 3 : i32
      %broadcast_in_dim3A_1055 = vector.broadcast %broadcast_in_dim3A_1054 : i32 to vector<16xi32>
      %gather3A_1056 = tpu.vector_load_idx %arg17[%add3A_1046, %broadcast_in_dim3A_1055] masked %lt3A_1042 : memref<512x64xf32, #tpu.memory_space<vmem>>[vector<16xi32>, vector<16xi32>], vector<16xf32>, vector<16xi1>
      tpu.vector_store_idx %arg16[%add3A_1046, %broadcast_in_dim3A_1055], %gather3A_1056 masked %lt3A_1042 : memref<512x64xf32, #tpu.memory_space<vmem>>[vector<16xi32>, vector<16xi32>], vector<16xf32>, vector<16xi1>
      %broadcast_in_dim3A_1057 = arith.constant 4 : i32
      %broadcast_in_dim3A_1058 = vector.broadcast %broadcast_in_dim3A_1057 : i32 to vector<16xi32>
      %gather3A_1059 = tpu.vector_load_idx %arg17[%add3A_1046, %broadcast_in_dim3A_1058] masked %lt3A_1042 : memref<512x64xf32, #tpu.memory_space<vmem>>[vector<16xi32>, vector<16xi32>], vector<16xf32>, vector<16xi1>
      tpu.vector_store_idx %arg16[%add3A_1046, %broadcast_in_dim3A_1058], %gather3A_1059 masked %lt3A_1042 : memref<512x64xf32, #tpu.memory_space<vmem>>[vector<16xi32>, vector<16xi32>], vector<16xf32>, vector<16xi1>
      %broadcast_in_dim3A_1060 = arith.constant 5 : i32
      %broadcast_in_dim3A_1061 = vector.broadcast %broadcast_in_dim3A_1060 : i32 to vector<16xi32>
      %gather3A_1062 = tpu.vector_load_idx %arg17[%add3A_1046, %broadcast_in_dim3A_1061] masked %lt3A_1042 : memref<512x64xf32, #tpu.memory_space<vmem>>[vector<16xi32>, vector<16xi32>], vector<16xf32>, vector<16xi1>
      tpu.vector_store_idx %arg16[%add3A_1046, %broadcast_in_dim3A_1061], %gather3A_1062 masked %lt3A_1042 : memref<512x64xf32, #tpu.memory_space<vmem>>[vector<16xi32>, vector<16xi32>], vector<16xf32>, vector<16xi1>
      %broadcast_in_dim3A_1063 = arith.constant 6 : i32
      %broadcast_in_dim3A_1064 = vector.broadcast %broadcast_in_dim3A_1063 : i32 to vector<16xi32>
      %gather3A_1065 = tpu.vector_load_idx %arg17[%add3A_1046, %broadcast_in_dim3A_1064] masked %lt3A_1042 : memref<512x64xf32, #tpu.memory_space<vmem>>[vector<16xi32>, vector<16xi32>], vector<16xf32>, vector<16xi1>
      tpu.vector_store_idx %arg16[%add3A_1046, %broadcast_in_dim3A_1064], %gather3A_1065 masked %lt3A_1042 : memref<512x64xf32, #tpu.memory_space<vmem>>[vector<16xi32>, vector<16xi32>], vector<16xf32>, vector<16xi1>
      %broadcast_in_dim3A_1066 = arith.constant 7 : i32
      %broadcast_in_dim3A_1067 = vector.broadcast %broadcast_in_dim3A_1066 : i32 to vector<16xi32>
      %gather3A_1068 = tpu.vector_load_idx %arg17[%add3A_1046, %broadcast_in_dim3A_1067] masked %lt3A_1042 : memref<512x64xf32, #tpu.memory_space<vmem>>[vector<16xi32>, vector<16xi32>], vector<16xf32>, vector<16xi1>
      tpu.vector_store_idx %arg16[%add3A_1046, %broadcast_in_dim3A_1067], %gather3A_1068 masked %lt3A_1042 : memref<512x64xf32, #tpu.memory_space<vmem>>[vector<16xi32>, vector<16xi32>], vector<16xf32>, vector<16xi1>
      %broadcast_in_dim3A_1069 = arith.constant 8 : i32
      %broadcast_in_dim3A_1070 = vector.broadcast %broadcast_in_dim3A_1069 : i32 to vector<16xi32>
      %gather3A_1071 = tpu.vector_load_idx %arg17[%add3A_1046, %broadcast_in_dim3A_1070] masked %lt3A_1042 : memref<512x64xf32, #tpu.memory_space<vmem>>[vector<16xi32>, vector<16xi32>], vector<16xf32>, vector<16xi1>
      tpu.vector_store_idx %arg16[%add3A_1046, %broadcast_in_dim3A_1070], %gather3A_1071 masked %lt3A_1042 : memref<512x64xf32, #tpu.memory_space<vmem>>[vector<16xi32>, vector<16xi32>], vector<16xf32>, vector<16xi1>
      %broadcast_in_dim3A_1072 = arith.constant 9 : i32
      %broadcast_in_dim3A_1073 = vector.broadcast %broadcast_in_dim3A_1072 : i32 to vector<16xi32>
      %gather3A_1074 = tpu.vector_load_idx %arg17[%add3A_1046, %broadcast_in_dim3A_1073] masked %lt3A_1042 : memref<512x64xf32, #tpu.memory_space<vmem>>[vector<16xi32>, vector<16xi32>], vector<16xf32>, vector<16xi1>
      tpu.vector_store_idx %arg16[%add3A_1046, %broadcast_in_dim3A_1073], %gather3A_1074 masked %lt3A_1042 : memref<512x64xf32, #tpu.memory_space<vmem>>[vector<16xi32>, vector<16xi32>], vector<16xf32>, vector<16xi1>
      %broadcast_in_dim3A_1075 = arith.constant 10 : i32
      %broadcast_in_dim3A_1076 = vector.broadcast %broadcast_in_dim3A_1075 : i32 to vector<16xi32>
      %gather3A_1077 = tpu.vector_load_idx %arg17[%add3A_1046, %broadcast_in_dim3A_1076] masked %lt3A_1042 : memref<512x64xf32, #tpu.memory_space<vmem>>[vector<16xi32>, vector<16xi32>], vector<16xf32>, vector<16xi1>
      tpu.vector_store_idx %arg16[%add3A_1046, %broadcast_in_dim3A_1076], %gather3A_1077 masked %lt3A_1042 : memref<512x64xf32, #tpu.memory_space<vmem>>[vector<16xi32>, vector<16xi32>], vector<16xf32>, vector<16xi1>
      %broadcast_in_dim3A_1078 = arith.constant 11 : i32
      %broadcast_in_dim3A_1079 = vector.broadcast %broadcast_in_dim3A_1078 : i32 to vector<16xi32>
      %gather3A_1080 = tpu.vector_load_idx %arg17[%add3A_1046, %broadcast_in_dim3A_1079] masked %lt3A_1042 : memref<512x64xf32, #tpu.memory_space<vmem>>[vector<16xi32>, vector<16xi32>], vector<16xf32>, vector<16xi1>
      tpu.vector_store_idx %arg16[%add3A_1046, %broadcast_in_dim3A_1079], %gather3A_1080 masked %lt3A_1042 : memref<512x64xf32, #tpu.memory_space<vmem>>[vector<16xi32>, vector<16xi32>], vector<16xf32>, vector<16xi1>
      %broadcast_in_dim3A_1081 = arith.constant 12 : i32
      %broadcast_in_dim3A_1082 = vector.broadcast %broadcast_in_dim3A_1081 : i32 to vector<16xi32>
      %gather3A_1083 = tpu.vector_load_idx %arg17[%add3A_1046, %broadcast_in_dim3A_1082] masked %lt3A_1042 : memref<512x64xf32, #tpu.memory_space<vmem>>[vector<16xi32>, vector<16xi32>], vector<16xf32>, vector<16xi1>
      tpu.vector_store_idx %arg16[%add3A_1046, %broadcast_in_dim3A_1082], %gather3A_1083 masked %lt3A_1042 : memref<512x64xf32, #tpu.memory_space<vmem>>[vector<16xi32>, vector<16xi32>], vector<16xf32>, vector<16xi1>
      %broadcast_in_dim3A_1084 = arith.constant 13 : i32
      %broadcast_in_dim3A_1085 = vector.broadcast %broadcast_in_dim3A_1084 : i32 to vector<16xi32>
      %gather3A_1086 = tpu.vector_load_idx %arg17[%add3A_1046, %broadcast_in_dim3A_1085] masked %lt3A_1042 : memref<512x64xf32, #tpu.memory_space<vmem>>[vector<16xi32>, vector<16xi32>], vector<16xf32>, vector<16xi1>
      tpu.vector_store_idx %arg16[%add3A_1046, %broadcast_in_dim3A_1085], %gather3A_1086 masked %lt3A_1042 : memref<512x64xf32, #tpu.memory_space<vmem>>[vector<16xi32>, vector<16xi32>], vector<16xf32>, vector<16xi1>
      %broadcast_in_dim3A_1087 = arith.constant 14 : i32
      %broadcast_in_dim3A_1088 = vector.broadcast %broadcast_in_dim3A_1087 : i32 to vector<16xi32>
      %gather3A_1089 = tpu.vector_load_idx %arg17[%add3A_1046, %broadcast_in_dim3A_1088] masked %lt3A_1042 : memref<512x64xf32, #tpu.memory_space<vmem>>[vector<16xi32>, vector<16xi32>], vector<16xf32>, vector<16xi1>
      tpu.vector_store_idx %arg16[%add3A_1046, %broadcast_in_dim3A_1088], %gather3A_1089 masked %lt3A_1042 : memref<512x64xf32, #tpu.memory_space<vmem>>[vector<16xi32>, vector<16xi32>], vector<16xf32>, vector<16xi1>
      %broadcast_in_dim3A_1090 = arith.constant 15 : i32
      %broadcast_in_dim3A_1091 = vector.broadcast %broadcast_in_dim3A_1090 : i32 to vector<16xi32>
      %gather3A_1092 = tpu.vector_load_idx %arg17[%add3A_1046, %broadcast_in_dim3A_1091] masked %lt3A_1042 : memref<512x64xf32, #tpu.memory_space<vmem>>[vector<16xi32>, vector<16xi32>], vector<16xf32>, vector<16xi1>
      tpu.vector_store_idx %arg16[%add3A_1046, %broadcast_in_dim3A_1091], %gather3A_1092 masked %lt3A_1042 : memref<512x64xf32, #tpu.memory_space<vmem>>[vector<16xi32>, vector<16xi32>], vector<16xf32>, vector<16xi1>
      %broadcast_in_dim3A_1093 = arith.constant 16 : i32
      %broadcast_in_dim3A_1094 = vector.broadcast %broadcast_in_dim3A_1093 : i32 to vector<16xi32>
      %gather3A_1095 = tpu.vector_load_idx %arg17[%add3A_1046, %broadcast_in_dim3A_1094] masked %lt3A_1042 : memref<512x64xf32, #tpu.memory_space<vmem>>[vector<16xi32>, vector<16xi32>], vector<16xf32>, vector<16xi1>
      tpu.vector_store_idx %arg16[%add3A_1046, %broadcast_in_dim3A_1094], %gather3A_1095 masked %lt3A_1042 : memref<512x64xf32, #tpu.memory_space<vmem>>[vector<16xi32>, vector<16xi32>], vector<16xf32>, vector<16xi1>
      %broadcast_in_dim3A_1096 = arith.constant 17 : i32
      %broadcast_in_dim3A_1097 = vector.broadcast %broadcast_in_dim3A_1096 : i32 to vector<16xi32>
      %gather3A_1098 = tpu.vector_load_idx %arg17[%add3A_1046, %broadcast_in_dim3A_1097] masked %lt3A_1042 : memref<512x64xf32, #tpu.memory_space<vmem>>[vector<16xi32>, vector<16xi32>], vector<16xf32>, vector<16xi1>
      tpu.vector_store_idx %arg16[%add3A_1046, %broadcast_in_dim3A_1097], %gather3A_1098 masked %lt3A_1042 : memref<512x64xf32, #tpu.memory_space<vmem>>[vector<16xi32>, vector<16xi32>], vector<16xf32>, vector<16xi1>
      %broadcast_in_dim3A_1099 = arith.constant 18 : i32
      %broadcast_in_dim3A_1100 = vector.broadcast %broadcast_in_dim3A_1099 : i32 to vector<16xi32>
      %gather3A_1101 = tpu.vector_load_idx %arg17[%add3A_1046, %broadcast_in_dim3A_1100] masked %lt3A_1042 : memref<512x64xf32, #tpu.memory_space<vmem>>[vector<16xi32>, vector<16xi32>], vector<16xf32>, vector<16xi1>
      tpu.vector_store_idx %arg16[%add3A_1046, %broadcast_in_dim3A_1100], %gather3A_1101 masked %lt3A_1042 : memref<512x64xf32, #tpu.memory_space<vmem>>[vector<16xi32>, vector<16xi32>], vector<16xf32>, vector<16xi1>
      %broadcast_in_dim3A_1102 = arith.constant 19 : i32
      %broadcast_in_dim3A_1103 = vector.broadcast %broadcast_in_dim3A_1102 : i32 to vector<16xi32>
      %gather3A_1104 = tpu.vector_load_idx %arg17[%add3A_1046, %broadcast_in_dim3A_1103] masked %lt3A_1042 : memref<512x64xf32, #tpu.memory_space<vmem>>[vector<16xi32>, vector<16xi32>], vector<16xf32>, vector<16xi1>
      tpu.vector_store_idx %arg16[%add3A_1046, %broadcast_in_dim3A_1103], %gather3A_1104 masked %lt3A_1042 : memref<512x64xf32, #tpu.memory_space<vmem>>[vector<16xi32>, vector<16xi32>], vector<16xf32>, vector<16xi1>
      %broadcast_in_dim3A_1105 = arith.constant 20 : i32
      %broadcast_in_dim3A_1106 = vector.broadcast %broadcast_in_dim3A_1105 : i32 to vector<16xi32>
      %gather3A_1107 = tpu.vector_load_idx %arg17[%add3A_1046, %broadcast_in_dim3A_1106] masked %lt3A_1042 : memref<512x64xf32, #tpu.memory_space<vmem>>[vector<16xi32>, vector<16xi32>], vector<16xf32>, vector<16xi1>
      tpu.vector_store_idx %arg16[%add3A_1046, %broadcast_in_dim3A_1106], %gather3A_1107 masked %lt3A_1042 : memref<512x64xf32, #tpu.memory_space<vmem>>[vector<16xi32>, vector<16xi32>], vector<16xf32>, vector<16xi1>
      %broadcast_in_dim3A_1108 = arith.constant 21 : i32
      %broadcast_in_dim3A_1109 = vector.broadcast %broadcast_in_dim3A_1108 : i32 to vector<16xi32>
      %gather3A_1110 = tpu.vector_load_idx %arg17[%add3A_1046, %broadcast_in_dim3A_1109] masked %lt3A_1042 : memref<512x64xf32, #tpu.memory_space<vmem>>[vector<16xi32>, vector<16xi32>], vector<16xf32>, vector<16xi1>
      tpu.vector_store_idx %arg16[%add3A_1046, %broadcast_in_dim3A_1109], %gather3A_1110 masked %lt3A_1042 : memref<512x64xf32, #tpu.memory_space<vmem>>[vector<16xi32>, vector<16xi32>], vector<16xf32>, vector<16xi1>
      %broadcast_in_dim3A_1111 = arith.constant 22 : i32
      %broadcast_in_dim3A_1112 = vector.broadcast %broadcast_in_dim3A_1111 : i32 to vector<16xi32>
      %gather3A_1113 = tpu.vector_load_idx %arg17[%add3A_1046, %broadcast_in_dim3A_1112] masked %lt3A_1042 : memref<512x64xf32, #tpu.memory_space<vmem>>[vector<16xi32>, vector<16xi32>], vector<16xf32>, vector<16xi1>
      tpu.vector_store_idx %arg16[%add3A_1046, %broadcast_in_dim3A_1112], %gather3A_1113 masked %lt3A_1042 : memref<512x64xf32, #tpu.memory_space<vmem>>[vector<16xi32>, vector<16xi32>], vector<16xf32>, vector<16xi1>
      %broadcast_in_dim3A_1114 = arith.constant 23 : i32
      %broadcast_in_dim3A_1115 = vector.broadcast %broadcast_in_dim3A_1114 : i32 to vector<16xi32>
      %gather3A_1116 = tpu.vector_load_idx %arg17[%add3A_1046, %broadcast_in_dim3A_1115] masked %lt3A_1042 : memref<512x64xf32, #tpu.memory_space<vmem>>[vector<16xi32>, vector<16xi32>], vector<16xf32>, vector<16xi1>
      tpu.vector_store_idx %arg16[%add3A_1046, %broadcast_in_dim3A_1115], %gather3A_1116 masked %lt3A_1042 : memref<512x64xf32, #tpu.memory_space<vmem>>[vector<16xi32>, vector<16xi32>], vector<16xf32>, vector<16xi1>
      %broadcast_in_dim3A_1117 = arith.constant 24 : i32
      %broadcast_in_dim3A_1118 = vector.broadcast %broadcast_in_dim3A_1117 : i32 to vector<16xi32>
      %gather3A_1119 = tpu.vector_load_idx %arg17[%add3A_1046, %broadcast_in_dim3A_1118] masked %lt3A_1042 : memref<512x64xf32, #tpu.memory_space<vmem>>[vector<16xi32>, vector<16xi32>], vector<16xf32>, vector<16xi1>
      tpu.vector_store_idx %arg16[%add3A_1046, %broadcast_in_dim3A_1118], %gather3A_1119 masked %lt3A_1042 : memref<512x64xf32, #tpu.memory_space<vmem>>[vector<16xi32>, vector<16xi32>], vector<16xf32>, vector<16xi1>
      %broadcast_in_dim3A_1120 = arith.constant 25 : i32
      %broadcast_in_dim3A_1121 = vector.broadcast %broadcast_in_dim3A_1120 : i32 to vector<16xi32>
      %gather3A_1122 = tpu.vector_load_idx %arg17[%add3A_1046, %broadcast_in_dim3A_1121] masked %lt3A_1042 : memref<512x64xf32, #tpu.memory_space<vmem>>[vector<16xi32>, vector<16xi32>], vector<16xf32>, vector<16xi1>
      tpu.vector_store_idx %arg16[%add3A_1046, %broadcast_in_dim3A_1121], %gather3A_1122 masked %lt3A_1042 : memref<512x64xf32, #tpu.memory_space<vmem>>[vector<16xi32>, vector<16xi32>], vector<16xf32>, vector<16xi1>
      %broadcast_in_dim3A_1123 = arith.constant 26 : i32
      %broadcast_in_dim3A_1124 = vector.broadcast %broadcast_in_dim3A_1123 : i32 to vector<16xi32>
      %gather3A_1125 = tpu.vector_load_idx %arg17[%add3A_1046, %broadcast_in_dim3A_1124] masked %lt3A_1042 : memref<512x64xf32, #tpu.memory_space<vmem>>[vector<16xi32>, vector<16xi32>], vector<16xf32>, vector<16xi1>
      tpu.vector_store_idx %arg16[%add3A_1046, %broadcast_in_dim3A_1124], %gather3A_1125 masked %lt3A_1042 : memref<512x64xf32, #tpu.memory_space<vmem>>[vector<16xi32>, vector<16xi32>], vector<16xf32>, vector<16xi1>
      %broadcast_in_dim3A_1126 = arith.constant 27 : i32
      %broadcast_in_dim3A_1127 = vector.broadcast %broadcast_in_dim3A_1126 : i32 to vector<16xi32>
      %gather3A_1128 = tpu.vector_load_idx %arg17[%add3A_1046, %broadcast_in_dim3A_1127] masked %lt3A_1042 : memref<512x64xf32, #tpu.memory_space<vmem>>[vector<16xi32>, vector<16xi32>], vector<16xf32>, vector<16xi1>
      tpu.vector_store_idx %arg16[%add3A_1046, %broadcast_in_dim3A_1127], %gather3A_1128 masked %lt3A_1042 : memref<512x64xf32, #tpu.memory_space<vmem>>[vector<16xi32>, vector<16xi32>], vector<16xf32>, vector<16xi1>
      %broadcast_in_dim3A_1129 = arith.constant 28 : i32
      %broadcast_in_dim3A_1130 = vector.broadcast %broadcast_in_dim3A_1129 : i32 to vector<16xi32>
      %gather3A_1131 = tpu.vector_load_idx %arg17[%add3A_1046, %broadcast_in_dim3A_1130] masked %lt3A_1042 : memref<512x64xf32, #tpu.memory_space<vmem>>[vector<16xi32>, vector<16xi32>], vector<16xf32>, vector<16xi1>
      tpu.vector_store_idx %arg16[%add3A_1046, %broadcast_in_dim3A_1130], %gather3A_1131 masked %lt3A_1042 : memref<512x64xf32, #tpu.memory_space<vmem>>[vector<16xi32>, vector<16xi32>], vector<16xf32>, vector<16xi1>
      %broadcast_in_dim3A_1132 = arith.constant 29 : i32
      %broadcast_in_dim3A_1133 = vector.broadcast %broadcast_in_dim3A_1132 : i32 to vector<16xi32>
      %gather3A_1134 = tpu.vector_load_idx %arg17[%add3A_1046, %broadcast_in_dim3A_1133] masked %lt3A_1042 : memref<512x64xf32, #tpu.memory_space<vmem>>[vector<16xi32>, vector<16xi32>], vector<16xf32>, vector<16xi1>
      tpu.vector_store_idx %arg16[%add3A_1046, %broadcast_in_dim3A_1133], %gather3A_1134 masked %lt3A_1042 : memref<512x64xf32, #tpu.memory_space<vmem>>[vector<16xi32>, vector<16xi32>], vector<16xf32>, vector<16xi1>
      %broadcast_in_dim3A_1135 = arith.constant 30 : i32
      %broadcast_in_dim3A_1136 = vector.broadcast %broadcast_in_dim3A_1135 : i32 to vector<16xi32>
      %gather3A_1137 = tpu.vector_load_idx %arg17[%add3A_1046, %broadcast_in_dim3A_1136] masked %lt3A_1042 : memref<512x64xf32, #tpu.memory_space<vmem>>[vector<16xi32>, vector<16xi32>], vector<16xf32>, vector<16xi1>
      tpu.vector_store_idx %arg16[%add3A_1046, %broadcast_in_dim3A_1136], %gather3A_1137 masked %lt3A_1042 : memref<512x64xf32, #tpu.memory_space<vmem>>[vector<16xi32>, vector<16xi32>], vector<16xf32>, vector<16xi1>
      %broadcast_in_dim3A_1138 = arith.constant 31 : i32
      %broadcast_in_dim3A_1139 = vector.broadcast %broadcast_in_dim3A_1138 : i32 to vector<16xi32>
      %gather3A_1140 = tpu.vector_load_idx %arg17[%add3A_1046, %broadcast_in_dim3A_1139] masked %lt3A_1042 : memref<512x64xf32, #tpu.memory_space<vmem>>[vector<16xi32>, vector<16xi32>], vector<16xf32>, vector<16xi1>
      tpu.vector_store_idx %arg16[%add3A_1046, %broadcast_in_dim3A_1139], %gather3A_1140 masked %lt3A_1042 : memref<512x64xf32, #tpu.memory_space<vmem>>[vector<16xi32>, vector<16xi32>], vector<16xf32>, vector<16xi1>
      %broadcast_in_dim3A_1141 = arith.constant 32 : i32
      %broadcast_in_dim3A_1142 = vector.broadcast %broadcast_in_dim3A_1141 : i32 to vector<16xi32>
      %gather3A_1143 = tpu.vector_load_idx %arg17[%add3A_1046, %broadcast_in_dim3A_1142] masked %lt3A_1042 : memref<512x64xf32, #tpu.memory_space<vmem>>[vector<16xi32>, vector<16xi32>], vector<16xf32>, vector<16xi1>
      tpu.vector_store_idx %arg16[%add3A_1046, %broadcast_in_dim3A_1142], %gather3A_1143 masked %lt3A_1042 : memref<512x64xf32, #tpu.memory_space<vmem>>[vector<16xi32>, vector<16xi32>], vector<16xf32>, vector<16xi1>
      %broadcast_in_dim3A_1144 = arith.constant 33 : i32
      %broadcast_in_dim3A_1145 = vector.broadcast %broadcast_in_dim3A_1144 : i32 to vector<16xi32>
      %gather3A_1146 = tpu.vector_load_idx %arg17[%add3A_1046, %broadcast_in_dim3A_1145] masked %lt3A_1042 : memref<512x64xf32, #tpu.memory_space<vmem>>[vector<16xi32>, vector<16xi32>], vector<16xf32>, vector<16xi1>
      tpu.vector_store_idx %arg16[%add3A_1046, %broadcast_in_dim3A_1145], %gather3A_1146 masked %lt3A_1042 : memref<512x64xf32, #tpu.memory_space<vmem>>[vector<16xi32>, vector<16xi32>], vector<16xf32>, vector<16xi1>
      %broadcast_in_dim3A_1147 = arith.constant 34 : i32
      %broadcast_in_dim3A_1148 = vector.broadcast %broadcast_in_dim3A_1147 : i32 to vector<16xi32>
      %gather3A_1149 = tpu.vector_load_idx %arg17[%add3A_1046, %broadcast_in_dim3A_1148] masked %lt3A_1042 : memref<512x64xf32, #tpu.memory_space<vmem>>[vector<16xi32>, vector<16xi32>], vector<16xf32>, vector<16xi1>
      tpu.vector_store_idx %arg16[%add3A_1046, %broadcast_in_dim3A_1148], %gather3A_1149 masked %lt3A_1042 : memref<512x64xf32, #tpu.memory_space<vmem>>[vector<16xi32>, vector<16xi32>], vector<16xf32>, vector<16xi1>
      %broadcast_in_dim3A_1150 = arith.constant 35 : i32
      %broadcast_in_dim3A_1151 = vector.broadcast %broadcast_in_dim3A_1150 : i32 to vector<16xi32>
      %gather3A_1152 = tpu.vector_load_idx %arg17[%add3A_1046, %broadcast_in_dim3A_1151] masked %lt3A_1042 : memref<512x64xf32, #tpu.memory_space<vmem>>[vector<16xi32>, vector<16xi32>], vector<16xf32>, vector<16xi1>
      tpu.vector_store_idx %arg16[%add3A_1046, %broadcast_in_dim3A_1151], %gather3A_1152 masked %lt3A_1042 : memref<512x64xf32, #tpu.memory_space<vmem>>[vector<16xi32>, vector<16xi32>], vector<16xf32>, vector<16xi1>
      %broadcast_in_dim3A_1153 = arith.constant 36 : i32
      %broadcast_in_dim3A_1154 = vector.broadcast %broadcast_in_dim3A_1153 : i32 to vector<16xi32>
      %gather3A_1155 = tpu.vector_load_idx %arg17[%add3A_1046, %broadcast_in_dim3A_1154] masked %lt3A_1042 : memref<512x64xf32, #tpu.memory_space<vmem>>[vector<16xi32>, vector<16xi32>], vector<16xf32>, vector<16xi1>
      tpu.vector_store_idx %arg16[%add3A_1046, %broadcast_in_dim3A_1154], %gather3A_1155 masked %lt3A_1042 : memref<512x64xf32, #tpu.memory_space<vmem>>[vector<16xi32>, vector<16xi32>], vector<16xf32>, vector<16xi1>
      %broadcast_in_dim3A_1156 = arith.constant 37 : i32
      %broadcast_in_dim3A_1157 = vector.broadcast %broadcast_in_dim3A_1156 : i32 to vector<16xi32>
      %gather3A_1158 = tpu.vector_load_idx %arg17[%add3A_1046, %broadcast_in_dim3A_1157] masked %lt3A_1042 : memref<512x64xf32, #tpu.memory_space<vmem>>[vector<16xi32>, vector<16xi32>], vector<16xf32>, vector<16xi1>
      tpu.vector_store_idx %arg16[%add3A_1046, %broadcast_in_dim3A_1157], %gather3A_1158 masked %lt3A_1042 : memref<512x64xf32, #tpu.memory_space<vmem>>[vector<16xi32>, vector<16xi32>], vector<16xf32>, vector<16xi1>
      %broadcast_in_dim3A_1159 = arith.constant 38 : i32
      %broadcast_in_dim3A_1160 = vector.broadcast %broadcast_in_dim3A_1159 : i32 to vector<16xi32>
      %gather3A_1161 = tpu.vector_load_idx %arg17[%add3A_1046, %broadcast_in_dim3A_1160] masked %lt3A_1042 : memref<512x64xf32, #tpu.memory_space<vmem>>[vector<16xi32>, vector<16xi32>], vector<16xf32>, vector<16xi1>
      tpu.vector_store_idx %arg16[%add3A_1046, %broadcast_in_dim3A_1160], %gather3A_1161 masked %lt3A_1042 : memref<512x64xf32, #tpu.memory_space<vmem>>[vector<16xi32>, vector<16xi32>], vector<16xf32>, vector<16xi1>
      %broadcast_in_dim3A_1162 = arith.constant 39 : i32
      %broadcast_in_dim3A_1163 = vector.broadcast %broadcast_in_dim3A_1162 : i32 to vector<16xi32>
      %gather3A_1164 = tpu.vector_load_idx %arg17[%add3A_1046, %broadcast_in_dim3A_1163] masked %lt3A_1042 : memref<512x64xf32, #tpu.memory_space<vmem>>[vector<16xi32>, vector<16xi32>], vector<16xf32>, vector<16xi1>
      tpu.vector_store_idx %arg16[%add3A_1046, %broadcast_in_dim3A_1163], %gather3A_1164 masked %lt3A_1042 : memref<512x64xf32, #tpu.memory_space<vmem>>[vector<16xi32>, vector<16xi32>], vector<16xf32>, vector<16xi1>
      %broadcast_in_dim3A_1165 = arith.constant 40 : i32
      %broadcast_in_dim3A_1166 = vector.broadcast %broadcast_in_dim3A_1165 : i32 to vector<16xi32>
      %gather3A_1167 = tpu.vector_load_idx %arg17[%add3A_1046, %broadcast_in_dim3A_1166] masked %lt3A_1042 : memref<512x64xf32, #tpu.memory_space<vmem>>[vector<16xi32>, vector<16xi32>], vector<16xf32>, vector<16xi1>
      tpu.vector_store_idx %arg16[%add3A_1046, %broadcast_in_dim3A_1166], %gather3A_1167 masked %lt3A_1042 : memref<512x64xf32, #tpu.memory_space<vmem>>[vector<16xi32>, vector<16xi32>], vector<16xf32>, vector<16xi1>
      %broadcast_in_dim3A_1168 = arith.constant 41 : i32
      %broadcast_in_dim3A_1169 = vector.broadcast %broadcast_in_dim3A_1168 : i32 to vector<16xi32>
      %gather3A_1170 = tpu.vector_load_idx %arg17[%add3A_1046, %broadcast_in_dim3A_1169] masked %lt3A_1042 : memref<512x64xf32, #tpu.memory_space<vmem>>[vector<16xi32>, vector<16xi32>], vector<16xf32>, vector<16xi1>
      tpu.vector_store_idx %arg16[%add3A_1046, %broadcast_in_dim3A_1169], %gather3A_1170 masked %lt3A_1042 : memref<512x64xf32, #tpu.memory_space<vmem>>[vector<16xi32>, vector<16xi32>], vector<16xf32>, vector<16xi1>
      %broadcast_in_dim3A_1171 = arith.constant 42 : i32
      %broadcast_in_dim3A_1172 = vector.broadcast %broadcast_in_dim3A_1171 : i32 to vector<16xi32>
      %gather3A_1173 = tpu.vector_load_idx %arg17[%add3A_1046, %broadcast_in_dim3A_1172] masked %lt3A_1042 : memref<512x64xf32, #tpu.memory_space<vmem>>[vector<16xi32>, vector<16xi32>], vector<16xf32>, vector<16xi1>
      tpu.vector_store_idx %arg16[%add3A_1046, %broadcast_in_dim3A_1172], %gather3A_1173 masked %lt3A_1042 : memref<512x64xf32, #tpu.memory_space<vmem>>[vector<16xi32>, vector<16xi32>], vector<16xf32>, vector<16xi1>
      %broadcast_in_dim3A_1174 = arith.constant 43 : i32
      %broadcast_in_dim3A_1175 = vector.broadcast %broadcast_in_dim3A_1174 : i32 to vector<16xi32>
      %gather3A_1176 = tpu.vector_load_idx %arg17[%add3A_1046, %broadcast_in_dim3A_1175] masked %lt3A_1042 : memref<512x64xf32, #tpu.memory_space<vmem>>[vector<16xi32>, vector<16xi32>], vector<16xf32>, vector<16xi1>
      tpu.vector_store_idx %arg16[%add3A_1046, %broadcast_in_dim3A_1175], %gather3A_1176 masked %lt3A_1042 : memref<512x64xf32, #tpu.memory_space<vmem>>[vector<16xi32>, vector<16xi32>], vector<16xf32>, vector<16xi1>
      %broadcast_in_dim3A_1177 = arith.constant 44 : i32
      %broadcast_in_dim3A_1178 = vector.broadcast %broadcast_in_dim3A_1177 : i32 to vector<16xi32>
      %gather3A_1179 = tpu.vector_load_idx %arg17[%add3A_1046, %broadcast_in_dim3A_1178] masked %lt3A_1042 : memref<512x64xf32, #tpu.memory_space<vmem>>[vector<16xi32>, vector<16xi32>], vector<16xf32>, vector<16xi1>
      tpu.vector_store_idx %arg16[%add3A_1046, %broadcast_in_dim3A_1178], %gather3A_1179 masked %lt3A_1042 : memref<512x64xf32, #tpu.memory_space<vmem>>[vector<16xi32>, vector<16xi32>], vector<16xf32>, vector<16xi1>
      %broadcast_in_dim3A_1180 = arith.constant 45 : i32
      %broadcast_in_dim3A_1181 = vector.broadcast %broadcast_in_dim3A_1180 : i32 to vector<16xi32>
      %gather3A_1182 = tpu.vector_load_idx %arg17[%add3A_1046, %broadcast_in_dim3A_1181] masked %lt3A_1042 : memref<512x64xf32, #tpu.memory_space<vmem>>[vector<16xi32>, vector<16xi32>], vector<16xf32>, vector<16xi1>
      tpu.vector_store_idx %arg16[%add3A_1046, %broadcast_in_dim3A_1181], %gather3A_1182 masked %lt3A_1042 : memref<512x64xf32, #tpu.memory_space<vmem>>[vector<16xi32>, vector<16xi32>], vector<16xf32>, vector<16xi1>
      %broadcast_in_dim3A_1183 = arith.constant 46 : i32
      %broadcast_in_dim3A_1184 = vector.broadcast %broadcast_in_dim3A_1183 : i32 to vector<16xi32>
      %gather3A_1185 = tpu.vector_load_idx %arg17[%add3A_1046, %broadcast_in_dim3A_1184] masked %lt3A_1042 : memref<512x64xf32, #tpu.memory_space<vmem>>[vector<16xi32>, vector<16xi32>], vector<16xf32>, vector<16xi1>
      tpu.vector_store_idx %arg16[%add3A_1046, %broadcast_in_dim3A_1184], %gather3A_1185 masked %lt3A_1042 : memref<512x64xf32, #tpu.memory_space<vmem>>[vector<16xi32>, vector<16xi32>], vector<16xf32>, vector<16xi1>
      %broadcast_in_dim3A_1186 = arith.constant 47 : i32
      %broadcast_in_dim3A_1187 = vector.broadcast %broadcast_in_dim3A_1186 : i32 to vector<16xi32>
      %gather3A_1188 = tpu.vector_load_idx %arg17[%add3A_1046, %broadcast_in_dim3A_1187] masked %lt3A_1042 : memref<512x64xf32, #tpu.memory_space<vmem>>[vector<16xi32>, vector<16xi32>], vector<16xf32>, vector<16xi1>
      tpu.vector_store_idx %arg16[%add3A_1046, %broadcast_in_dim3A_1187], %gather3A_1188 masked %lt3A_1042 : memref<512x64xf32, #tpu.memory_space<vmem>>[vector<16xi32>, vector<16xi32>], vector<16xf32>, vector<16xi1>
      %broadcast_in_dim3A_1189 = arith.constant 48 : i32
      %broadcast_in_dim3A_1190 = vector.broadcast %broadcast_in_dim3A_1189 : i32 to vector<16xi32>
      %gather3A_1191 = tpu.vector_load_idx %arg17[%add3A_1046, %broadcast_in_dim3A_1190] masked %lt3A_1042 : memref<512x64xf32, #tpu.memory_space<vmem>>[vector<16xi32>, vector<16xi32>], vector<16xf32>, vector<16xi1>
      tpu.vector_store_idx %arg16[%add3A_1046, %broadcast_in_dim3A_1190], %gather3A_1191 masked %lt3A_1042 : memref<512x64xf32, #tpu.memory_space<vmem>>[vector<16xi32>, vector<16xi32>], vector<16xf32>, vector<16xi1>
      %broadcast_in_dim3A_1192 = arith.constant 49 : i32
      %broadcast_in_dim3A_1193 = vector.broadcast %broadcast_in_dim3A_1192 : i32 to vector<16xi32>
      %gather3A_1194 = tpu.vector_load_idx %arg17[%add3A_1046, %broadcast_in_dim3A_1193] masked %lt3A_1042 : memref<512x64xf32, #tpu.memory_space<vmem>>[vector<16xi32>, vector<16xi32>], vector<16xf32>, vector<16xi1>
      tpu.vector_store_idx %arg16[%add3A_1046, %broadcast_in_dim3A_1193], %gather3A_1194 masked %lt3A_1042 : memref<512x64xf32, #tpu.memory_space<vmem>>[vector<16xi32>, vector<16xi32>], vector<16xf32>, vector<16xi1>
      %broadcast_in_dim3A_1195 = arith.constant 50 : i32
      %broadcast_in_dim3A_1196 = vector.broadcast %broadcast_in_dim3A_1195 : i32 to vector<16xi32>
      %gather3A_1197 = tpu.vector_load_idx %arg17[%add3A_1046, %broadcast_in_dim3A_1196] masked %lt3A_1042 : memref<512x64xf32, #tpu.memory_space<vmem>>[vector<16xi32>, vector<16xi32>], vector<16xf32>, vector<16xi1>
      tpu.vector_store_idx %arg16[%add3A_1046, %broadcast_in_dim3A_1196], %gather3A_1197 masked %lt3A_1042 : memref<512x64xf32, #tpu.memory_space<vmem>>[vector<16xi32>, vector<16xi32>], vector<16xf32>, vector<16xi1>
      %broadcast_in_dim3A_1198 = arith.constant 51 : i32
      %broadcast_in_dim3A_1199 = vector.broadcast %broadcast_in_dim3A_1198 : i32 to vector<16xi32>
      %gather3A_1200 = tpu.vector_load_idx %arg17[%add3A_1046, %broadcast_in_dim3A_1199] masked %lt3A_1042 : memref<512x64xf32, #tpu.memory_space<vmem>>[vector<16xi32>, vector<16xi32>], vector<16xf32>, vector<16xi1>
      tpu.vector_store_idx %arg16[%add3A_1046, %broadcast_in_dim3A_1199], %gather3A_1200 masked %lt3A_1042 : memref<512x64xf32, #tpu.memory_space<vmem>>[vector<16xi32>, vector<16xi32>], vector<16xf32>, vector<16xi1>
      %broadcast_in_dim3A_1201 = arith.constant 52 : i32
      %broadcast_in_dim3A_1202 = vector.broadcast %broadcast_in_dim3A_1201 : i32 to vector<16xi32>
      %gather3A_1203 = tpu.vector_load_idx %arg17[%add3A_1046, %broadcast_in_dim3A_1202] masked %lt3A_1042 : memref<512x64xf32, #tpu.memory_space<vmem>>[vector<16xi32>, vector<16xi32>], vector<16xf32>, vector<16xi1>
      tpu.vector_store_idx %arg16[%add3A_1046, %broadcast_in_dim3A_1202], %gather3A_1203 masked %lt3A_1042 : memref<512x64xf32, #tpu.memory_space<vmem>>[vector<16xi32>, vector<16xi32>], vector<16xf32>, vector<16xi1>
      %broadcast_in_dim3A_1204 = arith.constant 53 : i32
      %broadcast_in_dim3A_1205 = vector.broadcast %broadcast_in_dim3A_1204 : i32 to vector<16xi32>
      %gather3A_1206 = tpu.vector_load_idx %arg17[%add3A_1046, %broadcast_in_dim3A_1205] masked %lt3A_1042 : memref<512x64xf32, #tpu.memory_space<vmem>>[vector<16xi32>, vector<16xi32>], vector<16xf32>, vector<16xi1>
      tpu.vector_store_idx %arg16[%add3A_1046, %broadcast_in_dim3A_1205], %gather3A_1206 masked %lt3A_1042 : memref<512x64xf32, #tpu.memory_space<vmem>>[vector<16xi32>, vector<16xi32>], vector<16xf32>, vector<16xi1>
      %broadcast_in_dim3A_1207 = arith.constant 54 : i32
      %broadcast_in_dim3A_1208 = vector.broadcast %broadcast_in_dim3A_1207 : i32 to vector<16xi32>
      %gather3A_1209 = tpu.vector_load_idx %arg17[%add3A_1046, %broadcast_in_dim3A_1208] masked %lt3A_1042 : memref<512x64xf32, #tpu.memory_space<vmem>>[vector<16xi32>, vector<16xi32>], vector<16xf32>, vector<16xi1>
      tpu.vector_store_idx %arg16[%add3A_1046, %broadcast_in_dim3A_1208], %gather3A_1209 masked %lt3A_1042 : memref<512x64xf32, #tpu.memory_space<vmem>>[vector<16xi32>, vector<16xi32>], vector<16xf32>, vector<16xi1>
      %broadcast_in_dim3A_1210 = arith.constant 55 : i32
      %broadcast_in_dim3A_1211 = vector.broadcast %broadcast_in_dim3A_1210 : i32 to vector<16xi32>
      %gather3A_1212 = tpu.vector_load_idx %arg17[%add3A_1046, %broadcast_in_dim3A_1211] masked %lt3A_1042 : memref<512x64xf32, #tpu.memory_space<vmem>>[vector<16xi32>, vector<16xi32>], vector<16xf32>, vector<16xi1>
      tpu.vector_store_idx %arg16[%add3A_1046, %broadcast_in_dim3A_1211], %gather3A_1212 masked %lt3A_1042 : memref<512x64xf32, #tpu.memory_space<vmem>>[vector<16xi32>, vector<16xi32>], vector<16xf32>, vector<16xi1>
      %broadcast_in_dim3A_1213 = arith.constant 56 : i32
      %broadcast_in_dim3A_1214 = vector.broadcast %broadcast_in_dim3A_1213 : i32 to vector<16xi32>
      %gather3A_1215 = tpu.vector_load_idx %arg17[%add3A_1046, %broadcast_in_dim3A_1214] masked %lt3A_1042 : memref<512x64xf32, #tpu.memory_space<vmem>>[vector<16xi32>, vector<16xi32>], vector<16xf32>, vector<16xi1>
      tpu.vector_store_idx %arg16[%add3A_1046, %broadcast_in_dim3A_1214], %gather3A_1215 masked %lt3A_1042 : memref<512x64xf32, #tpu.memory_space<vmem>>[vector<16xi32>, vector<16xi32>], vector<16xf32>, vector<16xi1>
      %broadcast_in_dim3A_1216 = arith.constant 57 : i32
      %broadcast_in_dim3A_1217 = vector.broadcast %broadcast_in_dim3A_1216 : i32 to vector<16xi32>
      %gather3A_1218 = tpu.vector_load_idx %arg17[%add3A_1046, %broadcast_in_dim3A_1217] masked %lt3A_1042 : memref<512x64xf32, #tpu.memory_space<vmem>>[vector<16xi32>, vector<16xi32>], vector<16xf32>, vector<16xi1>
      tpu.vector_store_idx %arg16[%add3A_1046, %broadcast_in_dim3A_1217], %gather3A_1218 masked %lt3A_1042 : memref<512x64xf32, #tpu.memory_space<vmem>>[vector<16xi32>, vector<16xi32>], vector<16xf32>, vector<16xi1>
      %broadcast_in_dim3A_1219 = arith.constant 58 : i32
      %broadcast_in_dim3A_1220 = vector.broadcast %broadcast_in_dim3A_1219 : i32 to vector<16xi32>
      %gather3A_1221 = tpu.vector_load_idx %arg17[%add3A_1046, %broadcast_in_dim3A_1220] masked %lt3A_1042 : memref<512x64xf32, #tpu.memory_space<vmem>>[vector<16xi32>, vector<16xi32>], vector<16xf32>, vector<16xi1>
      tpu.vector_store_idx %arg16[%add3A_1046, %broadcast_in_dim3A_1220], %gather3A_1221 masked %lt3A_1042 : memref<512x64xf32, #tpu.memory_space<vmem>>[vector<16xi32>, vector<16xi32>], vector<16xf32>, vector<16xi1>
      %broadcast_in_dim3A_1222 = arith.constant 59 : i32
      %broadcast_in_dim3A_1223 = vector.broadcast %broadcast_in_dim3A_1222 : i32 to vector<16xi32>
      %gather3A_1224 = tpu.vector_load_idx %arg17[%add3A_1046, %broadcast_in_dim3A_1223] masked %lt3A_1042 : memref<512x64xf32, #tpu.memory_space<vmem>>[vector<16xi32>, vector<16xi32>], vector<16xf32>, vector<16xi1>
      tpu.vector_store_idx %arg16[%add3A_1046, %broadcast_in_dim3A_1223], %gather3A_1224 masked %lt3A_1042 : memref<512x64xf32, #tpu.memory_space<vmem>>[vector<16xi32>, vector<16xi32>], vector<16xf32>, vector<16xi1>
      %broadcast_in_dim3A_1225 = arith.constant 60 : i32
      %broadcast_in_dim3A_1226 = vector.broadcast %broadcast_in_dim3A_1225 : i32 to vector<16xi32>
      %gather3A_1227 = tpu.vector_load_idx %arg17[%add3A_1046, %broadcast_in_dim3A_1226] masked %lt3A_1042 : memref<512x64xf32, #tpu.memory_space<vmem>>[vector<16xi32>, vector<16xi32>], vector<16xf32>, vector<16xi1>
      tpu.vector_store_idx %arg16[%add3A_1046, %broadcast_in_dim3A_1226], %gather3A_1227 masked %lt3A_1042 : memref<512x64xf32, #tpu.memory_space<vmem>>[vector<16xi32>, vector<16xi32>], vector<16xf32>, vector<16xi1>
      %broadcast_in_dim3A_1228 = arith.constant 61 : i32
      %broadcast_in_dim3A_1229 = vector.broadcast %broadcast_in_dim3A_1228 : i32 to vector<16xi32>
      %gather3A_1230 = tpu.vector_load_idx %arg17[%add3A_1046, %broadcast_in_dim3A_1229] masked %lt3A_1042 : memref<512x64xf32, #tpu.memory_space<vmem>>[vector<16xi32>, vector<16xi32>], vector<16xf32>, vector<16xi1>
      tpu.vector_store_idx %arg16[%add3A_1046, %broadcast_in_dim3A_1229], %gather3A_1230 masked %lt3A_1042 : memref<512x64xf32, #tpu.memory_space<vmem>>[vector<16xi32>, vector<16xi32>], vector<16xf32>, vector<16xi1>
      %broadcast_in_dim3A_1231 = arith.constant 62 : i32
      %broadcast_in_dim3A_1232 = vector.broadcast %broadcast_in_dim3A_1231 : i32 to vector<16xi32>
      %gather3A_1233 = tpu.vector_load_idx %arg17[%add3A_1046, %broadcast_in_dim3A_1232] masked %lt3A_1042 : memref<512x64xf32, #tpu.memory_space<vmem>>[vector<16xi32>, vector<16xi32>], vector<16xf32>, vector<16xi1>
      tpu.vector_store_idx %arg16[%add3A_1046, %broadcast_in_dim3A_1232], %gather3A_1233 masked %lt3A_1042 : memref<512x64xf32, #tpu.memory_space<vmem>>[vector<16xi32>, vector<16xi32>], vector<16xf32>, vector<16xi1>
      %broadcast_in_dim3A_1234 = arith.constant 63 : i32
      %broadcast_in_dim3A_1235 = vector.broadcast %broadcast_in_dim3A_1234 : i32 to vector<16xi32>
      %gather3A_1236 = tpu.vector_load_idx %arg17[%add3A_1046, %broadcast_in_dim3A_1235] masked %lt3A_1042 : memref<512x64xf32, #tpu.memory_space<vmem>>[vector<16xi32>, vector<16xi32>], vector<16xf32>, vector<16xi1>
      tpu.vector_store_idx %arg16[%add3A_1046, %broadcast_in_dim3A_1235], %gather3A_1236 masked %lt3A_1042 : memref<512x64xf32, #tpu.memory_space<vmem>>[vector<16xi32>, vector<16xi32>], vector<16xf32>, vector<16xi1>
    }
    %scan3A_892 = arith.constant 8 : i32
    %add3A_893 = arith.constant 0 : i32
    %add3A_894 = arith.addi %mul3A_2, %add3A_893 : i32
    %dma_start3A_895 = arith.constant 0 : i32
    %dma_start3A_896 = arith.constant 0 : i32
    %dma_start3A_897 = tpu.memref_slice %arg16[%dma_start3A_895, %dma_start3A_896] : memref<512x64xf32, #tpu.memory_space<vmem>> -> memref<128x64xf32, #tpu.memory_space<vmem>>
    %dma_start3A_898 = arith.constant 0 : i32
    %dma_start3A_899 = tpu.memref_slice %arg5[%add3A_894, %dma_start3A_898] : memref<16384x64xf32, #tpu.memory_space<hbm>> -> memref<128x64xf32, #tpu.memory_space<hbm>>
    %dma_start3A_900 = arith.constant 0 : i32
    %dma_start3A_901 = tpu.memref_slice %arg5[%add3A_894, %dma_start3A_900] : memref<16384x64xf32, #tpu.memory_space<hbm>> -> memref<128x64xf32, #tpu.memory_space<hbm>>
    %dma_start3A_902 = arith.constant 0 : i32
    %dma_start3A_903 = arith.constant 0 : i32
    %dma_start3A_904 = tpu.memref_slice %arg16[%dma_start3A_902, %dma_start3A_903] : memref<512x64xf32, #tpu.memory_space<vmem>> -> memref<128x64xf32, #tpu.memory_space<vmem>>
    tpu.enqueue_dma source(%dma_start3A_904 : memref<128x64xf32, #tpu.memory_space<vmem>>) target(%dma_start3A_901 : memref<128x64xf32, #tpu.memory_space<hbm>>) target_semaphore(%arg20 : memref<!tpu.dma_semaphore, #tpu.memory_space<semaphore_mem>>)
    %dma_wait3A_905 = arith.constant 128 : i32
    %dma_wait3A_906 = arith.constant 0 : i32
    %dma_wait3A_907 = tpu.memref_slice %arg16[%dma_wait3A_905, %dma_wait3A_906] : memref<512x64xf32, #tpu.memory_space<vmem>> -> memref<128x64xf32, #tpu.memory_space<vmem>>
    %dma_wait3A_908 = arith.constant 0 : i32
    %dma_wait3A_909 = arith.constant 0 : i32
    %dma_wait3A_910 = tpu.memref_slice %arg2[%dma_wait3A_908, %dma_wait3A_909] : memref<1000000x64xf32, #tpu.memory_space<hbm>> -> memref<1000000x64xf32, #tpu.memory_space<hbm>>
    tpu.wait_indirect_dma semaphore(%arg18 : memref<!tpu.dma_semaphore, #tpu.memory_space<semaphore_mem>>) src(%dma_wait3A_910 : memref<1000000x64xf32, #tpu.memory_space<hbm>>) dst(%dma_wait3A_907 : memref<128x64xf32, #tpu.memory_space<vmem>>)
    %dma_wait3A_911 = arith.constant 128 : i32
    %dma_wait3A_912 = arith.constant 0 : i32
    %dma_wait3A_913 = tpu.memref_slice %arg17[%dma_wait3A_911, %dma_wait3A_912] : memref<512x64xf32, #tpu.memory_space<vmem>> -> memref<128x64xf32, #tpu.memory_space<vmem>>
    %dma_wait3A_914 = arith.constant 0 : i32
    %dma_wait3A_915 = arith.constant 0 : i32
    %dma_wait3A_916 = tpu.memref_slice %arg3[%dma_wait3A_914, %dma_wait3A_915] : memref<16384x64xf32, #tpu.memory_space<hbm>> -> memref<16384x64xf32, #tpu.memory_space<hbm>>
    tpu.wait_indirect_dma semaphore(%arg19 : memref<!tpu.dma_semaphore, #tpu.memory_space<semaphore_mem>>) src(%dma_wait3A_916 : memref<16384x64xf32, #tpu.memory_space<hbm>>) dst(%dma_wait3A_913 : memref<128x64xf32, #tpu.memory_space<vmem>>)
    %scan3A_917 = arith.constant 0 : i32
    %scan3A_918 = arith.constant 8 : i32
    %scan3A_919 = arith.constant 8 : i32
    %scan3A_920 = arith.addi %scan3A_918, %scan3A_919 : i32
    %scan3A_921 = arith.constant 1 : i32
    scf.for %scan3A_1035 = %scan3A_918 to %scan3A_920 step %scan3A_921  : i32 {
      %mul3A_1036 = arith.constant 16 : i32
      %mul3A_1037 = arith.muli %scan3A_1035, %mul3A_1036 : i32
      %get3A_1038 = arith.index_cast %mul3A_1037 : i32 to index
      %get3A_1039 = tpu.vector_load %arg7[%get3A_1038] {strides = array<i32>} : memref<512xi32, #tpu.memory_space<vmem>>, vector<16xi32>,
      %lt3A_1040 = arith.constant 16384 : i32
      %lt3A_1041 = vector.broadcast %lt3A_1040 : i32 to vector<16xi32>
      %lt3A_1042 = arith.cmpi slt, %get3A_1039, %lt3A_1041 : vector<16xi32>
      %mul3A_1043 = arith.constant 16 : i32
      %mul3A_1044 = arith.muli %scan3A_1035, %mul3A_1043 : i32
      %add3A_1045 = vector.broadcast %mul3A_1044 : i32 to vector<16xi32>
      %add3A_1046 = arith.addi %add3A_1045, %iota3A_876 : vector<16xi32>
      %broadcast_in_dim3A = arith.constant 0 : i32
      %broadcast_in_dim3A_1047 = vector.broadcast %broadcast_in_dim3A : i32 to vector<16xi32>
      %gather3A = tpu.vector_load_idx %arg17[%add3A_1046, %broadcast_in_dim3A_1047] masked %lt3A_1042 : memref<512x64xf32, #tpu.memory_space<vmem>>[vector<16xi32>, vector<16xi32>], vector<16xf32>, vector<16xi1>
      tpu.vector_store_idx %arg16[%add3A_1046, %broadcast_in_dim3A_1047], %gather3A masked %lt3A_1042 : memref<512x64xf32, #tpu.memory_space<vmem>>[vector<16xi32>, vector<16xi32>], vector<16xf32>, vector<16xi1>
      %broadcast_in_dim3A_1048 = arith.constant 1 : i32
      %broadcast_in_dim3A_1049 = vector.broadcast %broadcast_in_dim3A_1048 : i32 to vector<16xi32>
      %gather3A_1050 = tpu.vector_load_idx %arg17[%add3A_1046, %broadcast_in_dim3A_1049] masked %lt3A_1042 : memref<512x64xf32, #tpu.memory_space<vmem>>[vector<16xi32>, vector<16xi32>], vector<16xf32>, vector<16xi1>
      tpu.vector_store_idx %arg16[%add3A_1046, %broadcast_in_dim3A_1049], %gather3A_1050 masked %lt3A_1042 : memref<512x64xf32, #tpu.memory_space<vmem>>[vector<16xi32>, vector<16xi32>], vector<16xf32>, vector<16xi1>
      %broadcast_in_dim3A_1051 = arith.constant 2 : i32
      %broadcast_in_dim3A_1052 = vector.broadcast %broadcast_in_dim3A_1051 : i32 to vector<16xi32>
      %gather3A_1053 = tpu.vector_load_idx %arg17[%add3A_1046, %broadcast_in_dim3A_1052] masked %lt3A_1042 : memref<512x64xf32, #tpu.memory_space<vmem>>[vector<16xi32>, vector<16xi32>], vector<16xf32>, vector<16xi1>
      tpu.vector_store_idx %arg16[%add3A_1046, %broadcast_in_dim3A_1052], %gather3A_1053 masked %lt3A_1042 : memref<512x64xf32, #tpu.memory_space<vmem>>[vector<16xi32>, vector<16xi32>], vector<16xf32>, vector<16xi1>
      %broadcast_in_dim3A_1054 = arith.constant 3 : i32
      %broadcast_in_dim3A_1055 = vector.broadcast %broadcast_in_dim3A_1054 : i32 to vector<16xi32>
      %gather3A_1056 = tpu.vector_load_idx %arg17[%add3A_1046, %broadcast_in_dim3A_1055] masked %lt3A_1042 : memref<512x64xf32, #tpu.memory_space<vmem>>[vector<16xi32>, vector<16xi32>], vector<16xf32>, vector<16xi1>
      tpu.vector_store_idx %arg16[%add3A_1046, %broadcast_in_dim3A_1055], %gather3A_1056 masked %lt3A_1042 : memref<512x64xf32, #tpu.memory_space<vmem>>[vector<16xi32>, vector<16xi32>], vector<16xf32>, vector<16xi1>
      %broadcast_in_dim3A_1057 = arith.constant 4 : i32
      %broadcast_in_dim3A_1058 = vector.broadcast %broadcast_in_dim3A_1057 : i32 to vector<16xi32>
      %gather3A_1059 = tpu.vector_load_idx %arg17[%add3A_1046, %broadcast_in_dim3A_1058] masked %lt3A_1042 : memref<512x64xf32, #tpu.memory_space<vmem>>[vector<16xi32>, vector<16xi32>], vector<16xf32>, vector<16xi1>
      tpu.vector_store_idx %arg16[%add3A_1046, %broadcast_in_dim3A_1058], %gather3A_1059 masked %lt3A_1042 : memref<512x64xf32, #tpu.memory_space<vmem>>[vector<16xi32>, vector<16xi32>], vector<16xf32>, vector<16xi1>
      %broadcast_in_dim3A_1060 = arith.constant 5 : i32
      %broadcast_in_dim3A_1061 = vector.broadcast %broadcast_in_dim3A_1060 : i32 to vector<16xi32>
      %gather3A_1062 = tpu.vector_load_idx %arg17[%add3A_1046, %broadcast_in_dim3A_1061] masked %lt3A_1042 : memref<512x64xf32, #tpu.memory_space<vmem>>[vector<16xi32>, vector<16xi32>], vector<16xf32>, vector<16xi1>
      tpu.vector_store_idx %arg16[%add3A_1046, %broadcast_in_dim3A_1061], %gather3A_1062 masked %lt3A_1042 : memref<512x64xf32, #tpu.memory_space<vmem>>[vector<16xi32>, vector<16xi32>], vector<16xf32>, vector<16xi1>
      %broadcast_in_dim3A_1063 = arith.constant 6 : i32
      %broadcast_in_dim3A_1064 = vector.broadcast %broadcast_in_dim3A_1063 : i32 to vector<16xi32>
      %gather3A_1065 = tpu.vector_load_idx %arg17[%add3A_1046, %broadcast_in_dim3A_1064] masked %lt3A_1042 : memref<512x64xf32, #tpu.memory_space<vmem>>[vector<16xi32>, vector<16xi32>], vector<16xf32>, vector<16xi1>
      tpu.vector_store_idx %arg16[%add3A_1046, %broadcast_in_dim3A_1064], %gather3A_1065 masked %lt3A_1042 : memref<512x64xf32, #tpu.memory_space<vmem>>[vector<16xi32>, vector<16xi32>], vector<16xf32>, vector<16xi1>
      %broadcast_in_dim3A_1066 = arith.constant 7 : i32
      %broadcast_in_dim3A_1067 = vector.broadcast %broadcast_in_dim3A_1066 : i32 to vector<16xi32>
      %gather3A_1068 = tpu.vector_load_idx %arg17[%add3A_1046, %broadcast_in_dim3A_1067] masked %lt3A_1042 : memref<512x64xf32, #tpu.memory_space<vmem>>[vector<16xi32>, vector<16xi32>], vector<16xf32>, vector<16xi1>
      tpu.vector_store_idx %arg16[%add3A_1046, %broadcast_in_dim3A_1067], %gather3A_1068 masked %lt3A_1042 : memref<512x64xf32, #tpu.memory_space<vmem>>[vector<16xi32>, vector<16xi32>], vector<16xf32>, vector<16xi1>
      %broadcast_in_dim3A_1069 = arith.constant 8 : i32
      %broadcast_in_dim3A_1070 = vector.broadcast %broadcast_in_dim3A_1069 : i32 to vector<16xi32>
      %gather3A_1071 = tpu.vector_load_idx %arg17[%add3A_1046, %broadcast_in_dim3A_1070] masked %lt3A_1042 : memref<512x64xf32, #tpu.memory_space<vmem>>[vector<16xi32>, vector<16xi32>], vector<16xf32>, vector<16xi1>
      tpu.vector_store_idx %arg16[%add3A_1046, %broadcast_in_dim3A_1070], %gather3A_1071 masked %lt3A_1042 : memref<512x64xf32, #tpu.memory_space<vmem>>[vector<16xi32>, vector<16xi32>], vector<16xf32>, vector<16xi1>
      %broadcast_in_dim3A_1072 = arith.constant 9 : i32
      %broadcast_in_dim3A_1073 = vector.broadcast %broadcast_in_dim3A_1072 : i32 to vector<16xi32>
      %gather3A_1074 = tpu.vector_load_idx %arg17[%add3A_1046, %broadcast_in_dim3A_1073] masked %lt3A_1042 : memref<512x64xf32, #tpu.memory_space<vmem>>[vector<16xi32>, vector<16xi32>], vector<16xf32>, vector<16xi1>
      tpu.vector_store_idx %arg16[%add3A_1046, %broadcast_in_dim3A_1073], %gather3A_1074 masked %lt3A_1042 : memref<512x64xf32, #tpu.memory_space<vmem>>[vector<16xi32>, vector<16xi32>], vector<16xf32>, vector<16xi1>
      %broadcast_in_dim3A_1075 = arith.constant 10 : i32
      %broadcast_in_dim3A_1076 = vector.broadcast %broadcast_in_dim3A_1075 : i32 to vector<16xi32>
      %gather3A_1077 = tpu.vector_load_idx %arg17[%add3A_1046, %broadcast_in_dim3A_1076] masked %lt3A_1042 : memref<512x64xf32, #tpu.memory_space<vmem>>[vector<16xi32>, vector<16xi32>], vector<16xf32>, vector<16xi1>
      tpu.vector_store_idx %arg16[%add3A_1046, %broadcast_in_dim3A_1076], %gather3A_1077 masked %lt3A_1042 : memref<512x64xf32, #tpu.memory_space<vmem>>[vector<16xi32>, vector<16xi32>], vector<16xf32>, vector<16xi1>
      %broadcast_in_dim3A_1078 = arith.constant 11 : i32
      %broadcast_in_dim3A_1079 = vector.broadcast %broadcast_in_dim3A_1078 : i32 to vector<16xi32>
      %gather3A_1080 = tpu.vector_load_idx %arg17[%add3A_1046, %broadcast_in_dim3A_1079] masked %lt3A_1042 : memref<512x64xf32, #tpu.memory_space<vmem>>[vector<16xi32>, vector<16xi32>], vector<16xf32>, vector<16xi1>
      tpu.vector_store_idx %arg16[%add3A_1046, %broadcast_in_dim3A_1079], %gather3A_1080 masked %lt3A_1042 : memref<512x64xf32, #tpu.memory_space<vmem>>[vector<16xi32>, vector<16xi32>], vector<16xf32>, vector<16xi1>
      %broadcast_in_dim3A_1081 = arith.constant 12 : i32
      %broadcast_in_dim3A_1082 = vector.broadcast %broadcast_in_dim3A_1081 : i32 to vector<16xi32>
      %gather3A_1083 = tpu.vector_load_idx %arg17[%add3A_1046, %broadcast_in_dim3A_1082] masked %lt3A_1042 : memref<512x64xf32, #tpu.memory_space<vmem>>[vector<16xi32>, vector<16xi32>], vector<16xf32>, vector<16xi1>
      tpu.vector_store_idx %arg16[%add3A_1046, %broadcast_in_dim3A_1082], %gather3A_1083 masked %lt3A_1042 : memref<512x64xf32, #tpu.memory_space<vmem>>[vector<16xi32>, vector<16xi32>], vector<16xf32>, vector<16xi1>
      %broadcast_in_dim3A_1084 = arith.constant 13 : i32
      %broadcast_in_dim3A_1085 = vector.broadcast %broadcast_in_dim3A_1084 : i32 to vector<16xi32>
      %gather3A_1086 = tpu.vector_load_idx %arg17[%add3A_1046, %broadcast_in_dim3A_1085] masked %lt3A_1042 : memref<512x64xf32, #tpu.memory_space<vmem>>[vector<16xi32>, vector<16xi32>], vector<16xf32>, vector<16xi1>
      tpu.vector_store_idx %arg16[%add3A_1046, %broadcast_in_dim3A_1085], %gather3A_1086 masked %lt3A_1042 : memref<512x64xf32, #tpu.memory_space<vmem>>[vector<16xi32>, vector<16xi32>], vector<16xf32>, vector<16xi1>
      %broadcast_in_dim3A_1087 = arith.constant 14 : i32
      %broadcast_in_dim3A_1088 = vector.broadcast %broadcast_in_dim3A_1087 : i32 to vector<16xi32>
      %gather3A_1089 = tpu.vector_load_idx %arg17[%add3A_1046, %broadcast_in_dim3A_1088] masked %lt3A_1042 : memref<512x64xf32, #tpu.memory_space<vmem>>[vector<16xi32>, vector<16xi32>], vector<16xf32>, vector<16xi1>
      tpu.vector_store_idx %arg16[%add3A_1046, %broadcast_in_dim3A_1088], %gather3A_1089 masked %lt3A_1042 : memref<512x64xf32, #tpu.memory_space<vmem>>[vector<16xi32>, vector<16xi32>], vector<16xf32>, vector<16xi1>
      %broadcast_in_dim3A_1090 = arith.constant 15 : i32
      %broadcast_in_dim3A_1091 = vector.broadcast %broadcast_in_dim3A_1090 : i32 to vector<16xi32>
      %gather3A_1092 = tpu.vector_load_idx %arg17[%add3A_1046, %broadcast_in_dim3A_1091] masked %lt3A_1042 : memref<512x64xf32, #tpu.memory_space<vmem>>[vector<16xi32>, vector<16xi32>], vector<16xf32>, vector<16xi1>
      tpu.vector_store_idx %arg16[%add3A_1046, %broadcast_in_dim3A_1091], %gather3A_1092 masked %lt3A_1042 : memref<512x64xf32, #tpu.memory_space<vmem>>[vector<16xi32>, vector<16xi32>], vector<16xf32>, vector<16xi1>
      %broadcast_in_dim3A_1093 = arith.constant 16 : i32
      %broadcast_in_dim3A_1094 = vector.broadcast %broadcast_in_dim3A_1093 : i32 to vector<16xi32>
      %gather3A_1095 = tpu.vector_load_idx %arg17[%add3A_1046, %broadcast_in_dim3A_1094] masked %lt3A_1042 : memref<512x64xf32, #tpu.memory_space<vmem>>[vector<16xi32>, vector<16xi32>], vector<16xf32>, vector<16xi1>
      tpu.vector_store_idx %arg16[%add3A_1046, %broadcast_in_dim3A_1094], %gather3A_1095 masked %lt3A_1042 : memref<512x64xf32, #tpu.memory_space<vmem>>[vector<16xi32>, vector<16xi32>], vector<16xf32>, vector<16xi1>
      %broadcast_in_dim3A_1096 = arith.constant 17 : i32
      %broadcast_in_dim3A_1097 = vector.broadcast %broadcast_in_dim3A_1096 : i32 to vector<16xi32>
      %gather3A_1098 = tpu.vector_load_idx %arg17[%add3A_1046, %broadcast_in_dim3A_1097] masked %lt3A_1042 : memref<512x64xf32, #tpu.memory_space<vmem>>[vector<16xi32>, vector<16xi32>], vector<16xf32>, vector<16xi1>
      tpu.vector_store_idx %arg16[%add3A_1046, %broadcast_in_dim3A_1097], %gather3A_1098 masked %lt3A_1042 : memref<512x64xf32, #tpu.memory_space<vmem>>[vector<16xi32>, vector<16xi32>], vector<16xf32>, vector<16xi1>
      %broadcast_in_dim3A_1099 = arith.constant 18 : i32
      %broadcast_in_dim3A_1100 = vector.broadcast %broadcast_in_dim3A_1099 : i32 to vector<16xi32>
      %gather3A_1101 = tpu.vector_load_idx %arg17[%add3A_1046, %broadcast_in_dim3A_1100] masked %lt3A_1042 : memref<512x64xf32, #tpu.memory_space<vmem>>[vector<16xi32>, vector<16xi32>], vector<16xf32>, vector<16xi1>
      tpu.vector_store_idx %arg16[%add3A_1046, %broadcast_in_dim3A_1100], %gather3A_1101 masked %lt3A_1042 : memref<512x64xf32, #tpu.memory_space<vmem>>[vector<16xi32>, vector<16xi32>], vector<16xf32>, vector<16xi1>
      %broadcast_in_dim3A_1102 = arith.constant 19 : i32
      %broadcast_in_dim3A_1103 = vector.broadcast %broadcast_in_dim3A_1102 : i32 to vector<16xi32>
      %gather3A_1104 = tpu.vector_load_idx %arg17[%add3A_1046, %broadcast_in_dim3A_1103] masked %lt3A_1042 : memref<512x64xf32, #tpu.memory_space<vmem>>[vector<16xi32>, vector<16xi32>], vector<16xf32>, vector<16xi1>
      tpu.vector_store_idx %arg16[%add3A_1046, %broadcast_in_dim3A_1103], %gather3A_1104 masked %lt3A_1042 : memref<512x64xf32, #tpu.memory_space<vmem>>[vector<16xi32>, vector<16xi32>], vector<16xf32>, vector<16xi1>
      %broadcast_in_dim3A_1105 = arith.constant 20 : i32
      %broadcast_in_dim3A_1106 = vector.broadcast %broadcast_in_dim3A_1105 : i32 to vector<16xi32>
      %gather3A_1107 = tpu.vector_load_idx %arg17[%add3A_1046, %broadcast_in_dim3A_1106] masked %lt3A_1042 : memref<512x64xf32, #tpu.memory_space<vmem>>[vector<16xi32>, vector<16xi32>], vector<16xf32>, vector<16xi1>
      tpu.vector_store_idx %arg16[%add3A_1046, %broadcast_in_dim3A_1106], %gather3A_1107 masked %lt3A_1042 : memref<512x64xf32, #tpu.memory_space<vmem>>[vector<16xi32>, vector<16xi32>], vector<16xf32>, vector<16xi1>
      %broadcast_in_dim3A_1108 = arith.constant 21 : i32
      %broadcast_in_dim3A_1109 = vector.broadcast %broadcast_in_dim3A_1108 : i32 to vector<16xi32>
      %gather3A_1110 = tpu.vector_load_idx %arg17[%add3A_1046, %broadcast_in_dim3A_1109] masked %lt3A_1042 : memref<512x64xf32, #tpu.memory_space<vmem>>[vector<16xi32>, vector<16xi32>], vector<16xf32>, vector<16xi1>
      tpu.vector_store_idx %arg16[%add3A_1046, %broadcast_in_dim3A_1109], %gather3A_1110 masked %lt3A_1042 : memref<512x64xf32, #tpu.memory_space<vmem>>[vector<16xi32>, vector<16xi32>], vector<16xf32>, vector<16xi1>
      %broadcast_in_dim3A_1111 = arith.constant 22 : i32
      %broadcast_in_dim3A_1112 = vector.broadcast %broadcast_in_dim3A_1111 : i32 to vector<16xi32>
      %gather3A_1113 = tpu.vector_load_idx %arg17[%add3A_1046, %broadcast_in_dim3A_1112] masked %lt3A_1042 : memref<512x64xf32, #tpu.memory_space<vmem>>[vector<16xi32>, vector<16xi32>], vector<16xf32>, vector<16xi1>
      tpu.vector_store_idx %arg16[%add3A_1046, %broadcast_in_dim3A_1112], %gather3A_1113 masked %lt3A_1042 : memref<512x64xf32, #tpu.memory_space<vmem>>[vector<16xi32>, vector<16xi32>], vector<16xf32>, vector<16xi1>
      %broadcast_in_dim3A_1114 = arith.constant 23 : i32
      %broadcast_in_dim3A_1115 = vector.broadcast %broadcast_in_dim3A_1114 : i32 to vector<16xi32>
      %gather3A_1116 = tpu.vector_load_idx %arg17[%add3A_1046, %broadcast_in_dim3A_1115] masked %lt3A_1042 : memref<512x64xf32, #tpu.memory_space<vmem>>[vector<16xi32>, vector<16xi32>], vector<16xf32>, vector<16xi1>
      tpu.vector_store_idx %arg16[%add3A_1046, %broadcast_in_dim3A_1115], %gather3A_1116 masked %lt3A_1042 : memref<512x64xf32, #tpu.memory_space<vmem>>[vector<16xi32>, vector<16xi32>], vector<16xf32>, vector<16xi1>
      %broadcast_in_dim3A_1117 = arith.constant 24 : i32
      %broadcast_in_dim3A_1118 = vector.broadcast %broadcast_in_dim3A_1117 : i32 to vector<16xi32>
      %gather3A_1119 = tpu.vector_load_idx %arg17[%add3A_1046, %broadcast_in_dim3A_1118] masked %lt3A_1042 : memref<512x64xf32, #tpu.memory_space<vmem>>[vector<16xi32>, vector<16xi32>], vector<16xf32>, vector<16xi1>
      tpu.vector_store_idx %arg16[%add3A_1046, %broadcast_in_dim3A_1118], %gather3A_1119 masked %lt3A_1042 : memref<512x64xf32, #tpu.memory_space<vmem>>[vector<16xi32>, vector<16xi32>], vector<16xf32>, vector<16xi1>
      %broadcast_in_dim3A_1120 = arith.constant 25 : i32
      %broadcast_in_dim3A_1121 = vector.broadcast %broadcast_in_dim3A_1120 : i32 to vector<16xi32>
      %gather3A_1122 = tpu.vector_load_idx %arg17[%add3A_1046, %broadcast_in_dim3A_1121] masked %lt3A_1042 : memref<512x64xf32, #tpu.memory_space<vmem>>[vector<16xi32>, vector<16xi32>], vector<16xf32>, vector<16xi1>
      tpu.vector_store_idx %arg16[%add3A_1046, %broadcast_in_dim3A_1121], %gather3A_1122 masked %lt3A_1042 : memref<512x64xf32, #tpu.memory_space<vmem>>[vector<16xi32>, vector<16xi32>], vector<16xf32>, vector<16xi1>
      %broadcast_in_dim3A_1123 = arith.constant 26 : i32
      %broadcast_in_dim3A_1124 = vector.broadcast %broadcast_in_dim3A_1123 : i32 to vector<16xi32>
      %gather3A_1125 = tpu.vector_load_idx %arg17[%add3A_1046, %broadcast_in_dim3A_1124] masked %lt3A_1042 : memref<512x64xf32, #tpu.memory_space<vmem>>[vector<16xi32>, vector<16xi32>], vector<16xf32>, vector<16xi1>
      tpu.vector_store_idx %arg16[%add3A_1046, %broadcast_in_dim3A_1124], %gather3A_1125 masked %lt3A_1042 : memref<512x64xf32, #tpu.memory_space<vmem>>[vector<16xi32>, vector<16xi32>], vector<16xf32>, vector<16xi1>
      %broadcast_in_dim3A_1126 = arith.constant 27 : i32
      %broadcast_in_dim3A_1127 = vector.broadcast %broadcast_in_dim3A_1126 : i32 to vector<16xi32>
      %gather3A_1128 = tpu.vector_load_idx %arg17[%add3A_1046, %broadcast_in_dim3A_1127] masked %lt3A_1042 : memref<512x64xf32, #tpu.memory_space<vmem>>[vector<16xi32>, vector<16xi32>], vector<16xf32>, vector<16xi1>
      tpu.vector_store_idx %arg16[%add3A_1046, %broadcast_in_dim3A_1127], %gather3A_1128 masked %lt3A_1042 : memref<512x64xf32, #tpu.memory_space<vmem>>[vector<16xi32>, vector<16xi32>], vector<16xf32>, vector<16xi1>
      %broadcast_in_dim3A_1129 = arith.constant 28 : i32
      %broadcast_in_dim3A_1130 = vector.broadcast %broadcast_in_dim3A_1129 : i32 to vector<16xi32>
      %gather3A_1131 = tpu.vector_load_idx %arg17[%add3A_1046, %broadcast_in_dim3A_1130] masked %lt3A_1042 : memref<512x64xf32, #tpu.memory_space<vmem>>[vector<16xi32>, vector<16xi32>], vector<16xf32>, vector<16xi1>
      tpu.vector_store_idx %arg16[%add3A_1046, %broadcast_in_dim3A_1130], %gather3A_1131 masked %lt3A_1042 : memref<512x64xf32, #tpu.memory_space<vmem>>[vector<16xi32>, vector<16xi32>], vector<16xf32>, vector<16xi1>
      %broadcast_in_dim3A_1132 = arith.constant 29 : i32
      %broadcast_in_dim3A_1133 = vector.broadcast %broadcast_in_dim3A_1132 : i32 to vector<16xi32>
      %gather3A_1134 = tpu.vector_load_idx %arg17[%add3A_1046, %broadcast_in_dim3A_1133] masked %lt3A_1042 : memref<512x64xf32, #tpu.memory_space<vmem>>[vector<16xi32>, vector<16xi32>], vector<16xf32>, vector<16xi1>
      tpu.vector_store_idx %arg16[%add3A_1046, %broadcast_in_dim3A_1133], %gather3A_1134 masked %lt3A_1042 : memref<512x64xf32, #tpu.memory_space<vmem>>[vector<16xi32>, vector<16xi32>], vector<16xf32>, vector<16xi1>
      %broadcast_in_dim3A_1135 = arith.constant 30 : i32
      %broadcast_in_dim3A_1136 = vector.broadcast %broadcast_in_dim3A_1135 : i32 to vector<16xi32>
      %gather3A_1137 = tpu.vector_load_idx %arg17[%add3A_1046, %broadcast_in_dim3A_1136] masked %lt3A_1042 : memref<512x64xf32, #tpu.memory_space<vmem>>[vector<16xi32>, vector<16xi32>], vector<16xf32>, vector<16xi1>
      tpu.vector_store_idx %arg16[%add3A_1046, %broadcast_in_dim3A_1136], %gather3A_1137 masked %lt3A_1042 : memref<512x64xf32, #tpu.memory_space<vmem>>[vector<16xi32>, vector<16xi32>], vector<16xf32>, vector<16xi1>
      %broadcast_in_dim3A_1138 = arith.constant 31 : i32
      %broadcast_in_dim3A_1139 = vector.broadcast %broadcast_in_dim3A_1138 : i32 to vector<16xi32>
      %gather3A_1140 = tpu.vector_load_idx %arg17[%add3A_1046, %broadcast_in_dim3A_1139] masked %lt3A_1042 : memref<512x64xf32, #tpu.memory_space<vmem>>[vector<16xi32>, vector<16xi32>], vector<16xf32>, vector<16xi1>
      tpu.vector_store_idx %arg16[%add3A_1046, %broadcast_in_dim3A_1139], %gather3A_1140 masked %lt3A_1042 : memref<512x64xf32, #tpu.memory_space<vmem>>[vector<16xi32>, vector<16xi32>], vector<16xf32>, vector<16xi1>
      %broadcast_in_dim3A_1141 = arith.constant 32 : i32
      %broadcast_in_dim3A_1142 = vector.broadcast %broadcast_in_dim3A_1141 : i32 to vector<16xi32>
      %gather3A_1143 = tpu.vector_load_idx %arg17[%add3A_1046, %broadcast_in_dim3A_1142] masked %lt3A_1042 : memref<512x64xf32, #tpu.memory_space<vmem>>[vector<16xi32>, vector<16xi32>], vector<16xf32>, vector<16xi1>
      tpu.vector_store_idx %arg16[%add3A_1046, %broadcast_in_dim3A_1142], %gather3A_1143 masked %lt3A_1042 : memref<512x64xf32, #tpu.memory_space<vmem>>[vector<16xi32>, vector<16xi32>], vector<16xf32>, vector<16xi1>
      %broadcast_in_dim3A_1144 = arith.constant 33 : i32
      %broadcast_in_dim3A_1145 = vector.broadcast %broadcast_in_dim3A_1144 : i32 to vector<16xi32>
      %gather3A_1146 = tpu.vector_load_idx %arg17[%add3A_1046, %broadcast_in_dim3A_1145] masked %lt3A_1042 : memref<512x64xf32, #tpu.memory_space<vmem>>[vector<16xi32>, vector<16xi32>], vector<16xf32>, vector<16xi1>
      tpu.vector_store_idx %arg16[%add3A_1046, %broadcast_in_dim3A_1145], %gather3A_1146 masked %lt3A_1042 : memref<512x64xf32, #tpu.memory_space<vmem>>[vector<16xi32>, vector<16xi32>], vector<16xf32>, vector<16xi1>
      %broadcast_in_dim3A_1147 = arith.constant 34 : i32
      %broadcast_in_dim3A_1148 = vector.broadcast %broadcast_in_dim3A_1147 : i32 to vector<16xi32>
      %gather3A_1149 = tpu.vector_load_idx %arg17[%add3A_1046, %broadcast_in_dim3A_1148] masked %lt3A_1042 : memref<512x64xf32, #tpu.memory_space<vmem>>[vector<16xi32>, vector<16xi32>], vector<16xf32>, vector<16xi1>
      tpu.vector_store_idx %arg16[%add3A_1046, %broadcast_in_dim3A_1148], %gather3A_1149 masked %lt3A_1042 : memref<512x64xf32, #tpu.memory_space<vmem>>[vector<16xi32>, vector<16xi32>], vector<16xf32>, vector<16xi1>
      %broadcast_in_dim3A_1150 = arith.constant 35 : i32
      %broadcast_in_dim3A_1151 = vector.broadcast %broadcast_in_dim3A_1150 : i32 to vector<16xi32>
      %gather3A_1152 = tpu.vector_load_idx %arg17[%add3A_1046, %broadcast_in_dim3A_1151] masked %lt3A_1042 : memref<512x64xf32, #tpu.memory_space<vmem>>[vector<16xi32>, vector<16xi32>], vector<16xf32>, vector<16xi1>
      tpu.vector_store_idx %arg16[%add3A_1046, %broadcast_in_dim3A_1151], %gather3A_1152 masked %lt3A_1042 : memref<512x64xf32, #tpu.memory_space<vmem>>[vector<16xi32>, vector<16xi32>], vector<16xf32>, vector<16xi1>
      %broadcast_in_dim3A_1153 = arith.constant 36 : i32
      %broadcast_in_dim3A_1154 = vector.broadcast %broadcast_in_dim3A_1153 : i32 to vector<16xi32>
      %gather3A_1155 = tpu.vector_load_idx %arg17[%add3A_1046, %broadcast_in_dim3A_1154] masked %lt3A_1042 : memref<512x64xf32, #tpu.memory_space<vmem>>[vector<16xi32>, vector<16xi32>], vector<16xf32>, vector<16xi1>
      tpu.vector_store_idx %arg16[%add3A_1046, %broadcast_in_dim3A_1154], %gather3A_1155 masked %lt3A_1042 : memref<512x64xf32, #tpu.memory_space<vmem>>[vector<16xi32>, vector<16xi32>], vector<16xf32>, vector<16xi1>
      %broadcast_in_dim3A_1156 = arith.constant 37 : i32
      %broadcast_in_dim3A_1157 = vector.broadcast %broadcast_in_dim3A_1156 : i32 to vector<16xi32>
      %gather3A_1158 = tpu.vector_load_idx %arg17[%add3A_1046, %broadcast_in_dim3A_1157] masked %lt3A_1042 : memref<512x64xf32, #tpu.memory_space<vmem>>[vector<16xi32>, vector<16xi32>], vector<16xf32>, vector<16xi1>
      tpu.vector_store_idx %arg16[%add3A_1046, %broadcast_in_dim3A_1157], %gather3A_1158 masked %lt3A_1042 : memref<512x64xf32, #tpu.memory_space<vmem>>[vector<16xi32>, vector<16xi32>], vector<16xf32>, vector<16xi1>
      %broadcast_in_dim3A_1159 = arith.constant 38 : i32
      %broadcast_in_dim3A_1160 = vector.broadcast %broadcast_in_dim3A_1159 : i32 to vector<16xi32>
      %gather3A_1161 = tpu.vector_load_idx %arg17[%add3A_1046, %broadcast_in_dim3A_1160] masked %lt3A_1042 : memref<512x64xf32, #tpu.memory_space<vmem>>[vector<16xi32>, vector<16xi32>], vector<16xf32>, vector<16xi1>
      tpu.vector_store_idx %arg16[%add3A_1046, %broadcast_in_dim3A_1160], %gather3A_1161 masked %lt3A_1042 : memref<512x64xf32, #tpu.memory_space<vmem>>[vector<16xi32>, vector<16xi32>], vector<16xf32>, vector<16xi1>
      %broadcast_in_dim3A_1162 = arith.constant 39 : i32
      %broadcast_in_dim3A_1163 = vector.broadcast %broadcast_in_dim3A_1162 : i32 to vector<16xi32>
      %gather3A_1164 = tpu.vector_load_idx %arg17[%add3A_1046, %broadcast_in_dim3A_1163] masked %lt3A_1042 : memref<512x64xf32, #tpu.memory_space<vmem>>[vector<16xi32>, vector<16xi32>], vector<16xf32>, vector<16xi1>
      tpu.vector_store_idx %arg16[%add3A_1046, %broadcast_in_dim3A_1163], %gather3A_1164 masked %lt3A_1042 : memref<512x64xf32, #tpu.memory_space<vmem>>[vector<16xi32>, vector<16xi32>], vector<16xf32>, vector<16xi1>
      %broadcast_in_dim3A_1165 = arith.constant 40 : i32
      %broadcast_in_dim3A_1166 = vector.broadcast %broadcast_in_dim3A_1165 : i32 to vector<16xi32>
      %gather3A_1167 = tpu.vector_load_idx %arg17[%add3A_1046, %broadcast_in_dim3A_1166] masked %lt3A_1042 : memref<512x64xf32, #tpu.memory_space<vmem>>[vector<16xi32>, vector<16xi32>], vector<16xf32>, vector<16xi1>
      tpu.vector_store_idx %arg16[%add3A_1046, %broadcast_in_dim3A_1166], %gather3A_1167 masked %lt3A_1042 : memref<512x64xf32, #tpu.memory_space<vmem>>[vector<16xi32>, vector<16xi32>], vector<16xf32>, vector<16xi1>
      %broadcast_in_dim3A_1168 = arith.constant 41 : i32
      %broadcast_in_dim3A_1169 = vector.broadcast %broadcast_in_dim3A_1168 : i32 to vector<16xi32>
      %gather3A_1170 = tpu.vector_load_idx %arg17[%add3A_1046, %broadcast_in_dim3A_1169] masked %lt3A_1042 : memref<512x64xf32, #tpu.memory_space<vmem>>[vector<16xi32>, vector<16xi32>], vector<16xf32>, vector<16xi1>
      tpu.vector_store_idx %arg16[%add3A_1046, %broadcast_in_dim3A_1169], %gather3A_1170 masked %lt3A_1042 : memref<512x64xf32, #tpu.memory_space<vmem>>[vector<16xi32>, vector<16xi32>], vector<16xf32>, vector<16xi1>
      %broadcast_in_dim3A_1171 = arith.constant 42 : i32
      %broadcast_in_dim3A_1172 = vector.broadcast %broadcast_in_dim3A_1171 : i32 to vector<16xi32>
      %gather3A_1173 = tpu.vector_load_idx %arg17[%add3A_1046, %broadcast_in_dim3A_1172] masked %lt3A_1042 : memref<512x64xf32, #tpu.memory_space<vmem>>[vector<16xi32>, vector<16xi32>], vector<16xf32>, vector<16xi1>
      tpu.vector_store_idx %arg16[%add3A_1046, %broadcast_in_dim3A_1172], %gather3A_1173 masked %lt3A_1042 : memref<512x64xf32, #tpu.memory_space<vmem>>[vector<16xi32>, vector<16xi32>], vector<16xf32>, vector<16xi1>
      %broadcast_in_dim3A_1174 = arith.constant 43 : i32
      %broadcast_in_dim3A_1175 = vector.broadcast %broadcast_in_dim3A_1174 : i32 to vector<16xi32>
      %gather3A_1176 = tpu.vector_load_idx %arg17[%add3A_1046, %broadcast_in_dim3A_1175] masked %lt3A_1042 : memref<512x64xf32, #tpu.memory_space<vmem>>[vector<16xi32>, vector<16xi32>], vector<16xf32>, vector<16xi1>
      tpu.vector_store_idx %arg16[%add3A_1046, %broadcast_in_dim3A_1175], %gather3A_1176 masked %lt3A_1042 : memref<512x64xf32, #tpu.memory_space<vmem>>[vector<16xi32>, vector<16xi32>], vector<16xf32>, vector<16xi1>
      %broadcast_in_dim3A_1177 = arith.constant 44 : i32
      %broadcast_in_dim3A_1178 = vector.broadcast %broadcast_in_dim3A_1177 : i32 to vector<16xi32>
      %gather3A_1179 = tpu.vector_load_idx %arg17[%add3A_1046, %broadcast_in_dim3A_1178] masked %lt3A_1042 : memref<512x64xf32, #tpu.memory_space<vmem>>[vector<16xi32>, vector<16xi32>], vector<16xf32>, vector<16xi1>
      tpu.vector_store_idx %arg16[%add3A_1046, %broadcast_in_dim3A_1178], %gather3A_1179 masked %lt3A_1042 : memref<512x64xf32, #tpu.memory_space<vmem>>[vector<16xi32>, vector<16xi32>], vector<16xf32>, vector<16xi1>
      %broadcast_in_dim3A_1180 = arith.constant 45 : i32
      %broadcast_in_dim3A_1181 = vector.broadcast %broadcast_in_dim3A_1180 : i32 to vector<16xi32>
      %gather3A_1182 = tpu.vector_load_idx %arg17[%add3A_1046, %broadcast_in_dim3A_1181] masked %lt3A_1042 : memref<512x64xf32, #tpu.memory_space<vmem>>[vector<16xi32>, vector<16xi32>], vector<16xf32>, vector<16xi1>
      tpu.vector_store_idx %arg16[%add3A_1046, %broadcast_in_dim3A_1181], %gather3A_1182 masked %lt3A_1042 : memref<512x64xf32, #tpu.memory_space<vmem>>[vector<16xi32>, vector<16xi32>], vector<16xf32>, vector<16xi1>
      %broadcast_in_dim3A_1183 = arith.constant 46 : i32
      %broadcast_in_dim3A_1184 = vector.broadcast %broadcast_in_dim3A_1183 : i32 to vector<16xi32>
      %gather3A_1185 = tpu.vector_load_idx %arg17[%add3A_1046, %broadcast_in_dim3A_1184] masked %lt3A_1042 : memref<512x64xf32, #tpu.memory_space<vmem>>[vector<16xi32>, vector<16xi32>], vector<16xf32>, vector<16xi1>
      tpu.vector_store_idx %arg16[%add3A_1046, %broadcast_in_dim3A_1184], %gather3A_1185 masked %lt3A_1042 : memref<512x64xf32, #tpu.memory_space<vmem>>[vector<16xi32>, vector<16xi32>], vector<16xf32>, vector<16xi1>
      %broadcast_in_dim3A_1186 = arith.constant 47 : i32
      %broadcast_in_dim3A_1187 = vector.broadcast %broadcast_in_dim3A_1186 : i32 to vector<16xi32>
      %gather3A_1188 = tpu.vector_load_idx %arg17[%add3A_1046, %broadcast_in_dim3A_1187] masked %lt3A_1042 : memref<512x64xf32, #tpu.memory_space<vmem>>[vector<16xi32>, vector<16xi32>], vector<16xf32>, vector<16xi1>
      tpu.vector_store_idx %arg16[%add3A_1046, %broadcast_in_dim3A_1187], %gather3A_1188 masked %lt3A_1042 : memref<512x64xf32, #tpu.memory_space<vmem>>[vector<16xi32>, vector<16xi32>], vector<16xf32>, vector<16xi1>
      %broadcast_in_dim3A_1189 = arith.constant 48 : i32
      %broadcast_in_dim3A_1190 = vector.broadcast %broadcast_in_dim3A_1189 : i32 to vector<16xi32>
      %gather3A_1191 = tpu.vector_load_idx %arg17[%add3A_1046, %broadcast_in_dim3A_1190] masked %lt3A_1042 : memref<512x64xf32, #tpu.memory_space<vmem>>[vector<16xi32>, vector<16xi32>], vector<16xf32>, vector<16xi1>
      tpu.vector_store_idx %arg16[%add3A_1046, %broadcast_in_dim3A_1190], %gather3A_1191 masked %lt3A_1042 : memref<512x64xf32, #tpu.memory_space<vmem>>[vector<16xi32>, vector<16xi32>], vector<16xf32>, vector<16xi1>
      %broadcast_in_dim3A_1192 = arith.constant 49 : i32
      %broadcast_in_dim3A_1193 = vector.broadcast %broadcast_in_dim3A_1192 : i32 to vector<16xi32>
      %gather3A_1194 = tpu.vector_load_idx %arg17[%add3A_1046, %broadcast_in_dim3A_1193] masked %lt3A_1042 : memref<512x64xf32, #tpu.memory_space<vmem>>[vector<16xi32>, vector<16xi32>], vector<16xf32>, vector<16xi1>
      tpu.vector_store_idx %arg16[%add3A_1046, %broadcast_in_dim3A_1193], %gather3A_1194 masked %lt3A_1042 : memref<512x64xf32, #tpu.memory_space<vmem>>[vector<16xi32>, vector<16xi32>], vector<16xf32>, vector<16xi1>
      %broadcast_in_dim3A_1195 = arith.constant 50 : i32
      %broadcast_in_dim3A_1196 = vector.broadcast %broadcast_in_dim3A_1195 : i32 to vector<16xi32>
      %gather3A_1197 = tpu.vector_load_idx %arg17[%add3A_1046, %broadcast_in_dim3A_1196] masked %lt3A_1042 : memref<512x64xf32, #tpu.memory_space<vmem>>[vector<16xi32>, vector<16xi32>], vector<16xf32>, vector<16xi1>
      tpu.vector_store_idx %arg16[%add3A_1046, %broadcast_in_dim3A_1196], %gather3A_1197 masked %lt3A_1042 : memref<512x64xf32, #tpu.memory_space<vmem>>[vector<16xi32>, vector<16xi32>], vector<16xf32>, vector<16xi1>
      %broadcast_in_dim3A_1198 = arith.constant 51 : i32
      %broadcast_in_dim3A_1199 = vector.broadcast %broadcast_in_dim3A_1198 : i32 to vector<16xi32>
      %gather3A_1200 = tpu.vector_load_idx %arg17[%add3A_1046, %broadcast_in_dim3A_1199] masked %lt3A_1042 : memref<512x64xf32, #tpu.memory_space<vmem>>[vector<16xi32>, vector<16xi32>], vector<16xf32>, vector<16xi1>
      tpu.vector_store_idx %arg16[%add3A_1046, %broadcast_in_dim3A_1199], %gather3A_1200 masked %lt3A_1042 : memref<512x64xf32, #tpu.memory_space<vmem>>[vector<16xi32>, vector<16xi32>], vector<16xf32>, vector<16xi1>
      %broadcast_in_dim3A_1201 = arith.constant 52 : i32
      %broadcast_in_dim3A_1202 = vector.broadcast %broadcast_in_dim3A_1201 : i32 to vector<16xi32>
      %gather3A_1203 = tpu.vector_load_idx %arg17[%add3A_1046, %broadcast_in_dim3A_1202] masked %lt3A_1042 : memref<512x64xf32, #tpu.memory_space<vmem>>[vector<16xi32>, vector<16xi32>], vector<16xf32>, vector<16xi1>
      tpu.vector_store_idx %arg16[%add3A_1046, %broadcast_in_dim3A_1202], %gather3A_1203 masked %lt3A_1042 : memref<512x64xf32, #tpu.memory_space<vmem>>[vector<16xi32>, vector<16xi32>], vector<16xf32>, vector<16xi1>
      %broadcast_in_dim3A_1204 = arith.constant 53 : i32
      %broadcast_in_dim3A_1205 = vector.broadcast %broadcast_in_dim3A_1204 : i32 to vector<16xi32>
      %gather3A_1206 = tpu.vector_load_idx %arg17[%add3A_1046, %broadcast_in_dim3A_1205] masked %lt3A_1042 : memref<512x64xf32, #tpu.memory_space<vmem>>[vector<16xi32>, vector<16xi32>], vector<16xf32>, vector<16xi1>
      tpu.vector_store_idx %arg16[%add3A_1046, %broadcast_in_dim3A_1205], %gather3A_1206 masked %lt3A_1042 : memref<512x64xf32, #tpu.memory_space<vmem>>[vector<16xi32>, vector<16xi32>], vector<16xf32>, vector<16xi1>
      %broadcast_in_dim3A_1207 = arith.constant 54 : i32
      %broadcast_in_dim3A_1208 = vector.broadcast %broadcast_in_dim3A_1207 : i32 to vector<16xi32>
      %gather3A_1209 = tpu.vector_load_idx %arg17[%add3A_1046, %broadcast_in_dim3A_1208] masked %lt3A_1042 : memref<512x64xf32, #tpu.memory_space<vmem>>[vector<16xi32>, vector<16xi32>], vector<16xf32>, vector<16xi1>
      tpu.vector_store_idx %arg16[%add3A_1046, %broadcast_in_dim3A_1208], %gather3A_1209 masked %lt3A_1042 : memref<512x64xf32, #tpu.memory_space<vmem>>[vector<16xi32>, vector<16xi32>], vector<16xf32>, vector<16xi1>
      %broadcast_in_dim3A_1210 = arith.constant 55 : i32
      %broadcast_in_dim3A_1211 = vector.broadcast %broadcast_in_dim3A_1210 : i32 to vector<16xi32>
      %gather3A_1212 = tpu.vector_load_idx %arg17[%add3A_1046, %broadcast_in_dim3A_1211] masked %lt3A_1042 : memref<512x64xf32, #tpu.memory_space<vmem>>[vector<16xi32>, vector<16xi32>], vector<16xf32>, vector<16xi1>
      tpu.vector_store_idx %arg16[%add3A_1046, %broadcast_in_dim3A_1211], %gather3A_1212 masked %lt3A_1042 : memref<512x64xf32, #tpu.memory_space<vmem>>[vector<16xi32>, vector<16xi32>], vector<16xf32>, vector<16xi1>
      %broadcast_in_dim3A_1213 = arith.constant 56 : i32
      %broadcast_in_dim3A_1214 = vector.broadcast %broadcast_in_dim3A_1213 : i32 to vector<16xi32>
      %gather3A_1215 = tpu.vector_load_idx %arg17[%add3A_1046, %broadcast_in_dim3A_1214] masked %lt3A_1042 : memref<512x64xf32, #tpu.memory_space<vmem>>[vector<16xi32>, vector<16xi32>], vector<16xf32>, vector<16xi1>
      tpu.vector_store_idx %arg16[%add3A_1046, %broadcast_in_dim3A_1214], %gather3A_1215 masked %lt3A_1042 : memref<512x64xf32, #tpu.memory_space<vmem>>[vector<16xi32>, vector<16xi32>], vector<16xf32>, vector<16xi1>
      %broadcast_in_dim3A_1216 = arith.constant 57 : i32
      %broadcast_in_dim3A_1217 = vector.broadcast %broadcast_in_dim3A_1216 : i32 to vector<16xi32>
      %gather3A_1218 = tpu.vector_load_idx %arg17[%add3A_1046, %broadcast_in_dim3A_1217] masked %lt3A_1042 : memref<512x64xf32, #tpu.memory_space<vmem>>[vector<16xi32>, vector<16xi32>], vector<16xf32>, vector<16xi1>
      tpu.vector_store_idx %arg16[%add3A_1046, %broadcast_in_dim3A_1217], %gather3A_1218 masked %lt3A_1042 : memref<512x64xf32, #tpu.memory_space<vmem>>[vector<16xi32>, vector<16xi32>], vector<16xf32>, vector<16xi1>
      %broadcast_in_dim3A_1219 = arith.constant 58 : i32
      %broadcast_in_dim3A_1220 = vector.broadcast %broadcast_in_dim3A_1219 : i32 to vector<16xi32>
      %gather3A_1221 = tpu.vector_load_idx %arg17[%add3A_1046, %broadcast_in_dim3A_1220] masked %lt3A_1042 : memref<512x64xf32, #tpu.memory_space<vmem>>[vector<16xi32>, vector<16xi32>], vector<16xf32>, vector<16xi1>
      tpu.vector_store_idx %arg16[%add3A_1046, %broadcast_in_dim3A_1220], %gather3A_1221 masked %lt3A_1042 : memref<512x64xf32, #tpu.memory_space<vmem>>[vector<16xi32>, vector<16xi32>], vector<16xf32>, vector<16xi1>
      %broadcast_in_dim3A_1222 = arith.constant 59 : i32
      %broadcast_in_dim3A_1223 = vector.broadcast %broadcast_in_dim3A_1222 : i32 to vector<16xi32>
      %gather3A_1224 = tpu.vector_load_idx %arg17[%add3A_1046, %broadcast_in_dim3A_1223] masked %lt3A_1042 : memref<512x64xf32, #tpu.memory_space<vmem>>[vector<16xi32>, vector<16xi32>], vector<16xf32>, vector<16xi1>
      tpu.vector_store_idx %arg16[%add3A_1046, %broadcast_in_dim3A_1223], %gather3A_1224 masked %lt3A_1042 : memref<512x64xf32, #tpu.memory_space<vmem>>[vector<16xi32>, vector<16xi32>], vector<16xf32>, vector<16xi1>
      %broadcast_in_dim3A_1225 = arith.constant 60 : i32
      %broadcast_in_dim3A_1226 = vector.broadcast %broadcast_in_dim3A_1225 : i32 to vector<16xi32>
      %gather3A_1227 = tpu.vector_load_idx %arg17[%add3A_1046, %broadcast_in_dim3A_1226] masked %lt3A_1042 : memref<512x64xf32, #tpu.memory_space<vmem>>[vector<16xi32>, vector<16xi32>], vector<16xf32>, vector<16xi1>
      tpu.vector_store_idx %arg16[%add3A_1046, %broadcast_in_dim3A_1226], %gather3A_1227 masked %lt3A_1042 : memref<512x64xf32, #tpu.memory_space<vmem>>[vector<16xi32>, vector<16xi32>], vector<16xf32>, vector<16xi1>
      %broadcast_in_dim3A_1228 = arith.constant 61 : i32
      %broadcast_in_dim3A_1229 = vector.broadcast %broadcast_in_dim3A_1228 : i32 to vector<16xi32>
      %gather3A_1230 = tpu.vector_load_idx %arg17[%add3A_1046, %broadcast_in_dim3A_1229] masked %lt3A_1042 : memref<512x64xf32, #tpu.memory_space<vmem>>[vector<16xi32>, vector<16xi32>], vector<16xf32>, vector<16xi1>
      tpu.vector_store_idx %arg16[%add3A_1046, %broadcast_in_dim3A_1229], %gather3A_1230 masked %lt3A_1042 : memref<512x64xf32, #tpu.memory_space<vmem>>[vector<16xi32>, vector<16xi32>], vector<16xf32>, vector<16xi1>
      %broadcast_in_dim3A_1231 = arith.constant 62 : i32
      %broadcast_in_dim3A_1232 = vector.broadcast %broadcast_in_dim3A_1231 : i32 to vector<16xi32>
      %gather3A_1233 = tpu.vector_load_idx %arg17[%add3A_1046, %broadcast_in_dim3A_1232] masked %lt3A_1042 : memref<512x64xf32, #tpu.memory_space<vmem>>[vector<16xi32>, vector<16xi32>], vector<16xf32>, vector<16xi1>
      tpu.vector_store_idx %arg16[%add3A_1046, %broadcast_in_dim3A_1232], %gather3A_1233 masked %lt3A_1042 : memref<512x64xf32, #tpu.memory_space<vmem>>[vector<16xi32>, vector<16xi32>], vector<16xf32>, vector<16xi1>
      %broadcast_in_dim3A_1234 = arith.constant 63 : i32
      %broadcast_in_dim3A_1235 = vector.broadcast %broadcast_in_dim3A_1234 : i32 to vector<16xi32>
      %gather3A_1236 = tpu.vector_load_idx %arg17[%add3A_1046, %broadcast_in_dim3A_1235] masked %lt3A_1042 : memref<512x64xf32, #tpu.memory_space<vmem>>[vector<16xi32>, vector<16xi32>], vector<16xf32>, vector<16xi1>
      tpu.vector_store_idx %arg16[%add3A_1046, %broadcast_in_dim3A_1235], %gather3A_1236 masked %lt3A_1042 : memref<512x64xf32, #tpu.memory_space<vmem>>[vector<16xi32>, vector<16xi32>], vector<16xf32>, vector<16xi1>
    }
    %scan3A_922 = arith.constant 8 : i32
    %add3A_923 = arith.constant 128 : i32
    %add3A_924 = arith.addi %mul3A_2, %add3A_923 : i32
    %dma_start3A_925 = arith.constant 128 : i32
    %dma_start3A_926 = arith.constant 0 : i32
    %dma_start3A_927 = tpu.memref_slice %arg16[%dma_start3A_925, %dma_start3A_926] : memref<512x64xf32, #tpu.memory_space<vmem>> -> memref<128x64xf32, #tpu.memory_space<vmem>>
    %dma_start3A_928 = arith.constant 0 : i32
    %dma_start3A_929 = tpu.memref_slice %arg5[%add3A_924, %dma_start3A_928] : memref<16384x64xf32, #tpu.memory_space<hbm>> -> memref<128x64xf32, #tpu.memory_space<hbm>>
    %dma_start3A_930 = arith.constant 0 : i32
    %dma_start3A_931 = tpu.memref_slice %arg5[%add3A_924, %dma_start3A_930] : memref<16384x64xf32, #tpu.memory_space<hbm>> -> memref<128x64xf32, #tpu.memory_space<hbm>>
    %dma_start3A_932 = arith.constant 128 : i32
    %dma_start3A_933 = arith.constant 0 : i32
    %dma_start3A_934 = tpu.memref_slice %arg16[%dma_start3A_932, %dma_start3A_933] : memref<512x64xf32, #tpu.memory_space<vmem>> -> memref<128x64xf32, #tpu.memory_space<vmem>>
    tpu.enqueue_dma source(%dma_start3A_934 : memref<128x64xf32, #tpu.memory_space<vmem>>) target(%dma_start3A_931 : memref<128x64xf32, #tpu.memory_space<hbm>>) target_semaphore(%arg20 : memref<!tpu.dma_semaphore, #tpu.memory_space<semaphore_mem>>)
    %dma_wait3A_935 = arith.constant 256 : i32
    %dma_wait3A_936 = arith.constant 0 : i32
    %dma_wait3A_937 = tpu.memref_slice %arg16[%dma_wait3A_935, %dma_wait3A_936] : memref<512x64xf32, #tpu.memory_space<vmem>> -> memref<128x64xf32, #tpu.memory_space<vmem>>
    %dma_wait3A_938 = arith.constant 0 : i32
    %dma_wait3A_939 = arith.constant 0 : i32
    %dma_wait3A_940 = tpu.memref_slice %arg2[%dma_wait3A_938, %dma_wait3A_939] : memref<1000000x64xf32, #tpu.memory_space<hbm>> -> memref<1000000x64xf32, #tpu.memory_space<hbm>>
    tpu.wait_indirect_dma semaphore(%arg18 : memref<!tpu.dma_semaphore, #tpu.memory_space<semaphore_mem>>) src(%dma_wait3A_940 : memref<1000000x64xf32, #tpu.memory_space<hbm>>) dst(%dma_wait3A_937 : memref<128x64xf32, #tpu.memory_space<vmem>>)
    %dma_wait3A_941 = arith.constant 256 : i32
    %dma_wait3A_942 = arith.constant 0 : i32
    %dma_wait3A_943 = tpu.memref_slice %arg17[%dma_wait3A_941, %dma_wait3A_942] : memref<512x64xf32, #tpu.memory_space<vmem>> -> memref<128x64xf32, #tpu.memory_space<vmem>>
    %dma_wait3A_944 = arith.constant 0 : i32
    %dma_wait3A_945 = arith.constant 0 : i32
    %dma_wait3A_946 = tpu.memref_slice %arg3[%dma_wait3A_944, %dma_wait3A_945] : memref<16384x64xf32, #tpu.memory_space<hbm>> -> memref<16384x64xf32, #tpu.memory_space<hbm>>
    tpu.wait_indirect_dma semaphore(%arg19 : memref<!tpu.dma_semaphore, #tpu.memory_space<semaphore_mem>>) src(%dma_wait3A_946 : memref<16384x64xf32, #tpu.memory_space<hbm>>) dst(%dma_wait3A_943 : memref<128x64xf32, #tpu.memory_space<vmem>>)
    %scan3A_947 = arith.constant 0 : i32
    %scan3A_948 = arith.constant 16 : i32
    %scan3A_949 = arith.constant 8 : i32
    %scan3A_950 = arith.addi %scan3A_948, %scan3A_949 : i32
    %scan3A_951 = arith.constant 1 : i32
    scf.for %scan3A_1035 = %scan3A_948 to %scan3A_950 step %scan3A_951  : i32 {
      %mul3A_1036 = arith.constant 16 : i32
      %mul3A_1037 = arith.muli %scan3A_1035, %mul3A_1036 : i32
      %get3A_1038 = arith.index_cast %mul3A_1037 : i32 to index
      %get3A_1039 = tpu.vector_load %arg7[%get3A_1038] {strides = array<i32>} : memref<512xi32, #tpu.memory_space<vmem>>, vector<16xi32>,
      %lt3A_1040 = arith.constant 16384 : i32
      %lt3A_1041 = vector.broadcast %lt3A_1040 : i32 to vector<16xi32>
      %lt3A_1042 = arith.cmpi slt, %get3A_1039, %lt3A_1041 : vector<16xi32>
      %mul3A_1043 = arith.constant 16 : i32
      %mul3A_1044 = arith.muli %scan3A_1035, %mul3A_1043 : i32
      %add3A_1045 = vector.broadcast %mul3A_1044 : i32 to vector<16xi32>
      %add3A_1046 = arith.addi %add3A_1045, %iota3A_876 : vector<16xi32>
      %broadcast_in_dim3A = arith.constant 0 : i32
      %broadcast_in_dim3A_1047 = vector.broadcast %broadcast_in_dim3A : i32 to vector<16xi32>
      %gather3A = tpu.vector_load_idx %arg17[%add3A_1046, %broadcast_in_dim3A_1047] masked %lt3A_1042 : memref<512x64xf32, #tpu.memory_space<vmem>>[vector<16xi32>, vector<16xi32>], vector<16xf32>, vector<16xi1>
      tpu.vector_store_idx %arg16[%add3A_1046, %broadcast_in_dim3A_1047], %gather3A masked %lt3A_1042 : memref<512x64xf32, #tpu.memory_space<vmem>>[vector<16xi32>, vector<16xi32>], vector<16xf32>, vector<16xi1>
      %broadcast_in_dim3A_1048 = arith.constant 1 : i32
      %broadcast_in_dim3A_1049 = vector.broadcast %broadcast_in_dim3A_1048 : i32 to vector<16xi32>
      %gather3A_1050 = tpu.vector_load_idx %arg17[%add3A_1046, %broadcast_in_dim3A_1049] masked %lt3A_1042 : memref<512x64xf32, #tpu.memory_space<vmem>>[vector<16xi32>, vector<16xi32>], vector<16xf32>, vector<16xi1>
      tpu.vector_store_idx %arg16[%add3A_1046, %broadcast_in_dim3A_1049], %gather3A_1050 masked %lt3A_1042 : memref<512x64xf32, #tpu.memory_space<vmem>>[vector<16xi32>, vector<16xi32>], vector<16xf32>, vector<16xi1>
      %broadcast_in_dim3A_1051 = arith.constant 2 : i32
      %broadcast_in_dim3A_1052 = vector.broadcast %broadcast_in_dim3A_1051 : i32 to vector<16xi32>
      %gather3A_1053 = tpu.vector_load_idx %arg17[%add3A_1046, %broadcast_in_dim3A_1052] masked %lt3A_1042 : memref<512x64xf32, #tpu.memory_space<vmem>>[vector<16xi32>, vector<16xi32>], vector<16xf32>, vector<16xi1>
      tpu.vector_store_idx %arg16[%add3A_1046, %broadcast_in_dim3A_1052], %gather3A_1053 masked %lt3A_1042 : memref<512x64xf32, #tpu.memory_space<vmem>>[vector<16xi32>, vector<16xi32>], vector<16xf32>, vector<16xi1>
      %broadcast_in_dim3A_1054 = arith.constant 3 : i32
      %broadcast_in_dim3A_1055 = vector.broadcast %broadcast_in_dim3A_1054 : i32 to vector<16xi32>
      %gather3A_1056 = tpu.vector_load_idx %arg17[%add3A_1046, %broadcast_in_dim3A_1055] masked %lt3A_1042 : memref<512x64xf32, #tpu.memory_space<vmem>>[vector<16xi32>, vector<16xi32>], vector<16xf32>, vector<16xi1>
      tpu.vector_store_idx %arg16[%add3A_1046, %broadcast_in_dim3A_1055], %gather3A_1056 masked %lt3A_1042 : memref<512x64xf32, #tpu.memory_space<vmem>>[vector<16xi32>, vector<16xi32>], vector<16xf32>, vector<16xi1>
      %broadcast_in_dim3A_1057 = arith.constant 4 : i32
      %broadcast_in_dim3A_1058 = vector.broadcast %broadcast_in_dim3A_1057 : i32 to vector<16xi32>
      %gather3A_1059 = tpu.vector_load_idx %arg17[%add3A_1046, %broadcast_in_dim3A_1058] masked %lt3A_1042 : memref<512x64xf32, #tpu.memory_space<vmem>>[vector<16xi32>, vector<16xi32>], vector<16xf32>, vector<16xi1>
      tpu.vector_store_idx %arg16[%add3A_1046, %broadcast_in_dim3A_1058], %gather3A_1059 masked %lt3A_1042 : memref<512x64xf32, #tpu.memory_space<vmem>>[vector<16xi32>, vector<16xi32>], vector<16xf32>, vector<16xi1>
      %broadcast_in_dim3A_1060 = arith.constant 5 : i32
      %broadcast_in_dim3A_1061 = vector.broadcast %broadcast_in_dim3A_1060 : i32 to vector<16xi32>
      %gather3A_1062 = tpu.vector_load_idx %arg17[%add3A_1046, %broadcast_in_dim3A_1061] masked %lt3A_1042 : memref<512x64xf32, #tpu.memory_space<vmem>>[vector<16xi32>, vector<16xi32>], vector<16xf32>, vector<16xi1>
      tpu.vector_store_idx %arg16[%add3A_1046, %broadcast_in_dim3A_1061], %gather3A_1062 masked %lt3A_1042 : memref<512x64xf32, #tpu.memory_space<vmem>>[vector<16xi32>, vector<16xi32>], vector<16xf32>, vector<16xi1>
      %broadcast_in_dim3A_1063 = arith.constant 6 : i32
      %broadcast_in_dim3A_1064 = vector.broadcast %broadcast_in_dim3A_1063 : i32 to vector<16xi32>
      %gather3A_1065 = tpu.vector_load_idx %arg17[%add3A_1046, %broadcast_in_dim3A_1064] masked %lt3A_1042 : memref<512x64xf32, #tpu.memory_space<vmem>>[vector<16xi32>, vector<16xi32>], vector<16xf32>, vector<16xi1>
      tpu.vector_store_idx %arg16[%add3A_1046, %broadcast_in_dim3A_1064], %gather3A_1065 masked %lt3A_1042 : memref<512x64xf32, #tpu.memory_space<vmem>>[vector<16xi32>, vector<16xi32>], vector<16xf32>, vector<16xi1>
      %broadcast_in_dim3A_1066 = arith.constant 7 : i32
      %broadcast_in_dim3A_1067 = vector.broadcast %broadcast_in_dim3A_1066 : i32 to vector<16xi32>
      %gather3A_1068 = tpu.vector_load_idx %arg17[%add3A_1046, %broadcast_in_dim3A_1067] masked %lt3A_1042 : memref<512x64xf32, #tpu.memory_space<vmem>>[vector<16xi32>, vector<16xi32>], vector<16xf32>, vector<16xi1>
      tpu.vector_store_idx %arg16[%add3A_1046, %broadcast_in_dim3A_1067], %gather3A_1068 masked %lt3A_1042 : memref<512x64xf32, #tpu.memory_space<vmem>>[vector<16xi32>, vector<16xi32>], vector<16xf32>, vector<16xi1>
      %broadcast_in_dim3A_1069 = arith.constant 8 : i32
      %broadcast_in_dim3A_1070 = vector.broadcast %broadcast_in_dim3A_1069 : i32 to vector<16xi32>
      %gather3A_1071 = tpu.vector_load_idx %arg17[%add3A_1046, %broadcast_in_dim3A_1070] masked %lt3A_1042 : memref<512x64xf32, #tpu.memory_space<vmem>>[vector<16xi32>, vector<16xi32>], vector<16xf32>, vector<16xi1>
      tpu.vector_store_idx %arg16[%add3A_1046, %broadcast_in_dim3A_1070], %gather3A_1071 masked %lt3A_1042 : memref<512x64xf32, #tpu.memory_space<vmem>>[vector<16xi32>, vector<16xi32>], vector<16xf32>, vector<16xi1>
      %broadcast_in_dim3A_1072 = arith.constant 9 : i32
      %broadcast_in_dim3A_1073 = vector.broadcast %broadcast_in_dim3A_1072 : i32 to vector<16xi32>
      %gather3A_1074 = tpu.vector_load_idx %arg17[%add3A_1046, %broadcast_in_dim3A_1073] masked %lt3A_1042 : memref<512x64xf32, #tpu.memory_space<vmem>>[vector<16xi32>, vector<16xi32>], vector<16xf32>, vector<16xi1>
      tpu.vector_store_idx %arg16[%add3A_1046, %broadcast_in_dim3A_1073], %gather3A_1074 masked %lt3A_1042 : memref<512x64xf32, #tpu.memory_space<vmem>>[vector<16xi32>, vector<16xi32>], vector<16xf32>, vector<16xi1>
      %broadcast_in_dim3A_1075 = arith.constant 10 : i32
      %broadcast_in_dim3A_1076 = vector.broadcast %broadcast_in_dim3A_1075 : i32 to vector<16xi32>
      %gather3A_1077 = tpu.vector_load_idx %arg17[%add3A_1046, %broadcast_in_dim3A_1076] masked %lt3A_1042 : memref<512x64xf32, #tpu.memory_space<vmem>>[vector<16xi32>, vector<16xi32>], vector<16xf32>, vector<16xi1>
      tpu.vector_store_idx %arg16[%add3A_1046, %broadcast_in_dim3A_1076], %gather3A_1077 masked %lt3A_1042 : memref<512x64xf32, #tpu.memory_space<vmem>>[vector<16xi32>, vector<16xi32>], vector<16xf32>, vector<16xi1>
      %broadcast_in_dim3A_1078 = arith.constant 11 : i32
      %broadcast_in_dim3A_1079 = vector.broadcast %broadcast_in_dim3A_1078 : i32 to vector<16xi32>
      %gather3A_1080 = tpu.vector_load_idx %arg17[%add3A_1046, %broadcast_in_dim3A_1079] masked %lt3A_1042 : memref<512x64xf32, #tpu.memory_space<vmem>>[vector<16xi32>, vector<16xi32>], vector<16xf32>, vector<16xi1>
      tpu.vector_store_idx %arg16[%add3A_1046, %broadcast_in_dim3A_1079], %gather3A_1080 masked %lt3A_1042 : memref<512x64xf32, #tpu.memory_space<vmem>>[vector<16xi32>, vector<16xi32>], vector<16xf32>, vector<16xi1>
      %broadcast_in_dim3A_1081 = arith.constant 12 : i32
      %broadcast_in_dim3A_1082 = vector.broadcast %broadcast_in_dim3A_1081 : i32 to vector<16xi32>
      %gather3A_1083 = tpu.vector_load_idx %arg17[%add3A_1046, %broadcast_in_dim3A_1082] masked %lt3A_1042 : memref<512x64xf32, #tpu.memory_space<vmem>>[vector<16xi32>, vector<16xi32>], vector<16xf32>, vector<16xi1>
      tpu.vector_store_idx %arg16[%add3A_1046, %broadcast_in_dim3A_1082], %gather3A_1083 masked %lt3A_1042 : memref<512x64xf32, #tpu.memory_space<vmem>>[vector<16xi32>, vector<16xi32>], vector<16xf32>, vector<16xi1>
      %broadcast_in_dim3A_1084 = arith.constant 13 : i32
      %broadcast_in_dim3A_1085 = vector.broadcast %broadcast_in_dim3A_1084 : i32 to vector<16xi32>
      %gather3A_1086 = tpu.vector_load_idx %arg17[%add3A_1046, %broadcast_in_dim3A_1085] masked %lt3A_1042 : memref<512x64xf32, #tpu.memory_space<vmem>>[vector<16xi32>, vector<16xi32>], vector<16xf32>, vector<16xi1>
      tpu.vector_store_idx %arg16[%add3A_1046, %broadcast_in_dim3A_1085], %gather3A_1086 masked %lt3A_1042 : memref<512x64xf32, #tpu.memory_space<vmem>>[vector<16xi32>, vector<16xi32>], vector<16xf32>, vector<16xi1>
      %broadcast_in_dim3A_1087 = arith.constant 14 : i32
      %broadcast_in_dim3A_1088 = vector.broadcast %broadcast_in_dim3A_1087 : i32 to vector<16xi32>
      %gather3A_1089 = tpu.vector_load_idx %arg17[%add3A_1046, %broadcast_in_dim3A_1088] masked %lt3A_1042 : memref<512x64xf32, #tpu.memory_space<vmem>>[vector<16xi32>, vector<16xi32>], vector<16xf32>, vector<16xi1>
      tpu.vector_store_idx %arg16[%add3A_1046, %broadcast_in_dim3A_1088], %gather3A_1089 masked %lt3A_1042 : memref<512x64xf32, #tpu.memory_space<vmem>>[vector<16xi32>, vector<16xi32>], vector<16xf32>, vector<16xi1>
      %broadcast_in_dim3A_1090 = arith.constant 15 : i32
      %broadcast_in_dim3A_1091 = vector.broadcast %broadcast_in_dim3A_1090 : i32 to vector<16xi32>
      %gather3A_1092 = tpu.vector_load_idx %arg17[%add3A_1046, %broadcast_in_dim3A_1091] masked %lt3A_1042 : memref<512x64xf32, #tpu.memory_space<vmem>>[vector<16xi32>, vector<16xi32>], vector<16xf32>, vector<16xi1>
      tpu.vector_store_idx %arg16[%add3A_1046, %broadcast_in_dim3A_1091], %gather3A_1092 masked %lt3A_1042 : memref<512x64xf32, #tpu.memory_space<vmem>>[vector<16xi32>, vector<16xi32>], vector<16xf32>, vector<16xi1>
      %broadcast_in_dim3A_1093 = arith.constant 16 : i32
      %broadcast_in_dim3A_1094 = vector.broadcast %broadcast_in_dim3A_1093 : i32 to vector<16xi32>
      %gather3A_1095 = tpu.vector_load_idx %arg17[%add3A_1046, %broadcast_in_dim3A_1094] masked %lt3A_1042 : memref<512x64xf32, #tpu.memory_space<vmem>>[vector<16xi32>, vector<16xi32>], vector<16xf32>, vector<16xi1>
      tpu.vector_store_idx %arg16[%add3A_1046, %broadcast_in_dim3A_1094], %gather3A_1095 masked %lt3A_1042 : memref<512x64xf32, #tpu.memory_space<vmem>>[vector<16xi32>, vector<16xi32>], vector<16xf32>, vector<16xi1>
      %broadcast_in_dim3A_1096 = arith.constant 17 : i32
      %broadcast_in_dim3A_1097 = vector.broadcast %broadcast_in_dim3A_1096 : i32 to vector<16xi32>
      %gather3A_1098 = tpu.vector_load_idx %arg17[%add3A_1046, %broadcast_in_dim3A_1097] masked %lt3A_1042 : memref<512x64xf32, #tpu.memory_space<vmem>>[vector<16xi32>, vector<16xi32>], vector<16xf32>, vector<16xi1>
      tpu.vector_store_idx %arg16[%add3A_1046, %broadcast_in_dim3A_1097], %gather3A_1098 masked %lt3A_1042 : memref<512x64xf32, #tpu.memory_space<vmem>>[vector<16xi32>, vector<16xi32>], vector<16xf32>, vector<16xi1>
      %broadcast_in_dim3A_1099 = arith.constant 18 : i32
      %broadcast_in_dim3A_1100 = vector.broadcast %broadcast_in_dim3A_1099 : i32 to vector<16xi32>
      %gather3A_1101 = tpu.vector_load_idx %arg17[%add3A_1046, %broadcast_in_dim3A_1100] masked %lt3A_1042 : memref<512x64xf32, #tpu.memory_space<vmem>>[vector<16xi32>, vector<16xi32>], vector<16xf32>, vector<16xi1>
      tpu.vector_store_idx %arg16[%add3A_1046, %broadcast_in_dim3A_1100], %gather3A_1101 masked %lt3A_1042 : memref<512x64xf32, #tpu.memory_space<vmem>>[vector<16xi32>, vector<16xi32>], vector<16xf32>, vector<16xi1>
      %broadcast_in_dim3A_1102 = arith.constant 19 : i32
      %broadcast_in_dim3A_1103 = vector.broadcast %broadcast_in_dim3A_1102 : i32 to vector<16xi32>
      %gather3A_1104 = tpu.vector_load_idx %arg17[%add3A_1046, %broadcast_in_dim3A_1103] masked %lt3A_1042 : memref<512x64xf32, #tpu.memory_space<vmem>>[vector<16xi32>, vector<16xi32>], vector<16xf32>, vector<16xi1>
      tpu.vector_store_idx %arg16[%add3A_1046, %broadcast_in_dim3A_1103], %gather3A_1104 masked %lt3A_1042 : memref<512x64xf32, #tpu.memory_space<vmem>>[vector<16xi32>, vector<16xi32>], vector<16xf32>, vector<16xi1>
      %broadcast_in_dim3A_1105 = arith.constant 20 : i32
      %broadcast_in_dim3A_1106 = vector.broadcast %broadcast_in_dim3A_1105 : i32 to vector<16xi32>
      %gather3A_1107 = tpu.vector_load_idx %arg17[%add3A_1046, %broadcast_in_dim3A_1106] masked %lt3A_1042 : memref<512x64xf32, #tpu.memory_space<vmem>>[vector<16xi32>, vector<16xi32>], vector<16xf32>, vector<16xi1>
      tpu.vector_store_idx %arg16[%add3A_1046, %broadcast_in_dim3A_1106], %gather3A_1107 masked %lt3A_1042 : memref<512x64xf32, #tpu.memory_space<vmem>>[vector<16xi32>, vector<16xi32>], vector<16xf32>, vector<16xi1>
      %broadcast_in_dim3A_1108 = arith.constant 21 : i32
      %broadcast_in_dim3A_1109 = vector.broadcast %broadcast_in_dim3A_1108 : i32 to vector<16xi32>
      %gather3A_1110 = tpu.vector_load_idx %arg17[%add3A_1046, %broadcast_in_dim3A_1109] masked %lt3A_1042 : memref<512x64xf32, #tpu.memory_space<vmem>>[vector<16xi32>, vector<16xi32>], vector<16xf32>, vector<16xi1>
      tpu.vector_store_idx %arg16[%add3A_1046, %broadcast_in_dim3A_1109], %gather3A_1110 masked %lt3A_1042 : memref<512x64xf32, #tpu.memory_space<vmem>>[vector<16xi32>, vector<16xi32>], vector<16xf32>, vector<16xi1>
      %broadcast_in_dim3A_1111 = arith.constant 22 : i32
      %broadcast_in_dim3A_1112 = vector.broadcast %broadcast_in_dim3A_1111 : i32 to vector<16xi32>
      %gather3A_1113 = tpu.vector_load_idx %arg17[%add3A_1046, %broadcast_in_dim3A_1112] masked %lt3A_1042 : memref<512x64xf32, #tpu.memory_space<vmem>>[vector<16xi32>, vector<16xi32>], vector<16xf32>, vector<16xi1>
      tpu.vector_store_idx %arg16[%add3A_1046, %broadcast_in_dim3A_1112], %gather3A_1113 masked %lt3A_1042 : memref<512x64xf32, #tpu.memory_space<vmem>>[vector<16xi32>, vector<16xi32>], vector<16xf32>, vector<16xi1>
      %broadcast_in_dim3A_1114 = arith.constant 23 : i32
      %broadcast_in_dim3A_1115 = vector.broadcast %broadcast_in_dim3A_1114 : i32 to vector<16xi32>
      %gather3A_1116 = tpu.vector_load_idx %arg17[%add3A_1046, %broadcast_in_dim3A_1115] masked %lt3A_1042 : memref<512x64xf32, #tpu.memory_space<vmem>>[vector<16xi32>, vector<16xi32>], vector<16xf32>, vector<16xi1>
      tpu.vector_store_idx %arg16[%add3A_1046, %broadcast_in_dim3A_1115], %gather3A_1116 masked %lt3A_1042 : memref<512x64xf32, #tpu.memory_space<vmem>>[vector<16xi32>, vector<16xi32>], vector<16xf32>, vector<16xi1>
      %broadcast_in_dim3A_1117 = arith.constant 24 : i32
      %broadcast_in_dim3A_1118 = vector.broadcast %broadcast_in_dim3A_1117 : i32 to vector<16xi32>
      %gather3A_1119 = tpu.vector_load_idx %arg17[%add3A_1046, %broadcast_in_dim3A_1118] masked %lt3A_1042 : memref<512x64xf32, #tpu.memory_space<vmem>>[vector<16xi32>, vector<16xi32>], vector<16xf32>, vector<16xi1>
      tpu.vector_store_idx %arg16[%add3A_1046, %broadcast_in_dim3A_1118], %gather3A_1119 masked %lt3A_1042 : memref<512x64xf32, #tpu.memory_space<vmem>>[vector<16xi32>, vector<16xi32>], vector<16xf32>, vector<16xi1>
      %broadcast_in_dim3A_1120 = arith.constant 25 : i32
      %broadcast_in_dim3A_1121 = vector.broadcast %broadcast_in_dim3A_1120 : i32 to vector<16xi32>
      %gather3A_1122 = tpu.vector_load_idx %arg17[%add3A_1046, %broadcast_in_dim3A_1121] masked %lt3A_1042 : memref<512x64xf32, #tpu.memory_space<vmem>>[vector<16xi32>, vector<16xi32>], vector<16xf32>, vector<16xi1>
      tpu.vector_store_idx %arg16[%add3A_1046, %broadcast_in_dim3A_1121], %gather3A_1122 masked %lt3A_1042 : memref<512x64xf32, #tpu.memory_space<vmem>>[vector<16xi32>, vector<16xi32>], vector<16xf32>, vector<16xi1>
      %broadcast_in_dim3A_1123 = arith.constant 26 : i32
      %broadcast_in_dim3A_1124 = vector.broadcast %broadcast_in_dim3A_1123 : i32 to vector<16xi32>
      %gather3A_1125 = tpu.vector_load_idx %arg17[%add3A_1046, %broadcast_in_dim3A_1124] masked %lt3A_1042 : memref<512x64xf32, #tpu.memory_space<vmem>>[vector<16xi32>, vector<16xi32>], vector<16xf32>, vector<16xi1>
      tpu.vector_store_idx %arg16[%add3A_1046, %broadcast_in_dim3A_1124], %gather3A_1125 masked %lt3A_1042 : memref<512x64xf32, #tpu.memory_space<vmem>>[vector<16xi32>, vector<16xi32>], vector<16xf32>, vector<16xi1>
      %broadcast_in_dim3A_1126 = arith.constant 27 : i32
      %broadcast_in_dim3A_1127 = vector.broadcast %broadcast_in_dim3A_1126 : i32 to vector<16xi32>
      %gather3A_1128 = tpu.vector_load_idx %arg17[%add3A_1046, %broadcast_in_dim3A_1127] masked %lt3A_1042 : memref<512x64xf32, #tpu.memory_space<vmem>>[vector<16xi32>, vector<16xi32>], vector<16xf32>, vector<16xi1>
      tpu.vector_store_idx %arg16[%add3A_1046, %broadcast_in_dim3A_1127], %gather3A_1128 masked %lt3A_1042 : memref<512x64xf32, #tpu.memory_space<vmem>>[vector<16xi32>, vector<16xi32>], vector<16xf32>, vector<16xi1>
      %broadcast_in_dim3A_1129 = arith.constant 28 : i32
      %broadcast_in_dim3A_1130 = vector.broadcast %broadcast_in_dim3A_1129 : i32 to vector<16xi32>
      %gather3A_1131 = tpu.vector_load_idx %arg17[%add3A_1046, %broadcast_in_dim3A_1130] masked %lt3A_1042 : memref<512x64xf32, #tpu.memory_space<vmem>>[vector<16xi32>, vector<16xi32>], vector<16xf32>, vector<16xi1>
      tpu.vector_store_idx %arg16[%add3A_1046, %broadcast_in_dim3A_1130], %gather3A_1131 masked %lt3A_1042 : memref<512x64xf32, #tpu.memory_space<vmem>>[vector<16xi32>, vector<16xi32>], vector<16xf32>, vector<16xi1>
      %broadcast_in_dim3A_1132 = arith.constant 29 : i32
      %broadcast_in_dim3A_1133 = vector.broadcast %broadcast_in_dim3A_1132 : i32 to vector<16xi32>
      %gather3A_1134 = tpu.vector_load_idx %arg17[%add3A_1046, %broadcast_in_dim3A_1133] masked %lt3A_1042 : memref<512x64xf32, #tpu.memory_space<vmem>>[vector<16xi32>, vector<16xi32>], vector<16xf32>, vector<16xi1>
      tpu.vector_store_idx %arg16[%add3A_1046, %broadcast_in_dim3A_1133], %gather3A_1134 masked %lt3A_1042 : memref<512x64xf32, #tpu.memory_space<vmem>>[vector<16xi32>, vector<16xi32>], vector<16xf32>, vector<16xi1>
      %broadcast_in_dim3A_1135 = arith.constant 30 : i32
      %broadcast_in_dim3A_1136 = vector.broadcast %broadcast_in_dim3A_1135 : i32 to vector<16xi32>
      %gather3A_1137 = tpu.vector_load_idx %arg17[%add3A_1046, %broadcast_in_dim3A_1136] masked %lt3A_1042 : memref<512x64xf32, #tpu.memory_space<vmem>>[vector<16xi32>, vector<16xi32>], vector<16xf32>, vector<16xi1>
      tpu.vector_store_idx %arg16[%add3A_1046, %broadcast_in_dim3A_1136], %gather3A_1137 masked %lt3A_1042 : memref<512x64xf32, #tpu.memory_space<vmem>>[vector<16xi32>, vector<16xi32>], vector<16xf32>, vector<16xi1>
      %broadcast_in_dim3A_1138 = arith.constant 31 : i32
      %broadcast_in_dim3A_1139 = vector.broadcast %broadcast_in_dim3A_1138 : i32 to vector<16xi32>
      %gather3A_1140 = tpu.vector_load_idx %arg17[%add3A_1046, %broadcast_in_dim3A_1139] masked %lt3A_1042 : memref<512x64xf32, #tpu.memory_space<vmem>>[vector<16xi32>, vector<16xi32>], vector<16xf32>, vector<16xi1>
      tpu.vector_store_idx %arg16[%add3A_1046, %broadcast_in_dim3A_1139], %gather3A_1140 masked %lt3A_1042 : memref<512x64xf32, #tpu.memory_space<vmem>>[vector<16xi32>, vector<16xi32>], vector<16xf32>, vector<16xi1>
      %broadcast_in_dim3A_1141 = arith.constant 32 : i32
      %broadcast_in_dim3A_1142 = vector.broadcast %broadcast_in_dim3A_1141 : i32 to vector<16xi32>
      %gather3A_1143 = tpu.vector_load_idx %arg17[%add3A_1046, %broadcast_in_dim3A_1142] masked %lt3A_1042 : memref<512x64xf32, #tpu.memory_space<vmem>>[vector<16xi32>, vector<16xi32>], vector<16xf32>, vector<16xi1>
      tpu.vector_store_idx %arg16[%add3A_1046, %broadcast_in_dim3A_1142], %gather3A_1143 masked %lt3A_1042 : memref<512x64xf32, #tpu.memory_space<vmem>>[vector<16xi32>, vector<16xi32>], vector<16xf32>, vector<16xi1>
      %broadcast_in_dim3A_1144 = arith.constant 33 : i32
      %broadcast_in_dim3A_1145 = vector.broadcast %broadcast_in_dim3A_1144 : i32 to vector<16xi32>
      %gather3A_1146 = tpu.vector_load_idx %arg17[%add3A_1046, %broadcast_in_dim3A_1145] masked %lt3A_1042 : memref<512x64xf32, #tpu.memory_space<vmem>>[vector<16xi32>, vector<16xi32>], vector<16xf32>, vector<16xi1>
      tpu.vector_store_idx %arg16[%add3A_1046, %broadcast_in_dim3A_1145], %gather3A_1146 masked %lt3A_1042 : memref<512x64xf32, #tpu.memory_space<vmem>>[vector<16xi32>, vector<16xi32>], vector<16xf32>, vector<16xi1>
      %broadcast_in_dim3A_1147 = arith.constant 34 : i32
      %broadcast_in_dim3A_1148 = vector.broadcast %broadcast_in_dim3A_1147 : i32 to vector<16xi32>
      %gather3A_1149 = tpu.vector_load_idx %arg17[%add3A_1046, %broadcast_in_dim3A_1148] masked %lt3A_1042 : memref<512x64xf32, #tpu.memory_space<vmem>>[vector<16xi32>, vector<16xi32>], vector<16xf32>, vector<16xi1>
      tpu.vector_store_idx %arg16[%add3A_1046, %broadcast_in_dim3A_1148], %gather3A_1149 masked %lt3A_1042 : memref<512x64xf32, #tpu.memory_space<vmem>>[vector<16xi32>, vector<16xi32>], vector<16xf32>, vector<16xi1>
      %broadcast_in_dim3A_1150 = arith.constant 35 : i32
      %broadcast_in_dim3A_1151 = vector.broadcast %broadcast_in_dim3A_1150 : i32 to vector<16xi32>
      %gather3A_1152 = tpu.vector_load_idx %arg17[%add3A_1046, %broadcast_in_dim3A_1151] masked %lt3A_1042 : memref<512x64xf32, #tpu.memory_space<vmem>>[vector<16xi32>, vector<16xi32>], vector<16xf32>, vector<16xi1>
      tpu.vector_store_idx %arg16[%add3A_1046, %broadcast_in_dim3A_1151], %gather3A_1152 masked %lt3A_1042 : memref<512x64xf32, #tpu.memory_space<vmem>>[vector<16xi32>, vector<16xi32>], vector<16xf32>, vector<16xi1>
      %broadcast_in_dim3A_1153 = arith.constant 36 : i32
      %broadcast_in_dim3A_1154 = vector.broadcast %broadcast_in_dim3A_1153 : i32 to vector<16xi32>
      %gather3A_1155 = tpu.vector_load_idx %arg17[%add3A_1046, %broadcast_in_dim3A_1154] masked %lt3A_1042 : memref<512x64xf32, #tpu.memory_space<vmem>>[vector<16xi32>, vector<16xi32>], vector<16xf32>, vector<16xi1>
      tpu.vector_store_idx %arg16[%add3A_1046, %broadcast_in_dim3A_1154], %gather3A_1155 masked %lt3A_1042 : memref<512x64xf32, #tpu.memory_space<vmem>>[vector<16xi32>, vector<16xi32>], vector<16xf32>, vector<16xi1>
      %broadcast_in_dim3A_1156 = arith.constant 37 : i32
      %broadcast_in_dim3A_1157 = vector.broadcast %broadcast_in_dim3A_1156 : i32 to vector<16xi32>
      %gather3A_1158 = tpu.vector_load_idx %arg17[%add3A_1046, %broadcast_in_dim3A_1157] masked %lt3A_1042 : memref<512x64xf32, #tpu.memory_space<vmem>>[vector<16xi32>, vector<16xi32>], vector<16xf32>, vector<16xi1>
      tpu.vector_store_idx %arg16[%add3A_1046, %broadcast_in_dim3A_1157], %gather3A_1158 masked %lt3A_1042 : memref<512x64xf32, #tpu.memory_space<vmem>>[vector<16xi32>, vector<16xi32>], vector<16xf32>, vector<16xi1>
      %broadcast_in_dim3A_1159 = arith.constant 38 : i32
      %broadcast_in_dim3A_1160 = vector.broadcast %broadcast_in_dim3A_1159 : i32 to vector<16xi32>
      %gather3A_1161 = tpu.vector_load_idx %arg17[%add3A_1046, %broadcast_in_dim3A_1160] masked %lt3A_1042 : memref<512x64xf32, #tpu.memory_space<vmem>>[vector<16xi32>, vector<16xi32>], vector<16xf32>, vector<16xi1>
      tpu.vector_store_idx %arg16[%add3A_1046, %broadcast_in_dim3A_1160], %gather3A_1161 masked %lt3A_1042 : memref<512x64xf32, #tpu.memory_space<vmem>>[vector<16xi32>, vector<16xi32>], vector<16xf32>, vector<16xi1>
      %broadcast_in_dim3A_1162 = arith.constant 39 : i32
      %broadcast_in_dim3A_1163 = vector.broadcast %broadcast_in_dim3A_1162 : i32 to vector<16xi32>
      %gather3A_1164 = tpu.vector_load_idx %arg17[%add3A_1046, %broadcast_in_dim3A_1163] masked %lt3A_1042 : memref<512x64xf32, #tpu.memory_space<vmem>>[vector<16xi32>, vector<16xi32>], vector<16xf32>, vector<16xi1>
      tpu.vector_store_idx %arg16[%add3A_1046, %broadcast_in_dim3A_1163], %gather3A_1164 masked %lt3A_1042 : memref<512x64xf32, #tpu.memory_space<vmem>>[vector<16xi32>, vector<16xi32>], vector<16xf32>, vector<16xi1>
      %broadcast_in_dim3A_1165 = arith.constant 40 : i32
      %broadcast_in_dim3A_1166 = vector.broadcast %broadcast_in_dim3A_1165 : i32 to vector<16xi32>
      %gather3A_1167 = tpu.vector_load_idx %arg17[%add3A_1046, %broadcast_in_dim3A_1166] masked %lt3A_1042 : memref<512x64xf32, #tpu.memory_space<vmem>>[vector<16xi32>, vector<16xi32>], vector<16xf32>, vector<16xi1>
      tpu.vector_store_idx %arg16[%add3A_1046, %broadcast_in_dim3A_1166], %gather3A_1167 masked %lt3A_1042 : memref<512x64xf32, #tpu.memory_space<vmem>>[vector<16xi32>, vector<16xi32>], vector<16xf32>, vector<16xi1>
      %broadcast_in_dim3A_1168 = arith.constant 41 : i32
      %broadcast_in_dim3A_1169 = vector.broadcast %broadcast_in_dim3A_1168 : i32 to vector<16xi32>
      %gather3A_1170 = tpu.vector_load_idx %arg17[%add3A_1046, %broadcast_in_dim3A_1169] masked %lt3A_1042 : memref<512x64xf32, #tpu.memory_space<vmem>>[vector<16xi32>, vector<16xi32>], vector<16xf32>, vector<16xi1>
      tpu.vector_store_idx %arg16[%add3A_1046, %broadcast_in_dim3A_1169], %gather3A_1170 masked %lt3A_1042 : memref<512x64xf32, #tpu.memory_space<vmem>>[vector<16xi32>, vector<16xi32>], vector<16xf32>, vector<16xi1>
      %broadcast_in_dim3A_1171 = arith.constant 42 : i32
      %broadcast_in_dim3A_1172 = vector.broadcast %broadcast_in_dim3A_1171 : i32 to vector<16xi32>
      %gather3A_1173 = tpu.vector_load_idx %arg17[%add3A_1046, %broadcast_in_dim3A_1172] masked %lt3A_1042 : memref<512x64xf32, #tpu.memory_space<vmem>>[vector<16xi32>, vector<16xi32>], vector<16xf32>, vector<16xi1>
      tpu.vector_store_idx %arg16[%add3A_1046, %broadcast_in_dim3A_1172], %gather3A_1173 masked %lt3A_1042 : memref<512x64xf32, #tpu.memory_space<vmem>>[vector<16xi32>, vector<16xi32>], vector<16xf32>, vector<16xi1>
      %broadcast_in_dim3A_1174 = arith.constant 43 : i32
      %broadcast_in_dim3A_1175 = vector.broadcast %broadcast_in_dim3A_1174 : i32 to vector<16xi32>
      %gather3A_1176 = tpu.vector_load_idx %arg17[%add3A_1046, %broadcast_in_dim3A_1175] masked %lt3A_1042 : memref<512x64xf32, #tpu.memory_space<vmem>>[vector<16xi32>, vector<16xi32>], vector<16xf32>, vector<16xi1>
      tpu.vector_store_idx %arg16[%add3A_1046, %broadcast_in_dim3A_1175], %gather3A_1176 masked %lt3A_1042 : memref<512x64xf32, #tpu.memory_space<vmem>>[vector<16xi32>, vector<16xi32>], vector<16xf32>, vector<16xi1>
      %broadcast_in_dim3A_1177 = arith.constant 44 : i32
      %broadcast_in_dim3A_1178 = vector.broadcast %broadcast_in_dim3A_1177 : i32 to vector<16xi32>
      %gather3A_1179 = tpu.vector_load_idx %arg17[%add3A_1046, %broadcast_in_dim3A_1178] masked %lt3A_1042 : memref<512x64xf32, #tpu.memory_space<vmem>>[vector<16xi32>, vector<16xi32>], vector<16xf32>, vector<16xi1>
      tpu.vector_store_idx %arg16[%add3A_1046, %broadcast_in_dim3A_1178], %gather3A_1179 masked %lt3A_1042 : memref<512x64xf32, #tpu.memory_space<vmem>>[vector<16xi32>, vector<16xi32>], vector<16xf32>, vector<16xi1>
      %broadcast_in_dim3A_1180 = arith.constant 45 : i32
      %broadcast_in_dim3A_1181 = vector.broadcast %broadcast_in_dim3A_1180 : i32 to vector<16xi32>
      %gather3A_1182 = tpu.vector_load_idx %arg17[%add3A_1046, %broadcast_in_dim3A_1181] masked %lt3A_1042 : memref<512x64xf32, #tpu.memory_space<vmem>>[vector<16xi32>, vector<16xi32>], vector<16xf32>, vector<16xi1>
      tpu.vector_store_idx %arg16[%add3A_1046, %broadcast_in_dim3A_1181], %gather3A_1182 masked %lt3A_1042 : memref<512x64xf32, #tpu.memory_space<vmem>>[vector<16xi32>, vector<16xi32>], vector<16xf32>, vector<16xi1>
      %broadcast_in_dim3A_1183 = arith.constant 46 : i32
      %broadcast_in_dim3A_1184 = vector.broadcast %broadcast_in_dim3A_1183 : i32 to vector<16xi32>
      %gather3A_1185 = tpu.vector_load_idx %arg17[%add3A_1046, %broadcast_in_dim3A_1184] masked %lt3A_1042 : memref<512x64xf32, #tpu.memory_space<vmem>>[vector<16xi32>, vector<16xi32>], vector<16xf32>, vector<16xi1>
      tpu.vector_store_idx %arg16[%add3A_1046, %broadcast_in_dim3A_1184], %gather3A_1185 masked %lt3A_1042 : memref<512x64xf32, #tpu.memory_space<vmem>>[vector<16xi32>, vector<16xi32>], vector<16xf32>, vector<16xi1>
      %broadcast_in_dim3A_1186 = arith.constant 47 : i32
      %broadcast_in_dim3A_1187 = vector.broadcast %broadcast_in_dim3A_1186 : i32 to vector<16xi32>
      %gather3A_1188 = tpu.vector_load_idx %arg17[%add3A_1046, %broadcast_in_dim3A_1187] masked %lt3A_1042 : memref<512x64xf32, #tpu.memory_space<vmem>>[vector<16xi32>, vector<16xi32>], vector<16xf32>, vector<16xi1>
      tpu.vector_store_idx %arg16[%add3A_1046, %broadcast_in_dim3A_1187], %gather3A_1188 masked %lt3A_1042 : memref<512x64xf32, #tpu.memory_space<vmem>>[vector<16xi32>, vector<16xi32>], vector<16xf32>, vector<16xi1>
      %broadcast_in_dim3A_1189 = arith.constant 48 : i32
      %broadcast_in_dim3A_1190 = vector.broadcast %broadcast_in_dim3A_1189 : i32 to vector<16xi32>
      %gather3A_1191 = tpu.vector_load_idx %arg17[%add3A_1046, %broadcast_in_dim3A_1190] masked %lt3A_1042 : memref<512x64xf32, #tpu.memory_space<vmem>>[vector<16xi32>, vector<16xi32>], vector<16xf32>, vector<16xi1>
      tpu.vector_store_idx %arg16[%add3A_1046, %broadcast_in_dim3A_1190], %gather3A_1191 masked %lt3A_1042 : memref<512x64xf32, #tpu.memory_space<vmem>>[vector<16xi32>, vector<16xi32>], vector<16xf32>, vector<16xi1>
      %broadcast_in_dim3A_1192 = arith.constant 49 : i32
      %broadcast_in_dim3A_1193 = vector.broadcast %broadcast_in_dim3A_1192 : i32 to vector<16xi32>
      %gather3A_1194 = tpu.vector_load_idx %arg17[%add3A_1046, %broadcast_in_dim3A_1193] masked %lt3A_1042 : memref<512x64xf32, #tpu.memory_space<vmem>>[vector<16xi32>, vector<16xi32>], vector<16xf32>, vector<16xi1>
      tpu.vector_store_idx %arg16[%add3A_1046, %broadcast_in_dim3A_1193], %gather3A_1194 masked %lt3A_1042 : memref<512x64xf32, #tpu.memory_space<vmem>>[vector<16xi32>, vector<16xi32>], vector<16xf32>, vector<16xi1>
      %broadcast_in_dim3A_1195 = arith.constant 50 : i32
      %broadcast_in_dim3A_1196 = vector.broadcast %broadcast_in_dim3A_1195 : i32 to vector<16xi32>
      %gather3A_1197 = tpu.vector_load_idx %arg17[%add3A_1046, %broadcast_in_dim3A_1196] masked %lt3A_1042 : memref<512x64xf32, #tpu.memory_space<vmem>>[vector<16xi32>, vector<16xi32>], vector<16xf32>, vector<16xi1>
      tpu.vector_store_idx %arg16[%add3A_1046, %broadcast_in_dim3A_1196], %gather3A_1197 masked %lt3A_1042 : memref<512x64xf32, #tpu.memory_space<vmem>>[vector<16xi32>, vector<16xi32>], vector<16xf32>, vector<16xi1>
      %broadcast_in_dim3A_1198 = arith.constant 51 : i32
      %broadcast_in_dim3A_1199 = vector.broadcast %broadcast_in_dim3A_1198 : i32 to vector<16xi32>
      %gather3A_1200 = tpu.vector_load_idx %arg17[%add3A_1046, %broadcast_in_dim3A_1199] masked %lt3A_1042 : memref<512x64xf32, #tpu.memory_space<vmem>>[vector<16xi32>, vector<16xi32>], vector<16xf32>, vector<16xi1>
      tpu.vector_store_idx %arg16[%add3A_1046, %broadcast_in_dim3A_1199], %gather3A_1200 masked %lt3A_1042 : memref<512x64xf32, #tpu.memory_space<vmem>>[vector<16xi32>, vector<16xi32>], vector<16xf32>, vector<16xi1>
      %broadcast_in_dim3A_1201 = arith.constant 52 : i32
      %broadcast_in_dim3A_1202 = vector.broadcast %broadcast_in_dim3A_1201 : i32 to vector<16xi32>
      %gather3A_1203 = tpu.vector_load_idx %arg17[%add3A_1046, %broadcast_in_dim3A_1202] masked %lt3A_1042 : memref<512x64xf32, #tpu.memory_space<vmem>>[vector<16xi32>, vector<16xi32>], vector<16xf32>, vector<16xi1>
      tpu.vector_store_idx %arg16[%add3A_1046, %broadcast_in_dim3A_1202], %gather3A_1203 masked %lt3A_1042 : memref<512x64xf32, #tpu.memory_space<vmem>>[vector<16xi32>, vector<16xi32>], vector<16xf32>, vector<16xi1>
      %broadcast_in_dim3A_1204 = arith.constant 53 : i32
      %broadcast_in_dim3A_1205 = vector.broadcast %broadcast_in_dim3A_1204 : i32 to vector<16xi32>
      %gather3A_1206 = tpu.vector_load_idx %arg17[%add3A_1046, %broadcast_in_dim3A_1205] masked %lt3A_1042 : memref<512x64xf32, #tpu.memory_space<vmem>>[vector<16xi32>, vector<16xi32>], vector<16xf32>, vector<16xi1>
      tpu.vector_store_idx %arg16[%add3A_1046, %broadcast_in_dim3A_1205], %gather3A_1206 masked %lt3A_1042 : memref<512x64xf32, #tpu.memory_space<vmem>>[vector<16xi32>, vector<16xi32>], vector<16xf32>, vector<16xi1>
      %broadcast_in_dim3A_1207 = arith.constant 54 : i32
      %broadcast_in_dim3A_1208 = vector.broadcast %broadcast_in_dim3A_1207 : i32 to vector<16xi32>
      %gather3A_1209 = tpu.vector_load_idx %arg17[%add3A_1046, %broadcast_in_dim3A_1208] masked %lt3A_1042 : memref<512x64xf32, #tpu.memory_space<vmem>>[vector<16xi32>, vector<16xi32>], vector<16xf32>, vector<16xi1>
      tpu.vector_store_idx %arg16[%add3A_1046, %broadcast_in_dim3A_1208], %gather3A_1209 masked %lt3A_1042 : memref<512x64xf32, #tpu.memory_space<vmem>>[vector<16xi32>, vector<16xi32>], vector<16xf32>, vector<16xi1>
      %broadcast_in_dim3A_1210 = arith.constant 55 : i32
      %broadcast_in_dim3A_1211 = vector.broadcast %broadcast_in_dim3A_1210 : i32 to vector<16xi32>
      %gather3A_1212 = tpu.vector_load_idx %arg17[%add3A_1046, %broadcast_in_dim3A_1211] masked %lt3A_1042 : memref<512x64xf32, #tpu.memory_space<vmem>>[vector<16xi32>, vector<16xi32>], vector<16xf32>, vector<16xi1>
      tpu.vector_store_idx %arg16[%add3A_1046, %broadcast_in_dim3A_1211], %gather3A_1212 masked %lt3A_1042 : memref<512x64xf32, #tpu.memory_space<vmem>>[vector<16xi32>, vector<16xi32>], vector<16xf32>, vector<16xi1>
      %broadcast_in_dim3A_1213 = arith.constant 56 : i32
      %broadcast_in_dim3A_1214 = vector.broadcast %broadcast_in_dim3A_1213 : i32 to vector<16xi32>
      %gather3A_1215 = tpu.vector_load_idx %arg17[%add3A_1046, %broadcast_in_dim3A_1214] masked %lt3A_1042 : memref<512x64xf32, #tpu.memory_space<vmem>>[vector<16xi32>, vector<16xi32>], vector<16xf32>, vector<16xi1>
      tpu.vector_store_idx %arg16[%add3A_1046, %broadcast_in_dim3A_1214], %gather3A_1215 masked %lt3A_1042 : memref<512x64xf32, #tpu.memory_space<vmem>>[vector<16xi32>, vector<16xi32>], vector<16xf32>, vector<16xi1>
      %broadcast_in_dim3A_1216 = arith.constant 57 : i32
      %broadcast_in_dim3A_1217 = vector.broadcast %broadcast_in_dim3A_1216 : i32 to vector<16xi32>
      %gather3A_1218 = tpu.vector_load_idx %arg17[%add3A_1046, %broadcast_in_dim3A_1217] masked %lt3A_1042 : memref<512x64xf32, #tpu.memory_space<vmem>>[vector<16xi32>, vector<16xi32>], vector<16xf32>, vector<16xi1>
      tpu.vector_store_idx %arg16[%add3A_1046, %broadcast_in_dim3A_1217], %gather3A_1218 masked %lt3A_1042 : memref<512x64xf32, #tpu.memory_space<vmem>>[vector<16xi32>, vector<16xi32>], vector<16xf32>, vector<16xi1>
      %broadcast_in_dim3A_1219 = arith.constant 58 : i32
      %broadcast_in_dim3A_1220 = vector.broadcast %broadcast_in_dim3A_1219 : i32 to vector<16xi32>
      %gather3A_1221 = tpu.vector_load_idx %arg17[%add3A_1046, %broadcast_in_dim3A_1220] masked %lt3A_1042 : memref<512x64xf32, #tpu.memory_space<vmem>>[vector<16xi32>, vector<16xi32>], vector<16xf32>, vector<16xi1>
      tpu.vector_store_idx %arg16[%add3A_1046, %broadcast_in_dim3A_1220], %gather3A_1221 masked %lt3A_1042 : memref<512x64xf32, #tpu.memory_space<vmem>>[vector<16xi32>, vector<16xi32>], vector<16xf32>, vector<16xi1>
      %broadcast_in_dim3A_1222 = arith.constant 59 : i32
      %broadcast_in_dim3A_1223 = vector.broadcast %broadcast_in_dim3A_1222 : i32 to vector<16xi32>
      %gather3A_1224 = tpu.vector_load_idx %arg17[%add3A_1046, %broadcast_in_dim3A_1223] masked %lt3A_1042 : memref<512x64xf32, #tpu.memory_space<vmem>>[vector<16xi32>, vector<16xi32>], vector<16xf32>, vector<16xi1>
      tpu.vector_store_idx %arg16[%add3A_1046, %broadcast_in_dim3A_1223], %gather3A_1224 masked %lt3A_1042 : memref<512x64xf32, #tpu.memory_space<vmem>>[vector<16xi32>, vector<16xi32>], vector<16xf32>, vector<16xi1>
      %broadcast_in_dim3A_1225 = arith.constant 60 : i32
      %broadcast_in_dim3A_1226 = vector.broadcast %broadcast_in_dim3A_1225 : i32 to vector<16xi32>
      %gather3A_1227 = tpu.vector_load_idx %arg17[%add3A_1046, %broadcast_in_dim3A_1226] masked %lt3A_1042 : memref<512x64xf32, #tpu.memory_space<vmem>>[vector<16xi32>, vector<16xi32>], vector<16xf32>, vector<16xi1>
      tpu.vector_store_idx %arg16[%add3A_1046, %broadcast_in_dim3A_1226], %gather3A_1227 masked %lt3A_1042 : memref<512x64xf32, #tpu.memory_space<vmem>>[vector<16xi32>, vector<16xi32>], vector<16xf32>, vector<16xi1>
      %broadcast_in_dim3A_1228 = arith.constant 61 : i32
      %broadcast_in_dim3A_1229 = vector.broadcast %broadcast_in_dim3A_1228 : i32 to vector<16xi32>
      %gather3A_1230 = tpu.vector_load_idx %arg17[%add3A_1046, %broadcast_in_dim3A_1229] masked %lt3A_1042 : memref<512x64xf32, #tpu.memory_space<vmem>>[vector<16xi32>, vector<16xi32>], vector<16xf32>, vector<16xi1>
      tpu.vector_store_idx %arg16[%add3A_1046, %broadcast_in_dim3A_1229], %gather3A_1230 masked %lt3A_1042 : memref<512x64xf32, #tpu.memory_space<vmem>>[vector<16xi32>, vector<16xi32>], vector<16xf32>, vector<16xi1>
      %broadcast_in_dim3A_1231 = arith.constant 62 : i32
      %broadcast_in_dim3A_1232 = vector.broadcast %broadcast_in_dim3A_1231 : i32 to vector<16xi32>
      %gather3A_1233 = tpu.vector_load_idx %arg17[%add3A_1046, %broadcast_in_dim3A_1232] masked %lt3A_1042 : memref<512x64xf32, #tpu.memory_space<vmem>>[vector<16xi32>, vector<16xi32>], vector<16xf32>, vector<16xi1>
      tpu.vector_store_idx %arg16[%add3A_1046, %broadcast_in_dim3A_1232], %gather3A_1233 masked %lt3A_1042 : memref<512x64xf32, #tpu.memory_space<vmem>>[vector<16xi32>, vector<16xi32>], vector<16xf32>, vector<16xi1>
      %broadcast_in_dim3A_1234 = arith.constant 63 : i32
      %broadcast_in_dim3A_1235 = vector.broadcast %broadcast_in_dim3A_1234 : i32 to vector<16xi32>
      %gather3A_1236 = tpu.vector_load_idx %arg17[%add3A_1046, %broadcast_in_dim3A_1235] masked %lt3A_1042 : memref<512x64xf32, #tpu.memory_space<vmem>>[vector<16xi32>, vector<16xi32>], vector<16xf32>, vector<16xi1>
      tpu.vector_store_idx %arg16[%add3A_1046, %broadcast_in_dim3A_1235], %gather3A_1236 masked %lt3A_1042 : memref<512x64xf32, #tpu.memory_space<vmem>>[vector<16xi32>, vector<16xi32>], vector<16xf32>, vector<16xi1>
    }
    %scan3A_952 = arith.constant 8 : i32
    %add3A_953 = arith.constant 256 : i32
    %add3A_954 = arith.addi %mul3A_2, %add3A_953 : i32
    %dma_start3A_955 = arith.constant 256 : i32
    %dma_start3A_956 = arith.constant 0 : i32
    %dma_start3A_957 = tpu.memref_slice %arg16[%dma_start3A_955, %dma_start3A_956] : memref<512x64xf32, #tpu.memory_space<vmem>> -> memref<128x64xf32, #tpu.memory_space<vmem>>
    %dma_start3A_958 = arith.constant 0 : i32
    %dma_start3A_959 = tpu.memref_slice %arg5[%add3A_954, %dma_start3A_958] : memref<16384x64xf32, #tpu.memory_space<hbm>> -> memref<128x64xf32, #tpu.memory_space<hbm>>
    %dma_start3A_960 = arith.constant 0 : i32
    %dma_start3A_961 = tpu.memref_slice %arg5[%add3A_954, %dma_start3A_960] : memref<16384x64xf32, #tpu.memory_space<hbm>> -> memref<128x64xf32, #tpu.memory_space<hbm>>
    %dma_start3A_962 = arith.constant 256 : i32
    %dma_start3A_963 = arith.constant 0 : i32
    %dma_start3A_964 = tpu.memref_slice %arg16[%dma_start3A_962, %dma_start3A_963] : memref<512x64xf32, #tpu.memory_space<vmem>> -> memref<128x64xf32, #tpu.memory_space<vmem>>
    tpu.enqueue_dma source(%dma_start3A_964 : memref<128x64xf32, #tpu.memory_space<vmem>>) target(%dma_start3A_961 : memref<128x64xf32, #tpu.memory_space<hbm>>) target_semaphore(%arg20 : memref<!tpu.dma_semaphore, #tpu.memory_space<semaphore_mem>>)
    %dma_wait3A_965 = arith.constant 384 : i32
    %dma_wait3A_966 = arith.constant 0 : i32
    %dma_wait3A_967 = tpu.memref_slice %arg16[%dma_wait3A_965, %dma_wait3A_966] : memref<512x64xf32, #tpu.memory_space<vmem>> -> memref<128x64xf32, #tpu.memory_space<vmem>>
    %dma_wait3A_968 = arith.constant 0 : i32
    %dma_wait3A_969 = arith.constant 0 : i32
    %dma_wait3A_970 = tpu.memref_slice %arg2[%dma_wait3A_968, %dma_wait3A_969] : memref<1000000x64xf32, #tpu.memory_space<hbm>> -> memref<1000000x64xf32, #tpu.memory_space<hbm>>
    tpu.wait_indirect_dma semaphore(%arg18 : memref<!tpu.dma_semaphore, #tpu.memory_space<semaphore_mem>>) src(%dma_wait3A_970 : memref<1000000x64xf32, #tpu.memory_space<hbm>>) dst(%dma_wait3A_967 : memref<128x64xf32, #tpu.memory_space<vmem>>)
    %dma_wait3A_971 = arith.constant 384 : i32
    %dma_wait3A_972 = arith.constant 0 : i32
    %dma_wait3A_973 = tpu.memref_slice %arg17[%dma_wait3A_971, %dma_wait3A_972] : memref<512x64xf32, #tpu.memory_space<vmem>> -> memref<128x64xf32, #tpu.memory_space<vmem>>
    %dma_wait3A_974 = arith.constant 0 : i32
    %dma_wait3A_975 = arith.constant 0 : i32
    %dma_wait3A_976 = tpu.memref_slice %arg3[%dma_wait3A_974, %dma_wait3A_975] : memref<16384x64xf32, #tpu.memory_space<hbm>> -> memref<16384x64xf32, #tpu.memory_space<hbm>>
    tpu.wait_indirect_dma semaphore(%arg19 : memref<!tpu.dma_semaphore, #tpu.memory_space<semaphore_mem>>) src(%dma_wait3A_976 : memref<16384x64xf32, #tpu.memory_space<hbm>>) dst(%dma_wait3A_973 : memref<128x64xf32, #tpu.memory_space<vmem>>)
    %scan3A_977 = arith.constant 0 : i32
    %scan3A_978 = arith.constant 24 : i32
    %scan3A_979 = arith.constant 8 : i32
    %scan3A_980 = arith.addi %scan3A_978, %scan3A_979 : i32
    %scan3A_981 = arith.constant 1 : i32
    scf.for %scan3A_1035 = %scan3A_978 to %scan3A_980 step %scan3A_981  : i32 {
      %mul3A_1036 = arith.constant 16 : i32
      %mul3A_1037 = arith.muli %scan3A_1035, %mul3A_1036 : i32
      %get3A_1038 = arith.index_cast %mul3A_1037 : i32 to index
      %get3A_1039 = tpu.vector_load %arg7[%get3A_1038] {strides = array<i32>} : memref<512xi32, #tpu.memory_space<vmem>>, vector<16xi32>,
      %lt3A_1040 = arith.constant 16384 : i32
      %lt3A_1041 = vector.broadcast %lt3A_1040 : i32 to vector<16xi32>
      %lt3A_1042 = arith.cmpi slt, %get3A_1039, %lt3A_1041 : vector<16xi32>
      %mul3A_1043 = arith.constant 16 : i32
      %mul3A_1044 = arith.muli %scan3A_1035, %mul3A_1043 : i32
      %add3A_1045 = vector.broadcast %mul3A_1044 : i32 to vector<16xi32>
      %add3A_1046 = arith.addi %add3A_1045, %iota3A_876 : vector<16xi32>
      %broadcast_in_dim3A = arith.constant 0 : i32
      %broadcast_in_dim3A_1047 = vector.broadcast %broadcast_in_dim3A : i32 to vector<16xi32>
      %gather3A = tpu.vector_load_idx %arg17[%add3A_1046, %broadcast_in_dim3A_1047] masked %lt3A_1042 : memref<512x64xf32, #tpu.memory_space<vmem>>[vector<16xi32>, vector<16xi32>], vector<16xf32>, vector<16xi1>
      tpu.vector_store_idx %arg16[%add3A_1046, %broadcast_in_dim3A_1047], %gather3A masked %lt3A_1042 : memref<512x64xf32, #tpu.memory_space<vmem>>[vector<16xi32>, vector<16xi32>], vector<16xf32>, vector<16xi1>
      %broadcast_in_dim3A_1048 = arith.constant 1 : i32
      %broadcast_in_dim3A_1049 = vector.broadcast %broadcast_in_dim3A_1048 : i32 to vector<16xi32>
      %gather3A_1050 = tpu.vector_load_idx %arg17[%add3A_1046, %broadcast_in_dim3A_1049] masked %lt3A_1042 : memref<512x64xf32, #tpu.memory_space<vmem>>[vector<16xi32>, vector<16xi32>], vector<16xf32>, vector<16xi1>
      tpu.vector_store_idx %arg16[%add3A_1046, %broadcast_in_dim3A_1049], %gather3A_1050 masked %lt3A_1042 : memref<512x64xf32, #tpu.memory_space<vmem>>[vector<16xi32>, vector<16xi32>], vector<16xf32>, vector<16xi1>
      %broadcast_in_dim3A_1051 = arith.constant 2 : i32
      %broadcast_in_dim3A_1052 = vector.broadcast %broadcast_in_dim3A_1051 : i32 to vector<16xi32>
      %gather3A_1053 = tpu.vector_load_idx %arg17[%add3A_1046, %broadcast_in_dim3A_1052] masked %lt3A_1042 : memref<512x64xf32, #tpu.memory_space<vmem>>[vector<16xi32>, vector<16xi32>], vector<16xf32>, vector<16xi1>
      tpu.vector_store_idx %arg16[%add3A_1046, %broadcast_in_dim3A_1052], %gather3A_1053 masked %lt3A_1042 : memref<512x64xf32, #tpu.memory_space<vmem>>[vector<16xi32>, vector<16xi32>], vector<16xf32>, vector<16xi1>
      %broadcast_in_dim3A_1054 = arith.constant 3 : i32
      %broadcast_in_dim3A_1055 = vector.broadcast %broadcast_in_dim3A_1054 : i32 to vector<16xi32>
      %gather3A_1056 = tpu.vector_load_idx %arg17[%add3A_1046, %broadcast_in_dim3A_1055] masked %lt3A_1042 : memref<512x64xf32, #tpu.memory_space<vmem>>[vector<16xi32>, vector<16xi32>], vector<16xf32>, vector<16xi1>
      tpu.vector_store_idx %arg16[%add3A_1046, %broadcast_in_dim3A_1055], %gather3A_1056 masked %lt3A_1042 : memref<512x64xf32, #tpu.memory_space<vmem>>[vector<16xi32>, vector<16xi32>], vector<16xf32>, vector<16xi1>
      %broadcast_in_dim3A_1057 = arith.constant 4 : i32
      %broadcast_in_dim3A_1058 = vector.broadcast %broadcast_in_dim3A_1057 : i32 to vector<16xi32>
      %gather3A_1059 = tpu.vector_load_idx %arg17[%add3A_1046, %broadcast_in_dim3A_1058] masked %lt3A_1042 : memref<512x64xf32, #tpu.memory_space<vmem>>[vector<16xi32>, vector<16xi32>], vector<16xf32>, vector<16xi1>
      tpu.vector_store_idx %arg16[%add3A_1046, %broadcast_in_dim3A_1058], %gather3A_1059 masked %lt3A_1042 : memref<512x64xf32, #tpu.memory_space<vmem>>[vector<16xi32>, vector<16xi32>], vector<16xf32>, vector<16xi1>
      %broadcast_in_dim3A_1060 = arith.constant 5 : i32
      %broadcast_in_dim3A_1061 = vector.broadcast %broadcast_in_dim3A_1060 : i32 to vector<16xi32>
      %gather3A_1062 = tpu.vector_load_idx %arg17[%add3A_1046, %broadcast_in_dim3A_1061] masked %lt3A_1042 : memref<512x64xf32, #tpu.memory_space<vmem>>[vector<16xi32>, vector<16xi32>], vector<16xf32>, vector<16xi1>
      tpu.vector_store_idx %arg16[%add3A_1046, %broadcast_in_dim3A_1061], %gather3A_1062 masked %lt3A_1042 : memref<512x64xf32, #tpu.memory_space<vmem>>[vector<16xi32>, vector<16xi32>], vector<16xf32>, vector<16xi1>
      %broadcast_in_dim3A_1063 = arith.constant 6 : i32
      %broadcast_in_dim3A_1064 = vector.broadcast %broadcast_in_dim3A_1063 : i32 to vector<16xi32>
      %gather3A_1065 = tpu.vector_load_idx %arg17[%add3A_1046, %broadcast_in_dim3A_1064] masked %lt3A_1042 : memref<512x64xf32, #tpu.memory_space<vmem>>[vector<16xi32>, vector<16xi32>], vector<16xf32>, vector<16xi1>
      tpu.vector_store_idx %arg16[%add3A_1046, %broadcast_in_dim3A_1064], %gather3A_1065 masked %lt3A_1042 : memref<512x64xf32, #tpu.memory_space<vmem>>[vector<16xi32>, vector<16xi32>], vector<16xf32>, vector<16xi1>
      %broadcast_in_dim3A_1066 = arith.constant 7 : i32
      %broadcast_in_dim3A_1067 = vector.broadcast %broadcast_in_dim3A_1066 : i32 to vector<16xi32>
      %gather3A_1068 = tpu.vector_load_idx %arg17[%add3A_1046, %broadcast_in_dim3A_1067] masked %lt3A_1042 : memref<512x64xf32, #tpu.memory_space<vmem>>[vector<16xi32>, vector<16xi32>], vector<16xf32>, vector<16xi1>
      tpu.vector_store_idx %arg16[%add3A_1046, %broadcast_in_dim3A_1067], %gather3A_1068 masked %lt3A_1042 : memref<512x64xf32, #tpu.memory_space<vmem>>[vector<16xi32>, vector<16xi32>], vector<16xf32>, vector<16xi1>
      %broadcast_in_dim3A_1069 = arith.constant 8 : i32
      %broadcast_in_dim3A_1070 = vector.broadcast %broadcast_in_dim3A_1069 : i32 to vector<16xi32>
      %gather3A_1071 = tpu.vector_load_idx %arg17[%add3A_1046, %broadcast_in_dim3A_1070] masked %lt3A_1042 : memref<512x64xf32, #tpu.memory_space<vmem>>[vector<16xi32>, vector<16xi32>], vector<16xf32>, vector<16xi1>
      tpu.vector_store_idx %arg16[%add3A_1046, %broadcast_in_dim3A_1070], %gather3A_1071 masked %lt3A_1042 : memref<512x64xf32, #tpu.memory_space<vmem>>[vector<16xi32>, vector<16xi32>], vector<16xf32>, vector<16xi1>
      %broadcast_in_dim3A_1072 = arith.constant 9 : i32
      %broadcast_in_dim3A_1073 = vector.broadcast %broadcast_in_dim3A_1072 : i32 to vector<16xi32>
      %gather3A_1074 = tpu.vector_load_idx %arg17[%add3A_1046, %broadcast_in_dim3A_1073] masked %lt3A_1042 : memref<512x64xf32, #tpu.memory_space<vmem>>[vector<16xi32>, vector<16xi32>], vector<16xf32>, vector<16xi1>
      tpu.vector_store_idx %arg16[%add3A_1046, %broadcast_in_dim3A_1073], %gather3A_1074 masked %lt3A_1042 : memref<512x64xf32, #tpu.memory_space<vmem>>[vector<16xi32>, vector<16xi32>], vector<16xf32>, vector<16xi1>
      %broadcast_in_dim3A_1075 = arith.constant 10 : i32
      %broadcast_in_dim3A_1076 = vector.broadcast %broadcast_in_dim3A_1075 : i32 to vector<16xi32>
      %gather3A_1077 = tpu.vector_load_idx %arg17[%add3A_1046, %broadcast_in_dim3A_1076] masked %lt3A_1042 : memref<512x64xf32, #tpu.memory_space<vmem>>[vector<16xi32>, vector<16xi32>], vector<16xf32>, vector<16xi1>
      tpu.vector_store_idx %arg16[%add3A_1046, %broadcast_in_dim3A_1076], %gather3A_1077 masked %lt3A_1042 : memref<512x64xf32, #tpu.memory_space<vmem>>[vector<16xi32>, vector<16xi32>], vector<16xf32>, vector<16xi1>
      %broadcast_in_dim3A_1078 = arith.constant 11 : i32
      %broadcast_in_dim3A_1079 = vector.broadcast %broadcast_in_dim3A_1078 : i32 to vector<16xi32>
      %gather3A_1080 = tpu.vector_load_idx %arg17[%add3A_1046, %broadcast_in_dim3A_1079] masked %lt3A_1042 : memref<512x64xf32, #tpu.memory_space<vmem>>[vector<16xi32>, vector<16xi32>], vector<16xf32>, vector<16xi1>
      tpu.vector_store_idx %arg16[%add3A_1046, %broadcast_in_dim3A_1079], %gather3A_1080 masked %lt3A_1042 : memref<512x64xf32, #tpu.memory_space<vmem>>[vector<16xi32>, vector<16xi32>], vector<16xf32>, vector<16xi1>
      %broadcast_in_dim3A_1081 = arith.constant 12 : i32
      %broadcast_in_dim3A_1082 = vector.broadcast %broadcast_in_dim3A_1081 : i32 to vector<16xi32>
      %gather3A_1083 = tpu.vector_load_idx %arg17[%add3A_1046, %broadcast_in_dim3A_1082] masked %lt3A_1042 : memref<512x64xf32, #tpu.memory_space<vmem>>[vector<16xi32>, vector<16xi32>], vector<16xf32>, vector<16xi1>
      tpu.vector_store_idx %arg16[%add3A_1046, %broadcast_in_dim3A_1082], %gather3A_1083 masked %lt3A_1042 : memref<512x64xf32, #tpu.memory_space<vmem>>[vector<16xi32>, vector<16xi32>], vector<16xf32>, vector<16xi1>
      %broadcast_in_dim3A_1084 = arith.constant 13 : i32
      %broadcast_in_dim3A_1085 = vector.broadcast %broadcast_in_dim3A_1084 : i32 to vector<16xi32>
      %gather3A_1086 = tpu.vector_load_idx %arg17[%add3A_1046, %broadcast_in_dim3A_1085] masked %lt3A_1042 : memref<512x64xf32, #tpu.memory_space<vmem>>[vector<16xi32>, vector<16xi32>], vector<16xf32>, vector<16xi1>
      tpu.vector_store_idx %arg16[%add3A_1046, %broadcast_in_dim3A_1085], %gather3A_1086 masked %lt3A_1042 : memref<512x64xf32, #tpu.memory_space<vmem>>[vector<16xi32>, vector<16xi32>], vector<16xf32>, vector<16xi1>
      %broadcast_in_dim3A_1087 = arith.constant 14 : i32
      %broadcast_in_dim3A_1088 = vector.broadcast %broadcast_in_dim3A_1087 : i32 to vector<16xi32>
      %gather3A_1089 = tpu.vector_load_idx %arg17[%add3A_1046, %broadcast_in_dim3A_1088] masked %lt3A_1042 : memref<512x64xf32, #tpu.memory_space<vmem>>[vector<16xi32>, vector<16xi32>], vector<16xf32>, vector<16xi1>
      tpu.vector_store_idx %arg16[%add3A_1046, %broadcast_in_dim3A_1088], %gather3A_1089 masked %lt3A_1042 : memref<512x64xf32, #tpu.memory_space<vmem>>[vector<16xi32>, vector<16xi32>], vector<16xf32>, vector<16xi1>
      %broadcast_in_dim3A_1090 = arith.constant 15 : i32
      %broadcast_in_dim3A_1091 = vector.broadcast %broadcast_in_dim3A_1090 : i32 to vector<16xi32>
      %gather3A_1092 = tpu.vector_load_idx %arg17[%add3A_1046, %broadcast_in_dim3A_1091] masked %lt3A_1042 : memref<512x64xf32, #tpu.memory_space<vmem>>[vector<16xi32>, vector<16xi32>], vector<16xf32>, vector<16xi1>
      tpu.vector_store_idx %arg16[%add3A_1046, %broadcast_in_dim3A_1091], %gather3A_1092 masked %lt3A_1042 : memref<512x64xf32, #tpu.memory_space<vmem>>[vector<16xi32>, vector<16xi32>], vector<16xf32>, vector<16xi1>
      %broadcast_in_dim3A_1093 = arith.constant 16 : i32
      %broadcast_in_dim3A_1094 = vector.broadcast %broadcast_in_dim3A_1093 : i32 to vector<16xi32>
      %gather3A_1095 = tpu.vector_load_idx %arg17[%add3A_1046, %broadcast_in_dim3A_1094] masked %lt3A_1042 : memref<512x64xf32, #tpu.memory_space<vmem>>[vector<16xi32>, vector<16xi32>], vector<16xf32>, vector<16xi1>
      tpu.vector_store_idx %arg16[%add3A_1046, %broadcast_in_dim3A_1094], %gather3A_1095 masked %lt3A_1042 : memref<512x64xf32, #tpu.memory_space<vmem>>[vector<16xi32>, vector<16xi32>], vector<16xf32>, vector<16xi1>
      %broadcast_in_dim3A_1096 = arith.constant 17 : i32
      %broadcast_in_dim3A_1097 = vector.broadcast %broadcast_in_dim3A_1096 : i32 to vector<16xi32>
      %gather3A_1098 = tpu.vector_load_idx %arg17[%add3A_1046, %broadcast_in_dim3A_1097] masked %lt3A_1042 : memref<512x64xf32, #tpu.memory_space<vmem>>[vector<16xi32>, vector<16xi32>], vector<16xf32>, vector<16xi1>
      tpu.vector_store_idx %arg16[%add3A_1046, %broadcast_in_dim3A_1097], %gather3A_1098 masked %lt3A_1042 : memref<512x64xf32, #tpu.memory_space<vmem>>[vector<16xi32>, vector<16xi32>], vector<16xf32>, vector<16xi1>
      %broadcast_in_dim3A_1099 = arith.constant 18 : i32
      %broadcast_in_dim3A_1100 = vector.broadcast %broadcast_in_dim3A_1099 : i32 to vector<16xi32>
      %gather3A_1101 = tpu.vector_load_idx %arg17[%add3A_1046, %broadcast_in_dim3A_1100] masked %lt3A_1042 : memref<512x64xf32, #tpu.memory_space<vmem>>[vector<16xi32>, vector<16xi32>], vector<16xf32>, vector<16xi1>
      tpu.vector_store_idx %arg16[%add3A_1046, %broadcast_in_dim3A_1100], %gather3A_1101 masked %lt3A_1042 : memref<512x64xf32, #tpu.memory_space<vmem>>[vector<16xi32>, vector<16xi32>], vector<16xf32>, vector<16xi1>
      %broadcast_in_dim3A_1102 = arith.constant 19 : i32
      %broadcast_in_dim3A_1103 = vector.broadcast %broadcast_in_dim3A_1102 : i32 to vector<16xi32>
      %gather3A_1104 = tpu.vector_load_idx %arg17[%add3A_1046, %broadcast_in_dim3A_1103] masked %lt3A_1042 : memref<512x64xf32, #tpu.memory_space<vmem>>[vector<16xi32>, vector<16xi32>], vector<16xf32>, vector<16xi1>
      tpu.vector_store_idx %arg16[%add3A_1046, %broadcast_in_dim3A_1103], %gather3A_1104 masked %lt3A_1042 : memref<512x64xf32, #tpu.memory_space<vmem>>[vector<16xi32>, vector<16xi32>], vector<16xf32>, vector<16xi1>
      %broadcast_in_dim3A_1105 = arith.constant 20 : i32
      %broadcast_in_dim3A_1106 = vector.broadcast %broadcast_in_dim3A_1105 : i32 to vector<16xi32>
      %gather3A_1107 = tpu.vector_load_idx %arg17[%add3A_1046, %broadcast_in_dim3A_1106] masked %lt3A_1042 : memref<512x64xf32, #tpu.memory_space<vmem>>[vector<16xi32>, vector<16xi32>], vector<16xf32>, vector<16xi1>
      tpu.vector_store_idx %arg16[%add3A_1046, %broadcast_in_dim3A_1106], %gather3A_1107 masked %lt3A_1042 : memref<512x64xf32, #tpu.memory_space<vmem>>[vector<16xi32>, vector<16xi32>], vector<16xf32>, vector<16xi1>
      %broadcast_in_dim3A_1108 = arith.constant 21 : i32
      %broadcast_in_dim3A_1109 = vector.broadcast %broadcast_in_dim3A_1108 : i32 to vector<16xi32>
      %gather3A_1110 = tpu.vector_load_idx %arg17[%add3A_1046, %broadcast_in_dim3A_1109] masked %lt3A_1042 : memref<512x64xf32, #tpu.memory_space<vmem>>[vector<16xi32>, vector<16xi32>], vector<16xf32>, vector<16xi1>
      tpu.vector_store_idx %arg16[%add3A_1046, %broadcast_in_dim3A_1109], %gather3A_1110 masked %lt3A_1042 : memref<512x64xf32, #tpu.memory_space<vmem>>[vector<16xi32>, vector<16xi32>], vector<16xf32>, vector<16xi1>
      %broadcast_in_dim3A_1111 = arith.constant 22 : i32
      %broadcast_in_dim3A_1112 = vector.broadcast %broadcast_in_dim3A_1111 : i32 to vector<16xi32>
      %gather3A_1113 = tpu.vector_load_idx %arg17[%add3A_1046, %broadcast_in_dim3A_1112] masked %lt3A_1042 : memref<512x64xf32, #tpu.memory_space<vmem>>[vector<16xi32>, vector<16xi32>], vector<16xf32>, vector<16xi1>
      tpu.vector_store_idx %arg16[%add3A_1046, %broadcast_in_dim3A_1112], %gather3A_1113 masked %lt3A_1042 : memref<512x64xf32, #tpu.memory_space<vmem>>[vector<16xi32>, vector<16xi32>], vector<16xf32>, vector<16xi1>
      %broadcast_in_dim3A_1114 = arith.constant 23 : i32
      %broadcast_in_dim3A_1115 = vector.broadcast %broadcast_in_dim3A_1114 : i32 to vector<16xi32>
      %gather3A_1116 = tpu.vector_load_idx %arg17[%add3A_1046, %broadcast_in_dim3A_1115] masked %lt3A_1042 : memref<512x64xf32, #tpu.memory_space<vmem>>[vector<16xi32>, vector<16xi32>], vector<16xf32>, vector<16xi1>
      tpu.vector_store_idx %arg16[%add3A_1046, %broadcast_in_dim3A_1115], %gather3A_1116 masked %lt3A_1042 : memref<512x64xf32, #tpu.memory_space<vmem>>[vector<16xi32>, vector<16xi32>], vector<16xf32>, vector<16xi1>
      %broadcast_in_dim3A_1117 = arith.constant 24 : i32
      %broadcast_in_dim3A_1118 = vector.broadcast %broadcast_in_dim3A_1117 : i32 to vector<16xi32>
      %gather3A_1119 = tpu.vector_load_idx %arg17[%add3A_1046, %broadcast_in_dim3A_1118] masked %lt3A_1042 : memref<512x64xf32, #tpu.memory_space<vmem>>[vector<16xi32>, vector<16xi32>], vector<16xf32>, vector<16xi1>
      tpu.vector_store_idx %arg16[%add3A_1046, %broadcast_in_dim3A_1118], %gather3A_1119 masked %lt3A_1042 : memref<512x64xf32, #tpu.memory_space<vmem>>[vector<16xi32>, vector<16xi32>], vector<16xf32>, vector<16xi1>
      %broadcast_in_dim3A_1120 = arith.constant 25 : i32
      %broadcast_in_dim3A_1121 = vector.broadcast %broadcast_in_dim3A_1120 : i32 to vector<16xi32>
      %gather3A_1122 = tpu.vector_load_idx %arg17[%add3A_1046, %broadcast_in_dim3A_1121] masked %lt3A_1042 : memref<512x64xf32, #tpu.memory_space<vmem>>[vector<16xi32>, vector<16xi32>], vector<16xf32>, vector<16xi1>
      tpu.vector_store_idx %arg16[%add3A_1046, %broadcast_in_dim3A_1121], %gather3A_1122 masked %lt3A_1042 : memref<512x64xf32, #tpu.memory_space<vmem>>[vector<16xi32>, vector<16xi32>], vector<16xf32>, vector<16xi1>
      %broadcast_in_dim3A_1123 = arith.constant 26 : i32
      %broadcast_in_dim3A_1124 = vector.broadcast %broadcast_in_dim3A_1123 : i32 to vector<16xi32>
      %gather3A_1125 = tpu.vector_load_idx %arg17[%add3A_1046, %broadcast_in_dim3A_1124] masked %lt3A_1042 : memref<512x64xf32, #tpu.memory_space<vmem>>[vector<16xi32>, vector<16xi32>], vector<16xf32>, vector<16xi1>
      tpu.vector_store_idx %arg16[%add3A_1046, %broadcast_in_dim3A_1124], %gather3A_1125 masked %lt3A_1042 : memref<512x64xf32, #tpu.memory_space<vmem>>[vector<16xi32>, vector<16xi32>], vector<16xf32>, vector<16xi1>
      %broadcast_in_dim3A_1126 = arith.constant 27 : i32
      %broadcast_in_dim3A_1127 = vector.broadcast %broadcast_in_dim3A_1126 : i32 to vector<16xi32>
      %gather3A_1128 = tpu.vector_load_idx %arg17[%add3A_1046, %broadcast_in_dim3A_1127] masked %lt3A_1042 : memref<512x64xf32, #tpu.memory_space<vmem>>[vector<16xi32>, vector<16xi32>], vector<16xf32>, vector<16xi1>
      tpu.vector_store_idx %arg16[%add3A_1046, %broadcast_in_dim3A_1127], %gather3A_1128 masked %lt3A_1042 : memref<512x64xf32, #tpu.memory_space<vmem>>[vector<16xi32>, vector<16xi32>], vector<16xf32>, vector<16xi1>
      %broadcast_in_dim3A_1129 = arith.constant 28 : i32
      %broadcast_in_dim3A_1130 = vector.broadcast %broadcast_in_dim3A_1129 : i32 to vector<16xi32>
      %gather3A_1131 = tpu.vector_load_idx %arg17[%add3A_1046, %broadcast_in_dim3A_1130] masked %lt3A_1042 : memref<512x64xf32, #tpu.memory_space<vmem>>[vector<16xi32>, vector<16xi32>], vector<16xf32>, vector<16xi1>
      tpu.vector_store_idx %arg16[%add3A_1046, %broadcast_in_dim3A_1130], %gather3A_1131 masked %lt3A_1042 : memref<512x64xf32, #tpu.memory_space<vmem>>[vector<16xi32>, vector<16xi32>], vector<16xf32>, vector<16xi1>
      %broadcast_in_dim3A_1132 = arith.constant 29 : i32
      %broadcast_in_dim3A_1133 = vector.broadcast %broadcast_in_dim3A_1132 : i32 to vector<16xi32>
      %gather3A_1134 = tpu.vector_load_idx %arg17[%add3A_1046, %broadcast_in_dim3A_1133] masked %lt3A_1042 : memref<512x64xf32, #tpu.memory_space<vmem>>[vector<16xi32>, vector<16xi32>], vector<16xf32>, vector<16xi1>
      tpu.vector_store_idx %arg16[%add3A_1046, %broadcast_in_dim3A_1133], %gather3A_1134 masked %lt3A_1042 : memref<512x64xf32, #tpu.memory_space<vmem>>[vector<16xi32>, vector<16xi32>], vector<16xf32>, vector<16xi1>
      %broadcast_in_dim3A_1135 = arith.constant 30 : i32
      %broadcast_in_dim3A_1136 = vector.broadcast %broadcast_in_dim3A_1135 : i32 to vector<16xi32>
      %gather3A_1137 = tpu.vector_load_idx %arg17[%add3A_1046, %broadcast_in_dim3A_1136] masked %lt3A_1042 : memref<512x64xf32, #tpu.memory_space<vmem>>[vector<16xi32>, vector<16xi32>], vector<16xf32>, vector<16xi1>
      tpu.vector_store_idx %arg16[%add3A_1046, %broadcast_in_dim3A_1136], %gather3A_1137 masked %lt3A_1042 : memref<512x64xf32, #tpu.memory_space<vmem>>[vector<16xi32>, vector<16xi32>], vector<16xf32>, vector<16xi1>
      %broadcast_in_dim3A_1138 = arith.constant 31 : i32
      %broadcast_in_dim3A_1139 = vector.broadcast %broadcast_in_dim3A_1138 : i32 to vector<16xi32>
      %gather3A_1140 = tpu.vector_load_idx %arg17[%add3A_1046, %broadcast_in_dim3A_1139] masked %lt3A_1042 : memref<512x64xf32, #tpu.memory_space<vmem>>[vector<16xi32>, vector<16xi32>], vector<16xf32>, vector<16xi1>
      tpu.vector_store_idx %arg16[%add3A_1046, %broadcast_in_dim3A_1139], %gather3A_1140 masked %lt3A_1042 : memref<512x64xf32, #tpu.memory_space<vmem>>[vector<16xi32>, vector<16xi32>], vector<16xf32>, vector<16xi1>
      %broadcast_in_dim3A_1141 = arith.constant 32 : i32
      %broadcast_in_dim3A_1142 = vector.broadcast %broadcast_in_dim3A_1141 : i32 to vector<16xi32>
      %gather3A_1143 = tpu.vector_load_idx %arg17[%add3A_1046, %broadcast_in_dim3A_1142] masked %lt3A_1042 : memref<512x64xf32, #tpu.memory_space<vmem>>[vector<16xi32>, vector<16xi32>], vector<16xf32>, vector<16xi1>
      tpu.vector_store_idx %arg16[%add3A_1046, %broadcast_in_dim3A_1142], %gather3A_1143 masked %lt3A_1042 : memref<512x64xf32, #tpu.memory_space<vmem>>[vector<16xi32>, vector<16xi32>], vector<16xf32>, vector<16xi1>
      %broadcast_in_dim3A_1144 = arith.constant 33 : i32
      %broadcast_in_dim3A_1145 = vector.broadcast %broadcast_in_dim3A_1144 : i32 to vector<16xi32>
      %gather3A_1146 = tpu.vector_load_idx %arg17[%add3A_1046, %broadcast_in_dim3A_1145] masked %lt3A_1042 : memref<512x64xf32, #tpu.memory_space<vmem>>[vector<16xi32>, vector<16xi32>], vector<16xf32>, vector<16xi1>
      tpu.vector_store_idx %arg16[%add3A_1046, %broadcast_in_dim3A_1145], %gather3A_1146 masked %lt3A_1042 : memref<512x64xf32, #tpu.memory_space<vmem>>[vector<16xi32>, vector<16xi32>], vector<16xf32>, vector<16xi1>
      %broadcast_in_dim3A_1147 = arith.constant 34 : i32
      %broadcast_in_dim3A_1148 = vector.broadcast %broadcast_in_dim3A_1147 : i32 to vector<16xi32>
      %gather3A_1149 = tpu.vector_load_idx %arg17[%add3A_1046, %broadcast_in_dim3A_1148] masked %lt3A_1042 : memref<512x64xf32, #tpu.memory_space<vmem>>[vector<16xi32>, vector<16xi32>], vector<16xf32>, vector<16xi1>
      tpu.vector_store_idx %arg16[%add3A_1046, %broadcast_in_dim3A_1148], %gather3A_1149 masked %lt3A_1042 : memref<512x64xf32, #tpu.memory_space<vmem>>[vector<16xi32>, vector<16xi32>], vector<16xf32>, vector<16xi1>
      %broadcast_in_dim3A_1150 = arith.constant 35 : i32
      %broadcast_in_dim3A_1151 = vector.broadcast %broadcast_in_dim3A_1150 : i32 to vector<16xi32>
      %gather3A_1152 = tpu.vector_load_idx %arg17[%add3A_1046, %broadcast_in_dim3A_1151] masked %lt3A_1042 : memref<512x64xf32, #tpu.memory_space<vmem>>[vector<16xi32>, vector<16xi32>], vector<16xf32>, vector<16xi1>
      tpu.vector_store_idx %arg16[%add3A_1046, %broadcast_in_dim3A_1151], %gather3A_1152 masked %lt3A_1042 : memref<512x64xf32, #tpu.memory_space<vmem>>[vector<16xi32>, vector<16xi32>], vector<16xf32>, vector<16xi1>
      %broadcast_in_dim3A_1153 = arith.constant 36 : i32
      %broadcast_in_dim3A_1154 = vector.broadcast %broadcast_in_dim3A_1153 : i32 to vector<16xi32>
      %gather3A_1155 = tpu.vector_load_idx %arg17[%add3A_1046, %broadcast_in_dim3A_1154] masked %lt3A_1042 : memref<512x64xf32, #tpu.memory_space<vmem>>[vector<16xi32>, vector<16xi32>], vector<16xf32>, vector<16xi1>
      tpu.vector_store_idx %arg16[%add3A_1046, %broadcast_in_dim3A_1154], %gather3A_1155 masked %lt3A_1042 : memref<512x64xf32, #tpu.memory_space<vmem>>[vector<16xi32>, vector<16xi32>], vector<16xf32>, vector<16xi1>
      %broadcast_in_dim3A_1156 = arith.constant 37 : i32
      %broadcast_in_dim3A_1157 = vector.broadcast %broadcast_in_dim3A_1156 : i32 to vector<16xi32>
      %gather3A_1158 = tpu.vector_load_idx %arg17[%add3A_1046, %broadcast_in_dim3A_1157] masked %lt3A_1042 : memref<512x64xf32, #tpu.memory_space<vmem>>[vector<16xi32>, vector<16xi32>], vector<16xf32>, vector<16xi1>
      tpu.vector_store_idx %arg16[%add3A_1046, %broadcast_in_dim3A_1157], %gather3A_1158 masked %lt3A_1042 : memref<512x64xf32, #tpu.memory_space<vmem>>[vector<16xi32>, vector<16xi32>], vector<16xf32>, vector<16xi1>
      %broadcast_in_dim3A_1159 = arith.constant 38 : i32
      %broadcast_in_dim3A_1160 = vector.broadcast %broadcast_in_dim3A_1159 : i32 to vector<16xi32>
      %gather3A_1161 = tpu.vector_load_idx %arg17[%add3A_1046, %broadcast_in_dim3A_1160] masked %lt3A_1042 : memref<512x64xf32, #tpu.memory_space<vmem>>[vector<16xi32>, vector<16xi32>], vector<16xf32>, vector<16xi1>
      tpu.vector_store_idx %arg16[%add3A_1046, %broadcast_in_dim3A_1160], %gather3A_1161 masked %lt3A_1042 : memref<512x64xf32, #tpu.memory_space<vmem>>[vector<16xi32>, vector<16xi32>], vector<16xf32>, vector<16xi1>
      %broadcast_in_dim3A_1162 = arith.constant 39 : i32
      %broadcast_in_dim3A_1163 = vector.broadcast %broadcast_in_dim3A_1162 : i32 to vector<16xi32>
      %gather3A_1164 = tpu.vector_load_idx %arg17[%add3A_1046, %broadcast_in_dim3A_1163] masked %lt3A_1042 : memref<512x64xf32, #tpu.memory_space<vmem>>[vector<16xi32>, vector<16xi32>], vector<16xf32>, vector<16xi1>
      tpu.vector_store_idx %arg16[%add3A_1046, %broadcast_in_dim3A_1163], %gather3A_1164 masked %lt3A_1042 : memref<512x64xf32, #tpu.memory_space<vmem>>[vector<16xi32>, vector<16xi32>], vector<16xf32>, vector<16xi1>
      %broadcast_in_dim3A_1165 = arith.constant 40 : i32
      %broadcast_in_dim3A_1166 = vector.broadcast %broadcast_in_dim3A_1165 : i32 to vector<16xi32>
      %gather3A_1167 = tpu.vector_load_idx %arg17[%add3A_1046, %broadcast_in_dim3A_1166] masked %lt3A_1042 : memref<512x64xf32, #tpu.memory_space<vmem>>[vector<16xi32>, vector<16xi32>], vector<16xf32>, vector<16xi1>
      tpu.vector_store_idx %arg16[%add3A_1046, %broadcast_in_dim3A_1166], %gather3A_1167 masked %lt3A_1042 : memref<512x64xf32, #tpu.memory_space<vmem>>[vector<16xi32>, vector<16xi32>], vector<16xf32>, vector<16xi1>
      %broadcast_in_dim3A_1168 = arith.constant 41 : i32
      %broadcast_in_dim3A_1169 = vector.broadcast %broadcast_in_dim3A_1168 : i32 to vector<16xi32>
      %gather3A_1170 = tpu.vector_load_idx %arg17[%add3A_1046, %broadcast_in_dim3A_1169] masked %lt3A_1042 : memref<512x64xf32, #tpu.memory_space<vmem>>[vector<16xi32>, vector<16xi32>], vector<16xf32>, vector<16xi1>
      tpu.vector_store_idx %arg16[%add3A_1046, %broadcast_in_dim3A_1169], %gather3A_1170 masked %lt3A_1042 : memref<512x64xf32, #tpu.memory_space<vmem>>[vector<16xi32>, vector<16xi32>], vector<16xf32>, vector<16xi1>
      %broadcast_in_dim3A_1171 = arith.constant 42 : i32
      %broadcast_in_dim3A_1172 = vector.broadcast %broadcast_in_dim3A_1171 : i32 to vector<16xi32>
      %gather3A_1173 = tpu.vector_load_idx %arg17[%add3A_1046, %broadcast_in_dim3A_1172] masked %lt3A_1042 : memref<512x64xf32, #tpu.memory_space<vmem>>[vector<16xi32>, vector<16xi32>], vector<16xf32>, vector<16xi1>
      tpu.vector_store_idx %arg16[%add3A_1046, %broadcast_in_dim3A_1172], %gather3A_1173 masked %lt3A_1042 : memref<512x64xf32, #tpu.memory_space<vmem>>[vector<16xi32>, vector<16xi32>], vector<16xf32>, vector<16xi1>
      %broadcast_in_dim3A_1174 = arith.constant 43 : i32
      %broadcast_in_dim3A_1175 = vector.broadcast %broadcast_in_dim3A_1174 : i32 to vector<16xi32>
      %gather3A_1176 = tpu.vector_load_idx %arg17[%add3A_1046, %broadcast_in_dim3A_1175] masked %lt3A_1042 : memref<512x64xf32, #tpu.memory_space<vmem>>[vector<16xi32>, vector<16xi32>], vector<16xf32>, vector<16xi1>
      tpu.vector_store_idx %arg16[%add3A_1046, %broadcast_in_dim3A_1175], %gather3A_1176 masked %lt3A_1042 : memref<512x64xf32, #tpu.memory_space<vmem>>[vector<16xi32>, vector<16xi32>], vector<16xf32>, vector<16xi1>
      %broadcast_in_dim3A_1177 = arith.constant 44 : i32
      %broadcast_in_dim3A_1178 = vector.broadcast %broadcast_in_dim3A_1177 : i32 to vector<16xi32>
      %gather3A_1179 = tpu.vector_load_idx %arg17[%add3A_1046, %broadcast_in_dim3A_1178] masked %lt3A_1042 : memref<512x64xf32, #tpu.memory_space<vmem>>[vector<16xi32>, vector<16xi32>], vector<16xf32>, vector<16xi1>
      tpu.vector_store_idx %arg16[%add3A_1046, %broadcast_in_dim3A_1178], %gather3A_1179 masked %lt3A_1042 : memref<512x64xf32, #tpu.memory_space<vmem>>[vector<16xi32>, vector<16xi32>], vector<16xf32>, vector<16xi1>
      %broadcast_in_dim3A_1180 = arith.constant 45 : i32
      %broadcast_in_dim3A_1181 = vector.broadcast %broadcast_in_dim3A_1180 : i32 to vector<16xi32>
      %gather3A_1182 = tpu.vector_load_idx %arg17[%add3A_1046, %broadcast_in_dim3A_1181] masked %lt3A_1042 : memref<512x64xf32, #tpu.memory_space<vmem>>[vector<16xi32>, vector<16xi32>], vector<16xf32>, vector<16xi1>
      tpu.vector_store_idx %arg16[%add3A_1046, %broadcast_in_dim3A_1181], %gather3A_1182 masked %lt3A_1042 : memref<512x64xf32, #tpu.memory_space<vmem>>[vector<16xi32>, vector<16xi32>], vector<16xf32>, vector<16xi1>
      %broadcast_in_dim3A_1183 = arith.constant 46 : i32
      %broadcast_in_dim3A_1184 = vector.broadcast %broadcast_in_dim3A_1183 : i32 to vector<16xi32>
      %gather3A_1185 = tpu.vector_load_idx %arg17[%add3A_1046, %broadcast_in_dim3A_1184] masked %lt3A_1042 : memref<512x64xf32, #tpu.memory_space<vmem>>[vector<16xi32>, vector<16xi32>], vector<16xf32>, vector<16xi1>
      tpu.vector_store_idx %arg16[%add3A_1046, %broadcast_in_dim3A_1184], %gather3A_1185 masked %lt3A_1042 : memref<512x64xf32, #tpu.memory_space<vmem>>[vector<16xi32>, vector<16xi32>], vector<16xf32>, vector<16xi1>
      %broadcast_in_dim3A_1186 = arith.constant 47 : i32
      %broadcast_in_dim3A_1187 = vector.broadcast %broadcast_in_dim3A_1186 : i32 to vector<16xi32>
      %gather3A_1188 = tpu.vector_load_idx %arg17[%add3A_1046, %broadcast_in_dim3A_1187] masked %lt3A_1042 : memref<512x64xf32, #tpu.memory_space<vmem>>[vector<16xi32>, vector<16xi32>], vector<16xf32>, vector<16xi1>
      tpu.vector_store_idx %arg16[%add3A_1046, %broadcast_in_dim3A_1187], %gather3A_1188 masked %lt3A_1042 : memref<512x64xf32, #tpu.memory_space<vmem>>[vector<16xi32>, vector<16xi32>], vector<16xf32>, vector<16xi1>
      %broadcast_in_dim3A_1189 = arith.constant 48 : i32
      %broadcast_in_dim3A_1190 = vector.broadcast %broadcast_in_dim3A_1189 : i32 to vector<16xi32>
      %gather3A_1191 = tpu.vector_load_idx %arg17[%add3A_1046, %broadcast_in_dim3A_1190] masked %lt3A_1042 : memref<512x64xf32, #tpu.memory_space<vmem>>[vector<16xi32>, vector<16xi32>], vector<16xf32>, vector<16xi1>
      tpu.vector_store_idx %arg16[%add3A_1046, %broadcast_in_dim3A_1190], %gather3A_1191 masked %lt3A_1042 : memref<512x64xf32, #tpu.memory_space<vmem>>[vector<16xi32>, vector<16xi32>], vector<16xf32>, vector<16xi1>
      %broadcast_in_dim3A_1192 = arith.constant 49 : i32
      %broadcast_in_dim3A_1193 = vector.broadcast %broadcast_in_dim3A_1192 : i32 to vector<16xi32>
      %gather3A_1194 = tpu.vector_load_idx %arg17[%add3A_1046, %broadcast_in_dim3A_1193] masked %lt3A_1042 : memref<512x64xf32, #tpu.memory_space<vmem>>[vector<16xi32>, vector<16xi32>], vector<16xf32>, vector<16xi1>
      tpu.vector_store_idx %arg16[%add3A_1046, %broadcast_in_dim3A_1193], %gather3A_1194 masked %lt3A_1042 : memref<512x64xf32, #tpu.memory_space<vmem>>[vector<16xi32>, vector<16xi32>], vector<16xf32>, vector<16xi1>
      %broadcast_in_dim3A_1195 = arith.constant 50 : i32
      %broadcast_in_dim3A_1196 = vector.broadcast %broadcast_in_dim3A_1195 : i32 to vector<16xi32>
      %gather3A_1197 = tpu.vector_load_idx %arg17[%add3A_1046, %broadcast_in_dim3A_1196] masked %lt3A_1042 : memref<512x64xf32, #tpu.memory_space<vmem>>[vector<16xi32>, vector<16xi32>], vector<16xf32>, vector<16xi1>
      tpu.vector_store_idx %arg16[%add3A_1046, %broadcast_in_dim3A_1196], %gather3A_1197 masked %lt3A_1042 : memref<512x64xf32, #tpu.memory_space<vmem>>[vector<16xi32>, vector<16xi32>], vector<16xf32>, vector<16xi1>
      %broadcast_in_dim3A_1198 = arith.constant 51 : i32
      %broadcast_in_dim3A_1199 = vector.broadcast %broadcast_in_dim3A_1198 : i32 to vector<16xi32>
      %gather3A_1200 = tpu.vector_load_idx %arg17[%add3A_1046, %broadcast_in_dim3A_1199] masked %lt3A_1042 : memref<512x64xf32, #tpu.memory_space<vmem>>[vector<16xi32>, vector<16xi32>], vector<16xf32>, vector<16xi1>
      tpu.vector_store_idx %arg16[%add3A_1046, %broadcast_in_dim3A_1199], %gather3A_1200 masked %lt3A_1042 : memref<512x64xf32, #tpu.memory_space<vmem>>[vector<16xi32>, vector<16xi32>], vector<16xf32>, vector<16xi1>
      %broadcast_in_dim3A_1201 = arith.constant 52 : i32
      %broadcast_in_dim3A_1202 = vector.broadcast %broadcast_in_dim3A_1201 : i32 to vector<16xi32>
      %gather3A_1203 = tpu.vector_load_idx %arg17[%add3A_1046, %broadcast_in_dim3A_1202] masked %lt3A_1042 : memref<512x64xf32, #tpu.memory_space<vmem>>[vector<16xi32>, vector<16xi32>], vector<16xf32>, vector<16xi1>
      tpu.vector_store_idx %arg16[%add3A_1046, %broadcast_in_dim3A_1202], %gather3A_1203 masked %lt3A_1042 : memref<512x64xf32, #tpu.memory_space<vmem>>[vector<16xi32>, vector<16xi32>], vector<16xf32>, vector<16xi1>
      %broadcast_in_dim3A_1204 = arith.constant 53 : i32
      %broadcast_in_dim3A_1205 = vector.broadcast %broadcast_in_dim3A_1204 : i32 to vector<16xi32>
      %gather3A_1206 = tpu.vector_load_idx %arg17[%add3A_1046, %broadcast_in_dim3A_1205] masked %lt3A_1042 : memref<512x64xf32, #tpu.memory_space<vmem>>[vector<16xi32>, vector<16xi32>], vector<16xf32>, vector<16xi1>
      tpu.vector_store_idx %arg16[%add3A_1046, %broadcast_in_dim3A_1205], %gather3A_1206 masked %lt3A_1042 : memref<512x64xf32, #tpu.memory_space<vmem>>[vector<16xi32>, vector<16xi32>], vector<16xf32>, vector<16xi1>
      %broadcast_in_dim3A_1207 = arith.constant 54 : i32
      %broadcast_in_dim3A_1208 = vector.broadcast %broadcast_in_dim3A_1207 : i32 to vector<16xi32>
      %gather3A_1209 = tpu.vector_load_idx %arg17[%add3A_1046, %broadcast_in_dim3A_1208] masked %lt3A_1042 : memref<512x64xf32, #tpu.memory_space<vmem>>[vector<16xi32>, vector<16xi32>], vector<16xf32>, vector<16xi1>
      tpu.vector_store_idx %arg16[%add3A_1046, %broadcast_in_dim3A_1208], %gather3A_1209 masked %lt3A_1042 : memref<512x64xf32, #tpu.memory_space<vmem>>[vector<16xi32>, vector<16xi32>], vector<16xf32>, vector<16xi1>
      %broadcast_in_dim3A_1210 = arith.constant 55 : i32
      %broadcast_in_dim3A_1211 = vector.broadcast %broadcast_in_dim3A_1210 : i32 to vector<16xi32>
      %gather3A_1212 = tpu.vector_load_idx %arg17[%add3A_1046, %broadcast_in_dim3A_1211] masked %lt3A_1042 : memref<512x64xf32, #tpu.memory_space<vmem>>[vector<16xi32>, vector<16xi32>], vector<16xf32>, vector<16xi1>
      tpu.vector_store_idx %arg16[%add3A_1046, %broadcast_in_dim3A_1211], %gather3A_1212 masked %lt3A_1042 : memref<512x64xf32, #tpu.memory_space<vmem>>[vector<16xi32>, vector<16xi32>], vector<16xf32>, vector<16xi1>
      %broadcast_in_dim3A_1213 = arith.constant 56 : i32
      %broadcast_in_dim3A_1214 = vector.broadcast %broadcast_in_dim3A_1213 : i32 to vector<16xi32>
      %gather3A_1215 = tpu.vector_load_idx %arg17[%add3A_1046, %broadcast_in_dim3A_1214] masked %lt3A_1042 : memref<512x64xf32, #tpu.memory_space<vmem>>[vector<16xi32>, vector<16xi32>], vector<16xf32>, vector<16xi1>
      tpu.vector_store_idx %arg16[%add3A_1046, %broadcast_in_dim3A_1214], %gather3A_1215 masked %lt3A_1042 : memref<512x64xf32, #tpu.memory_space<vmem>>[vector<16xi32>, vector<16xi32>], vector<16xf32>, vector<16xi1>
      %broadcast_in_dim3A_1216 = arith.constant 57 : i32
      %broadcast_in_dim3A_1217 = vector.broadcast %broadcast_in_dim3A_1216 : i32 to vector<16xi32>
      %gather3A_1218 = tpu.vector_load_idx %arg17[%add3A_1046, %broadcast_in_dim3A_1217] masked %lt3A_1042 : memref<512x64xf32, #tpu.memory_space<vmem>>[vector<16xi32>, vector<16xi32>], vector<16xf32>, vector<16xi1>
      tpu.vector_store_idx %arg16[%add3A_1046, %broadcast_in_dim3A_1217], %gather3A_1218 masked %lt3A_1042 : memref<512x64xf32, #tpu.memory_space<vmem>>[vector<16xi32>, vector<16xi32>], vector<16xf32>, vector<16xi1>
      %broadcast_in_dim3A_1219 = arith.constant 58 : i32
      %broadcast_in_dim3A_1220 = vector.broadcast %broadcast_in_dim3A_1219 : i32 to vector<16xi32>
      %gather3A_1221 = tpu.vector_load_idx %arg17[%add3A_1046, %broadcast_in_dim3A_1220] masked %lt3A_1042 : memref<512x64xf32, #tpu.memory_space<vmem>>[vector<16xi32>, vector<16xi32>], vector<16xf32>, vector<16xi1>
      tpu.vector_store_idx %arg16[%add3A_1046, %broadcast_in_dim3A_1220], %gather3A_1221 masked %lt3A_1042 : memref<512x64xf32, #tpu.memory_space<vmem>>[vector<16xi32>, vector<16xi32>], vector<16xf32>, vector<16xi1>
      %broadcast_in_dim3A_1222 = arith.constant 59 : i32
      %broadcast_in_dim3A_1223 = vector.broadcast %broadcast_in_dim3A_1222 : i32 to vector<16xi32>
      %gather3A_1224 = tpu.vector_load_idx %arg17[%add3A_1046, %broadcast_in_dim3A_1223] masked %lt3A_1042 : memref<512x64xf32, #tpu.memory_space<vmem>>[vector<16xi32>, vector<16xi32>], vector<16xf32>, vector<16xi1>
      tpu.vector_store_idx %arg16[%add3A_1046, %broadcast_in_dim3A_1223], %gather3A_1224 masked %lt3A_1042 : memref<512x64xf32, #tpu.memory_space<vmem>>[vector<16xi32>, vector<16xi32>], vector<16xf32>, vector<16xi1>
      %broadcast_in_dim3A_1225 = arith.constant 60 : i32
      %broadcast_in_dim3A_1226 = vector.broadcast %broadcast_in_dim3A_1225 : i32 to vector<16xi32>
      %gather3A_1227 = tpu.vector_load_idx %arg17[%add3A_1046, %broadcast_in_dim3A_1226] masked %lt3A_1042 : memref<512x64xf32, #tpu.memory_space<vmem>>[vector<16xi32>, vector<16xi32>], vector<16xf32>, vector<16xi1>
      tpu.vector_store_idx %arg16[%add3A_1046, %broadcast_in_dim3A_1226], %gather3A_1227 masked %lt3A_1042 : memref<512x64xf32, #tpu.memory_space<vmem>>[vector<16xi32>, vector<16xi32>], vector<16xf32>, vector<16xi1>
      %broadcast_in_dim3A_1228 = arith.constant 61 : i32
      %broadcast_in_dim3A_1229 = vector.broadcast %broadcast_in_dim3A_1228 : i32 to vector<16xi32>
      %gather3A_1230 = tpu.vector_load_idx %arg17[%add3A_1046, %broadcast_in_dim3A_1229] masked %lt3A_1042 : memref<512x64xf32, #tpu.memory_space<vmem>>[vector<16xi32>, vector<16xi32>], vector<16xf32>, vector<16xi1>
      tpu.vector_store_idx %arg16[%add3A_1046, %broadcast_in_dim3A_1229], %gather3A_1230 masked %lt3A_1042 : memref<512x64xf32, #tpu.memory_space<vmem>>[vector<16xi32>, vector<16xi32>], vector<16xf32>, vector<16xi1>
      %broadcast_in_dim3A_1231 = arith.constant 62 : i32
      %broadcast_in_dim3A_1232 = vector.broadcast %broadcast_in_dim3A_1231 : i32 to vector<16xi32>
      %gather3A_1233 = tpu.vector_load_idx %arg17[%add3A_1046, %broadcast_in_dim3A_1232] masked %lt3A_1042 : memref<512x64xf32, #tpu.memory_space<vmem>>[vector<16xi32>, vector<16xi32>], vector<16xf32>, vector<16xi1>
      tpu.vector_store_idx %arg16[%add3A_1046, %broadcast_in_dim3A_1232], %gather3A_1233 masked %lt3A_1042 : memref<512x64xf32, #tpu.memory_space<vmem>>[vector<16xi32>, vector<16xi32>], vector<16xf32>, vector<16xi1>
      %broadcast_in_dim3A_1234 = arith.constant 63 : i32
      %broadcast_in_dim3A_1235 = vector.broadcast %broadcast_in_dim3A_1234 : i32 to vector<16xi32>
      %gather3A_1236 = tpu.vector_load_idx %arg17[%add3A_1046, %broadcast_in_dim3A_1235] masked %lt3A_1042 : memref<512x64xf32, #tpu.memory_space<vmem>>[vector<16xi32>, vector<16xi32>], vector<16xf32>, vector<16xi1>
      tpu.vector_store_idx %arg16[%add3A_1046, %broadcast_in_dim3A_1235], %gather3A_1236 masked %lt3A_1042 : memref<512x64xf32, #tpu.memory_space<vmem>>[vector<16xi32>, vector<16xi32>], vector<16xf32>, vector<16xi1>
    }
    %scan3A_982 = arith.constant 8 : i32
    %add3A_983 = arith.constant 384 : i32
    %add3A_984 = arith.addi %mul3A_2, %add3A_983 : i32
    %dma_start3A_985 = arith.constant 384 : i32
    %dma_start3A_986 = arith.constant 0 : i32
    %dma_start3A_987 = tpu.memref_slice %arg16[%dma_start3A_985, %dma_start3A_986] : memref<512x64xf32, #tpu.memory_space<vmem>> -> memref<128x64xf32, #tpu.memory_space<vmem>>
    %dma_start3A_988 = arith.constant 0 : i32
    %dma_start3A_989 = tpu.memref_slice %arg5[%add3A_984, %dma_start3A_988] : memref<16384x64xf32, #tpu.memory_space<hbm>> -> memref<128x64xf32, #tpu.memory_space<hbm>>
    %dma_start3A_990 = arith.constant 0 : i32
    %dma_start3A_991 = tpu.memref_slice %arg5[%add3A_984, %dma_start3A_990] : memref<16384x64xf32, #tpu.memory_space<hbm>> -> memref<128x64xf32, #tpu.memory_space<hbm>>
    %dma_start3A_992 = arith.constant 384 : i32
    %dma_start3A_993 = arith.constant 0 : i32
    %dma_start3A_994 = tpu.memref_slice %arg16[%dma_start3A_992, %dma_start3A_993] : memref<512x64xf32, #tpu.memory_space<vmem>> -> memref<128x64xf32, #tpu.memory_space<vmem>>
    tpu.enqueue_dma source(%dma_start3A_994 : memref<128x64xf32, #tpu.memory_space<vmem>>) target(%dma_start3A_991 : memref<128x64xf32, #tpu.memory_space<hbm>>) target_semaphore(%arg20 : memref<!tpu.dma_semaphore, #tpu.memory_space<semaphore_mem>>)
    %dma_wait3A_995 = arith.constant 0 : i32
    %dma_wait3A_996 = arith.constant 0 : i32
    %dma_wait3A_997 = tpu.memref_slice %arg16[%dma_wait3A_995, %dma_wait3A_996] : memref<512x64xf32, #tpu.memory_space<vmem>> -> memref<128x64xf32, #tpu.memory_space<vmem>>
    %dma_wait3A_998 = arith.constant 0 : i32
    %dma_wait3A_999 = tpu.memref_slice %arg5[%add3A_894, %dma_wait3A_998] : memref<16384x64xf32, #tpu.memory_space<hbm>> -> memref<128x64xf32, #tpu.memory_space<hbm>>
    %dma_wait3A_1000 = arith.constant 0 : i32
    %dma_wait3A_1001 = tpu.memref_slice %arg5[%add3A_894, %dma_wait3A_1000] : memref<16384x64xf32, #tpu.memory_space<hbm>> -> memref<128x64xf32, #tpu.memory_space<hbm>>
    %dma_wait3A_1002 = arith.constant 0 : i32
    %dma_wait3A_1003 = arith.constant 0 : i32
    %dma_wait3A_1004 = tpu.memref_slice %arg16[%dma_wait3A_1002, %dma_wait3A_1003] : memref<512x64xf32, #tpu.memory_space<vmem>> -> memref<128x64xf32, #tpu.memory_space<vmem>>
    tpu.wait_dma2 semaphore(%arg20 : memref<!tpu.dma_semaphore, #tpu.memory_space<semaphore_mem>>) src(%dma_wait3A_1004 : memref<128x64xf32, #tpu.memory_space<vmem>>) dst(%dma_wait3A_1001 : memref<128x64xf32, #tpu.memory_space<hbm>>)
    %dma_wait3A_1005 = arith.constant 128 : i32
    %dma_wait3A_1006 = arith.constant 0 : i32
    %dma_wait3A_1007 = tpu.memref_slice %arg16[%dma_wait3A_1005, %dma_wait3A_1006] : memref<512x64xf32, #tpu.memory_space<vmem>> -> memref<128x64xf32, #tpu.memory_space<vmem>>
    %dma_wait3A_1008 = arith.constant 0 : i32
    %dma_wait3A_1009 = tpu.memref_slice %arg5[%add3A_924, %dma_wait3A_1008] : memref<16384x64xf32, #tpu.memory_space<hbm>> -> memref<128x64xf32, #tpu.memory_space<hbm>>
    %dma_wait3A_1010 = arith.constant 0 : i32
    %dma_wait3A_1011 = tpu.memref_slice %arg5[%add3A_924, %dma_wait3A_1010] : memref<16384x64xf32, #tpu.memory_space<hbm>> -> memref<128x64xf32, #tpu.memory_space<hbm>>
    %dma_wait3A_1012 = arith.constant 128 : i32
    %dma_wait3A_1013 = arith.constant 0 : i32
    %dma_wait3A_1014 = tpu.memref_slice %arg16[%dma_wait3A_1012, %dma_wait3A_1013] : memref<512x64xf32, #tpu.memory_space<vmem>> -> memref<128x64xf32, #tpu.memory_space<vmem>>
    tpu.wait_dma2 semaphore(%arg20 : memref<!tpu.dma_semaphore, #tpu.memory_space<semaphore_mem>>) src(%dma_wait3A_1014 : memref<128x64xf32, #tpu.memory_space<vmem>>) dst(%dma_wait3A_1011 : memref<128x64xf32, #tpu.memory_space<hbm>>)
    %dma_wait3A_1015 = arith.constant 256 : i32
    %dma_wait3A_1016 = arith.constant 0 : i32
    %dma_wait3A_1017 = tpu.memref_slice %arg16[%dma_wait3A_1015, %dma_wait3A_1016] : memref<512x64xf32, #tpu.memory_space<vmem>> -> memref<128x64xf32, #tpu.memory_space<vmem>>
    %dma_wait3A_1018 = arith.constant 0 : i32
    %dma_wait3A_1019 = tpu.memref_slice %arg5[%add3A_954, %dma_wait3A_1018] : memref<16384x64xf32, #tpu.memory_space<hbm>> -> memref<128x64xf32, #tpu.memory_space<hbm>>
    %dma_wait3A_1020 = arith.constant 0 : i32
    %dma_wait3A_1021 = tpu.memref_slice %arg5[%add3A_954, %dma_wait3A_1020] : memref<16384x64xf32, #tpu.memory_space<hbm>> -> memref<128x64xf32, #tpu.memory_space<hbm>>
    %dma_wait3A_1022 = arith.constant 256 : i32
    %dma_wait3A_1023 = arith.constant 0 : i32
    %dma_wait3A_1024 = tpu.memref_slice %arg16[%dma_wait3A_1022, %dma_wait3A_1023] : memref<512x64xf32, #tpu.memory_space<vmem>> -> memref<128x64xf32, #tpu.memory_space<vmem>>
    tpu.wait_dma2 semaphore(%arg20 : memref<!tpu.dma_semaphore, #tpu.memory_space<semaphore_mem>>) src(%dma_wait3A_1024 : memref<128x64xf32, #tpu.memory_space<vmem>>) dst(%dma_wait3A_1021 : memref<128x64xf32, #tpu.memory_space<hbm>>)
    %dma_wait3A_1025 = arith.constant 384 : i32
    %dma_wait3A_1026 = arith.constant 0 : i32
    %dma_wait3A_1027 = tpu.memref_slice %arg16[%dma_wait3A_1025, %dma_wait3A_1026] : memref<512x64xf32, #tpu.memory_space<vmem>> -> memref<128x64xf32, #tpu.memory_space<vmem>>
    %dma_wait3A_1028 = arith.constant 0 : i32
    %dma_wait3A_1029 = tpu.memref_slice %arg5[%add3A_984, %dma_wait3A_1028] : memref<16384x64xf32, #tpu.memory_space<hbm>> -> memref<128x64xf32, #tpu.memory_space<hbm>>
    %dma_wait3A_1030 = arith.constant 0 : i32
    %dma_wait3A_1031 = tpu.memref_slice %arg5[%add3A_984, %dma_wait3A_1030] : memref<16384x64xf32, #tpu.memory_space<hbm>> -> memref<128x64xf32, #tpu.memory_space<hbm>>
    %dma_wait3A_1032 = arith.constant 384 : i32
    %dma_wait3A_1033 = arith.constant 0 : i32
    %dma_wait3A_1034 = tpu.memref_slice %arg16[%dma_wait3A_1032, %dma_wait3A_1033] : memref<512x64xf32, #tpu.memory_space<vmem>> -> memref<128x64xf32, #tpu.memory_space<vmem>>
    tpu.wait_dma2 semaphore(%arg20 : memref<!tpu.dma_semaphore, #tpu.memory_space<semaphore_mem>>) src(%dma_wait3A_1034 : memref<128x64xf32, #tpu.memory_space<vmem>>) dst(%dma_wait3A_1031 : memref<128x64xf32, #tpu.memory_space<hbm>>)
    return
  }
}

</mosaic_0001>

<sc_bundles>
// kernel: kernel.3.cloned.1.call-start
scs
__scs_entry_jumppad:
0x0: {  	(pc) =	sbr.rel $0x88, $3  }
0x1: {  	(tag) =	ssettag $0x0;
	lr =	simm.s32 $0x1  }
0x2: {  	[smem:$0x3F9E] =	sst lr;
	_ =	strace $0xD0000000  }
0x3: {  	_ = 	snop  }
0x4: {  	_ = 	snop  }
0x5: {  	_ = 	snop  }
0x6: {  	_ = 	snop  }
0x7: {  	_ = 	snop  }
__scs_overlays_trampoline_lowered:
0x8: {  	[smem:$0x3FAD] =	sst s0  }
0x9: {  	[smem:$0x3FAE] =	sst s1  }
0xa: {  	[smem:$0x3FAF] =	sst s2  }
0xb: {  	[smem:$0x3FB0] =	sst s3  }
0xc: {  	[smem:$0x3FB1] =	sst s4  }
0xd: {  	[smem:$0x3FB2] =	sst s5  }
0xe: {  	[smem:$0x3FB3] =	sst s6  }
0xf: {  	[smem:$0x3FB4] =	sst s7  }
0x10: {  	[smem:$0x3FB5] =	sst s8  }
0x11: {  	[smem:$0x3FB6] =	sst s9;
	s0 =	simm.s32 @!p0 $0x0  }
0x12: {  	s1 =	sld [smem:$0x3F9C];
	s0 =	simm.s32 @p0 $0x1  }
0x13: {  	[smem:$0x3FB7] =	sst s0;
	s0 =	simm.s32 @!p1 $0x0  }
0x14: {  	s2 =	sld [smem:$0x3F9B];
	s0 =	simm.s32 @p1 $0x1  }
0x15: {  	[smem:$0x3FB8] =	sst s0;
	s0 =	simm.s32 @!p2 $0x0  }
0x16: {  	s3 =	sld [smem:$0x3FDB];
	s0 =	simm.s32 @p2 $0x1  }
0x17: {  	s4 =	simm.s32 $0x1BF5;
	[smem:$0x3FBA] =	sst s0  }
0x18: {  	s0 =	sld [smem:$0x3F9D];
	_ =	swait.ge [sflag:s4], $0x0  }
0x19: {  	s7 =	sld [smem:$0x3F9E]  }
0x1a: {  	s8 =	sadd.s32 $0xFFFFE003, lr  }
0x1b: {  	s9 =	sadd.s32 $0xFFFFFEF7, lr;
	s5 =	simm.s32 $0xFFFFFFFF;
	p2 =	slt.u32 s8, $0xFFFFF086  }
0x1c: {  	p1 =	slt.u32 s9, $0xF7A;
	s5 =	simm.s32 @!p2 $0x0  }
0x1d: {  	s5 =	simm.s32 @p1 $0x1;
	p0 =	seq.s32 s7, s2  }
0x1e: {  	s7 =	smul.u32 @!p0 $0xF7A, s2;
	p2 =	seq.s32 @!p0 s5, $0x0  }
0x1f: {  	s9 =	smul.u32 $0xF7A, s1;
	s8 =	simm.s32 @!p0 $0x1BF5;
	p2 =	por !p2, p0  }
0x20: {  	[sflag:s8] =	ssyncset.s32 @!p0 $0xFFFFF086;
	s6 =	sadd.s32 @!p0 s3, s7;
	s7 =	simm.s32 @!p0 $0x108  }
0x21: {  	s3 =	sadd.s32 s3, s9;
	s6 =	sadd.s32 @!p0 $0x88, s6;
	s7 =	simm.s32 @p2 $0x1082  }
0x22: {  	[simem:s7], [sflag:s8] =	dma.local @!p0 [hbm:s6], $0xF7A  }
0x23: {  	s9 =	sor.u32 $0xD0000000, s2;
	s6 =	simm.s32 $0x108;
	_ =	swait.ge @!p0 [sflag:s8], $0x0  }
0x24: {  	s3 =	sadd.s32 $0x88, s3;
	s6 =	simm.s32 @!p1 $0x1082;
	[sflag:s4] =	ssyncset.s32 $0xFFFFF086  }
0x25: {  	[simem:s6], [sflag:s4] =	dma.local [hbm:s3], $0xF7A  }
0x26: {  	[smem:$0x3F9E] =	sst s1;
	(tag) =	ssettag s2;
	_ =	strace s9  }
0x27: {  	s1 =	sld [smem:$0x3FAE]  }
0x28: {  	s2 =	sld [smem:$0x3FAF]  }
0x29: {  	s4 =	sld [smem:$0x3FB1]  }
0x2a: {  	p0 =	seq.s32 s5, $0x0;
	s5 =	sld [smem:$0x3FB2]  }
0x2b: {  	s6 =	sld [smem:$0x3FB3]  }
0x2c: {  	s7 =	sld [smem:$0x3FB4]  }
0x2d: {  	s3 =	simm.s32 $0x108;
	s8 =	sld [smem:$0x3FB5]  }
0x2e: {  	s3 =	simm.s32 @!p0 $0x1082;
	s9 =	sld [smem:$0x3FB6]  }
0x2f: {  	lr =	sadd.s32 s0, s3;
	s0 =	sld [smem:$0x3FAD]  }
0x30: {  	s3 =	sld [smem:$0x3FB0]  }
0x31: {  	[smem:$0x3FB9] =	sst s10  }
0x32: {  	s10 =	sld [smem:$0x3FB7];
	_ =	sdelay $0x3  }
0x33: {  	p0 =	seq.s32 s10, $0x1;
	s10 =	sld [smem:$0x3FB9];
	_ =	sdelay $0x3  }
0x34: {  	[smem:$0x3FB9] =	sst s10  }
0x35: {  	s10 =	sld [smem:$0x3FB8];
	_ =	sdelay $0x3  }
0x36: {  	p1 =	seq.s32 s10, $0x1;
	s10 =	sld [smem:$0x3FB9];
	_ =	sdelay $0x3  }
0x37: {  	[smem:$0x3FB9] =	sst s10  }
0x38: {  	s10 =	sld [smem:$0x3FBA]  }
0x39: {  	_ = 	snop;
	(pc) =	sbr.ind lr, $3  }
0x3a: {  	_ = 	snop  }
0x3b: {  	_ = 	snop  }
0x3c: {  	p2 =	seq.s32 s10, $0x1;
	s10 =	sld [smem:$0x3FB9]  }
0x3d: {  	_ =	shalt  }
0x3e: {  	_ =	shalt  }
0x3f: {  	_ =	shalt  }
0x40: {  	_ =	shalt  }
0x41: {  	_ =	shalt  }
0x42: {  	_ =	shalt  }
0x43: {  	_ =	shalt  }
0x44: {  	_ =	shalt  }
0x45: {  	_ =	shalt  }
0x46: {  	_ =	shalt  }
0x47: {  	_ =	shalt  }
0x48: {  	_ =	shalt  }
0x49: {  	_ =	shalt  }
0x4a: {  	_ =	shalt  }
0x4b: {  	_ =	shalt  }
0x4c: {  	_ =	shalt  }
0x4d: {  	_ =	shalt  }
0x4e: {  	_ =	shalt  }
0x4f: {  	_ =	shalt  }
0x50: {  	_ =	shalt  }
0x51: {  	_ =	shalt  }
0x52: {  	_ =	shalt  }
0x53: {  	_ =	shalt  }
0x54: {  	_ =	shalt  }
0x55: {  	_ =	shalt  }
0x56: {  	_ =	shalt  }
0x57: {  	_ =	shalt  }
0x58: {  	_ =	shalt  }
0x59: {  	_ =	shalt  }
0x5a: {  	_ =	shalt  }
0x5b: {  	_ =	shalt  }
0x5c: {  	_ =	shalt  }
0x5d: {  	_ =	shalt  }
0x5e: {  	_ =	shalt  }
0x5f: {  	_ =	shalt  }
0x60: {  	_ =	shalt  }
0x61: {  	_ =	shalt  }
0x62: {  	_ =	shalt  }
0x63: {  	_ =	shalt  }
0x64: {  	_ =	shalt  }
0x65: {  	_ =	shalt  }
0x66: {  	_ =	shalt  }
0x67: {  	_ =	shalt  }
0x68: {  	_ =	shalt  }
0x69: {  	_ =	shalt  }
0x6a: {  	_ =	shalt  }
0x6b: {  	_ =	shalt  }
0x6c: {  	_ =	shalt  }
0x6d: {  	_ =	shalt  }
0x6e: {  	_ =	shalt  }
0x6f: {  	_ =	shalt  }
0x70: {  	_ =	shalt  }
0x71: {  	_ =	shalt  }
0x72: {  	_ =	shalt  }
0x73: {  	_ =	shalt  }
0x74: {  	_ =	shalt  }
0x75: {  	_ =	shalt  }
0x76: {  	_ =	shalt  }
0x77: {  	_ =	shalt  }
0x78: {  	_ =	shalt  }
0x79: {  	_ =	shalt  }
0x7a: {  	_ =	shalt  }
0x7b: {  	_ =	shalt  }
0x7c: {  	_ =	shalt  }
0x7d: {  	_ =	shalt  }
0x7e: {  	_ =	shalt  }
0x7f: {  	_ =	shalt  }
0x80: {  	_ =	shalt  }
0x81: {  	_ =	shalt  }
0x82: {  	_ =	shalt  }
0x83: {  	_ =	shalt  }
0x84: {  	_ =	shalt  }
0x85: {  	_ =	shalt  }
0x86: {  	_ =	shalt  }
0x87: {  	_ =	shalt  }
.Lfunc_end0:
.L_simem_size_0:
called_computation_lowered:
.L_overlay_start_0:
0x88: {  	s2 =	sld [smem:$0x3FD9]  }
0x89: {  	s3 =	sld [smem:$0x3FFE];
	_ =	sdelay $0x1  }
0x8a: {  	s1 =	srdreg.scid  }
0x8b: {  	s0 =	sand.u32 $0x1, s1  }
0x8c: {  	s17 =	sshll.u32 s0, $0xA;
	s2 =	sadd.s32 s3, s2  }
0x8d: {  	s2 =	sadd.s32 s2, s17  }
0x8e: {  	[smem:$0x3FC5] =	sst s2  }
0x8f: {  	_ = 	snop  }
0x90: {  	s2 =	sld [smem:$0x3FC7]  }
0x91: {  	s18 =	sld [smem:$0x3FD0];
	(tm) =	ssettm $0x1  }
0x92: {  	s4 =	sld [smem:$0x3FFB];
	_ =	sdelay $0x3  }
0x93: {  	_ =	strace s4  }
0x94: {  	s4 =	sld [smem:$0x3FFC];
	_ =	sdelay $0x3  }
0x95: {  	_ =	strace s4  }
0x96: {  	s4 =	sld [smem:$0x3FFD];
	_ =	sdelay $0x3  }
0x97: {  	_ =	strace s4  }
0x98: {  	_ =	strace $0x8FFFFFFF  }
0x99: {  	s19 =	sld [smem:$0x3FDB];
	_ =	sdelay $0x1  }
0x9a: {  	s5 =	simm.s32 $_scs_section_size  }
0x9b: {  	s6 =	simm.s32 $_size__tile_overlayer_lowered;
	s7 =	simm.s32 $_tile_overlayer_lowered  }
0x9c: {  	s22 =	simm.s32 $0x1BFF;
	s21 =	sshll.u32 s7, $0x1;
	s4 =	sadd.s32 s5, s19  }
0x9d: {  	s8 =	simm.s32 $0x0;
	s20 =	sshll.u32 s6, $0x1;
	s6 =	sadd.s32 s21, s4  }
0x9e: {  	[timem:s8], [sflag:s22] =	dma.local [hbm:s6], s20  }
0x9f: {  	_ =	swait.ge [sflag:s22], s20  }
0xa0: {  	s5 =	ssub.s32 $0x0, s20;
	[sflag:s22] =	ssyncset.done $0x0  }
0xa1: {  	[sflag:s22] =	ssyncadd.s32 s5;
	_ =	sdelay $0x1  }
0xa2: {  	s23 =	simm.s32 $0x1B8B  }
0xa3: {  	_ =	swait.ge [sflag:s23], $0x1  }
0xa4: {  	[sflag:s23] =	ssyncset.done $0x0  }
0xa5: {  	s25 =	simm.s32 $0x1B8E;
	s24 =	sld [smem:$0x3FFE];
	[sflag:s23] =	ssyncadd.s32 $0xFFFFFFFF  }
0xa6: {  	s26 =	simm.s32 $execute0_lowered;
	[smem:$0x3FD2] =	sst s25  }
0xa7: {  	s6 =	sshll.u32 s26, $0x1;
	_ =	strace $0x80000046;
	[dreg:$0x1] =	wrdreg $0xFFFFFFFF  }
0xa8: {  	s28 =	simm.s32 $_size_execute0_lowered;
	s4 =	sadd.s32 s4, s6;
	[dreg:$0x0] =	wrdreg $0x0  }
0xa9: {  	s6 =	sshll.u32 s28, $0x1;
	[dreg:$0x2] =	wrdreg s4  }
0xaa: {  	[dreg:$0x3] =	wrdreg s6  }
0xab: {  	[dreg:$0x4] =	wrdreg $0xC0  }
0xac: {  	_ =	task [dreg:s8], $0x5FFFF  }
0xad: {  	[dreg:$0x1] =	wrdreg $0xFFFFFFFF  }
0xae: {  	[dreg:$0x0] =	wrdreg $0x60  }
0xaf: {  	[dreg:$0x2] =	wrdreg s24  }
0xb0: {  	[dreg:$0x3] =	wrdreg s18  }
0xb1: {  	[dreg:$0x4] =	wrdreg s2  }
0xb2: {  	[dreg:$0x5] =	wrdreg $0x9  }
0xb3: {  	_ =	task.clear_ibuf [dreg:s8], $0x6FFFF;
	_ =	strace $0x90000046  }
0xb4: {  	s29 =	simm.s32 $0x9;
	_ =	strace $0x80000048  }
0xb5: {  	_ =	swait.ge [sflag:s29], $0x1  }
0xb6: {  	[sflag:s29] =	ssyncadd.s32 $0xFFFFFFFF  }
0xb7: {  	_ =	strace $0x90000048  }
0xb8: {  	_ =	sfence  }
0xb9: {  	s30 =	sld [smem:$0x0];
	_ =	sdelay $0x2  }
0xba: {  	s31 =	sshll.u32 s1, $0xD;
	s1 =	sshrl.u32 s1, $0x2  }
0xbb: {  	s3 =	sand.u32 $0x4000, s31;
	s1 =	sadd.s32 s1, s30  }
0xbc: {  	s0 =	sor.u32 s3, s0;
	s1 =	sshll.u32 s1, $0x11  }
0xbd: {  	s0 =	sor.u32 s1, s0  }
0xbe: {  	s0 =	sadd.s32 $0x8F2B, s0  }
0xbf: {  	[sflag:s0] =	ssyncadd.remote.s32 $0x1  }
0xc0: {  	_ =	sfence.sel $0xFFFF  }
0xc1: {  	[dreg:$0x0] =	wrdreg $0xFFFFFFFF;
	(pc) =	sbr.abs _section_cstart, $3  }
0xc2: {  	[dreg:$0x1] =	wrdreg $0xFFFFFFFF  }
0xc3: {  	_ =	task.clear_ibuf [dreg:s8], $0x2FFFF;
	_ =	strace $0x9FFFFFFF  }
0xc4: {  	(tm) =	ssettm $0x7FFFFFFF  }
0xc5: {  	_ =	shalt  }
tec
execute0_lowered:
.L_overlay_start_1:
0x0: {  	(tag) =	ssettag $0x1  }
0x1: {  	s0 =	rddreg [dreg:$0x0]  }
0x2: {  	s2 =	rddreg [dreg:$0x2]  }
0x3: {  	s1 =	simm.s32 $0x0;
	s4 =	srdreg.scid;
	s6 =	stileid.u32  }
0x4: {  	[smem:$0x7FF] =	sst s1;
	s4 =	sand.u32 $0x1, s4;
	s6 =	sshll.u32 s6, $0xA  }
0x5: {  	s9 =	sadd.s32 $0x600, s0;
	s5 =	ssub.s32 $0x2, s4;
	s7 =	sshll.u32 s4, $0x9  }
0x6: {  	_ =	strace $0x80000047;
	s8 =	sshrl.u32 s5, $0x1;
	s10 =	sor.u32 s7, s6  }
0x7: {  	s4 =	sadd.s32 $0xF42A00, s0;
	s11 =	ssub.s32 s5, s8;
	s23 =	sshrl.u32 s10, $0x3  }
0x8: {  	s12 =	sor.u32 $0x20, s10;
	s13 =	sor.u32 $0x30, s10;
	s14 =	sor.u32 $0x40, s10  }
0x9: {  	s15 =	sor.u32 $0x50, s10;
	s16 =	sor.u32 $0x60, s10;
	s17 =	sor.u32 $0x70, s10  }
0xa: {  	s18 =	sor.u32 $0x80, s10;
	s19 =	sor.u32 $0x90, s10;
	s20 =	sor.u32 $0xA0, s10  }
0xb: {  	s21 =	sor.u32 $0xB0, s10;
	s22 =	sor.u32 $0x100, s10;
	s6 =	sshll.u32 s10, $0x3  }
0xc: {  	s28 =	sor.u32 $0x110, s10;
	s29 =	sor.u32 $0x120, s10;
	s30 =	sor.u32 $0x130, s10  }
0xd: {  	s31 =	sor.u32 $0x140, s10;
	s5 =	sor.u32 $0x160, s10;
	s7 =	sor.u32 $0x1B0, s10  }
0xe: {  	s8 =	sor.u32 $0x1E0, s10;
	s0 =	sadd.s32 s2, s23;
	s2 =	sor.u32 $0x10, s10  }
0xf: {  	v0 =	vlaneseq.u32;
	s3 =	sadd.s32 s9, s6;
	s24 =	sshll.u32 s18, $0x3;
	s25 =	sshll.u32 s22, $0x3  }
0x10: {  	s6 =	sor.u32 $0x170, s10;
	v3 =	vor.u32 s13, v0;
	v5 =	vor.u32 s15, v0;
	s13 =	sor.u32 $0x190, s10;
	s15 =	sor.u32 $0x1A0, s10  }
0x11: {  	v7 =	vor.u32 s17, v0;
	v8 =	vor.u32 s18, v0;
	s17 =	sor.u32 $0x1C0, s10;
	s18 =	sor.u32 $0x1D0, s10;
	v10 =	vor.u32 s20, v0;
	s20 =	sor.u32 $0x1F0, s10  }
0x12: {  	v2 =	vor.u32 s12, v0;
	v4 =	vor.u32 s14, v0;
	v6 =	vor.u32 s16, v0;
	s12 =	simm.s32 $0x80;
	s14 =	simm.s32 $0x800;
	s16 =	simm.s32 $0x8800  }
0x13: {  	v9 =	vor.u32 s19, v0;
	v12 =	vor.u32 s21, v0;
	v17 =	vor.u32 s22, v0;
	s19 =	simm.s32 $0x2800;
	s21 =	rddreg [dreg:$0x1];
	s22 =	simm.s32 $0x4800  }
0x14: {  	v18 =	vor.u32 s28, v0;
	v19 =	vor.u32 s29, v0;
	v20 =	vor.u32 s30, v0;
	s28 =	simm.s32 $0x780;
	s29 =	simm.s32 $0xE800;
	s30 =	simm.s32 $0x1  }
0x15: {  	v21 =	vor.u32 s31, v0;
	v31 =	vor.u32 s8, v0;
	s8 =	simm.s32 $0x400;
	s31 =	simm.s32 $0x2;
	[dreg:$0x5] =	wrdreg s0  }
0x16: {  	s0 =	sor.u32 $0x180, s10;
	s1 =	sadd.s32 s9, s24;
	s26 =	sadd.s32 s9, s25  }
0x17: {  	s24 =	sor.u32 $0xD0, s10;
	s25 =	sor.u32 $0xE0, s10;
	v1 =	vor.u32 s2, v0;
	s2 =	sor.u32 $0x150, s10  }
0x18: {  	v24 =	vor.u32 s6, v0;
	s6 =	smov.u32 s3;
	s3 =	simm.s32 $0x0;
	v30 =	vor.u32 s18, v0;
	s18 =	simm.s32 $0x600  }
0x19: {  	v32 =	vor.u32 s20, v0;
	s20 =	simm.s32 $0x480;
	[dreg:$0x4] =	wrdreg s26;
	s23 =	sshll.u32 s0, $0x3  }
0x1a: {  	v11 =	vor.u32 s10, v0;
	v23 =	vor.u32 s5, v0;
	s26 =	sor.u32 $0xF0, s10;
	v14 =	vor.u32 s24, v0;
	s5 =	rddreg [dreg:$0x5];
	s24 =	simm.s32 $0xC800  }
0x1b: {  	v15 =	vor.u32 s25, v0;
	v22 =	vor.u32 s2, v0;
	v25 =	vor.u32 s0, v0;
	s25 =	simm.s32 $0x580;
	s0 =	simm.s32 $0x3;
	s2 =	simm.s32 $0x0  }
0x1c: {  	v28 =	vor.u32 s7, v0;
	v26 =	vor.u32 s13, v0;
	v27 =	vor.u32 s15, v0;
	s9 =	sadd.s32 s9, s23;
	s23 =	sor.u32 $0xC0, s10;
	s10 =	smax.u32 s11, $0x1  }
0x1d: {  	v29 =	vor.u32 s17, v0;
	s11 =	simm.s32 $0x4;
	v16 =	vor.u32 s26, v0;
	s26 =	simm.s32 $0x6800;
	v13 =	vor.u32 s23, v0;
	s23 =	simm.s32 $0x700  }
.LBB2_1:
0x1e: {  	[tilespmem:s3], [sflag:$0x4] =	stream.linear.gather [hbm4b:s5+s3], $0x200, $0x38;
	[tilespmem:$0x10800] =	vst v63  }
0x1f: {  	_ =	swait.ge [sflag:s11], $0x200  }
0x20: {  	[sflag:s11] =	ssyncset.done $0x0  }
0x21: {  	[sflag:s11] =	ssyncadd.s32 $0xFFFFFE00  }
0x22: {  	v33 =	vld [tilespmem:$0x0];
	_ =	sdelay $0x1  }
0x23: {  	v34 =	vld [tilespmem:$0x10];
	_ =	sdelay $0x1  }
0x24: {  	v36 =	vld [tilespmem:$0x20]  }
0x25: {  	v35 =	vadd.s32 $0x4000, v33  }
0x26: {  	v37 =	vld [tilespmem:$0x30];
	v33 =	vadd.s32 $0xFFF0FDC0, v33;
	vm0 =	vgt.s32 v35, $0xF423F  }
0x27: {  	v40 =	vadd.s32 $0x4000, v34;
	v33 =	vsel vm0, v33, v35  }
0x28: {  	v44 =	vld [tilespmem:$0x40];
	v34 =	vadd.s32 $0xFFF0FDC0, v34;
	vm9 =	vgt.s32 v40, $0xF423F;
	[tilespmem:$0x400] =	vst v33  }
0x29: {  	v42 =	vadd.s32 $0x4000, v36;
	v41 =	vsel vm9, v34, v40;
	[tilespmem:$0x200] =	vst v33  }
0x2a: {  	v48 =	vld [tilespmem:$0x50];
	v43 =	vadd.s32 $0xFFF0FDC0, v36;
	vm10 =	vgt.s32 v42, $0xF423F;
	[tilespmem:$0x410] =	vst v41  }
0x2b: {  	v46 =	vadd.s32 $0x4000, v37;
	v45 =	vsel vm10, v43, v42;
	[tilespmem:$0x210] =	vst v41  }
0x2c: {  	v52 =	vld [tilespmem:$0x60];
	v47 =	vadd.s32 $0xFFF0FDC0, v37;
	vm11 =	vgt.s32 v46, $0xF423F;
	[tilespmem:$0x420] =	vst v45  }
0x2d: {  	v50 =	vadd.s32 $0x4000, v44;
	v49 =	vsel vm11, v47, v46;
	[tilespmem:$0x220] =	vst v45  }
0x2e: {  	v51 =	vadd.s32 $0xFFF0FDC0, v44;
	vm12 =	vgt.s32 v50, $0xF423F;
	[tilespmem:$0x430] =	vst v49  }
0x2f: {  	v54 =	vadd.s32 $0x4000, v48;
	v53 =	vsel vm12, v51, v50;
	[tilespmem:$0x230] =	vst v49  }
0x30: {  	v56 =	vld [tilespmem:$0x70];
	v55 =	vadd.s32 $0xFFF0FDC0, v48;
	vm13 =	vgt.s32 v54, $0xF423F;
	[tilespmem:$0x440] =	vst v53  }
0x31: {  	v58 =	vadd.s32 $0x4000, v52;
	v57 =	vsel vm13, v55, v54;
	[tilespmem:$0x240] =	vst v53  }
0x32: {  	v59 =	vadd.s32 $0xFFF0FDC0, v52;
	vm14 =	vgt.s32 v58, $0xF423F;
	[tilespmem:$0x450] =	vst v57  }
0x33: {  	v60 =	vld [tilespmem:$0x80];
	v61 =	vsel vm14, v59, v58;
	[tilespmem:$0x250] =	vst v57  }
0x34: {  	vm0 =	vlt.s32 v33, $0x4000;
	[tilespmem:$0x460] =	vst v61  }
0x35: {  	v62 =	vadd.s32 $0x4000, v56;
	[tilespmem:$0x260] =	vst v61;
	v33 =	vsel vm0, v33, v11;
	vm0 =	vlt.s32 v41, $0x4000  }
0x36: {  	v63 =	vadd.s32 $0xFFF0FDC0, v56;
	vm15 =	vgt.s32 v62, $0xF423F;
	[tilespmem:$0x600] =	vst v33;
	v33 =	vsel vm0, v41, v1  }
0x37: {  	v44 =	vld [tilespmem:$0xA0];
	v41 =	vsel vm15, v63, v62;
	[tilespmem:$0x610] =	vst v33  }
0x38: {  	v42 =	vadd.s32 $0x4000, v60;
	vm0 =	vlt.s32 v45, $0x4000;
	[tilespmem:$0x470] =	vst v41  }
0x39: {  	v43 =	vadd.s32 $0xFFF0FDC0, v60;
	vm4 =	vgt.s32 v42, $0xF423F;
	v33 =	vsel vm0, v45, v2;
	[tilespmem:$0x270] =	vst v41  }
0x3a: {  	v40 =	vld [tilespmem:$0x90];
	v45 =	vsel vm4, v43, v42;
	[tilespmem:$0x620] =	vst v33  }
0x3b: {  	vm0 =	vlt.s32 v49, $0x4000;
	[tilespmem:$0x480] =	vst v45  }
0x3c: {  	v48 =	vld [tilespmem:$0xB0];
	v50 =	vadd.s32 $0x4000, v44;
	v33 =	vsel vm0, v49, v3;
	vm0 =	vlt.s32 v53, $0x4000;
	[tilespmem:$0x280] =	vst v45  }
0x3d: {  	v51 =	vadd.s32 $0xFFF0FDC0, v44;
	vm6 =	vgt.s32 v50, $0xF423F;
	[tilespmem:$0x630] =	vst v33;
	v33 =	vsel vm0, v53, v4  }
0x3e: {  	v53 =	vsel vm6, v51, v50;
	[tilespmem:$0x640] =	vst v33  }
0x3f: {  	v52 =	vld [tilespmem:$0xC0];
	v46 =	vadd.s32 $0x4000, v40;
	vm0 =	vlt.s32 v57, $0x4000;
	[tilespmem:$0x4A0] =	vst v53  }
0x40: {  	v47 =	vadd.s32 $0xFFF0FDC0, v40;
	vm5 =	vgt.s32 v46, $0xF423F;
	v33 =	vsel vm0, v57, v5;
	[tilespmem:$0x2A0] =	vst v53  }
0x41: {  	v54 =	vadd.s32 $0x4000, v48;
	v49 =	vsel vm5, v47, v46;
	[tilespmem:$0x650] =	vst v33  }
0x42: {  	v56 =	vld [tilespmem:$0xD0];
	v55 =	vadd.s32 $0xFFF0FDC0, v48;
	vm7 =	vgt.s32 v54, $0xF423F;
	[tilespmem:$0x490] =	vst v49  }
0x43: {  	v57 =	vsel vm7, v55, v54;
	[tilespmem:$0x290] =	vst v49  }
0x44: {  	v58 =	vadd.s32 $0x4000, v52;
	vm0 =	vlt.s32 v61, $0x4000;
	[tilespmem:$0x4B0] =	vst v57  }
0x45: {  	v60 =	vld [tilespmem:$0xE0];
	v59 =	vadd.s32 $0xFFF0FDC0, v52;
	vm8 =	vgt.s32 v58, $0xF423F;
	v33 =	vsel vm0, v61, v6;
	[tilespmem:$0x2B0] =	vst v57  }
0x46: {  	v61 =	vsel vm8, v59, v58;
	[tilespmem:$0x660] =	vst v33  }
0x47: {  	v62 =	vadd.s32 $0x4000, v56;
	vm0 =	vlt.s32 v41, $0x4000;
	[tilespmem:$0x4C0] =	vst v61  }
0x48: {  	v63 =	vadd.s32 $0xFFF0FDC0, v56;
	vm9 =	vgt.s32 v62, $0xF423F;
	v33 =	vsel vm0, v41, v7;
	[tilespmem:$0x2C0] =	vst v61  }
0x49: {  	v40 =	vld [tilespmem:$0xF0];
	v41 =	vsel vm9, v63, v62;
	[tilespmem:$0x670] =	vst v33  }
0x4a: {  	v42 =	vadd.s32 $0x4000, v60;
	vm0 =	vlt.s32 v45, $0x4000;
	[tilespmem:$0x4D0] =	vst v41  }
0x4b: {  	v44 =	vld [tilespmem:$0x100];
	v43 =	vadd.s32 $0xFFF0FDC0, v60;
	vm10 =	vgt.s32 v42, $0xF423F;
	v33 =	vsel vm0, v45, v8;
	[tilespmem:$0x2D0] =	vst v41  }
0x4c: {  	v45 =	vsel vm10, v43, v42;
	[tilespmem:$0x680] =	vst v33  }
0x4d: {  	vm0 =	vlt.s32 v49, $0x4000;
	[tilespmem:$0x4E0] =	vst v45  }
0x4e: {  	v48 =	vld [tilespmem:$0x110];
	v46 =	vadd.s32 $0x4000, v40;
	v33 =	vsel vm0, v49, v9;
	vm0 =	vlt.s32 v53, $0x4000;
	[tilespmem:$0x2E0] =	vst v45  }
0x4f: {  	v47 =	vadd.s32 $0xFFF0FDC0, v40;
	vm11 =	vgt.s32 v46, $0xF423F;
	[tilespmem:$0x690] =	vst v33;
	v33 =	vsel vm0, v53, v10  }
0x50: {  	v50 =	vadd.s32 $0x4000, v44;
	v49 =	vsel vm11, v47, v46;
	[tilespmem:$0x6A0] =	vst v33  }
0x51: {  	v52 =	vld [tilespmem:$0x120];
	v51 =	vadd.s32 $0xFFF0FDC0, v44;
	vm12 =	vgt.s32 v50, $0xF423F;
	[tilespmem:$0x4F0] =	vst v49  }
0x52: {  	v53 =	vsel vm12, v51, v50;
	[tilespmem:$0x2F0] =	vst v49  }
0x53: {  	v54 =	vadd.s32 $0x4000, v48;
	vm0 =	vlt.s32 v57, $0x4000;
	[tilespmem:$0x500] =	vst v53  }
0x54: {  	v56 =	vld [tilespmem:$0x130];
	v55 =	vadd.s32 $0xFFF0FDC0, v48;
	vm13 =	vgt.s32 v54, $0xF423F;
	v33 =	vsel vm0, v57, v12;
	[tilespmem:$0x300] =	vst v53  }
0x55: {  	v57 =	vsel vm13, v55, v54;
	[tilespmem:$0x6B0] =	vst v33  }
0x56: {  	v58 =	vadd.s32 $0x4000, v52;
	vm0 =	vlt.s32 v61, $0x4000;
	[tilespmem:$0x510] =	vst v57  }
0x57: {  	v60 =	vld [tilespmem:$0x140];
	v59 =	vadd.s32 $0xFFF0FDC0, v52;
	vm14 =	vgt.s32 v58, $0xF423F;
	v33 =	vsel vm0, v61, v13;
	[tilespmem:$0x310] =	vst v57  }
0x58: {  	v61 =	vsel vm14, v59, v58;
	[tilespmem:$0x6C0] =	vst v33  }
0x59: {  	v62 =	vadd.s32 $0x4000, v56;
	vm0 =	vlt.s32 v41, $0x4000;
	[tilespmem:$0x520] =	vst v61  }
0x5a: {  	v63 =	vadd.s32 $0xFFF0FDC0, v56;
	vm15 =	vgt.s32 v62, $0xF423F;
	v40 =	vld [tilespmem:$0x150];
	v33 =	vsel vm0, v41, v14;
	[tilespmem:$0x320] =	vst v61  }
0x5b: {  	v41 =	vsel vm15, v63, v62;
	[tilespmem:$0x6D0] =	vst v33  }
0x5c: {  	v42 =	vadd.s32 $0x4000, v60;
	vm0 =	vlt.s32 v45, $0x4000;
	[tilespmem:$0x530] =	vst v41  }
0x5d: {  	v44 =	vld [tilespmem:$0x160];
	v43 =	vadd.s32 $0xFFF0FDC0, v60;
	vm4 =	vgt.s32 v42, $0xF423F;
	v33 =	vsel vm0, v45, v15;
	[tilespmem:$0x330] =	vst v41  }
0x5e: {  	v45 =	vsel vm4, v43, v42;
	[tilespmem:$0x6E0] =	vst v33  }
0x5f: {  	v46 =	vadd.s32 $0x4000, v40;
	vm0 =	vlt.s32 v49, $0x4000;
	[tilespmem:$0x540] =	vst v45  }
0x60: {  	v48 =	vld [tilespmem:$0x170];
	v47 =	vadd.s32 $0xFFF0FDC0, v40;
	vm5 =	vgt.s32 v46, $0xF423F;
	v33 =	vsel vm0, v49, v16;
	[tilespmem:$0x340] =	vst v45  }
0x61: {  	v49 =	vsel vm5, v47, v46;
	[tilespmem:$0x6F0] =	vst v33  }
0x62: {  	v50 =	vadd.s32 $0x4000, v44;
	vm0 =	vlt.s32 v53, $0x4000;
	[tilespmem:$0x550] =	vst v49  }
0x63: {  	v52 =	vld [tilespmem:$0x180];
	v51 =	vadd.s32 $0xFFF0FDC0, v44;
	vm6 =	vgt.s32 v50, $0xF423F;
	v33 =	vsel vm0, v53, v17;
	[tilespmem:$0x350] =	vst v49  }
0x64: {  	v53 =	vsel vm6, v51, v50;
	[tilespmem:$0x700] =	vst v33  }
0x65: {  	v54 =	vadd.s32 $0x4000, v48;
	vm0 =	vlt.s32 v57, $0x4000;
	[tilespmem:$0x560] =	vst v53  }
0x66: {  	v56 =	vld [tilespmem:$0x190];
	v55 =	vadd.s32 $0xFFF0FDC0, v48;
	vm7 =	vgt.s32 v54, $0xF423F;
	v33 =	vsel vm0, v57, v18;
	[tilespmem:$0x360] =	vst v53  }
0x67: {  	v57 =	vsel vm7, v55, v54;
	[tilespmem:$0x710] =	vst v33  }
0x68: {  	v58 =	vadd.s32 $0x4000, v52;
	vm0 =	vlt.s32 v61, $0x4000;
	[tilespmem:$0x570] =	vst v57  }
0x69: {  	v60 =	vld [tilespmem:$0x1A0];
	v59 =	vadd.s32 $0xFFF0FDC0, v52;
	vm8 =	vgt.s32 v58, $0xF423F;
	v33 =	vsel vm0, v61, v19;
	[tilespmem:$0x370] =	vst v57  }
0x6a: {  	v61 =	vsel vm8, v59, v58;
	[tilespmem:$0x720] =	vst v33  }
0x6b: {  	v52 =	vld [tilespmem:$0x1E0];
	v62 =	vadd.s32 $0x4000, v56;
	vm0 =	vlt.s32 v41, $0x4000;
	[tilespmem:$0x580] =	vst v61  }
0x6c: {  	v63 =	vadd.s32 $0xFFF0FDC0, v56;
	vm9 =	vgt.s32 v62, $0xF423F;
	v33 =	vsel vm0, v41, v20;
	[tilespmem:$0x380] =	vst v61  }
0x6d: {  	v41 =	vsel vm9, v63, v62;
	[tilespmem:$0x730] =	vst v33  }
0x6e: {  	v40 =	vld [tilespmem:$0x1B0];
	v42 =	vadd.s32 $0x4000, v60;
	vm0 =	vlt.s32 v45, $0x4000;
	[tilespmem:$0x590] =	vst v41  }
0x6f: {  	v43 =	vadd.s32 $0xFFF0FDC0, v60;
	vm10 =	vgt.s32 v42, $0xF423F;
	v33 =	vsel vm0, v45, v21;
	[tilespmem:$0x390] =	vst v41  }
0x70: {  	v58 =	vadd.s32 $0x4000, v52;
	v45 =	vsel vm10, v43, v42;
	[tilespmem:$0x740] =	vst v33  }
0x71: {  	v44 =	vld [tilespmem:$0x1C0];
	v59 =	vadd.s32 $0xFFF0FDC0, v52;
	vm14 =	vgt.s32 v58, $0xF423F;
	[tilespmem:$0x5A0] =	vst v45  }
0x72: {  	v60 =	vsel vm14, v59, v58;
	[tilespmem:$0x3A0] =	vst v45  }
0x73: {  	v46 =	vadd.s32 $0x4000, v40;
	vm0 =	vlt.s32 v49, $0x4000;
	[tilespmem:$0x5E0] =	vst v60  }
0x74: {  	v48 =	vld [tilespmem:$0x1D0];
	v47 =	vadd.s32 $0xFFF0FDC0, v40;
	vm11 =	vgt.s32 v46, $0xF423F;
	v33 =	vsel vm0, v49, v22;
	[tilespmem:$0x3E0] =	vst v60  }
0x75: {  	v49 =	vsel vm11, v47, v46;
	[tilespmem:$0x750] =	vst v33  }
0x76: {  	v50 =	vadd.s32 $0x4000, v44;
	vm0 =	vlt.s32 v53, $0x4000;
	[tilespmem:$0x5B0] =	vst v49  }
0x77: {  	v51 =	vadd.s32 $0xFFF0FDC0, v44;
	vm12 =	vgt.s32 v50, $0xF423F;
	v33 =	vsel vm0, v53, v23;
	[tilespmem:$0x3B0] =	vst v49  }
0x78: {  	v53 =	vsel vm12, v51, v50;
	[tilespmem:$0x760] =	vst v33  }
0x79: {  	v56 =	vld [tilespmem:$0x1F0];
	v54 =	vadd.s32 $0x4000, v48;
	vm0 =	vlt.s32 v57, $0x4000;
	[tilespmem:$0x5C0] =	vst v53  }
0x7a: {  	v55 =	vadd.s32 $0xFFF0FDC0, v48;
	vm13 =	vgt.s32 v54, $0xF423F;
	v33 =	vsel vm0, v57, v24;
	[tilespmem:$0x3C0] =	vst v53  }
0x7b: {  	v57 =	vsel vm13, v55, v54;
	[tilespmem:$0x770] =	vst v33  }
0x7c: {  	vm0 =	vlt.s32 v61, $0x4000;
	[tilespmem:$0x5D0] =	vst v57  }
0x7d: {  	v33 =	vsel vm0, v61, v25;
	vm0 =	vlt.s32 v41, $0x4000;
	[tilespmem:$0x3D0] =	vst v57  }
0x7e: {  	v61 =	vadd.s32 $0x4000, v56;
	[tilespmem:$0x780] =	vst v33;
	v33 =	vsel vm0, v41, v26;
	vm0 =	vlt.s32 v45, $0x4000  }
0x7f: {  	v62 =	vadd.s32 $0xFFF0FDC0, v56;
	vm15 =	vgt.s32 v61, $0xF423F;
	[tilespmem:$0x790] =	vst v33;
	v33 =	vsel vm0, v45, v27  }
0x80: {  	v63 =	vsel vm15, v62, v61;
	[tilespmem:$0x7A0] =	vst v33  }
0x81: {  	vm0 =	vlt.s32 v49, $0x4000;
	[tilespmem:$0x5F0] =	vst v63  }
0x82: {  	v33 =	vsel vm0, v49, v28;
	vm0 =	vlt.s32 v53, $0x4000;
	[tilespmem:$0x3F0] =	vst v63  }
0x83: {  	[tilespmem:$0x7B0] =	vst v33;
	v33 =	vsel vm0, v53, v29;
	vm0 =	vlt.s32 v57, $0x4000  }
0x84: {  	[tilespmem:$0x7C0] =	vst v33;
	v33 =	vsel vm0, v57, v30;
	vm0 =	vlt.s32 v60, $0x4000  }
0x85: {  	[tilespmem:$0x7D0] =	vst v33;
	v33 =	vsel vm0, v60, v31;
	vm0 =	vlt.s32 v63, $0x4000  }
0x86: {  	[tilespmem:$0x7E0] =	vst v33;
	v33 =	vsel vm0, v63, v32  }
0x87: {  	[tilespmem:$0x7F0] =	vst v33  }
0x88: {  	[tilespmem:s14], [sflag:$0x1] =	stream.indirect.gather [hbm4b:s4+s12], $0x40, s8, s12, $0xb8;
	[tilespmem:$0x10800] =	vst v63  }
0x89: {  	_ = 	snop  }
0x8a: {  	[tilespmem:s16], [sflag:$0x2] =	stream.indirect.gather [hbm4b:s21+s12], $0x40, s18, s12, $0xb8;
	[tilespmem:$0x10800] =	vst v63  }
0x8b: {  	_ = 	snop  }
0x8c: {  	[tilespmem:s19], [sflag:$0x1] =	stream.indirect.gather [hbm4b:s4+s12], $0x40, s20, s12, $0xb8;
	[tilespmem:$0x10800] =	vst v63  }
0x8d: {  	s7 =	simm.s32 $0x680;
	s13 =	simm.s32 $0xA800  }
0x8e: {  	[tilespmem:s13], [sflag:$0x2] =	stream.indirect.gather [hbm4b:s21+s12], $0x40, s7, s12, $0xb8;
	[tilespmem:$0x10800] =	vst v63  }
0x8f: {  	s17 =	simm.s32 $0x500  }
0x90: {  	[tilespmem:s22], [sflag:$0x1] =	stream.indirect.gather [hbm4b:s4+s12], $0x40, s17, s12, $0xb8;
	[tilespmem:$0x10800] =	vst v63  }
0x91: {  	_ = 	snop  }
0x92: {  	[tilespmem:s24], [sflag:$0x2] =	stream.indirect.gather [hbm4b:s21+s12], $0x40, s23, s12, $0xb8;
	[tilespmem:$0x10800] =	vst v63  }
0x93: {  	_ = 	snop  }
0x94: {  	[tilespmem:s26], [sflag:$0x1] =	stream.indirect.gather [hbm4b:s4+s12], $0x40, s25, s12, $0xb8;
	[tilespmem:$0x10800] =	vst v63  }
0x95: {  	_ = 	snop  }
0x96: {  	[tilespmem:s29], [sflag:$0x2] =	stream.indirect.gather [hbm4b:s21+s12], $0x40, s28, s12, $0xb8;
	[tilespmem:$0x10800] =	vst v63  }
0x97: {  	_ =	swait.ge [sflag:s30], $0x2000  }
0x98: {  	[sflag:s30] =	ssyncset.done $0x0  }
0x99: {  	[sflag:s30] =	ssyncadd.s32 $0xFFFFE000  }
0x9a: {  	_ =	swait.ge [sflag:s31], $0x2000  }
0x9b: {  	[sflag:s31] =	ssyncset.done $0x0  }
0x9c: {  	s13 =	simm.s32 $0x200;
	[sflag:s31] =	ssyncadd.s32 $0xFFFFE000  }
0x9d: {  	s15 =	simm.s32 $0x10;
	s17 =	simm.s32 $0x0;
	v34 =	vld [tilespmem:s13+$0x0]  }
.LBB2_2:
0x9e: {  	p0 =	sne.s32 s15, $0x70;
	_ =	sdelay $0x2  }
0x9f: {  	v35 =	vmov s17;
	v33 =	vmul.u32 $0x40, v0;
	s17 =	smov.u32 s15  }
0xa0: {  	vm0 =	vlt.s32 v34, $0x4000;
	v34 =	vshll.u32 v35, $0x6  }
0xa1: {  	v34 =	vor.u32 v33, v34;
	_ =	sdelay $0x4  }
0xa2: {  	v35 =	vld.idx.msk [tilespmem:v34+s16+$0x0], vm0;
	_ =	sdelay $0x1  }
0xa3: {  	v36 =	vor.u32 $0x1, v34;
	_ =	sdelay $0x3  }
0xa4: {  	[tilespmem:v34+s14+$0x0] =	vst.idx.msk vm0, v35  }
0xa5: {  	v35 =	vld.idx.msk [tilespmem:v36+s16+$0x0], vm0;
	_ =	sdelay $0x1  }
0xa6: {  	v37 =	vor.u32 $0x2, v34;
	_ =	sdelay $0x3  }
0xa7: {  	[tilespmem:v36+s14+$0x0] =	vst.idx.msk vm0, v35  }
0xa8: {  	v35 =	vld.idx.msk [tilespmem:v37+s16+$0x0], vm0;
	_ =	sdelay $0x1  }
0xa9: {  	v36 =	vor.u32 $0x3, v34;
	_ =	sdelay $0x3  }
0xaa: {  	[tilespmem:v37+s14+$0x0] =	vst.idx.msk vm0, v35  }
0xab: {  	v35 =	vld.idx.msk [tilespmem:v36+s16+$0x0], vm0;
	_ =	sdelay $0x1  }
0xac: {  	v37 =	vor.u32 $0x4, v34;
	_ =	sdelay $0x3  }
0xad: {  	[tilespmem:v36+s14+$0x0] =	vst.idx.msk vm0, v35  }
0xae: {  	v35 =	vld.idx.msk [tilespmem:v37+s16+$0x0], vm0;
	_ =	sdelay $0x1  }
0xaf: {  	v36 =	vor.u32 $0x5, v34;
	_ =	sdelay $0x3  }
0xb0: {  	[tilespmem:v37+s14+$0x0] =	vst.idx.msk vm0, v35  }
0xb1: {  	v35 =	vld.idx.msk [tilespmem:v36+s16+$0x0], vm0;
	_ =	sdelay $0x1  }
0xb2: {  	v37 =	vor.u32 $0x6, v34;
	_ =	sdelay $0x3  }
0xb3: {  	[tilespmem:v36+s14+$0x0] =	vst.idx.msk vm0, v35  }
0xb4: {  	v35 =	vld.idx.msk [tilespmem:v37+s16+$0x0], vm0;
	_ =	sdelay $0x1  }
0xb5: {  	v36 =	vor.u32 $0x7, v34;
	_ =	sdelay $0x3  }
0xb6: {  	[tilespmem:v37+s14+$0x0] =	vst.idx.msk vm0, v35  }
0xb7: {  	v35 =	vld.idx.msk [tilespmem:v36+s16+$0x0], vm0;
	_ =	sdelay $0x1  }
0xb8: {  	v37 =	vor.u32 $0x8, v34;
	_ =	sdelay $0x3  }
0xb9: {  	[tilespmem:v36+s14+$0x0] =	vst.idx.msk vm0, v35  }
0xba: {  	v35 =	vld.idx.msk [tilespmem:v37+s16+$0x0], vm0;
	_ =	sdelay $0x1  }
0xbb: {  	v36 =	vor.u32 $0x9, v34;
	_ =	sdelay $0x3  }
0xbc: {  	[tilespmem:v37+s14+$0x0] =	vst.idx.msk vm0, v35  }
0xbd: {  	v35 =	vld.idx.msk [tilespmem:v36+s16+$0x0], vm0;
	_ =	sdelay $0x1  }
0xbe: {  	v37 =	vor.u32 $0xA, v34;
	_ =	sdelay $0x3  }
0xbf: {  	[tilespmem:v36+s14+$0x0] =	vst.idx.msk vm0, v35  }
0xc0: {  	v35 =	vld.idx.msk [tilespmem:v37+s16+$0x0], vm0;
	_ =	sdelay $0x1  }
0xc1: {  	v36 =	vor.u32 $0xB, v34;
	_ =	sdelay $0x3  }
0xc2: {  	[tilespmem:v37+s14+$0x0] =	vst.idx.msk vm0, v35  }
0xc3: {  	v35 =	vld.idx.msk [tilespmem:v36+s16+$0x0], vm0;
	_ =	sdelay $0x1  }
0xc4: {  	v37 =	vor.u32 $0xC, v34;
	_ =	sdelay $0x3  }
0xc5: {  	[tilespmem:v36+s14+$0x0] =	vst.idx.msk vm0, v35  }
0xc6: {  	v35 =	vld.idx.msk [tilespmem:v37+s16+$0x0], vm0;
	_ =	sdelay $0x1  }
0xc7: {  	v36 =	vor.u32 $0xD, v34;
	_ =	sdelay $0x3  }
0xc8: {  	[tilespmem:v37+s14+$0x0] =	vst.idx.msk vm0, v35  }
0xc9: {  	v35 =	vld.idx.msk [tilespmem:v36+s16+$0x0], vm0;
	_ =	sdelay $0x1  }
0xca: {  	v37 =	vor.u32 $0xE, v34;
	_ =	sdelay $0x3  }
0xcb: {  	[tilespmem:v36+s14+$0x0] =	vst.idx.msk vm0, v35  }
0xcc: {  	v35 =	vld.idx.msk [tilespmem:v37+s16+$0x0], vm0;
	_ =	sdelay $0x1  }
0xcd: {  	v36 =	vor.u32 $0xF, v34;
	_ =	sdelay $0x3  }
0xce: {  	[tilespmem:v37+s14+$0x0] =	vst.idx.msk vm0, v35  }
0xcf: {  	v35 =	vld.idx.msk [tilespmem:v36+s16+$0x0], vm0;
	_ =	sdelay $0x1  }
0xd0: {  	v37 =	vor.u32 $0x10, v34;
	_ =	sdelay $0x3  }
0xd1: {  	[tilespmem:v36+s14+$0x0] =	vst.idx.msk vm0, v35  }
0xd2: {  	v35 =	vld.idx.msk [tilespmem:v37+s16+$0x0], vm0;
	_ =	sdelay $0x1  }
0xd3: {  	v36 =	vor.u32 $0x11, v34;
	_ =	sdelay $0x3  }
0xd4: {  	[tilespmem:v37+s14+$0x0] =	vst.idx.msk vm0, v35  }
0xd5: {  	v35 =	vld.idx.msk [tilespmem:v36+s16+$0x0], vm0;
	_ =	sdelay $0x1  }
0xd6: {  	v37 =	vor.u32 $0x12, v34;
	_ =	sdelay $0x3  }
0xd7: {  	[tilespmem:v36+s14+$0x0] =	vst.idx.msk vm0, v35  }
0xd8: {  	v35 =	vld.idx.msk [tilespmem:v37+s16+$0x0], vm0;
	_ =	sdelay $0x1  }
0xd9: {  	v36 =	vor.u32 $0x13, v34;
	_ =	sdelay $0x3  }
0xda: {  	[tilespmem:v37+s14+$0x0] =	vst.idx.msk vm0, v35  }
0xdb: {  	v35 =	vld.idx.msk [tilespmem:v36+s16+$0x0], vm0;
	_ =	sdelay $0x1  }
0xdc: {  	v37 =	vor.u32 $0x14, v34;
	_ =	sdelay $0x3  }
0xdd: {  	[tilespmem:v36+s14+$0x0] =	vst.idx.msk vm0, v35  }
0xde: {  	v35 =	vld.idx.msk [tilespmem:v37+s16+$0x0], vm0;
	_ =	sdelay $0x1  }
0xdf: {  	v36 =	vor.u32 $0x15, v34;
	_ =	sdelay $0x3  }
0xe0: {  	[tilespmem:v37+s14+$0x0] =	vst.idx.msk vm0, v35  }
0xe1: {  	v35 =	vld.idx.msk [tilespmem:v36+s16+$0x0], vm0;
	_ =	sdelay $0x1  }
0xe2: {  	v37 =	vor.u32 $0x16, v34;
	_ =	sdelay $0x3  }
0xe3: {  	[tilespmem:v36+s14+$0x0] =	vst.idx.msk vm0, v35  }
0xe4: {  	v35 =	vld.idx.msk [tilespmem:v37+s16+$0x0], vm0;
	_ =	sdelay $0x1  }
0xe5: {  	v36 =	vor.u32 $0x17, v34;
	_ =	sdelay $0x3  }
0xe6: {  	[tilespmem:v37+s14+$0x0] =	vst.idx.msk vm0, v35  }
0xe7: {  	v35 =	vld.idx.msk [tilespmem:v36+s16+$0x0], vm0;
	_ =	sdelay $0x1  }
0xe8: {  	v37 =	vor.u32 $0x18, v34;
	_ =	sdelay $0x3  }
0xe9: {  	[tilespmem:v36+s14+$0x0] =	vst.idx.msk vm0, v35  }
0xea: {  	v35 =	vld.idx.msk [tilespmem:v37+s16+$0x0], vm0;
	_ =	sdelay $0x1  }
0xeb: {  	v36 =	vor.u32 $0x19, v34;
	_ =	sdelay $0x3  }
0xec: {  	[tilespmem:v37+s14+$0x0] =	vst.idx.msk vm0, v35  }
0xed: {  	v35 =	vld.idx.msk [tilespmem:v36+s16+$0x0], vm0;
	_ =	sdelay $0x1  }
0xee: {  	v37 =	vor.u32 $0x1A, v34;
	_ =	sdelay $0x3  }
0xef: {  	[tilespmem:v36+s14+$0x0] =	vst.idx.msk vm0, v35  }
0xf0: {  	v35 =	vld.idx.msk [tilespmem:v37+s16+$0x0], vm0;
	_ =	sdelay $0x1  }
0xf1: {  	v36 =	vor.u32 $0x1B, v34;
	_ =	sdelay $0x3  }
0xf2: {  	[tilespmem:v37+s14+$0x0] =	vst.idx.msk vm0, v35  }
0xf3: {  	v35 =	vld.idx.msk [tilespmem:v36+s16+$0x0], vm0;
	_ =	sdelay $0x1  }
0xf4: {  	v37 =	vor.u32 $0x1C, v34;
	_ =	sdelay $0x3  }
0xf5: {  	[tilespmem:v36+s14+$0x0] =	vst.idx.msk vm0, v35  }
0xf6: {  	v35 =	vld.idx.msk [tilespmem:v37+s16+$0x0], vm0;
	_ =	sdelay $0x1  }
0xf7: {  	v36 =	vor.u32 $0x1D, v34;
	_ =	sdelay $0x3  }
0xf8: {  	[tilespmem:v37+s14+$0x0] =	vst.idx.msk vm0, v35  }
0xf9: {  	v35 =	vld.idx.msk [tilespmem:v36+s16+$0x0], vm0;
	_ =	sdelay $0x1  }
0xfa: {  	v37 =	vor.u32 $0x1E, v34;
	_ =	sdelay $0x3  }
0xfb: {  	[tilespmem:v36+s14+$0x0] =	vst.idx.msk vm0, v35  }
0xfc: {  	v35 =	vld.idx.msk [tilespmem:v37+s16+$0x0], vm0;
	_ =	sdelay $0x1  }
0xfd: {  	v36 =	vor.u32 $0x1F, v34;
	_ =	sdelay $0x3  }
0xfe: {  	[tilespmem:v37+s14+$0x0] =	vst.idx.msk vm0, v35  }
0xff: {  	v35 =	vld.idx.msk [tilespmem:v36+s16+$0x0], vm0;
	_ =	sdelay $0x1  }
0x100: {  	v37 =	vor.u32 $0x20, v34;
	_ =	sdelay $0x3  }
0x101: {  	[tilespmem:v36+s14+$0x0] =	vst.idx.msk vm0, v35  }
0x102: {  	v35 =	vld.idx.msk [tilespmem:v37+s16+$0x0], vm0;
	_ =	sdelay $0x1  }
0x103: {  	v36 =	vor.u32 $0x21, v34;
	_ =	sdelay $0x3  }
0x104: {  	[tilespmem:v37+s14+$0x0] =	vst.idx.msk vm0, v35  }
0x105: {  	v35 =	vld.idx.msk [tilespmem:v36+s16+$0x0], vm0;
	_ =	sdelay $0x1  }
0x106: {  	v37 =	vor.u32 $0x22, v34;
	_ =	sdelay $0x3  }
0x107: {  	[tilespmem:v36+s14+$0x0] =	vst.idx.msk vm0, v35  }
0x108: {  	v35 =	vld.idx.msk [tilespmem:v37+s16+$0x0], vm0;
	_ =	sdelay $0x1  }
0x109: {  	v36 =	vor.u32 $0x23, v34;
	_ =	sdelay $0x3  }
0x10a: {  	[tilespmem:v37+s14+$0x0] =	vst.idx.msk vm0, v35  }
0x10b: {  	v35 =	vld.idx.msk [tilespmem:v36+s16+$0x0], vm0;
	_ =	sdelay $0x1  }
0x10c: {  	v37 =	vor.u32 $0x24, v34;
	_ =	sdelay $0x3  }
0x10d: {  	[tilespmem:v36+s14+$0x0] =	vst.idx.msk vm0, v35  }
0x10e: {  	v35 =	vld.idx.msk [tilespmem:v37+s16+$0x0], vm0;
	_ =	sdelay $0x1  }
0x10f: {  	v36 =	vor.u32 $0x25, v34;
	_ =	sdelay $0x3  }
0x110: {  	[tilespmem:v37+s14+$0x0] =	vst.idx.msk vm0, v35  }
0x111: {  	v35 =	vld.idx.msk [tilespmem:v36+s16+$0x0], vm0;
	_ =	sdelay $0x1  }
0x112: {  	v37 =	vor.u32 $0x26, v34;
	_ =	sdelay $0x3  }
0x113: {  	[tilespmem:v36+s14+$0x0] =	vst.idx.msk vm0, v35  }
0x114: {  	v35 =	vld.idx.msk [tilespmem:v37+s16+$0x0], vm0;
	_ =	sdelay $0x1  }
0x115: {  	v36 =	vor.u32 $0x27, v34;
	_ =	sdelay $0x3  }
0x116: {  	[tilespmem:v37+s14+$0x0] =	vst.idx.msk vm0, v35  }
0x117: {  	v35 =	vld.idx.msk [tilespmem:v36+s16+$0x0], vm0;
	_ =	sdelay $0x1  }
0x118: {  	v37 =	vor.u32 $0x28, v34;
	_ =	sdelay $0x3  }
0x119: {  	[tilespmem:v36+s14+$0x0] =	vst.idx.msk vm0, v35  }
0x11a: {  	v35 =	vld.idx.msk [tilespmem:v37+s16+$0x0], vm0;
	_ =	sdelay $0x1  }
0x11b: {  	v36 =	vor.u32 $0x29, v34;
	_ =	sdelay $0x3  }
0x11c: {  	[tilespmem:v37+s14+$0x0] =	vst.idx.msk vm0, v35  }
0x11d: {  	v35 =	vld.idx.msk [tilespmem:v36+s16+$0x0], vm0;
	_ =	sdelay $0x1  }
0x11e: {  	v37 =	vor.u32 $0x2A, v34;
	_ =	sdelay $0x3  }
0x11f: {  	[tilespmem:v36+s14+$0x0] =	vst.idx.msk vm0, v35  }
0x120: {  	v35 =	vld.idx.msk [tilespmem:v37+s16+$0x0], vm0;
	_ =	sdelay $0x1  }
0x121: {  	v36 =	vor.u32 $0x2B, v34;
	_ =	sdelay $0x3  }
0x122: {  	[tilespmem:v37+s14+$0x0] =	vst.idx.msk vm0, v35  }
0x123: {  	v35 =	vld.idx.msk [tilespmem:v36+s16+$0x0], vm0;
	_ =	sdelay $0x1  }
0x124: {  	v37 =	vor.u32 $0x2C, v34;
	_ =	sdelay $0x3  }
0x125: {  	[tilespmem:v36+s14+$0x0] =	vst.idx.msk vm0, v35  }
0x126: {  	v35 =	vld.idx.msk [tilespmem:v37+s16+$0x0], vm0;
	_ =	sdelay $0x1  }
0x127: {  	v36 =	vor.u32 $0x2D, v34;
	_ =	sdelay $0x3  }
0x128: {  	[tilespmem:v37+s14+$0x0] =	vst.idx.msk vm0, v35  }
0x129: {  	v35 =	vld.idx.msk [tilespmem:v36+s16+$0x0], vm0;
	_ =	sdelay $0x1  }
0x12a: {  	v37 =	vor.u32 $0x2E, v34;
	_ =	sdelay $0x3  }
0x12b: {  	[tilespmem:v36+s14+$0x0] =	vst.idx.msk vm0, v35  }
0x12c: {  	v35 =	vld.idx.msk [tilespmem:v37+s16+$0x0], vm0;
	_ =	sdelay $0x1  }
0x12d: {  	v36 =	vor.u32 $0x2F, v34;
	_ =	sdelay $0x3  }
0x12e: {  	[tilespmem:v37+s14+$0x0] =	vst.idx.msk vm0, v35  }
0x12f: {  	v35 =	vld.idx.msk [tilespmem:v36+s16+$0x0], vm0;
	_ =	sdelay $0x1  }
0x130: {  	v37 =	vor.u32 $0x30, v34;
	_ =	sdelay $0x3  }
0x131: {  	[tilespmem:v36+s14+$0x0] =	vst.idx.msk vm0, v35  }
0x132: {  	v35 =	vld.idx.msk [tilespmem:v37+s16+$0x0], vm0;
	_ =	sdelay $0x1  }
0x133: {  	v36 =	vor.u32 $0x31, v34;
	_ =	sdelay $0x3  }
0x134: {  	[tilespmem:v37+s14+$0x0] =	vst.idx.msk vm0, v35  }
0x135: {  	v35 =	vld.idx.msk [tilespmem:v36+s16+$0x0], vm0;
	_ =	sdelay $0x1  }
0x136: {  	v37 =	vor.u32 $0x32, v34;
	_ =	sdelay $0x3  }
0x137: {  	[tilespmem:v36+s14+$0x0] =	vst.idx.msk vm0, v35  }
0x138: {  	v35 =	vld.idx.msk [tilespmem:v37+s16+$0x0], vm0;
	_ =	sdelay $0x1  }
0x139: {  	v36 =	vor.u32 $0x33, v34;
	_ =	sdelay $0x3  }
0x13a: {  	[tilespmem:v37+s14+$0x0] =	vst.idx.msk vm0, v35  }
0x13b: {  	v35 =	vld.idx.msk [tilespmem:v36+s16+$0x0], vm0;
	_ =	sdelay $0x1  }
0x13c: {  	v37 =	vor.u32 $0x34, v34;
	_ =	sdelay $0x3  }
0x13d: {  	[tilespmem:v36+s14+$0x0] =	vst.idx.msk vm0, v35  }
0x13e: {  	v35 =	vld.idx.msk [tilespmem:v37+s16+$0x0], vm0;
	_ =	sdelay $0x1  }
0x13f: {  	v36 =	vor.u32 $0x35, v34;
	_ =	sdelay $0x3  }
0x140: {  	[tilespmem:v37+s14+$0x0] =	vst.idx.msk vm0, v35  }
0x141: {  	v35 =	vld.idx.msk [tilespmem:v36+s16+$0x0], vm0;
	_ =	sdelay $0x1  }
0x142: {  	v37 =	vor.u32 $0x36, v34;
	_ =	sdelay $0x3  }
0x143: {  	[tilespmem:v36+s14+$0x0] =	vst.idx.msk vm0, v35  }
0x144: {  	v35 =	vld.idx.msk [tilespmem:v37+s16+$0x0], vm0;
	_ =	sdelay $0x1  }
0x145: {  	v36 =	vor.u32 $0x37, v34;
	_ =	sdelay $0x3  }
0x146: {  	[tilespmem:v37+s14+$0x0] =	vst.idx.msk vm0, v35  }
0x147: {  	v35 =	vld.idx.msk [tilespmem:v36+s16+$0x0], vm0;
	_ =	sdelay $0x1  }
0x148: {  	v37 =	vor.u32 $0x38, v34;
	_ =	sdelay $0x3  }
0x149: {  	[tilespmem:v36+s14+$0x0] =	vst.idx.msk vm0, v35  }
0x14a: {  	v35 =	vld.idx.msk [tilespmem:v37+s16+$0x0], vm0;
	_ =	sdelay $0x1  }
0x14b: {  	v36 =	vor.u32 $0x39, v34;
	_ =	sdelay $0x3  }
0x14c: {  	[tilespmem:v37+s14+$0x0] =	vst.idx.msk vm0, v35  }
0x14d: {  	v35 =	vld.idx.msk [tilespmem:v36+s16+$0x0], vm0;
	_ =	sdelay $0x1  }
0x14e: {  	v37 =	vor.u32 $0x3A, v34;
	_ =	sdelay $0x3  }
0x14f: {  	[tilespmem:v36+s14+$0x0] =	vst.idx.msk vm0, v35  }
0x150: {  	v35 =	vld.idx.msk [tilespmem:v37+s16+$0x0], vm0;
	_ =	sdelay $0x1  }
0x151: {  	v36 =	vor.u32 $0x3B, v34;
	_ =	sdelay $0x3  }
0x152: {  	[tilespmem:v37+s14+$0x0] =	vst.idx.msk vm0, v35  }
0x153: {  	v35 =	vld.idx.msk [tilespmem:v36+s16+$0x0], vm0;
	_ =	sdelay $0x1  }
0x154: {  	v37 =	vor.u32 $0x3C, v34;
	_ =	sdelay $0x3  }
0x155: {  	[tilespmem:v36+s14+$0x0] =	vst.idx.msk vm0, v35  }
0x156: {  	v35 =	vld.idx.msk [tilespmem:v37+s16+$0x0], vm0;
	_ =	sdelay $0x1  }
0x157: {  	v36 =	vor.u32 $0x3D, v34;
	_ =	sdelay $0x3  }
0x158: {  	[tilespmem:v37+s14+$0x0] =	vst.idx.msk vm0, v35  }
0x159: {  	v35 =	vld.idx.msk [tilespmem:v36+s16+$0x0], vm0;
	_ =	sdelay $0x1  }
0x15a: {  	v37 =	vor.u32 $0x3E, v34;
	_ =	sdelay $0x3  }
0x15b: {  	[tilespmem:v36+s14+$0x0] =	vst.idx.msk vm0, v35  }
0x15c: {  	v35 =	vld.idx.msk [tilespmem:v37+s16+$0x0], vm0;
	_ =	sdelay $0x1  }
0x15d: {  	v34 =	vor.u32 $0x3F, v34;
	_ =	sdelay $0x3  }
0x15e: {  	[tilespmem:v37+s14+$0x0] =	vst.idx.msk vm0, v35  }
0x15f: {  	v35 =	vld.idx.msk [tilespmem:v34+s16+$0x0], vm0;
	_ =	sdelay $0x2  }
.Ltmp0:
0x160: {  	(pc) =	sbr.rel @p0 .LBB2_2-.Ltmp0, $3  }
0x161: {  	_ =	sdelay $0x1  }
0x162: {  	s13 =	sadd.s32 $0x10, s13;
	[tilespmem:v34+s14+$0x0] =	vst.idx.msk vm0, v35  }
0x163: {  	s15 =	sadd.s32 $0x10, s15;
	v34 =	vld [tilespmem:s13+$0x0]  }
0x164: {  	_ =	sdelay $0x2  }
0x165: {  	v35 =	vmov s17  }
0x166: {  	v50 =	vshll.u32 v35, $0x6;
	vm0 =	vlt.s32 v34, $0x4000  }
0x167: {  	v34 =	vor.u32 v33, v50;
	_ =	sdelay $0x4  }
0x168: {  	v51 =	vld.idx.msk [tilespmem:v34+s16+$0x0], vm0  }
0x169: {  	v36 =	vor.u32 $0x1, v34;
	_ =	sdelay $0x3  }
0x16a: {  	[tilespmem:v34+s14+$0x0] =	vst.idx.msk vm0, v51  }
0x16b: {  	v35 =	vld.idx.msk [tilespmem:v36+s16+$0x0], vm0  }
0x16c: {  	v37 =	vor.u32 $0x2, v34;
	_ =	sdelay $0x3  }
0x16d: {  	[tilespmem:v36+s14+$0x0] =	vst.idx.msk vm0, v35  }
0x16e: {  	v35 =	vld.idx.msk [tilespmem:v37+s16+$0x0], vm0  }
0x16f: {  	v52 =	vor.u32 $0x3, v34;
	_ =	sdelay $0x3  }
0x170: {  	[tilespmem:v37+s14+$0x0] =	vst.idx.msk vm0, v35  }
0x171: {  	v35 =	vld.idx.msk [tilespmem:v52+s16+$0x0], vm0  }
0x172: {  	v53 =	vor.u32 $0x4, v34;
	_ =	sdelay $0x3  }
0x173: {  	[tilespmem:v52+s14+$0x0] =	vst.idx.msk vm0, v35  }
0x174: {  	v35 =	vld.idx.msk [tilespmem:v53+s16+$0x0], vm0  }
0x175: {  	v54 =	vor.u32 $0x5, v34;
	_ =	sdelay $0x3  }
0x176: {  	[tilespmem:v53+s14+$0x0] =	vst.idx.msk vm0, v35  }
0x177: {  	v35 =	vld.idx.msk [tilespmem:v54+s16+$0x0], vm0  }
0x178: {  	v55 =	vor.u32 $0x6, v34;
	_ =	sdelay $0x3  }
0x179: {  	[tilespmem:v54+s14+$0x0] =	vst.idx.msk vm0, v35  }
0x17a: {  	v35 =	vld.idx.msk [tilespmem:v55+s16+$0x0], vm0  }
0x17b: {  	v56 =	vor.u32 $0x7, v34;
	_ =	sdelay $0x3  }
0x17c: {  	[tilespmem:v55+s14+$0x0] =	vst.idx.msk vm0, v35  }
0x17d: {  	v35 =	vld.idx.msk [tilespmem:v56+s16+$0x0], vm0  }
0x17e: {  	v57 =	vor.u32 $0x8, v34;
	_ =	sdelay $0x3  }
0x17f: {  	[tilespmem:v56+s14+$0x0] =	vst.idx.msk vm0, v35  }
0x180: {  	v35 =	vld.idx.msk [tilespmem:v57+s16+$0x0], vm0  }
0x181: {  	v58 =	vor.u32 $0x9, v34;
	_ =	sdelay $0x3  }
0x182: {  	[tilespmem:v57+s14+$0x0] =	vst.idx.msk vm0, v35  }
0x183: {  	v35 =	vld.idx.msk [tilespmem:v58+s16+$0x0], vm0  }
0x184: {  	v59 =	vor.u32 $0xA, v34;
	_ =	sdelay $0x3  }
0x185: {  	[tilespmem:v58+s14+$0x0] =	vst.idx.msk vm0, v35  }
0x186: {  	v35 =	vld.idx.msk [tilespmem:v59+s16+$0x0], vm0  }
0x187: {  	v60 =	vor.u32 $0xB, v34;
	_ =	sdelay $0x3  }
0x188: {  	[tilespmem:v59+s14+$0x0] =	vst.idx.msk vm0, v35  }
0x189: {  	v35 =	vld.idx.msk [tilespmem:v60+s16+$0x0], vm0  }
0x18a: {  	v61 =	vor.u32 $0xC, v34;
	_ =	sdelay $0x3  }
0x18b: {  	[tilespmem:v60+s14+$0x0] =	vst.idx.msk vm0, v35  }
0x18c: {  	v35 =	vld.idx.msk [tilespmem:v61+s16+$0x0], vm0  }
0x18d: {  	v62 =	vor.u32 $0xD, v34;
	_ =	sdelay $0x3  }
0x18e: {  	[tilespmem:v61+s14+$0x0] =	vst.idx.msk vm0, v35  }
0x18f: {  	v35 =	vld.idx.msk [tilespmem:v62+s16+$0x0], vm0  }
0x190: {  	v63 =	vor.u32 $0xE, v34;
	_ =	sdelay $0x3  }
0x191: {  	[tilespmem:v62+s14+$0x0] =	vst.idx.msk vm0, v35  }
0x192: {  	v35 =	vld.idx.msk [tilespmem:v63+s16+$0x0], vm0  }
0x193: {  	v40 =	vor.u32 $0xF, v34;
	_ =	sdelay $0x3  }
0x194: {  	[tilespmem:v63+s14+$0x0] =	vst.idx.msk vm0, v35  }
0x195: {  	v35 =	vld.idx.msk [tilespmem:v40+s16+$0x0], vm0  }
0x196: {  	v41 =	vor.u32 $0x10, v34;
	_ =	sdelay $0x3  }
0x197: {  	[tilespmem:v40+s14+$0x0] =	vst.idx.msk vm0, v35  }
0x198: {  	v35 =	vld.idx.msk [tilespmem:v41+s16+$0x0], vm0  }
0x199: {  	v42 =	vor.u32 $0x11, v34;
	_ =	sdelay $0x3  }
0x19a: {  	[tilespmem:v41+s14+$0x0] =	vst.idx.msk vm0, v35  }
0x19b: {  	v35 =	vld.idx.msk [tilespmem:v42+s16+$0x0], vm0  }
0x19c: {  	v43 =	vor.u32 $0x12, v34;
	_ =	sdelay $0x3  }
0x19d: {  	[tilespmem:v42+s14+$0x0] =	vst.idx.msk vm0, v35  }
0x19e: {  	v35 =	vld.idx.msk [tilespmem:v43+s16+$0x0], vm0  }
0x19f: {  	v44 =	vor.u32 $0x13, v34;
	_ =	sdelay $0x3  }
0x1a0: {  	[tilespmem:v43+s14+$0x0] =	vst.idx.msk vm0, v35  }
0x1a1: {  	v35 =	vld.idx.msk [tilespmem:v44+s16+$0x0], vm0  }
0x1a2: {  	v45 =	vor.u32 $0x14, v34;
	_ =	sdelay $0x3  }
0x1a3: {  	[tilespmem:v44+s14+$0x0] =	vst.idx.msk vm0, v35  }
0x1a4: {  	v35 =	vld.idx.msk [tilespmem:v45+s16+$0x0], vm0  }
0x1a5: {  	v46 =	vor.u32 $0x15, v34;
	_ =	sdelay $0x3  }
0x1a6: {  	[tilespmem:v45+s14+$0x0] =	vst.idx.msk vm0, v35  }
0x1a7: {  	v35 =	vld.idx.msk [tilespmem:v46+s16+$0x0], vm0  }
0x1a8: {  	v47 =	vor.u32 $0x16, v34;
	_ =	sdelay $0x3  }
0x1a9: {  	[tilespmem:v46+s14+$0x0] =	vst.idx.msk vm0, v35  }
0x1aa: {  	v35 =	vld.idx.msk [tilespmem:v47+s16+$0x0], vm0  }
0x1ab: {  	v48 =	vor.u32 $0x17, v34;
	_ =	sdelay $0x3  }
0x1ac: {  	[tilespmem:v47+s14+$0x0] =	vst.idx.msk vm0, v35  }
0x1ad: {  	v35 =	vld.idx.msk [tilespmem:v48+s16+$0x0], vm0  }
0x1ae: {  	v49 =	vor.u32 $0x18, v34;
	_ =	sdelay $0x3  }
0x1af: {  	[tilespmem:v48+s14+$0x0] =	vst.idx.msk vm0, v35  }
0x1b0: {  	v35 =	vld.idx.msk [tilespmem:v49+s16+$0x0], vm0  }
0x1b1: {  	v50 =	vor.u32 $0x19, v34;
	_ =	sdelay $0x3  }
0x1b2: {  	[tilespmem:v49+s14+$0x0] =	vst.idx.msk vm0, v35  }
0x1b3: {  	v35 =	vld.idx.msk [tilespmem:v50+s16+$0x0], vm0  }
0x1b4: {  	v51 =	vor.u32 $0x1A, v34;
	_ =	sdelay $0x3  }
0x1b5: {  	[tilespmem:v50+s14+$0x0] =	vst.idx.msk vm0, v35  }
0x1b6: {  	v35 =	vld.idx.msk [tilespmem:v51+s16+$0x0], vm0  }
0x1b7: {  	v52 =	vor.u32 $0x1B, v34;
	_ =	sdelay $0x3  }
0x1b8: {  	[tilespmem:v51+s14+$0x0] =	vst.idx.msk vm0, v35  }
0x1b9: {  	v35 =	vld.idx.msk [tilespmem:v52+s16+$0x0], vm0  }
0x1ba: {  	v53 =	vor.u32 $0x1C, v34;
	_ =	sdelay $0x3  }
0x1bb: {  	[tilespmem:v52+s14+$0x0] =	vst.idx.msk vm0, v35  }
0x1bc: {  	v35 =	vld.idx.msk [tilespmem:v53+s16+$0x0], vm0  }
0x1bd: {  	v54 =	vor.u32 $0x1D, v34;
	_ =	sdelay $0x3  }
0x1be: {  	[tilespmem:v53+s14+$0x0] =	vst.idx.msk vm0, v35  }
0x1bf: {  	v35 =	vld.idx.msk [tilespmem:v54+s16+$0x0], vm0  }
0x1c0: {  	v55 =	vor.u32 $0x1E, v34;
	_ =	sdelay $0x3  }
0x1c1: {  	[tilespmem:v54+s14+$0x0] =	vst.idx.msk vm0, v35  }
0x1c2: {  	v35 =	vld.idx.msk [tilespmem:v55+s16+$0x0], vm0  }
0x1c3: {  	v56 =	vor.u32 $0x1F, v34;
	_ =	sdelay $0x3  }
0x1c4: {  	[tilespmem:v55+s14+$0x0] =	vst.idx.msk vm0, v35  }
0x1c5: {  	v35 =	vld.idx.msk [tilespmem:v56+s16+$0x0], vm0  }
0x1c6: {  	v57 =	vor.u32 $0x20, v34;
	_ =	sdelay $0x3  }
0x1c7: {  	[tilespmem:v56+s14+$0x0] =	vst.idx.msk vm0, v35  }
0x1c8: {  	v35 =	vld.idx.msk [tilespmem:v57+s16+$0x0], vm0  }
0x1c9: {  	v58 =	vor.u32 $0x21, v34;
	_ =	sdelay $0x3  }
0x1ca: {  	[tilespmem:v57+s14+$0x0] =	vst.idx.msk vm0, v35  }
0x1cb: {  	v35 =	vld.idx.msk [tilespmem:v58+s16+$0x0], vm0  }
0x1cc: {  	v59 =	vor.u32 $0x22, v34;
	_ =	sdelay $0x3  }
0x1cd: {  	[tilespmem:v58+s14+$0x0] =	vst.idx.msk vm0, v35  }
0x1ce: {  	v35 =	vld.idx.msk [tilespmem:v59+s16+$0x0], vm0  }
0x1cf: {  	v60 =	vor.u32 $0x23, v34;
	_ =	sdelay $0x3  }
0x1d0: {  	[tilespmem:v59+s14+$0x0] =	vst.idx.msk vm0, v35  }
0x1d1: {  	v35 =	vld.idx.msk [tilespmem:v60+s16+$0x0], vm0  }
0x1d2: {  	v61 =	vor.u32 $0x24, v34;
	_ =	sdelay $0x3  }
0x1d3: {  	[tilespmem:v60+s14+$0x0] =	vst.idx.msk vm0, v35  }
0x1d4: {  	v35 =	vld.idx.msk [tilespmem:v61+s16+$0x0], vm0  }
0x1d5: {  	v62 =	vor.u32 $0x25, v34;
	_ =	sdelay $0x3  }
0x1d6: {  	[tilespmem:v61+s14+$0x0] =	vst.idx.msk vm0, v35  }
0x1d7: {  	v35 =	vld.idx.msk [tilespmem:v62+s16+$0x0], vm0  }
0x1d8: {  	v63 =	vor.u32 $0x26, v34;
	_ =	sdelay $0x3  }
0x1d9: {  	[tilespmem:v62+s14+$0x0] =	vst.idx.msk vm0, v35  }
0x1da: {  	v35 =	vld.idx.msk [tilespmem:v63+s16+$0x0], vm0  }
0x1db: {  	v40 =	vor.u32 $0x27, v34;
	_ =	sdelay $0x3  }
0x1dc: {  	[tilespmem:v63+s14+$0x0] =	vst.idx.msk vm0, v35  }
0x1dd: {  	v35 =	vld.idx.msk [tilespmem:v40+s16+$0x0], vm0  }
0x1de: {  	v41 =	vor.u32 $0x28, v34;
	_ =	sdelay $0x3  }
0x1df: {  	[tilespmem:v40+s14+$0x0] =	vst.idx.msk vm0, v35  }
0x1e0: {  	v35 =	vld.idx.msk [tilespmem:v41+s16+$0x0], vm0  }
0x1e1: {  	v42 =	vor.u32 $0x29, v34;
	_ =	sdelay $0x3  }
0x1e2: {  	[tilespmem:v41+s14+$0x0] =	vst.idx.msk vm0, v35  }
0x1e3: {  	v35 =	vld.idx.msk [tilespmem:v42+s16+$0x0], vm0  }
0x1e4: {  	v43 =	vor.u32 $0x2A, v34;
	_ =	sdelay $0x3  }
0x1e5: {  	[tilespmem:v42+s14+$0x0] =	vst.idx.msk vm0, v35  }
0x1e6: {  	v35 =	vld.idx.msk [tilespmem:v43+s16+$0x0], vm0  }
0x1e7: {  	v44 =	vor.u32 $0x2B, v34;
	_ =	sdelay $0x3  }
0x1e8: {  	[tilespmem:v43+s14+$0x0] =	vst.idx.msk vm0, v35  }
0x1e9: {  	v35 =	vld.idx.msk [tilespmem:v44+s16+$0x0], vm0  }
0x1ea: {  	v45 =	vor.u32 $0x2C, v34;
	_ =	sdelay $0x3  }
0x1eb: {  	[tilespmem:v44+s14+$0x0] =	vst.idx.msk vm0, v35  }
0x1ec: {  	v35 =	vld.idx.msk [tilespmem:v45+s16+$0x0], vm0  }
0x1ed: {  	v46 =	vor.u32 $0x2D, v34;
	_ =	sdelay $0x3  }
0x1ee: {  	[tilespmem:v45+s14+$0x0] =	vst.idx.msk vm0, v35  }
0x1ef: {  	v35 =	vld.idx.msk [tilespmem:v46+s16+$0x0], vm0  }
0x1f0: {  	v47 =	vor.u32 $0x2E, v34;
	_ =	sdelay $0x3  }
0x1f1: {  	[tilespmem:v46+s14+$0x0] =	vst.idx.msk vm0, v35  }
0x1f2: {  	v35 =	vld.idx.msk [tilespmem:v47+s16+$0x0], vm0  }
0x1f3: {  	v48 =	vor.u32 $0x2F, v34;
	_ =	sdelay $0x3  }
0x1f4: {  	[tilespmem:v47+s14+$0x0] =	vst.idx.msk vm0, v35  }
0x1f5: {  	v35 =	vld.idx.msk [tilespmem:v48+s16+$0x0], vm0  }
0x1f6: {  	v49 =	vor.u32 $0x30, v34;
	_ =	sdelay $0x3  }
0x1f7: {  	[tilespmem:v48+s14+$0x0] =	vst.idx.msk vm0, v35  }
0x1f8: {  	v35 =	vld.idx.msk [tilespmem:v49+s16+$0x0], vm0  }
0x1f9: {  	v50 =	vor.u32 $0x31, v34;
	_ =	sdelay $0x3  }
0x1fa: {  	[tilespmem:v49+s14+$0x0] =	vst.idx.msk vm0, v35  }
0x1fb: {  	v35 =	vld.idx.msk [tilespmem:v50+s16+$0x0], vm0  }
0x1fc: {  	v51 =	vor.u32 $0x32, v34;
	_ =	sdelay $0x3  }
0x1fd: {  	[tilespmem:v50+s14+$0x0] =	vst.idx.msk vm0, v35  }
0x1fe: {  	v35 =	vld.idx.msk [tilespmem:v51+s16+$0x0], vm0  }
0x1ff: {  	v52 =	vor.u32 $0x33, v34;
	_ =	sdelay $0x3  }
0x200: {  	[tilespmem:v51+s14+$0x0] =	vst.idx.msk vm0, v35  }
0x201: {  	v35 =	vld.idx.msk [tilespmem:v52+s16+$0x0], vm0  }
0x202: {  	v53 =	vor.u32 $0x34, v34;
	_ =	sdelay $0x3  }
0x203: {  	[tilespmem:v52+s14+$0x0] =	vst.idx.msk vm0, v35  }
0x204: {  	v35 =	vld.idx.msk [tilespmem:v53+s16+$0x0], vm0  }
0x205: {  	v54 =	vor.u32 $0x35, v34;
	_ =	sdelay $0x3  }
0x206: {  	[tilespmem:v53+s14+$0x0] =	vst.idx.msk vm0, v35  }
0x207: {  	v35 =	vld.idx.msk [tilespmem:v54+s16+$0x0], vm0  }
0x208: {  	v55 =	vor.u32 $0x36, v34;
	_ =	sdelay $0x3  }
0x209: {  	[tilespmem:v54+s14+$0x0] =	vst.idx.msk vm0, v35  }
0x20a: {  	v35 =	vld.idx.msk [tilespmem:v55+s16+$0x0], vm0  }
0x20b: {  	v56 =	vor.u32 $0x37, v34;
	_ =	sdelay $0x3  }
0x20c: {  	[tilespmem:v55+s14+$0x0] =	vst.idx.msk vm0, v35  }
0x20d: {  	v35 =	vld.idx.msk [tilespmem:v56+s16+$0x0], vm0  }
0x20e: {  	v57 =	vor.u32 $0x38, v34;
	_ =	sdelay $0x3  }
0x20f: {  	[tilespmem:v56+s14+$0x0] =	vst.idx.msk vm0, v35  }
0x210: {  	v35 =	vld.idx.msk [tilespmem:v57+s16+$0x0], vm0  }
0x211: {  	v58 =	vor.u32 $0x39, v34;
	_ =	sdelay $0x3  }
0x212: {  	[tilespmem:v57+s14+$0x0] =	vst.idx.msk vm0, v35  }
0x213: {  	v35 =	vld.idx.msk [tilespmem:v58+s16+$0x0], vm0  }
0x214: {  	v59 =	vor.u32 $0x3A, v34;
	_ =	sdelay $0x3  }
0x215: {  	[tilespmem:v58+s14+$0x0] =	vst.idx.msk vm0, v35  }
0x216: {  	v35 =	vld.idx.msk [tilespmem:v59+s16+$0x0], vm0  }
0x217: {  	v60 =	vor.u32 $0x3B, v34;
	_ =	sdelay $0x3  }
0x218: {  	[tilespmem:v59+s14+$0x0] =	vst.idx.msk vm0, v35  }
0x219: {  	v35 =	vld.idx.msk [tilespmem:v60+s16+$0x0], vm0  }
0x21a: {  	v61 =	vor.u32 $0x3C, v34;
	_ =	sdelay $0x3  }
0x21b: {  	[tilespmem:v60+s14+$0x0] =	vst.idx.msk vm0, v35  }
0x21c: {  	v35 =	vld.idx.msk [tilespmem:v61+s16+$0x0], vm0  }
0x21d: {  	v62 =	vor.u32 $0x3D, v34;
	_ =	sdelay $0x3  }
0x21e: {  	[tilespmem:v61+s14+$0x0] =	vst.idx.msk vm0, v35  }
0x21f: {  	v35 =	vld.idx.msk [tilespmem:v62+s16+$0x0], vm0  }
0x220: {  	v63 =	vor.u32 $0x3E, v34;
	_ =	sdelay $0x3  }
0x221: {  	[tilespmem:v62+s14+$0x0] =	vst.idx.msk vm0, v35  }
0x222: {  	v35 =	vld.idx.msk [tilespmem:v63+s16+$0x0], vm0  }
0x223: {  	v34 =	vor.u32 $0x3F, v34;
	_ =	sdelay $0x3  }
0x224: {  	[tilespmem:v63+s14+$0x0] =	vst.idx.msk vm0, v35  }
0x225: {  	v35 =	vld.idx.msk [tilespmem:v34+s16+$0x0], vm0;
	_ =	sdelay $0x4  }
0x226: {  	[tilespmem:v34+s14+$0x0] =	vst.idx.msk vm0, v35  }
0x227: {  	[hbm4b:s6+s3] =	stream.linear.scatter [tilespmem:s14], [sflag:$0x3], $0x2000, $0x38;
	[tilespmem:$0x10800] =	vst v63  }
0x228: {  	_ =	swait.ge [sflag:s30], $0x2000  }
0x229: {  	[sflag:s30] =	ssyncset.done $0x0  }
0x22a: {  	[sflag:s30] =	ssyncadd.s32 $0xFFFFE000  }
0x22b: {  	_ =	swait.ge [sflag:s31], $0x2000  }
0x22c: {  	[sflag:s31] =	ssyncset.done $0x0  }
0x22d: {  	s13 =	simm.s32 $0x280;
	[sflag:s31] =	ssyncadd.s32 $0xFFFFE000  }
0x22e: {  	s15 =	simm.s32 $0x80;
	s17 =	simm.s32 $0x90;
	v34 =	vld [tilespmem:s13+$0x0]  }
.LBB2_4:
0x22f: {  	p0 =	sne.s32 s17, $0xF0;
	_ =	sdelay $0x2  }
0x230: {  	v35 =	vmov s15;
	s15 =	smov.u32 s17  }
0x231: {  	vm0 =	vlt.s32 v34, $0x4000;
	v34 =	vshll.u32 v35, $0x6  }
0x232: {  	v34 =	vor.u32 v33, v34;
	_ =	sdelay $0x4  }
0x233: {  	v35 =	vld.idx.msk [tilespmem:v34+s16+$0x0], vm0;
	_ =	sdelay $0x1  }
0x234: {  	v36 =	vor.u32 $0x1, v34;
	_ =	sdelay $0x3  }
0x235: {  	[tilespmem:v34+s14+$0x0] =	vst.idx.msk vm0, v35  }
0x236: {  	v35 =	vld.idx.msk [tilespmem:v36+s16+$0x0], vm0;
	_ =	sdelay $0x1  }
0x237: {  	v37 =	vor.u32 $0x2, v34;
	_ =	sdelay $0x3  }
0x238: {  	[tilespmem:v36+s14+$0x0] =	vst.idx.msk vm0, v35  }
0x239: {  	v35 =	vld.idx.msk [tilespmem:v37+s16+$0x0], vm0;
	_ =	sdelay $0x1  }
0x23a: {  	v36 =	vor.u32 $0x3, v34;
	_ =	sdelay $0x3  }
0x23b: {  	[tilespmem:v37+s14+$0x0] =	vst.idx.msk vm0, v35  }
0x23c: {  	v35 =	vld.idx.msk [tilespmem:v36+s16+$0x0], vm0;
	_ =	sdelay $0x1  }
0x23d: {  	v37 =	vor.u32 $0x4, v34;
	_ =	sdelay $0x3  }
0x23e: {  	[tilespmem:v36+s14+$0x0] =	vst.idx.msk vm0, v35  }
0x23f: {  	v35 =	vld.idx.msk [tilespmem:v37+s16+$0x0], vm0;
	_ =	sdelay $0x1  }
0x240: {  	v36 =	vor.u32 $0x5, v34;
	_ =	sdelay $0x3  }
0x241: {  	[tilespmem:v37+s14+$0x0] =	vst.idx.msk vm0, v35  }
0x242: {  	v35 =	vld.idx.msk [tilespmem:v36+s16+$0x0], vm0;
	_ =	sdelay $0x1  }
0x243: {  	v37 =	vor.u32 $0x6, v34;
	_ =	sdelay $0x3  }
0x244: {  	[tilespmem:v36+s14+$0x0] =	vst.idx.msk vm0, v35  }
0x245: {  	v35 =	vld.idx.msk [tilespmem:v37+s16+$0x0], vm0;
	_ =	sdelay $0x1  }
0x246: {  	v36 =	vor.u32 $0x7, v34;
	_ =	sdelay $0x3  }
0x247: {  	[tilespmem:v37+s14+$0x0] =	vst.idx.msk vm0, v35  }
0x248: {  	v35 =	vld.idx.msk [tilespmem:v36+s16+$0x0], vm0;
	_ =	sdelay $0x1  }
0x249: {  	v37 =	vor.u32 $0x8, v34;
	_ =	sdelay $0x3  }
0x24a: {  	[tilespmem:v36+s14+$0x0] =	vst.idx.msk vm0, v35  }
0x24b: {  	v35 =	vld.idx.msk [tilespmem:v37+s16+$0x0], vm0;
	_ =	sdelay $0x1  }
0x24c: {  	v36 =	vor.u32 $0x9, v34;
	_ =	sdelay $0x3  }
0x24d: {  	[tilespmem:v37+s14+$0x0] =	vst.idx.msk vm0, v35  }
0x24e: {  	v35 =	vld.idx.msk [tilespmem:v36+s16+$0x0], vm0;
	_ =	sdelay $0x1  }
0x24f: {  	v37 =	vor.u32 $0xA, v34;
	_ =	sdelay $0x3  }
0x250: {  	[tilespmem:v36+s14+$0x0] =	vst.idx.msk vm0, v35  }
0x251: {  	v35 =	vld.idx.msk [tilespmem:v37+s16+$0x0], vm0;
	_ =	sdelay $0x1  }
0x252: {  	v36 =	vor.u32 $0xB, v34;
	_ =	sdelay $0x3  }
0x253: {  	[tilespmem:v37+s14+$0x0] =	vst.idx.msk vm0, v35  }
0x254: {  	v35 =	vld.idx.msk [tilespmem:v36+s16+$0x0], vm0;
	_ =	sdelay $0x1  }
0x255: {  	v37 =	vor.u32 $0xC, v34;
	_ =	sdelay $0x3  }
0x256: {  	[tilespmem:v36+s14+$0x0] =	vst.idx.msk vm0, v35  }
0x257: {  	v35 =	vld.idx.msk [tilespmem:v37+s16+$0x0], vm0;
	_ =	sdelay $0x1  }
0x258: {  	v36 =	vor.u32 $0xD, v34;
	_ =	sdelay $0x3  }
0x259: {  	[tilespmem:v37+s14+$0x0] =	vst.idx.msk vm0, v35  }
0x25a: {  	v35 =	vld.idx.msk [tilespmem:v36+s16+$0x0], vm0;
	_ =	sdelay $0x1  }
0x25b: {  	v37 =	vor.u32 $0xE, v34;
	_ =	sdelay $0x3  }
0x25c: {  	[tilespmem:v36+s14+$0x0] =	vst.idx.msk vm0, v35  }
0x25d: {  	v35 =	vld.idx.msk [tilespmem:v37+s16+$0x0], vm0;
	_ =	sdelay $0x1  }
0x25e: {  	v36 =	vor.u32 $0xF, v34;
	_ =	sdelay $0x3  }
0x25f: {  	[tilespmem:v37+s14+$0x0] =	vst.idx.msk vm0, v35  }
0x260: {  	v35 =	vld.idx.msk [tilespmem:v36+s16+$0x0], vm0;
	_ =	sdelay $0x1  }
0x261: {  	v37 =	vor.u32 $0x10, v34;
	_ =	sdelay $0x3  }
0x262: {  	[tilespmem:v36+s14+$0x0] =	vst.idx.msk vm0, v35  }
0x263: {  	v35 =	vld.idx.msk [tilespmem:v37+s16+$0x0], vm0;
	_ =	sdelay $0x1  }
0x264: {  	v36 =	vor.u32 $0x11, v34;
	_ =	sdelay $0x3  }
0x265: {  	[tilespmem:v37+s14+$0x0] =	vst.idx.msk vm0, v35  }
0x266: {  	v35 =	vld.idx.msk [tilespmem:v36+s16+$0x0], vm0;
	_ =	sdelay $0x1  }
0x267: {  	v37 =	vor.u32 $0x12, v34;
	_ =	sdelay $0x3  }
0x268: {  	[tilespmem:v36+s14+$0x0] =	vst.idx.msk vm0, v35  }
0x269: {  	v35 =	vld.idx.msk [tilespmem:v37+s16+$0x0], vm0;
	_ =	sdelay $0x1  }
0x26a: {  	v36 =	vor.u32 $0x13, v34;
	_ =	sdelay $0x3  }
0x26b: {  	[tilespmem:v37+s14+$0x0] =	vst.idx.msk vm0, v35  }
0x26c: {  	v35 =	vld.idx.msk [tilespmem:v36+s16+$0x0], vm0;
	_ =	sdelay $0x1  }
0x26d: {  	v37 =	vor.u32 $0x14, v34;
	_ =	sdelay $0x3  }
0x26e: {  	[tilespmem:v36+s14+$0x0] =	vst.idx.msk vm0, v35  }
0x26f: {  	v35 =	vld.idx.msk [tilespmem:v37+s16+$0x0], vm0;
	_ =	sdelay $0x1  }
0x270: {  	v36 =	vor.u32 $0x15, v34;
	_ =	sdelay $0x3  }
0x271: {  	[tilespmem:v37+s14+$0x0] =	vst.idx.msk vm0, v35  }
0x272: {  	v35 =	vld.idx.msk [tilespmem:v36+s16+$0x0], vm0;
	_ =	sdelay $0x1  }
0x273: {  	v37 =	vor.u32 $0x16, v34;
	_ =	sdelay $0x3  }
0x274: {  	[tilespmem:v36+s14+$0x0] =	vst.idx.msk vm0, v35  }
0x275: {  	v35 =	vld.idx.msk [tilespmem:v37+s16+$0x0], vm0;
	_ =	sdelay $0x1  }
0x276: {  	v36 =	vor.u32 $0x17, v34;
	_ =	sdelay $0x3  }
0x277: {  	[tilespmem:v37+s14+$0x0] =	vst.idx.msk vm0, v35  }
0x278: {  	v35 =	vld.idx.msk [tilespmem:v36+s16+$0x0], vm0;
	_ =	sdelay $0x1  }
0x279: {  	v37 =	vor.u32 $0x18, v34;
	_ =	sdelay $0x3  }
0x27a: {  	[tilespmem:v36+s14+$0x0] =	vst.idx.msk vm0, v35  }
0x27b: {  	v35 =	vld.idx.msk [tilespmem:v37+s16+$0x0], vm0;
	_ =	sdelay $0x1  }
0x27c: {  	v36 =	vor.u32 $0x19, v34;
	_ =	sdelay $0x3  }
0x27d: {  	[tilespmem:v37+s14+$0x0] =	vst.idx.msk vm0, v35  }
0x27e: {  	v35 =	vld.idx.msk [tilespmem:v36+s16+$0x0], vm0;
	_ =	sdelay $0x1  }
0x27f: {  	v37 =	vor.u32 $0x1A, v34;
	_ =	sdelay $0x3  }
0x280: {  	[tilespmem:v36+s14+$0x0] =	vst.idx.msk vm0, v35  }
0x281: {  	v35 =	vld.idx.msk [tilespmem:v37+s16+$0x0], vm0;
	_ =	sdelay $0x1  }
0x282: {  	v36 =	vor.u32 $0x1B, v34;
	_ =	sdelay $0x3  }
0x283: {  	[tilespmem:v37+s14+$0x0] =	vst.idx.msk vm0, v35  }
0x284: {  	v35 =	vld.idx.msk [tilespmem:v36+s16+$0x0], vm0;
	_ =	sdelay $0x1  }
0x285: {  	v37 =	vor.u32 $0x1C, v34;
	_ =	sdelay $0x3  }
0x286: {  	[tilespmem:v36+s14+$0x0] =	vst.idx.msk vm0, v35  }
0x287: {  	v35 =	vld.idx.msk [tilespmem:v37+s16+$0x0], vm0;
	_ =	sdelay $0x1  }
0x288: {  	v36 =	vor.u32 $0x1D, v34;
	_ =	sdelay $0x3  }
0x289: {  	[tilespmem:v37+s14+$0x0] =	vst.idx.msk vm0, v35  }
0x28a: {  	v35 =	vld.idx.msk [tilespmem:v36+s16+$0x0], vm0;
	_ =	sdelay $0x1  }
0x28b: {  	v37 =	vor.u32 $0x1E, v34;
	_ =	sdelay $0x3  }
0x28c: {  	[tilespmem:v36+s14+$0x0] =	vst.idx.msk vm0, v35  }
0x28d: {  	v35 =	vld.idx.msk [tilespmem:v37+s16+$0x0], vm0;
	_ =	sdelay $0x1  }
0x28e: {  	v36 =	vor.u32 $0x1F, v34;
	_ =	sdelay $0x3  }
0x28f: {  	[tilespmem:v37+s14+$0x0] =	vst.idx.msk vm0, v35  }
0x290: {  	v35 =	vld.idx.msk [tilespmem:v36+s16+$0x0], vm0;
	_ =	sdelay $0x1  }
0x291: {  	v37 =	vor.u32 $0x20, v34;
	_ =	sdelay $0x3  }
0x292: {  	[tilespmem:v36+s14+$0x0] =	vst.idx.msk vm0, v35  }
0x293: {  	v35 =	vld.idx.msk [tilespmem:v37+s16+$0x0], vm0;
	_ =	sdelay $0x1  }
0x294: {  	v36 =	vor.u32 $0x21, v34;
	_ =	sdelay $0x3  }
0x295: {  	[tilespmem:v37+s14+$0x0] =	vst.idx.msk vm0, v35  }
0x296: {  	v35 =	vld.idx.msk [tilespmem:v36+s16+$0x0], vm0;
	_ =	sdelay $0x1  }
0x297: {  	v37 =	vor.u32 $0x22, v34;
	_ =	sdelay $0x3  }
0x298: {  	[tilespmem:v36+s14+$0x0] =	vst.idx.msk vm0, v35  }
0x299: {  	v35 =	vld.idx.msk [tilespmem:v37+s16+$0x0], vm0;
	_ =	sdelay $0x1  }
0x29a: {  	v36 =	vor.u32 $0x23, v34;
	_ =	sdelay $0x3  }
0x29b: {  	[tilespmem:v37+s14+$0x0] =	vst.idx.msk vm0, v35  }
0x29c: {  	v35 =	vld.idx.msk [tilespmem:v36+s16+$0x0], vm0;
	_ =	sdelay $0x1  }
0x29d: {  	v37 =	vor.u32 $0x24, v34;
	_ =	sdelay $0x3  }
0x29e: {  	[tilespmem:v36+s14+$0x0] =	vst.idx.msk vm0, v35  }
0x29f: {  	v35 =	vld.idx.msk [tilespmem:v37+s16+$0x0], vm0;
	_ =	sdelay $0x1  }
0x2a0: {  	v36 =	vor.u32 $0x25, v34;
	_ =	sdelay $0x3  }
0x2a1: {  	[tilespmem:v37+s14+$0x0] =	vst.idx.msk vm0, v35  }
0x2a2: {  	v35 =	vld.idx.msk [tilespmem:v36+s16+$0x0], vm0;
	_ =	sdelay $0x1  }
0x2a3: {  	v37 =	vor.u32 $0x26, v34;
	_ =	sdelay $0x3  }
0x2a4: {  	[tilespmem:v36+s14+$0x0] =	vst.idx.msk vm0, v35  }
0x2a5: {  	v35 =	vld.idx.msk [tilespmem:v37+s16+$0x0], vm0;
	_ =	sdelay $0x1  }
0x2a6: {  	v36 =	vor.u32 $0x27, v34;
	_ =	sdelay $0x3  }
0x2a7: {  	[tilespmem:v37+s14+$0x0] =	vst.idx.msk vm0, v35  }
0x2a8: {  	v35 =	vld.idx.msk [tilespmem:v36+s16+$0x0], vm0;
	_ =	sdelay $0x1  }
0x2a9: {  	v37 =	vor.u32 $0x28, v34;
	_ =	sdelay $0x3  }
0x2aa: {  	[tilespmem:v36+s14+$0x0] =	vst.idx.msk vm0, v35  }
0x2ab: {  	v35 =	vld.idx.msk [tilespmem:v37+s16+$0x0], vm0;
	_ =	sdelay $0x1  }
0x2ac: {  	v36 =	vor.u32 $0x29, v34;
	_ =	sdelay $0x3  }
0x2ad: {  	[tilespmem:v37+s14+$0x0] =	vst.idx.msk vm0, v35  }
0x2ae: {  	v35 =	vld.idx.msk [tilespmem:v36+s16+$0x0], vm0;
	_ =	sdelay $0x1  }
0x2af: {  	v37 =	vor.u32 $0x2A, v34;
	_ =	sdelay $0x3  }
0x2b0: {  	[tilespmem:v36+s14+$0x0] =	vst.idx.msk vm0, v35  }
0x2b1: {  	v35 =	vld.idx.msk [tilespmem:v37+s16+$0x0], vm0;
	_ =	sdelay $0x1  }
0x2b2: {  	v36 =	vor.u32 $0x2B, v34;
	_ =	sdelay $0x3  }
0x2b3: {  	[tilespmem:v37+s14+$0x0] =	vst.idx.msk vm0, v35  }
0x2b4: {  	v35 =	vld.idx.msk [tilespmem:v36+s16+$0x0], vm0;
	_ =	sdelay $0x1  }
0x2b5: {  	v37 =	vor.u32 $0x2C, v34;
	_ =	sdelay $0x3  }
0x2b6: {  	[tilespmem:v36+s14+$0x0] =	vst.idx.msk vm0, v35  }
0x2b7: {  	v35 =	vld.idx.msk [tilespmem:v37+s16+$0x0], vm0;
	_ =	sdelay $0x1  }
0x2b8: {  	v36 =	vor.u32 $0x2D, v34;
	_ =	sdelay $0x3  }
0x2b9: {  	[tilespmem:v37+s14+$0x0] =	vst.idx.msk vm0, v35  }
0x2ba: {  	v35 =	vld.idx.msk [tilespmem:v36+s16+$0x0], vm0;
	_ =	sdelay $0x1  }
0x2bb: {  	v37 =	vor.u32 $0x2E, v34;
	_ =	sdelay $0x3  }
0x2bc: {  	[tilespmem:v36+s14+$0x0] =	vst.idx.msk vm0, v35  }
0x2bd: {  	v35 =	vld.idx.msk [tilespmem:v37+s16+$0x0], vm0;
	_ =	sdelay $0x1  }
0x2be: {  	v36 =	vor.u32 $0x2F, v34;
	_ =	sdelay $0x3  }
0x2bf: {  	[tilespmem:v37+s14+$0x0] =	vst.idx.msk vm0, v35  }
0x2c0: {  	v35 =	vld.idx.msk [tilespmem:v36+s16+$0x0], vm0;
	_ =	sdelay $0x1  }
0x2c1: {  	v37 =	vor.u32 $0x30, v34;
	_ =	sdelay $0x3  }
0x2c2: {  	[tilespmem:v36+s14+$0x0] =	vst.idx.msk vm0, v35  }
0x2c3: {  	v35 =	vld.idx.msk [tilespmem:v37+s16+$0x0], vm0;
	_ =	sdelay $0x1  }
0x2c4: {  	v36 =	vor.u32 $0x31, v34;
	_ =	sdelay $0x3  }
0x2c5: {  	[tilespmem:v37+s14+$0x0] =	vst.idx.msk vm0, v35  }
0x2c6: {  	v35 =	vld.idx.msk [tilespmem:v36+s16+$0x0], vm0;
	_ =	sdelay $0x1  }
0x2c7: {  	v37 =	vor.u32 $0x32, v34;
	_ =	sdelay $0x3  }
0x2c8: {  	[tilespmem:v36+s14+$0x0] =	vst.idx.msk vm0, v35  }
0x2c9: {  	v35 =	vld.idx.msk [tilespmem:v37+s16+$0x0], vm0;
	_ =	sdelay $0x1  }
0x2ca: {  	v36 =	vor.u32 $0x33, v34;
	_ =	sdelay $0x3  }
0x2cb: {  	[tilespmem:v37+s14+$0x0] =	vst.idx.msk vm0, v35  }
0x2cc: {  	v35 =	vld.idx.msk [tilespmem:v36+s16+$0x0], vm0;
	_ =	sdelay $0x1  }
0x2cd: {  	v37 =	vor.u32 $0x34, v34;
	_ =	sdelay $0x3  }
0x2ce: {  	[tilespmem:v36+s14+$0x0] =	vst.idx.msk vm0, v35  }
0x2cf: {  	v35 =	vld.idx.msk [tilespmem:v37+s16+$0x0], vm0;
	_ =	sdelay $0x1  }
0x2d0: {  	v36 =	vor.u32 $0x35, v34;
	_ =	sdelay $0x3  }
0x2d1: {  	[tilespmem:v37+s14+$0x0] =	vst.idx.msk vm0, v35  }
0x2d2: {  	v35 =	vld.idx.msk [tilespmem:v36+s16+$0x0], vm0;
	_ =	sdelay $0x1  }
0x2d3: {  	v37 =	vor.u32 $0x36, v34;
	_ =	sdelay $0x3  }
0x2d4: {  	[tilespmem:v36+s14+$0x0] =	vst.idx.msk vm0, v35  }
0x2d5: {  	v35 =	vld.idx.msk [tilespmem:v37+s16+$0x0], vm0;
	_ =	sdelay $0x1  }
0x2d6: {  	v36 =	vor.u32 $0x37, v34;
	_ =	sdelay $0x3  }
0x2d7: {  	[tilespmem:v37+s14+$0x0] =	vst.idx.msk vm0, v35  }
0x2d8: {  	v35 =	vld.idx.msk [tilespmem:v36+s16+$0x0], vm0;
	_ =	sdelay $0x1  }
0x2d9: {  	v37 =	vor.u32 $0x38, v34;
	_ =	sdelay $0x3  }
0x2da: {  	[tilespmem:v36+s14+$0x0] =	vst.idx.msk vm0, v35  }
0x2db: {  	v35 =	vld.idx.msk [tilespmem:v37+s16+$0x0], vm0;
	_ =	sdelay $0x1  }
0x2dc: {  	v36 =	vor.u32 $0x39, v34;
	_ =	sdelay $0x3  }
0x2dd: {  	[tilespmem:v37+s14+$0x0] =	vst.idx.msk vm0, v35  }
0x2de: {  	v35 =	vld.idx.msk [tilespmem:v36+s16+$0x0], vm0;
	_ =	sdelay $0x1  }
0x2df: {  	v37 =	vor.u32 $0x3A, v34;
	_ =	sdelay $0x3  }
0x2e0: {  	[tilespmem:v36+s14+$0x0] =	vst.idx.msk vm0, v35  }
0x2e1: {  	v35 =	vld.idx.msk [tilespmem:v37+s16+$0x0], vm0;
	_ =	sdelay $0x1  }
0x2e2: {  	v36 =	vor.u32 $0x3B, v34;
	_ =	sdelay $0x3  }
0x2e3: {  	[tilespmem:v37+s14+$0x0] =	vst.idx.msk vm0, v35  }
0x2e4: {  	v35 =	vld.idx.msk [tilespmem:v36+s16+$0x0], vm0;
	_ =	sdelay $0x1  }
0x2e5: {  	v37 =	vor.u32 $0x3C, v34;
	_ =	sdelay $0x3  }
0x2e6: {  	[tilespmem:v36+s14+$0x0] =	vst.idx.msk vm0, v35  }
0x2e7: {  	v35 =	vld.idx.msk [tilespmem:v37+s16+$0x0], vm0;
	_ =	sdelay $0x1  }
0x2e8: {  	v36 =	vor.u32 $0x3D, v34;
	_ =	sdelay $0x3  }
0x2e9: {  	[tilespmem:v37+s14+$0x0] =	vst.idx.msk vm0, v35  }
0x2ea: {  	v35 =	vld.idx.msk [tilespmem:v36+s16+$0x0], vm0;
	_ =	sdelay $0x1  }
0x2eb: {  	v37 =	vor.u32 $0x3E, v34;
	_ =	sdelay $0x3  }
0x2ec: {  	[tilespmem:v36+s14+$0x0] =	vst.idx.msk vm0, v35  }
0x2ed: {  	v35 =	vld.idx.msk [tilespmem:v37+s16+$0x0], vm0;
	_ =	sdelay $0x1  }
0x2ee: {  	v34 =	vor.u32 $0x3F, v34;
	_ =	sdelay $0x3  }
0x2ef: {  	[tilespmem:v37+s14+$0x0] =	vst.idx.msk vm0, v35  }
0x2f0: {  	v35 =	vld.idx.msk [tilespmem:v34+s16+$0x0], vm0;
	_ =	sdelay $0x2  }
.Ltmp1:
0x2f1: {  	(pc) =	sbr.rel @p0 .LBB2_4-.Ltmp1, $3  }
0x2f2: {  	_ =	sdelay $0x1  }
0x2f3: {  	s13 =	sadd.s32 $0x10, s13;
	[tilespmem:v34+s14+$0x0] =	vst.idx.msk vm0, v35  }
0x2f4: {  	s17 =	sadd.s32 $0x10, s17;
	v34 =	vld [tilespmem:s13+$0x0]  }
0x2f5: {  	_ =	sdelay $0x2  }
0x2f6: {  	v35 =	vmov s15  }
0x2f7: {  	v50 =	vshll.u32 v35, $0x6;
	vm0 =	vlt.s32 v34, $0x4000  }
0x2f8: {  	v34 =	vor.u32 v33, v50;
	_ =	sdelay $0x4  }
0x2f9: {  	v51 =	vld.idx.msk [tilespmem:v34+s16+$0x0], vm0  }
0x2fa: {  	v36 =	vor.u32 $0x1, v34;
	_ =	sdelay $0x3  }
0x2fb: {  	[tilespmem:v34+s14+$0x0] =	vst.idx.msk vm0, v51  }
0x2fc: {  	v35 =	vld.idx.msk [tilespmem:v36+s16+$0x0], vm0  }
0x2fd: {  	v37 =	vor.u32 $0x2, v34;
	_ =	sdelay $0x3  }
0x2fe: {  	[tilespmem:v36+s14+$0x0] =	vst.idx.msk vm0, v35  }
0x2ff: {  	v35 =	vld.idx.msk [tilespmem:v37+s16+$0x0], vm0  }
0x300: {  	v52 =	vor.u32 $0x3, v34;
	_ =	sdelay $0x3  }
0x301: {  	[tilespmem:v37+s14+$0x0] =	vst.idx.msk vm0, v35  }
0x302: {  	v35 =	vld.idx.msk [tilespmem:v52+s16+$0x0], vm0  }
0x303: {  	v53 =	vor.u32 $0x4, v34;
	_ =	sdelay $0x3  }
0x304: {  	[tilespmem:v52+s14+$0x0] =	vst.idx.msk vm0, v35  }
0x305: {  	v35 =	vld.idx.msk [tilespmem:v53+s16+$0x0], vm0  }
0x306: {  	v54 =	vor.u32 $0x5, v34;
	_ =	sdelay $0x3  }
0x307: {  	[tilespmem:v53+s14+$0x0] =	vst.idx.msk vm0, v35  }
0x308: {  	v35 =	vld.idx.msk [tilespmem:v54+s16+$0x0], vm0  }
0x309: {  	v55 =	vor.u32 $0x6, v34;
	_ =	sdelay $0x3  }
0x30a: {  	[tilespmem:v54+s14+$0x0] =	vst.idx.msk vm0, v35  }
0x30b: {  	v35 =	vld.idx.msk [tilespmem:v55+s16+$0x0], vm0  }
0x30c: {  	v56 =	vor.u32 $0x7, v34;
	_ =	sdelay $0x3  }
0x30d: {  	[tilespmem:v55+s14+$0x0] =	vst.idx.msk vm0, v35  }
0x30e: {  	v35 =	vld.idx.msk [tilespmem:v56+s16+$0x0], vm0  }
0x30f: {  	v57 =	vor.u32 $0x8, v34;
	_ =	sdelay $0x3  }
0x310: {  	[tilespmem:v56+s14+$0x0] =	vst.idx.msk vm0, v35  }
0x311: {  	v35 =	vld.idx.msk [tilespmem:v57+s16+$0x0], vm0  }
0x312: {  	v58 =	vor.u32 $0x9, v34;
	_ =	sdelay $0x3  }
0x313: {  	[tilespmem:v57+s14+$0x0] =	vst.idx.msk vm0, v35  }
0x314: {  	v35 =	vld.idx.msk [tilespmem:v58+s16+$0x0], vm0  }
0x315: {  	v59 =	vor.u32 $0xA, v34;
	_ =	sdelay $0x3  }
0x316: {  	[tilespmem:v58+s14+$0x0] =	vst.idx.msk vm0, v35  }
0x317: {  	v35 =	vld.idx.msk [tilespmem:v59+s16+$0x0], vm0  }
0x318: {  	v60 =	vor.u32 $0xB, v34;
	_ =	sdelay $0x3  }
0x319: {  	[tilespmem:v59+s14+$0x0] =	vst.idx.msk vm0, v35  }
0x31a: {  	v35 =	vld.idx.msk [tilespmem:v60+s16+$0x0], vm0  }
0x31b: {  	v61 =	vor.u32 $0xC, v34;
	_ =	sdelay $0x3  }
0x31c: {  	[tilespmem:v60+s14+$0x0] =	vst.idx.msk vm0, v35  }
0x31d: {  	v35 =	vld.idx.msk [tilespmem:v61+s16+$0x0], vm0  }
0x31e: {  	v62 =	vor.u32 $0xD, v34;
	_ =	sdelay $0x3  }
0x31f: {  	[tilespmem:v61+s14+$0x0] =	vst.idx.msk vm0, v35  }
0x320: {  	v35 =	vld.idx.msk [tilespmem:v62+s16+$0x0], vm0  }
0x321: {  	v63 =	vor.u32 $0xE, v34;
	_ =	sdelay $0x3  }
0x322: {  	[tilespmem:v62+s14+$0x0] =	vst.idx.msk vm0, v35  }
0x323: {  	v35 =	vld.idx.msk [tilespmem:v63+s16+$0x0], vm0  }
0x324: {  	v40 =	vor.u32 $0xF, v34;
	_ =	sdelay $0x3  }
0x325: {  	[tilespmem:v63+s14+$0x0] =	vst.idx.msk vm0, v35  }
0x326: {  	v35 =	vld.idx.msk [tilespmem:v40+s16+$0x0], vm0  }
0x327: {  	v41 =	vor.u32 $0x10, v34;
	_ =	sdelay $0x3  }
0x328: {  	[tilespmem:v40+s14+$0x0] =	vst.idx.msk vm0, v35  }
0x329: {  	v35 =	vld.idx.msk [tilespmem:v41+s16+$0x0], vm0  }
0x32a: {  	v42 =	vor.u32 $0x11, v34;
	_ =	sdelay $0x3  }
0x32b: {  	[tilespmem:v41+s14+$0x0] =	vst.idx.msk vm0, v35  }
0x32c: {  	v35 =	vld.idx.msk [tilespmem:v42+s16+$0x0], vm0  }
0x32d: {  	v43 =	vor.u32 $0x12, v34;
	_ =	sdelay $0x3  }
0x32e: {  	[tilespmem:v42+s14+$0x0] =	vst.idx.msk vm0, v35  }
0x32f: {  	v35 =	vld.idx.msk [tilespmem:v43+s16+$0x0], vm0  }
0x330: {  	v44 =	vor.u32 $0x13, v34;
	_ =	sdelay $0x3  }
0x331: {  	[tilespmem:v43+s14+$0x0] =	vst.idx.msk vm0, v35  }
0x332: {  	v35 =	vld.idx.msk [tilespmem:v44+s16+$0x0], vm0  }
0x333: {  	v45 =	vor.u32 $0x14, v34;
	_ =	sdelay $0x3  }
0x334: {  	[tilespmem:v44+s14+$0x0] =	vst.idx.msk vm0, v35  }
0x335: {  	v35 =	vld.idx.msk [tilespmem:v45+s16+$0x0], vm0  }
0x336: {  	v46 =	vor.u32 $0x15, v34;
	_ =	sdelay $0x3  }
0x337: {  	[tilespmem:v45+s14+$0x0] =	vst.idx.msk vm0, v35  }
0x338: {  	v35 =	vld.idx.msk [tilespmem:v46+s16+$0x0], vm0  }
0x339: {  	v47 =	vor.u32 $0x16, v34;
	_ =	sdelay $0x3  }
0x33a: {  	[tilespmem:v46+s14+$0x0] =	vst.idx.msk vm0, v35  }
0x33b: {  	v35 =	vld.idx.msk [tilespmem:v47+s16+$0x0], vm0  }
0x33c: {  	v48 =	vor.u32 $0x17, v34;
	_ =	sdelay $0x3  }
0x33d: {  	[tilespmem:v47+s14+$0x0] =	vst.idx.msk vm0, v35  }
0x33e: {  	v35 =	vld.idx.msk [tilespmem:v48+s16+$0x0], vm0  }
0x33f: {  	v49 =	vor.u32 $0x18, v34;
	_ =	sdelay $0x3  }
0x340: {  	[tilespmem:v48+s14+$0x0] =	vst.idx.msk vm0, v35  }
0x341: {  	v35 =	vld.idx.msk [tilespmem:v49+s16+$0x0], vm0  }
0x342: {  	v50 =	vor.u32 $0x19, v34;
	_ =	sdelay $0x3  }
0x343: {  	[tilespmem:v49+s14+$0x0] =	vst.idx.msk vm0, v35  }
0x344: {  	v35 =	vld.idx.msk [tilespmem:v50+s16+$0x0], vm0  }
0x345: {  	v51 =	vor.u32 $0x1A, v34;
	_ =	sdelay $0x3  }
0x346: {  	[tilespmem:v50+s14+$0x0] =	vst.idx.msk vm0, v35  }
0x347: {  	v35 =	vld.idx.msk [tilespmem:v51+s16+$0x0], vm0  }
0x348: {  	v52 =	vor.u32 $0x1B, v34;
	_ =	sdelay $0x3  }
0x349: {  	[tilespmem:v51+s14+$0x0] =	vst.idx.msk vm0, v35  }
0x34a: {  	v35 =	vld.idx.msk [tilespmem:v52+s16+$0x0], vm0  }
0x34b: {  	v53 =	vor.u32 $0x1C, v34;
	_ =	sdelay $0x3  }
0x34c: {  	[tilespmem:v52+s14+$0x0] =	vst.idx.msk vm0, v35  }
0x34d: {  	v35 =	vld.idx.msk [tilespmem:v53+s16+$0x0], vm0  }
0x34e: {  	v54 =	vor.u32 $0x1D, v34;
	_ =	sdelay $0x3  }
0x34f: {  	[tilespmem:v53+s14+$0x0] =	vst.idx.msk vm0, v35  }
0x350: {  	v35 =	vld.idx.msk [tilespmem:v54+s16+$0x0], vm0  }
0x351: {  	v55 =	vor.u32 $0x1E, v34;
	_ =	sdelay $0x3  }
0x352: {  	[tilespmem:v54+s14+$0x0] =	vst.idx.msk vm0, v35  }
0x353: {  	v35 =	vld.idx.msk [tilespmem:v55+s16+$0x0], vm0  }
0x354: {  	v56 =	vor.u32 $0x1F, v34;
	_ =	sdelay $0x3  }
0x355: {  	[tilespmem:v55+s14+$0x0] =	vst.idx.msk vm0, v35  }
0x356: {  	v35 =	vld.idx.msk [tilespmem:v56+s16+$0x0], vm0  }
0x357: {  	v57 =	vor.u32 $0x20, v34;
	_ =	sdelay $0x3  }
0x358: {  	[tilespmem:v56+s14+$0x0] =	vst.idx.msk vm0, v35  }
0x359: {  	v35 =	vld.idx.msk [tilespmem:v57+s16+$0x0], vm0  }
0x35a: {  	v58 =	vor.u32 $0x21, v34;
	_ =	sdelay $0x3  }
0x35b: {  	[tilespmem:v57+s14+$0x0] =	vst.idx.msk vm0, v35  }
0x35c: {  	v35 =	vld.idx.msk [tilespmem:v58+s16+$0x0], vm0  }
0x35d: {  	v59 =	vor.u32 $0x22, v34;
	_ =	sdelay $0x3  }
0x35e: {  	[tilespmem:v58+s14+$0x0] =	vst.idx.msk vm0, v35  }
0x35f: {  	v35 =	vld.idx.msk [tilespmem:v59+s16+$0x0], vm0  }
0x360: {  	v60 =	vor.u32 $0x23, v34;
	_ =	sdelay $0x3  }
0x361: {  	[tilespmem:v59+s14+$0x0] =	vst.idx.msk vm0, v35  }
0x362: {  	v35 =	vld.idx.msk [tilespmem:v60+s16+$0x0], vm0  }
0x363: {  	v61 =	vor.u32 $0x24, v34;
	_ =	sdelay $0x3  }
0x364: {  	[tilespmem:v60+s14+$0x0] =	vst.idx.msk vm0, v35  }
0x365: {  	v35 =	vld.idx.msk [tilespmem:v61+s16+$0x0], vm0  }
0x366: {  	v62 =	vor.u32 $0x25, v34;
	_ =	sdelay $0x3  }
0x367: {  	[tilespmem:v61+s14+$0x0] =	vst.idx.msk vm0, v35  }
0x368: {  	v35 =	vld.idx.msk [tilespmem:v62+s16+$0x0], vm0  }
0x369: {  	v63 =	vor.u32 $0x26, v34;
	_ =	sdelay $0x3  }
0x36a: {  	[tilespmem:v62+s14+$0x0] =	vst.idx.msk vm0, v35  }
0x36b: {  	v35 =	vld.idx.msk [tilespmem:v63+s16+$0x0], vm0  }
0x36c: {  	v40 =	vor.u32 $0x27, v34;
	_ =	sdelay $0x3  }
0x36d: {  	[tilespmem:v63+s14+$0x0] =	vst.idx.msk vm0, v35  }
0x36e: {  	v35 =	vld.idx.msk [tilespmem:v40+s16+$0x0], vm0  }
0x36f: {  	v41 =	vor.u32 $0x28, v34;
	_ =	sdelay $0x3  }
0x370: {  	[tilespmem:v40+s14+$0x0] =	vst.idx.msk vm0, v35  }
0x371: {  	v35 =	vld.idx.msk [tilespmem:v41+s16+$0x0], vm0  }
0x372: {  	v42 =	vor.u32 $0x29, v34;
	_ =	sdelay $0x3  }
0x373: {  	[tilespmem:v41+s14+$0x0] =	vst.idx.msk vm0, v35  }
0x374: {  	v35 =	vld.idx.msk [tilespmem:v42+s16+$0x0], vm0  }
0x375: {  	v43 =	vor.u32 $0x2A, v34;
	_ =	sdelay $0x3  }
0x376: {  	[tilespmem:v42+s14+$0x0] =	vst.idx.msk vm0, v35  }
0x377: {  	v35 =	vld.idx.msk [tilespmem:v43+s16+$0x0], vm0  }
0x378: {  	v44 =	vor.u32 $0x2B, v34;
	_ =	sdelay $0x3  }
0x379: {  	[tilespmem:v43+s14+$0x0] =	vst.idx.msk vm0, v35  }
0x37a: {  	v35 =	vld.idx.msk [tilespmem:v44+s16+$0x0], vm0  }
0x37b: {  	v45 =	vor.u32 $0x2C, v34;
	_ =	sdelay $0x3  }
0x37c: {  	[tilespmem:v44+s14+$0x0] =	vst.idx.msk vm0, v35  }
0x37d: {  	v35 =	vld.idx.msk [tilespmem:v45+s16+$0x0], vm0  }
0x37e: {  	v46 =	vor.u32 $0x2D, v34;
	_ =	sdelay $0x3  }
0x37f: {  	[tilespmem:v45+s14+$0x0] =	vst.idx.msk vm0, v35  }
0x380: {  	v35 =	vld.idx.msk [tilespmem:v46+s16+$0x0], vm0  }
0x381: {  	v47 =	vor.u32 $0x2E, v34;
	_ =	sdelay $0x3  }
0x382: {  	[tilespmem:v46+s14+$0x0] =	vst.idx.msk vm0, v35  }
0x383: {  	v35 =	vld.idx.msk [tilespmem:v47+s16+$0x0], vm0  }
0x384: {  	v48 =	vor.u32 $0x2F, v34;
	_ =	sdelay $0x3  }
0x385: {  	[tilespmem:v47+s14+$0x0] =	vst.idx.msk vm0, v35  }
0x386: {  	v35 =	vld.idx.msk [tilespmem:v48+s16+$0x0], vm0  }
0x387: {  	v49 =	vor.u32 $0x30, v34;
	_ =	sdelay $0x3  }
0x388: {  	[tilespmem:v48+s14+$0x0] =	vst.idx.msk vm0, v35  }
0x389: {  	v35 =	vld.idx.msk [tilespmem:v49+s16+$0x0], vm0  }
0x38a: {  	v50 =	vor.u32 $0x31, v34;
	_ =	sdelay $0x3  }
0x38b: {  	[tilespmem:v49+s14+$0x0] =	vst.idx.msk vm0, v35  }
0x38c: {  	v35 =	vld.idx.msk [tilespmem:v50+s16+$0x0], vm0  }
0x38d: {  	v51 =	vor.u32 $0x32, v34;
	_ =	sdelay $0x3  }
0x38e: {  	[tilespmem:v50+s14+$0x0] =	vst.idx.msk vm0, v35  }
0x38f: {  	v35 =	vld.idx.msk [tilespmem:v51+s16+$0x0], vm0  }
0x390: {  	v52 =	vor.u32 $0x33, v34;
	_ =	sdelay $0x3  }
0x391: {  	[tilespmem:v51+s14+$0x0] =	vst.idx.msk vm0, v35  }
0x392: {  	v35 =	vld.idx.msk [tilespmem:v52+s16+$0x0], vm0  }
0x393: {  	v53 =	vor.u32 $0x34, v34;
	_ =	sdelay $0x3  }
0x394: {  	[tilespmem:v52+s14+$0x0] =	vst.idx.msk vm0, v35  }
0x395: {  	v35 =	vld.idx.msk [tilespmem:v53+s16+$0x0], vm0  }
0x396: {  	v54 =	vor.u32 $0x35, v34;
	_ =	sdelay $0x3  }
0x397: {  	[tilespmem:v53+s14+$0x0] =	vst.idx.msk vm0, v35  }
0x398: {  	v35 =	vld.idx.msk [tilespmem:v54+s16+$0x0], vm0  }
0x399: {  	v55 =	vor.u32 $0x36, v34;
	_ =	sdelay $0x3  }
0x39a: {  	[tilespmem:v54+s14+$0x0] =	vst.idx.msk vm0, v35  }
0x39b: {  	v35 =	vld.idx.msk [tilespmem:v55+s16+$0x0], vm0  }
0x39c: {  	v56 =	vor.u32 $0x37, v34;
	_ =	sdelay $0x3  }
0x39d: {  	[tilespmem:v55+s14+$0x0] =	vst.idx.msk vm0, v35  }
0x39e: {  	v35 =	vld.idx.msk [tilespmem:v56+s16+$0x0], vm0  }
0x39f: {  	v57 =	vor.u32 $0x38, v34;
	_ =	sdelay $0x3  }
0x3a0: {  	[tilespmem:v56+s14+$0x0] =	vst.idx.msk vm0, v35  }
0x3a1: {  	v35 =	vld.idx.msk [tilespmem:v57+s16+$0x0], vm0  }
0x3a2: {  	v58 =	vor.u32 $0x39, v34;
	_ =	sdelay $0x3  }
0x3a3: {  	[tilespmem:v57+s14+$0x0] =	vst.idx.msk vm0, v35  }
0x3a4: {  	v35 =	vld.idx.msk [tilespmem:v58+s16+$0x0], vm0  }
0x3a5: {  	v59 =	vor.u32 $0x3A, v34;
	_ =	sdelay $0x3  }
0x3a6: {  	[tilespmem:v58+s14+$0x0] =	vst.idx.msk vm0, v35  }
0x3a7: {  	v35 =	vld.idx.msk [tilespmem:v59+s16+$0x0], vm0  }
0x3a8: {  	v60 =	vor.u32 $0x3B, v34;
	_ =	sdelay $0x3  }
0x3a9: {  	[tilespmem:v59+s14+$0x0] =	vst.idx.msk vm0, v35  }
0x3aa: {  	v35 =	vld.idx.msk [tilespmem:v60+s16+$0x0], vm0  }
0x3ab: {  	v61 =	vor.u32 $0x3C, v34;
	_ =	sdelay $0x3  }
0x3ac: {  	[tilespmem:v60+s14+$0x0] =	vst.idx.msk vm0, v35  }
0x3ad: {  	v35 =	vld.idx.msk [tilespmem:v61+s16+$0x0], vm0  }
0x3ae: {  	v62 =	vor.u32 $0x3D, v34;
	_ =	sdelay $0x3  }
0x3af: {  	[tilespmem:v61+s14+$0x0] =	vst.idx.msk vm0, v35  }
0x3b0: {  	v35 =	vld.idx.msk [tilespmem:v62+s16+$0x0], vm0  }
0x3b1: {  	v63 =	vor.u32 $0x3E, v34;
	_ =	sdelay $0x3  }
0x3b2: {  	[tilespmem:v62+s14+$0x0] =	vst.idx.msk vm0, v35  }
0x3b3: {  	v35 =	vld.idx.msk [tilespmem:v63+s16+$0x0], vm0  }
0x3b4: {  	v34 =	vor.u32 $0x3F, v34;
	_ =	sdelay $0x3  }
0x3b5: {  	[tilespmem:v63+s14+$0x0] =	vst.idx.msk vm0, v35  }
0x3b6: {  	v35 =	vld.idx.msk [tilespmem:v34+s16+$0x0], vm0;
	_ =	sdelay $0x4  }
0x3b7: {  	[tilespmem:v34+s14+$0x0] =	vst.idx.msk vm0, v35  }
0x3b8: {  	[hbm4b:s1+s3] =	stream.linear.scatter [tilespmem:s19], [sflag:$0x3], $0x2000, $0x38;
	[tilespmem:$0x10800] =	vst v63  }
0x3b9: {  	_ =	swait.ge [sflag:s30], $0x2000  }
0x3ba: {  	[sflag:s30] =	ssyncset.done $0x0  }
0x3bb: {  	[sflag:s30] =	ssyncadd.s32 $0xFFFFE000  }
0x3bc: {  	_ =	swait.ge [sflag:s31], $0x2000  }
0x3bd: {  	[sflag:s31] =	ssyncset.done $0x0  }
0x3be: {  	s13 =	simm.s32 $0x300;
	[sflag:s31] =	ssyncadd.s32 $0xFFFFE000  }
0x3bf: {  	s15 =	simm.s32 $0x100;
	s17 =	simm.s32 $0x110;
	v34 =	vld [tilespmem:s13+$0x0]  }
.LBB2_6:
0x3c0: {  	p0 =	sne.s32 s17, $0x170;
	_ =	sdelay $0x2  }
0x3c1: {  	v35 =	vmov s15;
	s15 =	smov.u32 s17  }
0x3c2: {  	vm0 =	vlt.s32 v34, $0x4000;
	v34 =	vshll.u32 v35, $0x6  }
0x3c3: {  	v34 =	vor.u32 v33, v34;
	_ =	sdelay $0x4  }
0x3c4: {  	v35 =	vld.idx.msk [tilespmem:v34+s16+$0x0], vm0;
	_ =	sdelay $0x1  }
0x3c5: {  	v36 =	vor.u32 $0x1, v34;
	_ =	sdelay $0x3  }
0x3c6: {  	[tilespmem:v34+s14+$0x0] =	vst.idx.msk vm0, v35  }
0x3c7: {  	v35 =	vld.idx.msk [tilespmem:v36+s16+$0x0], vm0;
	_ =	sdelay $0x1  }
0x3c8: {  	v37 =	vor.u32 $0x2, v34;
	_ =	sdelay $0x3  }
0x3c9: {  	[tilespmem:v36+s14+$0x0] =	vst.idx.msk vm0, v35  }
0x3ca: {  	v35 =	vld.idx.msk [tilespmem:v37+s16+$0x0], vm0;
	_ =	sdelay $0x1  }
0x3cb: {  	v36 =	vor.u32 $0x3, v34;
	_ =	sdelay $0x3  }
0x3cc: {  	[tilespmem:v37+s14+$0x0] =	vst.idx.msk vm0, v35  }
0x3cd: {  	v35 =	vld.idx.msk [tilespmem:v36+s16+$0x0], vm0;
	_ =	sdelay $0x1  }
0x3ce: {  	v37 =	vor.u32 $0x4, v34;
	_ =	sdelay $0x3  }
0x3cf: {  	[tilespmem:v36+s14+$0x0] =	vst.idx.msk vm0, v35  }
0x3d0: {  	v35 =	vld.idx.msk [tilespmem:v37+s16+$0x0], vm0;
	_ =	sdelay $0x1  }
0x3d1: {  	v36 =	vor.u32 $0x5, v34;
	_ =	sdelay $0x3  }
0x3d2: {  	[tilespmem:v37+s14+$0x0] =	vst.idx.msk vm0, v35  }
0x3d3: {  	v35 =	vld.idx.msk [tilespmem:v36+s16+$0x0], vm0;
	_ =	sdelay $0x1  }
0x3d4: {  	v37 =	vor.u32 $0x6, v34;
	_ =	sdelay $0x3  }
0x3d5: {  	[tilespmem:v36+s14+$0x0] =	vst.idx.msk vm0, v35  }
0x3d6: {  	v35 =	vld.idx.msk [tilespmem:v37+s16+$0x0], vm0;
	_ =	sdelay $0x1  }
0x3d7: {  	v36 =	vor.u32 $0x7, v34;
	_ =	sdelay $0x3  }
0x3d8: {  	[tilespmem:v37+s14+$0x0] =	vst.idx.msk vm0, v35  }
0x3d9: {  	v35 =	vld.idx.msk [tilespmem:v36+s16+$0x0], vm0;
	_ =	sdelay $0x1  }
0x3da: {  	v37 =	vor.u32 $0x8, v34;
	_ =	sdelay $0x3  }
0x3db: {  	[tilespmem:v36+s14+$0x0] =	vst.idx.msk vm0, v35  }
0x3dc: {  	v35 =	vld.idx.msk [tilespmem:v37+s16+$0x0], vm0;
	_ =	sdelay $0x1  }
0x3dd: {  	v36 =	vor.u32 $0x9, v34;
	_ =	sdelay $0x3  }
0x3de: {  	[tilespmem:v37+s14+$0x0] =	vst.idx.msk vm0, v35  }
0x3df: {  	v35 =	vld.idx.msk [tilespmem:v36+s16+$0x0], vm0;
	_ =	sdelay $0x1  }
0x3e0: {  	v37 =	vor.u32 $0xA, v34;
	_ =	sdelay $0x3  }
0x3e1: {  	[tilespmem:v36+s14+$0x0] =	vst.idx.msk vm0, v35  }
0x3e2: {  	v35 =	vld.idx.msk [tilespmem:v37+s16+$0x0], vm0;
	_ =	sdelay $0x1  }
0x3e3: {  	v36 =	vor.u32 $0xB, v34;
	_ =	sdelay $0x3  }
0x3e4: {  	[tilespmem:v37+s14+$0x0] =	vst.idx.msk vm0, v35  }
0x3e5: {  	v35 =	vld.idx.msk [tilespmem:v36+s16+$0x0], vm0;
	_ =	sdelay $0x1  }
0x3e6: {  	v37 =	vor.u32 $0xC, v34;
	_ =	sdelay $0x3  }
0x3e7: {  	[tilespmem:v36+s14+$0x0] =	vst.idx.msk vm0, v35  }
0x3e8: {  	v35 =	vld.idx.msk [tilespmem:v37+s16+$0x0], vm0;
	_ =	sdelay $0x1  }
0x3e9: {  	v36 =	vor.u32 $0xD, v34;
	_ =	sdelay $0x3  }
0x3ea: {  	[tilespmem:v37+s14+$0x0] =	vst.idx.msk vm0, v35  }
0x3eb: {  	v35 =	vld.idx.msk [tilespmem:v36+s16+$0x0], vm0;
	_ =	sdelay $0x1  }
0x3ec: {  	v37 =	vor.u32 $0xE, v34;
	_ =	sdelay $0x3  }
0x3ed: {  	[tilespmem:v36+s14+$0x0] =	vst.idx.msk vm0, v35  }
0x3ee: {  	v35 =	vld.idx.msk [tilespmem:v37+s16+$0x0], vm0;
	_ =	sdelay $0x1  }
0x3ef: {  	v36 =	vor.u32 $0xF, v34;
	_ =	sdelay $0x3  }
0x3f0: {  	[tilespmem:v37+s14+$0x0] =	vst.idx.msk vm0, v35  }
0x3f1: {  	v35 =	vld.idx.msk [tilespmem:v36+s16+$0x0], vm0;
	_ =	sdelay $0x1  }
0x3f2: {  	v37 =	vor.u32 $0x10, v34;
	_ =	sdelay $0x3  }
0x3f3: {  	[tilespmem:v36+s14+$0x0] =	vst.idx.msk vm0, v35  }
0x3f4: {  	v35 =	vld.idx.msk [tilespmem:v37+s16+$0x0], vm0;
	_ =	sdelay $0x1  }
0x3f5: {  	v36 =	vor.u32 $0x11, v34;
	_ =	sdelay $0x3  }
0x3f6: {  	[tilespmem:v37+s14+$0x0] =	vst.idx.msk vm0, v35  }
0x3f7: {  	v35 =	vld.idx.msk [tilespmem:v36+s16+$0x0], vm0;
	_ =	sdelay $0x1  }
0x3f8: {  	v37 =	vor.u32 $0x12, v34;
	_ =	sdelay $0x3  }
0x3f9: {  	[tilespmem:v36+s14+$0x0] =	vst.idx.msk vm0, v35  }
0x3fa: {  	v35 =	vld.idx.msk [tilespmem:v37+s16+$0x0], vm0;
	_ =	sdelay $0x1  }
0x3fb: {  	v36 =	vor.u32 $0x13, v34;
	_ =	sdelay $0x3  }
0x3fc: {  	[tilespmem:v37+s14+$0x0] =	vst.idx.msk vm0, v35  }
0x3fd: {  	v35 =	vld.idx.msk [tilespmem:v36+s16+$0x0], vm0;
	_ =	sdelay $0x1  }
0x3fe: {  	v37 =	vor.u32 $0x14, v34;
	_ =	sdelay $0x3  }
0x3ff: {  	[tilespmem:v36+s14+$0x0] =	vst.idx.msk vm0, v35  }
0x400: {  	v35 =	vld.idx.msk [tilespmem:v37+s16+$0x0], vm0;
	_ =	sdelay $0x1  }
0x401: {  	v36 =	vor.u32 $0x15, v34;
	_ =	sdelay $0x3  }
0x402: {  	[tilespmem:v37+s14+$0x0] =	vst.idx.msk vm0, v35  }
0x403: {  	v35 =	vld.idx.msk [tilespmem:v36+s16+$0x0], vm0;
	_ =	sdelay $0x1  }
0x404: {  	v37 =	vor.u32 $0x16, v34;
	_ =	sdelay $0x3  }
0x405: {  	[tilespmem:v36+s14+$0x0] =	vst.idx.msk vm0, v35  }
0x406: {  	v35 =	vld.idx.msk [tilespmem:v37+s16+$0x0], vm0;
	_ =	sdelay $0x1  }
0x407: {  	v36 =	vor.u32 $0x17, v34;
	_ =	sdelay $0x3  }
0x408: {  	[tilespmem:v37+s14+$0x0] =	vst.idx.msk vm0, v35  }
0x409: {  	v35 =	vld.idx.msk [tilespmem:v36+s16+$0x0], vm0;
	_ =	sdelay $0x1  }
0x40a: {  	v37 =	vor.u32 $0x18, v34;
	_ =	sdelay $0x3  }
0x40b: {  	[tilespmem:v36+s14+$0x0] =	vst.idx.msk vm0, v35  }
0x40c: {  	v35 =	vld.idx.msk [tilespmem:v37+s16+$0x0], vm0;
	_ =	sdelay $0x1  }
0x40d: {  	v36 =	vor.u32 $0x19, v34;
	_ =	sdelay $0x3  }
0x40e: {  	[tilespmem:v37+s14+$0x0] =	vst.idx.msk vm0, v35  }
0x40f: {  	v35 =	vld.idx.msk [tilespmem:v36+s16+$0x0], vm0;
	_ =	sdelay $0x1  }
0x410: {  	v37 =	vor.u32 $0x1A, v34;
	_ =	sdelay $0x3  }
0x411: {  	[tilespmem:v36+s14+$0x0] =	vst.idx.msk vm0, v35  }
0x412: {  	v35 =	vld.idx.msk [tilespmem:v37+s16+$0x0], vm0;
	_ =	sdelay $0x1  }
0x413: {  	v36 =	vor.u32 $0x1B, v34;
	_ =	sdelay $0x3  }
0x414: {  	[tilespmem:v37+s14+$0x0] =	vst.idx.msk vm0, v35  }
0x415: {  	v35 =	vld.idx.msk [tilespmem:v36+s16+$0x0], vm0;
	_ =	sdelay $0x1  }
0x416: {  	v37 =	vor.u32 $0x1C, v34;
	_ =	sdelay $0x3  }
0x417: {  	[tilespmem:v36+s14+$0x0] =	vst.idx.msk vm0, v35  }
0x418: {  	v35 =	vld.idx.msk [tilespmem:v37+s16+$0x0], vm0;
	_ =	sdelay $0x1  }
0x419: {  	v36 =	vor.u32 $0x1D, v34;
	_ =	sdelay $0x3  }
0x41a: {  	[tilespmem:v37+s14+$0x0] =	vst.idx.msk vm0, v35  }
0x41b: {  	v35 =	vld.idx.msk [tilespmem:v36+s16+$0x0], vm0;
	_ =	sdelay $0x1  }
0x41c: {  	v37 =	vor.u32 $0x1E, v34;
	_ =	sdelay $0x3  }
0x41d: {  	[tilespmem:v36+s14+$0x0] =	vst.idx.msk vm0, v35  }
0x41e: {  	v35 =	vld.idx.msk [tilespmem:v37+s16+$0x0], vm0;
	_ =	sdelay $0x1  }
0x41f: {  	v36 =	vor.u32 $0x1F, v34;
	_ =	sdelay $0x3  }
0x420: {  	[tilespmem:v37+s14+$0x0] =	vst.idx.msk vm0, v35  }
0x421: {  	v35 =	vld.idx.msk [tilespmem:v36+s16+$0x0], vm0;
	_ =	sdelay $0x1  }
0x422: {  	v37 =	vor.u32 $0x20, v34;
	_ =	sdelay $0x3  }
0x423: {  	[tilespmem:v36+s14+$0x0] =	vst.idx.msk vm0, v35  }
0x424: {  	v35 =	vld.idx.msk [tilespmem:v37+s16+$0x0], vm0;
	_ =	sdelay $0x1  }
0x425: {  	v36 =	vor.u32 $0x21, v34;
	_ =	sdelay $0x3  }
0x426: {  	[tilespmem:v37+s14+$0x0] =	vst.idx.msk vm0, v35  }
0x427: {  	v35 =	vld.idx.msk [tilespmem:v36+s16+$0x0], vm0;
	_ =	sdelay $0x1  }
0x428: {  	v37 =	vor.u32 $0x22, v34;
	_ =	sdelay $0x3  }
0x429: {  	[tilespmem:v36+s14+$0x0] =	vst.idx.msk vm0, v35  }
0x42a: {  	v35 =	vld.idx.msk [tilespmem:v37+s16+$0x0], vm0;
	_ =	sdelay $0x1  }
0x42b: {  	v36 =	vor.u32 $0x23, v34;
	_ =	sdelay $0x3  }
0x42c: {  	[tilespmem:v37+s14+$0x0] =	vst.idx.msk vm0, v35  }
0x42d: {  	v35 =	vld.idx.msk [tilespmem:v36+s16+$0x0], vm0;
	_ =	sdelay $0x1  }
0x42e: {  	v37 =	vor.u32 $0x24, v34;
	_ =	sdelay $0x3  }
0x42f: {  	[tilespmem:v36+s14+$0x0] =	vst.idx.msk vm0, v35  }
0x430: {  	v35 =	vld.idx.msk [tilespmem:v37+s16+$0x0], vm0;
	_ =	sdelay $0x1  }
0x431: {  	v36 =	vor.u32 $0x25, v34;
	_ =	sdelay $0x3  }
0x432: {  	[tilespmem:v37+s14+$0x0] =	vst.idx.msk vm0, v35  }
0x433: {  	v35 =	vld.idx.msk [tilespmem:v36+s16+$0x0], vm0;
	_ =	sdelay $0x1  }
0x434: {  	v37 =	vor.u32 $0x26, v34;
	_ =	sdelay $0x3  }
0x435: {  	[tilespmem:v36+s14+$0x0] =	vst.idx.msk vm0, v35  }
0x436: {  	v35 =	vld.idx.msk [tilespmem:v37+s16+$0x0], vm0;
	_ =	sdelay $0x1  }
0x437: {  	v36 =	vor.u32 $0x27, v34;
	_ =	sdelay $0x3  }
0x438: {  	[tilespmem:v37+s14+$0x0] =	vst.idx.msk vm0, v35  }
0x439: {  	v35 =	vld.idx.msk [tilespmem:v36+s16+$0x0], vm0;
	_ =	sdelay $0x1  }
0x43a: {  	v37 =	vor.u32 $0x28, v34;
	_ =	sdelay $0x3  }
0x43b: {  	[tilespmem:v36+s14+$0x0] =	vst.idx.msk vm0, v35  }
0x43c: {  	v35 =	vld.idx.msk [tilespmem:v37+s16+$0x0], vm0;
	_ =	sdelay $0x1  }
0x43d: {  	v36 =	vor.u32 $0x29, v34;
	_ =	sdelay $0x3  }
0x43e: {  	[tilespmem:v37+s14+$0x0] =	vst.idx.msk vm0, v35  }
0x43f: {  	v35 =	vld.idx.msk [tilespmem:v36+s16+$0x0], vm0;
	_ =	sdelay $0x1  }
0x440: {  	v37 =	vor.u32 $0x2A, v34;
	_ =	sdelay $0x3  }
0x441: {  	[tilespmem:v36+s14+$0x0] =	vst.idx.msk vm0, v35  }
0x442: {  	v35 =	vld.idx.msk [tilespmem:v37+s16+$0x0], vm0;
	_ =	sdelay $0x1  }
0x443: {  	v36 =	vor.u32 $0x2B, v34;
	_ =	sdelay $0x3  }
0x444: {  	[tilespmem:v37+s14+$0x0] =	vst.idx.msk vm0, v35  }
0x445: {  	v35 =	vld.idx.msk [tilespmem:v36+s16+$0x0], vm0;
	_ =	sdelay $0x1  }
0x446: {  	v37 =	vor.u32 $0x2C, v34;
	_ =	sdelay $0x3  }
0x447: {  	[tilespmem:v36+s14+$0x0] =	vst.idx.msk vm0, v35  }
0x448: {  	v35 =	vld.idx.msk [tilespmem:v37+s16+$0x0], vm0;
	_ =	sdelay $0x1  }
0x449: {  	v36 =	vor.u32 $0x2D, v34;
	_ =	sdelay $0x3  }
0x44a: {  	[tilespmem:v37+s14+$0x0] =	vst.idx.msk vm0, v35  }
0x44b: {  	v35 =	vld.idx.msk [tilespmem:v36+s16+$0x0], vm0;
	_ =	sdelay $0x1  }
0x44c: {  	v37 =	vor.u32 $0x2E, v34;
	_ =	sdelay $0x3  }
0x44d: {  	[tilespmem:v36+s14+$0x0] =	vst.idx.msk vm0, v35  }
0x44e: {  	v35 =	vld.idx.msk [tilespmem:v37+s16+$0x0], vm0;
	_ =	sdelay $0x1  }
0x44f: {  	v36 =	vor.u32 $0x2F, v34;
	_ =	sdelay $0x3  }
0x450: {  	[tilespmem:v37+s14+$0x0] =	vst.idx.msk vm0, v35  }
0x451: {  	v35 =	vld.idx.msk [tilespmem:v36+s16+$0x0], vm0;
	_ =	sdelay $0x1  }
0x452: {  	v37 =	vor.u32 $0x30, v34;
	_ =	sdelay $0x3  }
0x453: {  	[tilespmem:v36+s14+$0x0] =	vst.idx.msk vm0, v35  }
0x454: {  	v35 =	vld.idx.msk [tilespmem:v37+s16+$0x0], vm0;
	_ =	sdelay $0x1  }
0x455: {  	v36 =	vor.u32 $0x31, v34;
	_ =	sdelay $0x3  }
0x456: {  	[tilespmem:v37+s14+$0x0] =	vst.idx.msk vm0, v35  }
0x457: {  	v35 =	vld.idx.msk [tilespmem:v36+s16+$0x0], vm0;
	_ =	sdelay $0x1  }
0x458: {  	v37 =	vor.u32 $0x32, v34;
	_ =	sdelay $0x3  }
0x459: {  	[tilespmem:v36+s14+$0x0] =	vst.idx.msk vm0, v35  }
0x45a: {  	v35 =	vld.idx.msk [tilespmem:v37+s16+$0x0], vm0;
	_ =	sdelay $0x1  }
0x45b: {  	v36 =	vor.u32 $0x33, v34;
	_ =	sdelay $0x3  }
0x45c: {  	[tilespmem:v37+s14+$0x0] =	vst.idx.msk vm0, v35  }
0x45d: {  	v35 =	vld.idx.msk [tilespmem:v36+s16+$0x0], vm0;
	_ =	sdelay $0x1  }
0x45e: {  	v37 =	vor.u32 $0x34, v34;
	_ =	sdelay $0x3  }
0x45f: {  	[tilespmem:v36+s14+$0x0] =	vst.idx.msk vm0, v35  }
0x460: {  	v35 =	vld.idx.msk [tilespmem:v37+s16+$0x0], vm0;
	_ =	sdelay $0x1  }
0x461: {  	v36 =	vor.u32 $0x35, v34;
	_ =	sdelay $0x3  }
0x462: {  	[tilespmem:v37+s14+$0x0] =	vst.idx.msk vm0, v35  }
0x463: {  	v35 =	vld.idx.msk [tilespmem:v36+s16+$0x0], vm0;
	_ =	sdelay $0x1  }
0x464: {  	v37 =	vor.u32 $0x36, v34;
	_ =	sdelay $0x3  }
0x465: {  	[tilespmem:v36+s14+$0x0] =	vst.idx.msk vm0, v35  }
0x466: {  	v35 =	vld.idx.msk [tilespmem:v37+s16+$0x0], vm0;
	_ =	sdelay $0x1  }
0x467: {  	v36 =	vor.u32 $0x37, v34;
	_ =	sdelay $0x3  }
0x468: {  	[tilespmem:v37+s14+$0x0] =	vst.idx.msk vm0, v35  }
0x469: {  	v35 =	vld.idx.msk [tilespmem:v36+s16+$0x0], vm0;
	_ =	sdelay $0x1  }
0x46a: {  	v37 =	vor.u32 $0x38, v34;
	_ =	sdelay $0x3  }
0x46b: {  	[tilespmem:v36+s14+$0x0] =	vst.idx.msk vm0, v35  }
0x46c: {  	v35 =	vld.idx.msk [tilespmem:v37+s16+$0x0], vm0;
	_ =	sdelay $0x1  }
0x46d: {  	v36 =	vor.u32 $0x39, v34;
	_ =	sdelay $0x3  }
0x46e: {  	[tilespmem:v37+s14+$0x0] =	vst.idx.msk vm0, v35  }
0x46f: {  	v35 =	vld.idx.msk [tilespmem:v36+s16+$0x0], vm0;
	_ =	sdelay $0x1  }
0x470: {  	v37 =	vor.u32 $0x3A, v34;
	_ =	sdelay $0x3  }
0x471: {  	[tilespmem:v36+s14+$0x0] =	vst.idx.msk vm0, v35  }
0x472: {  	v35 =	vld.idx.msk [tilespmem:v37+s16+$0x0], vm0;
	_ =	sdelay $0x1  }
0x473: {  	v36 =	vor.u32 $0x3B, v34;
	_ =	sdelay $0x3  }
0x474: {  	[tilespmem:v37+s14+$0x0] =	vst.idx.msk vm0, v35  }
0x475: {  	v35 =	vld.idx.msk [tilespmem:v36+s16+$0x0], vm0;
	_ =	sdelay $0x1  }
0x476: {  	v37 =	vor.u32 $0x3C, v34;
	_ =	sdelay $0x3  }
0x477: {  	[tilespmem:v36+s14+$0x0] =	vst.idx.msk vm0, v35  }
0x478: {  	v35 =	vld.idx.msk [tilespmem:v37+s16+$0x0], vm0;
	_ =	sdelay $0x1  }
0x479: {  	v36 =	vor.u32 $0x3D, v34;
	_ =	sdelay $0x3  }
0x47a: {  	[tilespmem:v37+s14+$0x0] =	vst.idx.msk vm0, v35  }
0x47b: {  	v35 =	vld.idx.msk [tilespmem:v36+s16+$0x0], vm0;
	_ =	sdelay $0x1  }
0x47c: {  	v37 =	vor.u32 $0x3E, v34;
	_ =	sdelay $0x3  }
0x47d: {  	[tilespmem:v36+s14+$0x0] =	vst.idx.msk vm0, v35  }
0x47e: {  	v35 =	vld.idx.msk [tilespmem:v37+s16+$0x0], vm0;
	_ =	sdelay $0x1  }
0x47f: {  	v34 =	vor.u32 $0x3F, v34;
	_ =	sdelay $0x3  }
0x480: {  	[tilespmem:v37+s14+$0x0] =	vst.idx.msk vm0, v35  }
0x481: {  	v35 =	vld.idx.msk [tilespmem:v34+s16+$0x0], vm0;
	_ =	sdelay $0x2  }
.Ltmp2:
0x482: {  	(pc) =	sbr.rel @p0 .LBB2_6-.Ltmp2, $3  }
0x483: {  	_ =	sdelay $0x1  }
0x484: {  	s13 =	sadd.s32 $0x10, s13;
	[tilespmem:v34+s14+$0x0] =	vst.idx.msk vm0, v35  }
0x485: {  	s17 =	sadd.s32 $0x10, s17;
	v34 =	vld [tilespmem:s13+$0x0]  }
0x486: {  	_ =	sdelay $0x2  }
0x487: {  	v35 =	vmov s15  }
0x488: {  	v50 =	vshll.u32 v35, $0x6;
	vm0 =	vlt.s32 v34, $0x4000  }
0x489: {  	v34 =	vor.u32 v33, v50;
	_ =	sdelay $0x4  }
0x48a: {  	v51 =	vld.idx.msk [tilespmem:v34+s16+$0x0], vm0  }
0x48b: {  	v36 =	vor.u32 $0x1, v34;
	_ =	sdelay $0x3  }
0x48c: {  	[tilespmem:v34+s14+$0x0] =	vst.idx.msk vm0, v51  }
0x48d: {  	v35 =	vld.idx.msk [tilespmem:v36+s16+$0x0], vm0  }
0x48e: {  	v37 =	vor.u32 $0x2, v34;
	_ =	sdelay $0x3  }
0x48f: {  	[tilespmem:v36+s14+$0x0] =	vst.idx.msk vm0, v35  }
0x490: {  	v35 =	vld.idx.msk [tilespmem:v37+s16+$0x0], vm0  }
0x491: {  	v52 =	vor.u32 $0x3, v34;
	_ =	sdelay $0x3  }
0x492: {  	[tilespmem:v37+s14+$0x0] =	vst.idx.msk vm0, v35  }
0x493: {  	v35 =	vld.idx.msk [tilespmem:v52+s16+$0x0], vm0  }
0x494: {  	v53 =	vor.u32 $0x4, v34;
	_ =	sdelay $0x3  }
0x495: {  	[tilespmem:v52+s14+$0x0] =	vst.idx.msk vm0, v35  }
0x496: {  	v35 =	vld.idx.msk [tilespmem:v53+s16+$0x0], vm0  }
0x497: {  	v54 =	vor.u32 $0x5, v34;
	_ =	sdelay $0x3  }
0x498: {  	[tilespmem:v53+s14+$0x0] =	vst.idx.msk vm0, v35  }
0x499: {  	v35 =	vld.idx.msk [tilespmem:v54+s16+$0x0], vm0  }
0x49a: {  	v55 =	vor.u32 $0x6, v34;
	_ =	sdelay $0x3  }
0x49b: {  	[tilespmem:v54+s14+$0x0] =	vst.idx.msk vm0, v35  }
0x49c: {  	v35 =	vld.idx.msk [tilespmem:v55+s16+$0x0], vm0  }
0x49d: {  	v56 =	vor.u32 $0x7, v34;
	_ =	sdelay $0x3  }
0x49e: {  	[tilespmem:v55+s14+$0x0] =	vst.idx.msk vm0, v35  }
0x49f: {  	v35 =	vld.idx.msk [tilespmem:v56+s16+$0x0], vm0  }
0x4a0: {  	v57 =	vor.u32 $0x8, v34;
	_ =	sdelay $0x3  }
0x4a1: {  	[tilespmem:v56+s14+$0x0] =	vst.idx.msk vm0, v35  }
0x4a2: {  	v35 =	vld.idx.msk [tilespmem:v57+s16+$0x0], vm0  }
0x4a3: {  	v58 =	vor.u32 $0x9, v34;
	_ =	sdelay $0x3  }
0x4a4: {  	[tilespmem:v57+s14+$0x0] =	vst.idx.msk vm0, v35  }
0x4a5: {  	v35 =	vld.idx.msk [tilespmem:v58+s16+$0x0], vm0  }
0x4a6: {  	v59 =	vor.u32 $0xA, v34;
	_ =	sdelay $0x3  }
0x4a7: {  	[tilespmem:v58+s14+$0x0] =	vst.idx.msk vm0, v35  }
0x4a8: {  	v35 =	vld.idx.msk [tilespmem:v59+s16+$0x0], vm0  }
0x4a9: {  	v60 =	vor.u32 $0xB, v34;
	_ =	sdelay $0x3  }
0x4aa: {  	[tilespmem:v59+s14+$0x0] =	vst.idx.msk vm0, v35  }
0x4ab: {  	v35 =	vld.idx.msk [tilespmem:v60+s16+$0x0], vm0  }
0x4ac: {  	v61 =	vor.u32 $0xC, v34;
	_ =	sdelay $0x3  }
0x4ad: {  	[tilespmem:v60+s14+$0x0] =	vst.idx.msk vm0, v35  }
0x4ae: {  	v35 =	vld.idx.msk [tilespmem:v61+s16+$0x0], vm0  }
0x4af: {  	v62 =	vor.u32 $0xD, v34;
	_ =	sdelay $0x3  }
0x4b0: {  	[tilespmem:v61+s14+$0x0] =	vst.idx.msk vm0, v35  }
0x4b1: {  	v35 =	vld.idx.msk [tilespmem:v62+s16+$0x0], vm0  }
0x4b2: {  	v63 =	vor.u32 $0xE, v34;
	_ =	sdelay $0x3  }
0x4b3: {  	[tilespmem:v62+s14+$0x0] =	vst.idx.msk vm0, v35  }
0x4b4: {  	v35 =	vld.idx.msk [tilespmem:v63+s16+$0x0], vm0  }
0x4b5: {  	v40 =	vor.u32 $0xF, v34;
	_ =	sdelay $0x3  }
0x4b6: {  	[tilespmem:v63+s14+$0x0] =	vst.idx.msk vm0, v35  }
0x4b7: {  	v35 =	vld.idx.msk [tilespmem:v40+s16+$0x0], vm0  }
0x4b8: {  	v41 =	vor.u32 $0x10, v34;
	_ =	sdelay $0x3  }
0x4b9: {  	[tilespmem:v40+s14+$0x0] =	vst.idx.msk vm0, v35  }
0x4ba: {  	v35 =	vld.idx.msk [tilespmem:v41+s16+$0x0], vm0  }
0x4bb: {  	v42 =	vor.u32 $0x11, v34;
	_ =	sdelay $0x3  }
0x4bc: {  	[tilespmem:v41+s14+$0x0] =	vst.idx.msk vm0, v35  }
0x4bd: {  	v35 =	vld.idx.msk [tilespmem:v42+s16+$0x0], vm0  }
0x4be: {  	v43 =	vor.u32 $0x12, v34;
	_ =	sdelay $0x3  }
0x4bf: {  	[tilespmem:v42+s14+$0x0] =	vst.idx.msk vm0, v35  }
0x4c0: {  	v35 =	vld.idx.msk [tilespmem:v43+s16+$0x0], vm0  }
0x4c1: {  	v44 =	vor.u32 $0x13, v34;
	_ =	sdelay $0x3  }
0x4c2: {  	[tilespmem:v43+s14+$0x0] =	vst.idx.msk vm0, v35  }
0x4c3: {  	v35 =	vld.idx.msk [tilespmem:v44+s16+$0x0], vm0  }
0x4c4: {  	v45 =	vor.u32 $0x14, v34;
	_ =	sdelay $0x3  }
0x4c5: {  	[tilespmem:v44+s14+$0x0] =	vst.idx.msk vm0, v35  }
0x4c6: {  	v35 =	vld.idx.msk [tilespmem:v45+s16+$0x0], vm0  }
0x4c7: {  	v46 =	vor.u32 $0x15, v34;
	_ =	sdelay $0x3  }
0x4c8: {  	[tilespmem:v45+s14+$0x0] =	vst.idx.msk vm0, v35  }
0x4c9: {  	v35 =	vld.idx.msk [tilespmem:v46+s16+$0x0], vm0  }
0x4ca: {  	v47 =	vor.u32 $0x16, v34;
	_ =	sdelay $0x3  }
0x4cb: {  	[tilespmem:v46+s14+$0x0] =	vst.idx.msk vm0, v35  }
0x4cc: {  	v35 =	vld.idx.msk [tilespmem:v47+s16+$0x0], vm0  }
0x4cd: {  	v48 =	vor.u32 $0x17, v34;
	_ =	sdelay $0x3  }
0x4ce: {  	[tilespmem:v47+s14+$0x0] =	vst.idx.msk vm0, v35  }
0x4cf: {  	v35 =	vld.idx.msk [tilespmem:v48+s16+$0x0], vm0  }
0x4d0: {  	v49 =	vor.u32 $0x18, v34;
	_ =	sdelay $0x3  }
0x4d1: {  	[tilespmem:v48+s14+$0x0] =	vst.idx.msk vm0, v35  }
0x4d2: {  	v35 =	vld.idx.msk [tilespmem:v49+s16+$0x0], vm0  }
0x4d3: {  	v50 =	vor.u32 $0x19, v34;
	_ =	sdelay $0x3  }
0x4d4: {  	[tilespmem:v49+s14+$0x0] =	vst.idx.msk vm0, v35  }
0x4d5: {  	v35 =	vld.idx.msk [tilespmem:v50+s16+$0x0], vm0  }
0x4d6: {  	v51 =	vor.u32 $0x1A, v34;
	_ =	sdelay $0x3  }
0x4d7: {  	[tilespmem:v50+s14+$0x0] =	vst.idx.msk vm0, v35  }
0x4d8: {  	v35 =	vld.idx.msk [tilespmem:v51+s16+$0x0], vm0  }
0x4d9: {  	v52 =	vor.u32 $0x1B, v34;
	_ =	sdelay $0x3  }
0x4da: {  	[tilespmem:v51+s14+$0x0] =	vst.idx.msk vm0, v35  }
0x4db: {  	v35 =	vld.idx.msk [tilespmem:v52+s16+$0x0], vm0  }
0x4dc: {  	v53 =	vor.u32 $0x1C, v34;
	_ =	sdelay $0x3  }
0x4dd: {  	[tilespmem:v52+s14+$0x0] =	vst.idx.msk vm0, v35  }
0x4de: {  	v35 =	vld.idx.msk [tilespmem:v53+s16+$0x0], vm0  }
0x4df: {  	v54 =	vor.u32 $0x1D, v34;
	_ =	sdelay $0x3  }
0x4e0: {  	[tilespmem:v53+s14+$0x0] =	vst.idx.msk vm0, v35  }
0x4e1: {  	v35 =	vld.idx.msk [tilespmem:v54+s16+$0x0], vm0  }
0x4e2: {  	v55 =	vor.u32 $0x1E, v34;
	_ =	sdelay $0x3  }
0x4e3: {  	[tilespmem:v54+s14+$0x0] =	vst.idx.msk vm0, v35  }
0x4e4: {  	v35 =	vld.idx.msk [tilespmem:v55+s16+$0x0], vm0  }
0x4e5: {  	v56 =	vor.u32 $0x1F, v34;
	_ =	sdelay $0x3  }
0x4e6: {  	[tilespmem:v55+s14+$0x0] =	vst.idx.msk vm0, v35  }
0x4e7: {  	v35 =	vld.idx.msk [tilespmem:v56+s16+$0x0], vm0  }
0x4e8: {  	v57 =	vor.u32 $0x20, v34;
	_ =	sdelay $0x3  }
0x4e9: {  	[tilespmem:v56+s14+$0x0] =	vst.idx.msk vm0, v35  }
0x4ea: {  	v35 =	vld.idx.msk [tilespmem:v57+s16+$0x0], vm0  }
0x4eb: {  	v58 =	vor.u32 $0x21, v34;
	_ =	sdelay $0x3  }
0x4ec: {  	[tilespmem:v57+s14+$0x0] =	vst.idx.msk vm0, v35  }
0x4ed: {  	v35 =	vld.idx.msk [tilespmem:v58+s16+$0x0], vm0  }
0x4ee: {  	v59 =	vor.u32 $0x22, v34;
	_ =	sdelay $0x3  }
0x4ef: {  	[tilespmem:v58+s14+$0x0] =	vst.idx.msk vm0, v35  }
0x4f0: {  	v35 =	vld.idx.msk [tilespmem:v59+s16+$0x0], vm0  }
0x4f1: {  	v60 =	vor.u32 $0x23, v34;
	_ =	sdelay $0x3  }
0x4f2: {  	[tilespmem:v59+s14+$0x0] =	vst.idx.msk vm0, v35  }
0x4f3: {  	v35 =	vld.idx.msk [tilespmem:v60+s16+$0x0], vm0  }
0x4f4: {  	v61 =	vor.u32 $0x24, v34;
	_ =	sdelay $0x3  }
0x4f5: {  	[tilespmem:v60+s14+$0x0] =	vst.idx.msk vm0, v35  }
0x4f6: {  	v35 =	vld.idx.msk [tilespmem:v61+s16+$0x0], vm0  }
0x4f7: {  	v62 =	vor.u32 $0x25, v34;
	_ =	sdelay $0x3  }
0x4f8: {  	[tilespmem:v61+s14+$0x0] =	vst.idx.msk vm0, v35  }
0x4f9: {  	v35 =	vld.idx.msk [tilespmem:v62+s16+$0x0], vm0  }
0x4fa: {  	v63 =	vor.u32 $0x26, v34;
	_ =	sdelay $0x3  }
0x4fb: {  	[tilespmem:v62+s14+$0x0] =	vst.idx.msk vm0, v35  }
0x4fc: {  	v35 =	vld.idx.msk [tilespmem:v63+s16+$0x0], vm0  }
0x4fd: {  	v40 =	vor.u32 $0x27, v34;
	_ =	sdelay $0x3  }
0x4fe: {  	[tilespmem:v63+s14+$0x0] =	vst.idx.msk vm0, v35  }
0x4ff: {  	v35 =	vld.idx.msk [tilespmem:v40+s16+$0x0], vm0  }
0x500: {  	v41 =	vor.u32 $0x28, v34;
	_ =	sdelay $0x3  }
0x501: {  	[tilespmem:v40+s14+$0x0] =	vst.idx.msk vm0, v35  }
0x502: {  	v35 =	vld.idx.msk [tilespmem:v41+s16+$0x0], vm0  }
0x503: {  	v42 =	vor.u32 $0x29, v34;
	_ =	sdelay $0x3  }
0x504: {  	[tilespmem:v41+s14+$0x0] =	vst.idx.msk vm0, v35  }
0x505: {  	v35 =	vld.idx.msk [tilespmem:v42+s16+$0x0], vm0  }
0x506: {  	v43 =	vor.u32 $0x2A, v34;
	_ =	sdelay $0x3  }
0x507: {  	[tilespmem:v42+s14+$0x0] =	vst.idx.msk vm0, v35  }
0x508: {  	v35 =	vld.idx.msk [tilespmem:v43+s16+$0x0], vm0  }
0x509: {  	v44 =	vor.u32 $0x2B, v34;
	_ =	sdelay $0x3  }
0x50a: {  	[tilespmem:v43+s14+$0x0] =	vst.idx.msk vm0, v35  }
0x50b: {  	v35 =	vld.idx.msk [tilespmem:v44+s16+$0x0], vm0  }
0x50c: {  	v45 =	vor.u32 $0x2C, v34;
	_ =	sdelay $0x3  }
0x50d: {  	[tilespmem:v44+s14+$0x0] =	vst.idx.msk vm0, v35  }
0x50e: {  	v35 =	vld.idx.msk [tilespmem:v45+s16+$0x0], vm0  }
0x50f: {  	v46 =	vor.u32 $0x2D, v34;
	_ =	sdelay $0x3  }
0x510: {  	[tilespmem:v45+s14+$0x0] =	vst.idx.msk vm0, v35  }
0x511: {  	v35 =	vld.idx.msk [tilespmem:v46+s16+$0x0], vm0  }
0x512: {  	v47 =	vor.u32 $0x2E, v34;
	_ =	sdelay $0x3  }
0x513: {  	[tilespmem:v46+s14+$0x0] =	vst.idx.msk vm0, v35  }
0x514: {  	v35 =	vld.idx.msk [tilespmem:v47+s16+$0x0], vm0  }
0x515: {  	v48 =	vor.u32 $0x2F, v34;
	_ =	sdelay $0x3  }
0x516: {  	[tilespmem:v47+s14+$0x0] =	vst.idx.msk vm0, v35  }
0x517: {  	v35 =	vld.idx.msk [tilespmem:v48+s16+$0x0], vm0  }
0x518: {  	v49 =	vor.u32 $0x30, v34;
	_ =	sdelay $0x3  }
0x519: {  	[tilespmem:v48+s14+$0x0] =	vst.idx.msk vm0, v35  }
0x51a: {  	v35 =	vld.idx.msk [tilespmem:v49+s16+$0x0], vm0  }
0x51b: {  	v50 =	vor.u32 $0x31, v34;
	_ =	sdelay $0x3  }
0x51c: {  	[tilespmem:v49+s14+$0x0] =	vst.idx.msk vm0, v35  }
0x51d: {  	v35 =	vld.idx.msk [tilespmem:v50+s16+$0x0], vm0  }
0x51e: {  	v51 =	vor.u32 $0x32, v34;
	_ =	sdelay $0x3  }
0x51f: {  	[tilespmem:v50+s14+$0x0] =	vst.idx.msk vm0, v35  }
0x520: {  	v35 =	vld.idx.msk [tilespmem:v51+s16+$0x0], vm0  }
0x521: {  	v52 =	vor.u32 $0x33, v34;
	_ =	sdelay $0x3  }
0x522: {  	[tilespmem:v51+s14+$0x0] =	vst.idx.msk vm0, v35  }
0x523: {  	v35 =	vld.idx.msk [tilespmem:v52+s16+$0x0], vm0  }
0x524: {  	v53 =	vor.u32 $0x34, v34;
	_ =	sdelay $0x3  }
0x525: {  	[tilespmem:v52+s14+$0x0] =	vst.idx.msk vm0, v35  }
0x526: {  	v35 =	vld.idx.msk [tilespmem:v53+s16+$0x0], vm0  }
0x527: {  	v54 =	vor.u32 $0x35, v34;
	_ =	sdelay $0x3  }
0x528: {  	[tilespmem:v53+s14+$0x0] =	vst.idx.msk vm0, v35  }
0x529: {  	v35 =	vld.idx.msk [tilespmem:v54+s16+$0x0], vm0  }
0x52a: {  	v55 =	vor.u32 $0x36, v34;
	_ =	sdelay $0x3  }
0x52b: {  	[tilespmem:v54+s14+$0x0] =	vst.idx.msk vm0, v35  }
0x52c: {  	v35 =	vld.idx.msk [tilespmem:v55+s16+$0x0], vm0  }
0x52d: {  	v56 =	vor.u32 $0x37, v34;
	_ =	sdelay $0x3  }
0x52e: {  	[tilespmem:v55+s14+$0x0] =	vst.idx.msk vm0, v35  }
0x52f: {  	v35 =	vld.idx.msk [tilespmem:v56+s16+$0x0], vm0  }
0x530: {  	v57 =	vor.u32 $0x38, v34;
	_ =	sdelay $0x3  }
0x531: {  	[tilespmem:v56+s14+$0x0] =	vst.idx.msk vm0, v35  }
0x532: {  	v35 =	vld.idx.msk [tilespmem:v57+s16+$0x0], vm0  }
0x533: {  	v58 =	vor.u32 $0x39, v34;
	_ =	sdelay $0x3  }
0x534: {  	[tilespmem:v57+s14+$0x0] =	vst.idx.msk vm0, v35  }
0x535: {  	v35 =	vld.idx.msk [tilespmem:v58+s16+$0x0], vm0  }
0x536: {  	v59 =	vor.u32 $0x3A, v34;
	_ =	sdelay $0x3  }
0x537: {  	[tilespmem:v58+s14+$0x0] =	vst.idx.msk vm0, v35  }
0x538: {  	v35 =	vld.idx.msk [tilespmem:v59+s16+$0x0], vm0  }
0x539: {  	v60 =	vor.u32 $0x3B, v34;
	_ =	sdelay $0x3  }
0x53a: {  	[tilespmem:v59+s14+$0x0] =	vst.idx.msk vm0, v35  }
0x53b: {  	v35 =	vld.idx.msk [tilespmem:v60+s16+$0x0], vm0  }
0x53c: {  	v61 =	vor.u32 $0x3C, v34;
	_ =	sdelay $0x3  }
0x53d: {  	[tilespmem:v60+s14+$0x0] =	vst.idx.msk vm0, v35  }
0x53e: {  	v35 =	vld.idx.msk [tilespmem:v61+s16+$0x0], vm0  }
0x53f: {  	v62 =	vor.u32 $0x3D, v34;
	_ =	sdelay $0x3  }
0x540: {  	[tilespmem:v61+s14+$0x0] =	vst.idx.msk vm0, v35  }
0x541: {  	v35 =	vld.idx.msk [tilespmem:v62+s16+$0x0], vm0  }
0x542: {  	v63 =	vor.u32 $0x3E, v34;
	_ =	sdelay $0x3  }
0x543: {  	[tilespmem:v62+s14+$0x0] =	vst.idx.msk vm0, v35  }
0x544: {  	v35 =	vld.idx.msk [tilespmem:v63+s16+$0x0], vm0  }
0x545: {  	v34 =	vor.u32 $0x3F, v34;
	_ =	sdelay $0x3  }
0x546: {  	[tilespmem:v63+s14+$0x0] =	vst.idx.msk vm0, v35  }
0x547: {  	v35 =	vld.idx.msk [tilespmem:v34+s16+$0x0], vm0;
	_ =	sdelay $0x4  }
0x548: {  	s7 =	rddreg [dreg:$0x4];
	[tilespmem:v34+s14+$0x0] =	vst.idx.msk vm0, v35  }
0x549: {  	[hbm4b:s7+s3] =	stream.linear.scatter [tilespmem:s22], [sflag:$0x3], $0x2000, $0x38;
	[tilespmem:$0x10800] =	vst v63  }
0x54a: {  	_ =	swait.ge [sflag:s30], $0x2000  }
0x54b: {  	[sflag:s30] =	ssyncset.done $0x0  }
0x54c: {  	[sflag:s30] =	ssyncadd.s32 $0xFFFFE000  }
0x54d: {  	_ =	swait.ge [sflag:s31], $0x2000  }
0x54e: {  	[sflag:s31] =	ssyncset.done $0x0  }
0x54f: {  	s13 =	simm.s32 $0x380;
	[sflag:s31] =	ssyncadd.s32 $0xFFFFE000  }
0x550: {  	s15 =	simm.s32 $0x180;
	s17 =	simm.s32 $0x190;
	v34 =	vld [tilespmem:s13+$0x0]  }
.LBB2_8:
0x551: {  	p0 =	sne.s32 s17, $0x1F0;
	_ =	sdelay $0x2  }
0x552: {  	v35 =	vmov s15;
	s15 =	smov.u32 s17  }
0x553: {  	vm0 =	vlt.s32 v34, $0x4000;
	v34 =	vshll.u32 v35, $0x6  }
0x554: {  	v34 =	vor.u32 v33, v34;
	_ =	sdelay $0x4  }
0x555: {  	v35 =	vld.idx.msk [tilespmem:v34+s16+$0x0], vm0;
	_ =	sdelay $0x1  }
0x556: {  	v36 =	vor.u32 $0x1, v34;
	_ =	sdelay $0x3  }
0x557: {  	[tilespmem:v34+s14+$0x0] =	vst.idx.msk vm0, v35  }
0x558: {  	v35 =	vld.idx.msk [tilespmem:v36+s16+$0x0], vm0;
	_ =	sdelay $0x1  }
0x559: {  	v37 =	vor.u32 $0x2, v34;
	_ =	sdelay $0x3  }
0x55a: {  	[tilespmem:v36+s14+$0x0] =	vst.idx.msk vm0, v35  }
0x55b: {  	v35 =	vld.idx.msk [tilespmem:v37+s16+$0x0], vm0;
	_ =	sdelay $0x1  }
0x55c: {  	v36 =	vor.u32 $0x3, v34;
	_ =	sdelay $0x3  }
0x55d: {  	[tilespmem:v37+s14+$0x0] =	vst.idx.msk vm0, v35  }
0x55e: {  	v35 =	vld.idx.msk [tilespmem:v36+s16+$0x0], vm0;
	_ =	sdelay $0x1  }
0x55f: {  	v37 =	vor.u32 $0x4, v34;
	_ =	sdelay $0x3  }
0x560: {  	[tilespmem:v36+s14+$0x0] =	vst.idx.msk vm0, v35  }
0x561: {  	v35 =	vld.idx.msk [tilespmem:v37+s16+$0x0], vm0;
	_ =	sdelay $0x1  }
0x562: {  	v36 =	vor.u32 $0x5, v34;
	_ =	sdelay $0x3  }
0x563: {  	[tilespmem:v37+s14+$0x0] =	vst.idx.msk vm0, v35  }
0x564: {  	v35 =	vld.idx.msk [tilespmem:v36+s16+$0x0], vm0;
	_ =	sdelay $0x1  }
0x565: {  	v37 =	vor.u32 $0x6, v34;
	_ =	sdelay $0x3  }
0x566: {  	[tilespmem:v36+s14+$0x0] =	vst.idx.msk vm0, v35  }
0x567: {  	v35 =	vld.idx.msk [tilespmem:v37+s16+$0x0], vm0;
	_ =	sdelay $0x1  }
0x568: {  	v36 =	vor.u32 $0x7, v34;
	_ =	sdelay $0x3  }
0x569: {  	[tilespmem:v37+s14+$0x0] =	vst.idx.msk vm0, v35  }
0x56a: {  	v35 =	vld.idx.msk [tilespmem:v36+s16+$0x0], vm0;
	_ =	sdelay $0x1  }
0x56b: {  	v37 =	vor.u32 $0x8, v34;
	_ =	sdelay $0x3  }
0x56c: {  	[tilespmem:v36+s14+$0x0] =	vst.idx.msk vm0, v35  }
0x56d: {  	v35 =	vld.idx.msk [tilespmem:v37+s16+$0x0], vm0;
	_ =	sdelay $0x1  }
0x56e: {  	v36 =	vor.u32 $0x9, v34;
	_ =	sdelay $0x3  }
0x56f: {  	[tilespmem:v37+s14+$0x0] =	vst.idx.msk vm0, v35  }
0x570: {  	v35 =	vld.idx.msk [tilespmem:v36+s16+$0x0], vm0;
	_ =	sdelay $0x1  }
0x571: {  	v37 =	vor.u32 $0xA, v34;
	_ =	sdelay $0x3  }
0x572: {  	[tilespmem:v36+s14+$0x0] =	vst.idx.msk vm0, v35  }
0x573: {  	v35 =	vld.idx.msk [tilespmem:v37+s16+$0x0], vm0;
	_ =	sdelay $0x1  }
0x574: {  	v36 =	vor.u32 $0xB, v34;
	_ =	sdelay $0x3  }
0x575: {  	[tilespmem:v37+s14+$0x0] =	vst.idx.msk vm0, v35  }
0x576: {  	v35 =	vld.idx.msk [tilespmem:v36+s16+$0x0], vm0;
	_ =	sdelay $0x1  }
0x577: {  	v37 =	vor.u32 $0xC, v34;
	_ =	sdelay $0x3  }
0x578: {  	[tilespmem:v36+s14+$0x0] =	vst.idx.msk vm0, v35  }
0x579: {  	v35 =	vld.idx.msk [tilespmem:v37+s16+$0x0], vm0;
	_ =	sdelay $0x1  }
0x57a: {  	v36 =	vor.u32 $0xD, v34;
	_ =	sdelay $0x3  }
0x57b: {  	[tilespmem:v37+s14+$0x0] =	vst.idx.msk vm0, v35  }
0x57c: {  	v35 =	vld.idx.msk [tilespmem:v36+s16+$0x0], vm0;
	_ =	sdelay $0x1  }
0x57d: {  	v37 =	vor.u32 $0xE, v34;
	_ =	sdelay $0x3  }
0x57e: {  	[tilespmem:v36+s14+$0x0] =	vst.idx.msk vm0, v35  }
0x57f: {  	v35 =	vld.idx.msk [tilespmem:v37+s16+$0x0], vm0;
	_ =	sdelay $0x1  }
0x580: {  	v36 =	vor.u32 $0xF, v34;
	_ =	sdelay $0x3  }
0x581: {  	[tilespmem:v37+s14+$0x0] =	vst.idx.msk vm0, v35  }
0x582: {  	v35 =	vld.idx.msk [tilespmem:v36+s16+$0x0], vm0;
	_ =	sdelay $0x1  }
0x583: {  	v37 =	vor.u32 $0x10, v34;
	_ =	sdelay $0x3  }
0x584: {  	[tilespmem:v36+s14+$0x0] =	vst.idx.msk vm0, v35  }
0x585: {  	v35 =	vld.idx.msk [tilespmem:v37+s16+$0x0], vm0;
	_ =	sdelay $0x1  }
0x586: {  	v36 =	vor.u32 $0x11, v34;
	_ =	sdelay $0x3  }
0x587: {  	[tilespmem:v37+s14+$0x0] =	vst.idx.msk vm0, v35  }
0x588: {  	v35 =	vld.idx.msk [tilespmem:v36+s16+$0x0], vm0;
	_ =	sdelay $0x1  }
0x589: {  	v37 =	vor.u32 $0x12, v34;
	_ =	sdelay $0x3  }
0x58a: {  	[tilespmem:v36+s14+$0x0] =	vst.idx.msk vm0, v35  }
0x58b: {  	v35 =	vld.idx.msk [tilespmem:v37+s16+$0x0], vm0;
	_ =	sdelay $0x1  }
0x58c: {  	v36 =	vor.u32 $0x13, v34;
	_ =	sdelay $0x3  }
0x58d: {  	[tilespmem:v37+s14+$0x0] =	vst.idx.msk vm0, v35  }
0x58e: {  	v35 =	vld.idx.msk [tilespmem:v36+s16+$0x0], vm0;
	_ =	sdelay $0x1  }
0x58f: {  	v37 =	vor.u32 $0x14, v34;
	_ =	sdelay $0x3  }
0x590: {  	[tilespmem:v36+s14+$0x0] =	vst.idx.msk vm0, v35  }
0x591: {  	v35 =	vld.idx.msk [tilespmem:v37+s16+$0x0], vm0;
	_ =	sdelay $0x1  }
0x592: {  	v36 =	vor.u32 $0x15, v34;
	_ =	sdelay $0x3  }
0x593: {  	[tilespmem:v37+s14+$0x0] =	vst.idx.msk vm0, v35  }
0x594: {  	v35 =	vld.idx.msk [tilespmem:v36+s16+$0x0], vm0;
	_ =	sdelay $0x1  }
0x595: {  	v37 =	vor.u32 $0x16, v34;
	_ =	sdelay $0x3  }
0x596: {  	[tilespmem:v36+s14+$0x0] =	vst.idx.msk vm0, v35  }
0x597: {  	v35 =	vld.idx.msk [tilespmem:v37+s16+$0x0], vm0;
	_ =	sdelay $0x1  }
0x598: {  	v36 =	vor.u32 $0x17, v34;
	_ =	sdelay $0x3  }
0x599: {  	[tilespmem:v37+s14+$0x0] =	vst.idx.msk vm0, v35  }
0x59a: {  	v35 =	vld.idx.msk [tilespmem:v36+s16+$0x0], vm0;
	_ =	sdelay $0x1  }
0x59b: {  	v37 =	vor.u32 $0x18, v34;
	_ =	sdelay $0x3  }
0x59c: {  	[tilespmem:v36+s14+$0x0] =	vst.idx.msk vm0, v35  }
0x59d: {  	v35 =	vld.idx.msk [tilespmem:v37+s16+$0x0], vm0;
	_ =	sdelay $0x1  }
0x59e: {  	v36 =	vor.u32 $0x19, v34;
	_ =	sdelay $0x3  }
0x59f: {  	[tilespmem:v37+s14+$0x0] =	vst.idx.msk vm0, v35  }
0x5a0: {  	v35 =	vld.idx.msk [tilespmem:v36+s16+$0x0], vm0;
	_ =	sdelay $0x1  }
0x5a1: {  	v37 =	vor.u32 $0x1A, v34;
	_ =	sdelay $0x3  }
0x5a2: {  	[tilespmem:v36+s14+$0x0] =	vst.idx.msk vm0, v35  }
0x5a3: {  	v35 =	vld.idx.msk [tilespmem:v37+s16+$0x0], vm0;
	_ =	sdelay $0x1  }
0x5a4: {  	v36 =	vor.u32 $0x1B, v34;
	_ =	sdelay $0x3  }
0x5a5: {  	[tilespmem:v37+s14+$0x0] =	vst.idx.msk vm0, v35  }
0x5a6: {  	v35 =	vld.idx.msk [tilespmem:v36+s16+$0x0], vm0;
	_ =	sdelay $0x1  }
0x5a7: {  	v37 =	vor.u32 $0x1C, v34;
	_ =	sdelay $0x3  }
0x5a8: {  	[tilespmem:v36+s14+$0x0] =	vst.idx.msk vm0, v35  }
0x5a9: {  	v35 =	vld.idx.msk [tilespmem:v37+s16+$0x0], vm0;
	_ =	sdelay $0x1  }
0x5aa: {  	v36 =	vor.u32 $0x1D, v34;
	_ =	sdelay $0x3  }
0x5ab: {  	[tilespmem:v37+s14+$0x0] =	vst.idx.msk vm0, v35  }
0x5ac: {  	v35 =	vld.idx.msk [tilespmem:v36+s16+$0x0], vm0;
	_ =	sdelay $0x1  }
0x5ad: {  	v37 =	vor.u32 $0x1E, v34;
	_ =	sdelay $0x3  }
0x5ae: {  	[tilespmem:v36+s14+$0x0] =	vst.idx.msk vm0, v35  }
0x5af: {  	v35 =	vld.idx.msk [tilespmem:v37+s16+$0x0], vm0;
	_ =	sdelay $0x1  }
0x5b0: {  	v36 =	vor.u32 $0x1F, v34;
	_ =	sdelay $0x3  }
0x5b1: {  	[tilespmem:v37+s14+$0x0] =	vst.idx.msk vm0, v35  }
0x5b2: {  	v35 =	vld.idx.msk [tilespmem:v36+s16+$0x0], vm0;
	_ =	sdelay $0x1  }
0x5b3: {  	v37 =	vor.u32 $0x20, v34;
	_ =	sdelay $0x3  }
0x5b4: {  	[tilespmem:v36+s14+$0x0] =	vst.idx.msk vm0, v35  }
0x5b5: {  	v35 =	vld.idx.msk [tilespmem:v37+s16+$0x0], vm0;
	_ =	sdelay $0x1  }
0x5b6: {  	v36 =	vor.u32 $0x21, v34;
	_ =	sdelay $0x3  }
0x5b7: {  	[tilespmem:v37+s14+$0x0] =	vst.idx.msk vm0, v35  }
0x5b8: {  	v35 =	vld.idx.msk [tilespmem:v36+s16+$0x0], vm0;
	_ =	sdelay $0x1  }
0x5b9: {  	v37 =	vor.u32 $0x22, v34;
	_ =	sdelay $0x3  }
0x5ba: {  	[tilespmem:v36+s14+$0x0] =	vst.idx.msk vm0, v35  }
0x5bb: {  	v35 =	vld.idx.msk [tilespmem:v37+s16+$0x0], vm0;
	_ =	sdelay $0x1  }
0x5bc: {  	v36 =	vor.u32 $0x23, v34;
	_ =	sdelay $0x3  }
0x5bd: {  	[tilespmem:v37+s14+$0x0] =	vst.idx.msk vm0, v35  }
0x5be: {  	v35 =	vld.idx.msk [tilespmem:v36+s16+$0x0], vm0;
	_ =	sdelay $0x1  }
0x5bf: {  	v37 =	vor.u32 $0x24, v34;
	_ =	sdelay $0x3  }
0x5c0: {  	[tilespmem:v36+s14+$0x0] =	vst.idx.msk vm0, v35  }
0x5c1: {  	v35 =	vld.idx.msk [tilespmem:v37+s16+$0x0], vm0;
	_ =	sdelay $0x1  }
0x5c2: {  	v36 =	vor.u32 $0x25, v34;
	_ =	sdelay $0x3  }
0x5c3: {  	[tilespmem:v37+s14+$0x0] =	vst.idx.msk vm0, v35  }
0x5c4: {  	v35 =	vld.idx.msk [tilespmem:v36+s16+$0x0], vm0;
	_ =	sdelay $0x1  }
0x5c5: {  	v37 =	vor.u32 $0x26, v34;
	_ =	sdelay $0x3  }
0x5c6: {  	[tilespmem:v36+s14+$0x0] =	vst.idx.msk vm0, v35  }
0x5c7: {  	v35 =	vld.idx.msk [tilespmem:v37+s16+$0x0], vm0;
	_ =	sdelay $0x1  }
0x5c8: {  	v36 =	vor.u32 $0x27, v34;
	_ =	sdelay $0x3  }
0x5c9: {  	[tilespmem:v37+s14+$0x0] =	vst.idx.msk vm0, v35  }
0x5ca: {  	v35 =	vld.idx.msk [tilespmem:v36+s16+$0x0], vm0;
	_ =	sdelay $0x1  }
0x5cb: {  	v37 =	vor.u32 $0x28, v34;
	_ =	sdelay $0x3  }
0x5cc: {  	[tilespmem:v36+s14+$0x0] =	vst.idx.msk vm0, v35  }
0x5cd: {  	v35 =	vld.idx.msk [tilespmem:v37+s16+$0x0], vm0;
	_ =	sdelay $0x1  }
0x5ce: {  	v36 =	vor.u32 $0x29, v34;
	_ =	sdelay $0x3  }
0x5cf: {  	[tilespmem:v37+s14+$0x0] =	vst.idx.msk vm0, v35  }
0x5d0: {  	v35 =	vld.idx.msk [tilespmem:v36+s16+$0x0], vm0;
	_ =	sdelay $0x1  }
0x5d1: {  	v37 =	vor.u32 $0x2A, v34;
	_ =	sdelay $0x3  }
0x5d2: {  	[tilespmem:v36+s14+$0x0] =	vst.idx.msk vm0, v35  }
0x5d3: {  	v35 =	vld.idx.msk [tilespmem:v37+s16+$0x0], vm0;
	_ =	sdelay $0x1  }
0x5d4: {  	v36 =	vor.u32 $0x2B, v34;
	_ =	sdelay $0x3  }
0x5d5: {  	[tilespmem:v37+s14+$0x0] =	vst.idx.msk vm0, v35  }
0x5d6: {  	v35 =	vld.idx.msk [tilespmem:v36+s16+$0x0], vm0;
	_ =	sdelay $0x1  }
0x5d7: {  	v37 =	vor.u32 $0x2C, v34;
	_ =	sdelay $0x3  }
0x5d8: {  	[tilespmem:v36+s14+$0x0] =	vst.idx.msk vm0, v35  }
0x5d9: {  	v35 =	vld.idx.msk [tilespmem:v37+s16+$0x0], vm0;
	_ =	sdelay $0x1  }
0x5da: {  	v36 =	vor.u32 $0x2D, v34;
	_ =	sdelay $0x3  }
0x5db: {  	[tilespmem:v37+s14+$0x0] =	vst.idx.msk vm0, v35  }
0x5dc: {  	v35 =	vld.idx.msk [tilespmem:v36+s16+$0x0], vm0;
	_ =	sdelay $0x1  }
0x5dd: {  	v37 =	vor.u32 $0x2E, v34;
	_ =	sdelay $0x3  }
0x5de: {  	[tilespmem:v36+s14+$0x0] =	vst.idx.msk vm0, v35  }
0x5df: {  	v35 =	vld.idx.msk [tilespmem:v37+s16+$0x0], vm0;
	_ =	sdelay $0x1  }
0x5e0: {  	v36 =	vor.u32 $0x2F, v34;
	_ =	sdelay $0x3  }
0x5e1: {  	[tilespmem:v37+s14+$0x0] =	vst.idx.msk vm0, v35  }
0x5e2: {  	v35 =	vld.idx.msk [tilespmem:v36+s16+$0x0], vm0;
	_ =	sdelay $0x1  }
0x5e3: {  	v37 =	vor.u32 $0x30, v34;
	_ =	sdelay $0x3  }
0x5e4: {  	[tilespmem:v36+s14+$0x0] =	vst.idx.msk vm0, v35  }
0x5e5: {  	v35 =	vld.idx.msk [tilespmem:v37+s16+$0x0], vm0;
	_ =	sdelay $0x1  }
0x5e6: {  	v36 =	vor.u32 $0x31, v34;
	_ =	sdelay $0x3  }
0x5e7: {  	[tilespmem:v37+s14+$0x0] =	vst.idx.msk vm0, v35  }
0x5e8: {  	v35 =	vld.idx.msk [tilespmem:v36+s16+$0x0], vm0;
	_ =	sdelay $0x1  }
0x5e9: {  	v37 =	vor.u32 $0x32, v34;
	_ =	sdelay $0x3  }
0x5ea: {  	[tilespmem:v36+s14+$0x0] =	vst.idx.msk vm0, v35  }
0x5eb: {  	v35 =	vld.idx.msk [tilespmem:v37+s16+$0x0], vm0;
	_ =	sdelay $0x1  }
0x5ec: {  	v36 =	vor.u32 $0x33, v34;
	_ =	sdelay $0x3  }
0x5ed: {  	[tilespmem:v37+s14+$0x0] =	vst.idx.msk vm0, v35  }
0x5ee: {  	v35 =	vld.idx.msk [tilespmem:v36+s16+$0x0], vm0;
	_ =	sdelay $0x1  }
0x5ef: {  	v37 =	vor.u32 $0x34, v34;
	_ =	sdelay $0x3  }
0x5f0: {  	[tilespmem:v36+s14+$0x0] =	vst.idx.msk vm0, v35  }
0x5f1: {  	v35 =	vld.idx.msk [tilespmem:v37+s16+$0x0], vm0;
	_ =	sdelay $0x1  }
0x5f2: {  	v36 =	vor.u32 $0x35, v34;
	_ =	sdelay $0x3  }
0x5f3: {  	[tilespmem:v37+s14+$0x0] =	vst.idx.msk vm0, v35  }
0x5f4: {  	v35 =	vld.idx.msk [tilespmem:v36+s16+$0x0], vm0;
	_ =	sdelay $0x1  }
0x5f5: {  	v37 =	vor.u32 $0x36, v34;
	_ =	sdelay $0x3  }
0x5f6: {  	[tilespmem:v36+s14+$0x0] =	vst.idx.msk vm0, v35  }
0x5f7: {  	v35 =	vld.idx.msk [tilespmem:v37+s16+$0x0], vm0;
	_ =	sdelay $0x1  }
0x5f8: {  	v36 =	vor.u32 $0x37, v34;
	_ =	sdelay $0x3  }
0x5f9: {  	[tilespmem:v37+s14+$0x0] =	vst.idx.msk vm0, v35  }
0x5fa: {  	v35 =	vld.idx.msk [tilespmem:v36+s16+$0x0], vm0;
	_ =	sdelay $0x1  }
0x5fb: {  	v37 =	vor.u32 $0x38, v34;
	_ =	sdelay $0x3  }
0x5fc: {  	[tilespmem:v36+s14+$0x0] =	vst.idx.msk vm0, v35  }
0x5fd: {  	v35 =	vld.idx.msk [tilespmem:v37+s16+$0x0], vm0;
	_ =	sdelay $0x1  }
0x5fe: {  	v36 =	vor.u32 $0x39, v34;
	_ =	sdelay $0x3  }
0x5ff: {  	[tilespmem:v37+s14+$0x0] =	vst.idx.msk vm0, v35  }
0x600: {  	v35 =	vld.idx.msk [tilespmem:v36+s16+$0x0], vm0;
	_ =	sdelay $0x1  }
0x601: {  	v37 =	vor.u32 $0x3A, v34;
	_ =	sdelay $0x3  }
0x602: {  	[tilespmem:v36+s14+$0x0] =	vst.idx.msk vm0, v35  }
0x603: {  	v35 =	vld.idx.msk [tilespmem:v37+s16+$0x0], vm0;
	_ =	sdelay $0x1  }
0x604: {  	v36 =	vor.u32 $0x3B, v34;
	_ =	sdelay $0x3  }
0x605: {  	[tilespmem:v37+s14+$0x0] =	vst.idx.msk vm0, v35  }
0x606: {  	v35 =	vld.idx.msk [tilespmem:v36+s16+$0x0], vm0;
	_ =	sdelay $0x1  }
0x607: {  	v37 =	vor.u32 $0x3C, v34;
	_ =	sdelay $0x3  }
0x608: {  	[tilespmem:v36+s14+$0x0] =	vst.idx.msk vm0, v35  }
0x609: {  	v35 =	vld.idx.msk [tilespmem:v37+s16+$0x0], vm0;
	_ =	sdelay $0x1  }
0x60a: {  	v36 =	vor.u32 $0x3D, v34;
	_ =	sdelay $0x3  }
0x60b: {  	[tilespmem:v37+s14+$0x0] =	vst.idx.msk vm0, v35  }
0x60c: {  	v35 =	vld.idx.msk [tilespmem:v36+s16+$0x0], vm0;
	_ =	sdelay $0x1  }
0x60d: {  	v37 =	vor.u32 $0x3E, v34;
	_ =	sdelay $0x3  }
0x60e: {  	[tilespmem:v36+s14+$0x0] =	vst.idx.msk vm0, v35  }
0x60f: {  	v35 =	vld.idx.msk [tilespmem:v37+s16+$0x0], vm0;
	_ =	sdelay $0x1  }
0x610: {  	v34 =	vor.u32 $0x3F, v34;
	_ =	sdelay $0x3  }
0x611: {  	[tilespmem:v37+s14+$0x0] =	vst.idx.msk vm0, v35  }
0x612: {  	v35 =	vld.idx.msk [tilespmem:v34+s16+$0x0], vm0;
	_ =	sdelay $0x2  }
.Ltmp3:
0x613: {  	(pc) =	sbr.rel @p0 .LBB2_8-.Ltmp3, $3  }
0x614: {  	_ =	sdelay $0x1  }
0x615: {  	s13 =	sadd.s32 $0x10, s13;
	[tilespmem:v34+s14+$0x0] =	vst.idx.msk vm0, v35  }
0x616: {  	s17 =	sadd.s32 $0x10, s17;
	v34 =	vld [tilespmem:s13+$0x0]  }
0x617: {  	_ =	sdelay $0x2  }
0x618: {  	v35 =	vmov s15  }
0x619: {  	v50 =	vshll.u32 v35, $0x6;
	vm0 =	vlt.s32 v34, $0x4000  }
0x61a: {  	v33 =	vor.u32 v33, v50;
	_ =	sdelay $0x4  }
0x61b: {  	v34 =	vld.idx.msk [tilespmem:v33+s16+$0x0], vm0  }
0x61c: {  	v51 =	vor.u32 $0x1, v33;
	_ =	sdelay $0x3  }
0x61d: {  	[tilespmem:v33+s14+$0x0] =	vst.idx.msk vm0, v34  }
0x61e: {  	v34 =	vld.idx.msk [tilespmem:v51+s16+$0x0], vm0  }
0x61f: {  	v36 =	vor.u32 $0x2, v33;
	_ =	sdelay $0x3  }
0x620: {  	[tilespmem:v51+s14+$0x0] =	vst.idx.msk vm0, v34  }
0x621: {  	v34 =	vld.idx.msk [tilespmem:v36+s16+$0x0], vm0  }
0x622: {  	v52 =	vor.u32 $0x3, v33;
	_ =	sdelay $0x3  }
0x623: {  	[tilespmem:v36+s14+$0x0] =	vst.idx.msk vm0, v34  }
0x624: {  	v34 =	vld.idx.msk [tilespmem:v52+s16+$0x0], vm0  }
0x625: {  	v53 =	vor.u32 $0x4, v33;
	_ =	sdelay $0x3  }
0x626: {  	[tilespmem:v52+s14+$0x0] =	vst.idx.msk vm0, v34  }
0x627: {  	v34 =	vld.idx.msk [tilespmem:v53+s16+$0x0], vm0  }
0x628: {  	v54 =	vor.u32 $0x5, v33;
	_ =	sdelay $0x3  }
0x629: {  	[tilespmem:v53+s14+$0x0] =	vst.idx.msk vm0, v34  }
0x62a: {  	v34 =	vld.idx.msk [tilespmem:v54+s16+$0x0], vm0  }
0x62b: {  	v55 =	vor.u32 $0x6, v33;
	_ =	sdelay $0x3  }
0x62c: {  	[tilespmem:v54+s14+$0x0] =	vst.idx.msk vm0, v34  }
0x62d: {  	v34 =	vld.idx.msk [tilespmem:v55+s16+$0x0], vm0  }
0x62e: {  	v56 =	vor.u32 $0x7, v33;
	_ =	sdelay $0x3  }
0x62f: {  	[tilespmem:v55+s14+$0x0] =	vst.idx.msk vm0, v34  }
0x630: {  	v34 =	vld.idx.msk [tilespmem:v56+s16+$0x0], vm0  }
0x631: {  	v57 =	vor.u32 $0x8, v33;
	_ =	sdelay $0x3  }
0x632: {  	[tilespmem:v56+s14+$0x0] =	vst.idx.msk vm0, v34  }
0x633: {  	v34 =	vld.idx.msk [tilespmem:v57+s16+$0x0], vm0  }
0x634: {  	v58 =	vor.u32 $0x9, v33;
	_ =	sdelay $0x3  }
0x635: {  	[tilespmem:v57+s14+$0x0] =	vst.idx.msk vm0, v34  }
0x636: {  	v34 =	vld.idx.msk [tilespmem:v58+s16+$0x0], vm0  }
0x637: {  	v59 =	vor.u32 $0xA, v33;
	_ =	sdelay $0x3  }
0x638: {  	[tilespmem:v58+s14+$0x0] =	vst.idx.msk vm0, v34  }
0x639: {  	v34 =	vld.idx.msk [tilespmem:v59+s16+$0x0], vm0  }
0x63a: {  	v60 =	vor.u32 $0xB, v33;
	_ =	sdelay $0x3  }
0x63b: {  	[tilespmem:v59+s14+$0x0] =	vst.idx.msk vm0, v34  }
0x63c: {  	v34 =	vld.idx.msk [tilespmem:v60+s16+$0x0], vm0  }
0x63d: {  	v61 =	vor.u32 $0xC, v33;
	_ =	sdelay $0x3  }
0x63e: {  	[tilespmem:v60+s14+$0x0] =	vst.idx.msk vm0, v34  }
0x63f: {  	v34 =	vld.idx.msk [tilespmem:v61+s16+$0x0], vm0  }
0x640: {  	v62 =	vor.u32 $0xD, v33;
	_ =	sdelay $0x3  }
0x641: {  	[tilespmem:v61+s14+$0x0] =	vst.idx.msk vm0, v34  }
0x642: {  	v34 =	vld.idx.msk [tilespmem:v62+s16+$0x0], vm0  }
0x643: {  	v63 =	vor.u32 $0xE, v33;
	_ =	sdelay $0x3  }
0x644: {  	[tilespmem:v62+s14+$0x0] =	vst.idx.msk vm0, v34  }
0x645: {  	v34 =	vld.idx.msk [tilespmem:v63+s16+$0x0], vm0  }
0x646: {  	v40 =	vor.u32 $0xF, v33;
	_ =	sdelay $0x3  }
0x647: {  	[tilespmem:v63+s14+$0x0] =	vst.idx.msk vm0, v34  }
0x648: {  	v34 =	vld.idx.msk [tilespmem:v40+s16+$0x0], vm0  }
0x649: {  	v41 =	vor.u32 $0x10, v33;
	_ =	sdelay $0x3  }
0x64a: {  	[tilespmem:v40+s14+$0x0] =	vst.idx.msk vm0, v34  }
0x64b: {  	v34 =	vld.idx.msk [tilespmem:v41+s16+$0x0], vm0  }
0x64c: {  	v42 =	vor.u32 $0x11, v33;
	_ =	sdelay $0x3  }
0x64d: {  	[tilespmem:v41+s14+$0x0] =	vst.idx.msk vm0, v34  }
0x64e: {  	v34 =	vld.idx.msk [tilespmem:v42+s16+$0x0], vm0  }
0x64f: {  	v43 =	vor.u32 $0x12, v33;
	_ =	sdelay $0x3  }
0x650: {  	[tilespmem:v42+s14+$0x0] =	vst.idx.msk vm0, v34  }
0x651: {  	v34 =	vld.idx.msk [tilespmem:v43+s16+$0x0], vm0  }
0x652: {  	v44 =	vor.u32 $0x13, v33;
	_ =	sdelay $0x3  }
0x653: {  	[tilespmem:v43+s14+$0x0] =	vst.idx.msk vm0, v34  }
0x654: {  	v34 =	vld.idx.msk [tilespmem:v44+s16+$0x0], vm0  }
0x655: {  	v45 =	vor.u32 $0x14, v33;
	_ =	sdelay $0x3  }
0x656: {  	[tilespmem:v44+s14+$0x0] =	vst.idx.msk vm0, v34  }
0x657: {  	v34 =	vld.idx.msk [tilespmem:v45+s16+$0x0], vm0  }
0x658: {  	v46 =	vor.u32 $0x15, v33;
	_ =	sdelay $0x3  }
0x659: {  	[tilespmem:v45+s14+$0x0] =	vst.idx.msk vm0, v34  }
0x65a: {  	v34 =	vld.idx.msk [tilespmem:v46+s16+$0x0], vm0  }
0x65b: {  	v47 =	vor.u32 $0x16, v33;
	_ =	sdelay $0x3  }
0x65c: {  	[tilespmem:v46+s14+$0x0] =	vst.idx.msk vm0, v34  }
0x65d: {  	v34 =	vld.idx.msk [tilespmem:v47+s16+$0x0], vm0  }
0x65e: {  	v48 =	vor.u32 $0x17, v33;
	_ =	sdelay $0x3  }
0x65f: {  	[tilespmem:v47+s14+$0x0] =	vst.idx.msk vm0, v34  }
0x660: {  	v34 =	vld.idx.msk [tilespmem:v48+s16+$0x0], vm0  }
0x661: {  	v49 =	vor.u32 $0x18, v33;
	_ =	sdelay $0x3  }
0x662: {  	[tilespmem:v48+s14+$0x0] =	vst.idx.msk vm0, v34  }
0x663: {  	v34 =	vld.idx.msk [tilespmem:v49+s16+$0x0], vm0  }
0x664: {  	v50 =	vor.u32 $0x19, v33;
	_ =	sdelay $0x3  }
0x665: {  	[tilespmem:v49+s14+$0x0] =	vst.idx.msk vm0, v34  }
0x666: {  	v34 =	vld.idx.msk [tilespmem:v50+s16+$0x0], vm0  }
0x667: {  	v51 =	vor.u32 $0x1A, v33;
	_ =	sdelay $0x3  }
0x668: {  	[tilespmem:v50+s14+$0x0] =	vst.idx.msk vm0, v34  }
0x669: {  	v34 =	vld.idx.msk [tilespmem:v51+s16+$0x0], vm0  }
0x66a: {  	v52 =	vor.u32 $0x1B, v33;
	_ =	sdelay $0x3  }
0x66b: {  	[tilespmem:v51+s14+$0x0] =	vst.idx.msk vm0, v34  }
0x66c: {  	v34 =	vld.idx.msk [tilespmem:v52+s16+$0x0], vm0  }
0x66d: {  	v53 =	vor.u32 $0x1C, v33;
	_ =	sdelay $0x3  }
0x66e: {  	[tilespmem:v52+s14+$0x0] =	vst.idx.msk vm0, v34  }
0x66f: {  	v34 =	vld.idx.msk [tilespmem:v53+s16+$0x0], vm0  }
0x670: {  	v54 =	vor.u32 $0x1D, v33;
	_ =	sdelay $0x3  }
0x671: {  	[tilespmem:v53+s14+$0x0] =	vst.idx.msk vm0, v34  }
0x672: {  	v34 =	vld.idx.msk [tilespmem:v54+s16+$0x0], vm0  }
0x673: {  	v55 =	vor.u32 $0x1E, v33;
	_ =	sdelay $0x3  }
0x674: {  	[tilespmem:v54+s14+$0x0] =	vst.idx.msk vm0, v34  }
0x675: {  	v34 =	vld.idx.msk [tilespmem:v55+s16+$0x0], vm0  }
0x676: {  	v56 =	vor.u32 $0x1F, v33;
	_ =	sdelay $0x3  }
0x677: {  	[tilespmem:v55+s14+$0x0] =	vst.idx.msk vm0, v34  }
0x678: {  	v34 =	vld.idx.msk [tilespmem:v56+s16+$0x0], vm0  }
0x679: {  	v57 =	vor.u32 $0x20, v33;
	_ =	sdelay $0x3  }
0x67a: {  	[tilespmem:v56+s14+$0x0] =	vst.idx.msk vm0, v34  }
0x67b: {  	v34 =	vld.idx.msk [tilespmem:v57+s16+$0x0], vm0  }
0x67c: {  	v58 =	vor.u32 $0x21, v33;
	_ =	sdelay $0x3  }
0x67d: {  	[tilespmem:v57+s14+$0x0] =	vst.idx.msk vm0, v34  }
0x67e: {  	v34 =	vld.idx.msk [tilespmem:v58+s16+$0x0], vm0  }
0x67f: {  	v59 =	vor.u32 $0x22, v33;
	_ =	sdelay $0x3  }
0x680: {  	[tilespmem:v58+s14+$0x0] =	vst.idx.msk vm0, v34  }
0x681: {  	v34 =	vld.idx.msk [tilespmem:v59+s16+$0x0], vm0  }
0x682: {  	v60 =	vor.u32 $0x23, v33;
	_ =	sdelay $0x3  }
0x683: {  	[tilespmem:v59+s14+$0x0] =	vst.idx.msk vm0, v34  }
0x684: {  	v34 =	vld.idx.msk [tilespmem:v60+s16+$0x0], vm0  }
0x685: {  	v61 =	vor.u32 $0x24, v33;
	_ =	sdelay $0x3  }
0x686: {  	[tilespmem:v60+s14+$0x0] =	vst.idx.msk vm0, v34  }
0x687: {  	v34 =	vld.idx.msk [tilespmem:v61+s16+$0x0], vm0  }
0x688: {  	v62 =	vor.u32 $0x25, v33;
	_ =	sdelay $0x3  }
0x689: {  	[tilespmem:v61+s14+$0x0] =	vst.idx.msk vm0, v34  }
0x68a: {  	v34 =	vld.idx.msk [tilespmem:v62+s16+$0x0], vm0  }
0x68b: {  	v63 =	vor.u32 $0x26, v33;
	_ =	sdelay $0x3  }
0x68c: {  	[tilespmem:v62+s14+$0x0] =	vst.idx.msk vm0, v34  }
0x68d: {  	v34 =	vld.idx.msk [tilespmem:v63+s16+$0x0], vm0  }
0x68e: {  	v40 =	vor.u32 $0x27, v33;
	_ =	sdelay $0x3  }
0x68f: {  	[tilespmem:v63+s14+$0x0] =	vst.idx.msk vm0, v34  }
0x690: {  	v34 =	vld.idx.msk [tilespmem:v40+s16+$0x0], vm0  }
0x691: {  	v41 =	vor.u32 $0x28, v33;
	_ =	sdelay $0x3  }
0x692: {  	[tilespmem:v40+s14+$0x0] =	vst.idx.msk vm0, v34  }
0x693: {  	v34 =	vld.idx.msk [tilespmem:v41+s16+$0x0], vm0  }
0x694: {  	v42 =	vor.u32 $0x29, v33;
	_ =	sdelay $0x3  }
0x695: {  	[tilespmem:v41+s14+$0x0] =	vst.idx.msk vm0, v34  }
0x696: {  	v34 =	vld.idx.msk [tilespmem:v42+s16+$0x0], vm0  }
0x697: {  	v43 =	vor.u32 $0x2A, v33;
	_ =	sdelay $0x3  }
0x698: {  	[tilespmem:v42+s14+$0x0] =	vst.idx.msk vm0, v34  }
0x699: {  	v34 =	vld.idx.msk [tilespmem:v43+s16+$0x0], vm0  }
0x69a: {  	v44 =	vor.u32 $0x2B, v33;
	_ =	sdelay $0x3  }
0x69b: {  	[tilespmem:v43+s14+$0x0] =	vst.idx.msk vm0, v34  }
0x69c: {  	v34 =	vld.idx.msk [tilespmem:v44+s16+$0x0], vm0  }
0x69d: {  	v45 =	vor.u32 $0x2C, v33;
	_ =	sdelay $0x3  }
0x69e: {  	[tilespmem:v44+s14+$0x0] =	vst.idx.msk vm0, v34  }
0x69f: {  	v34 =	vld.idx.msk [tilespmem:v45+s16+$0x0], vm0  }
0x6a0: {  	v46 =	vor.u32 $0x2D, v33;
	_ =	sdelay $0x3  }
0x6a1: {  	[tilespmem:v45+s14+$0x0] =	vst.idx.msk vm0, v34  }
0x6a2: {  	v34 =	vld.idx.msk [tilespmem:v46+s16+$0x0], vm0  }
0x6a3: {  	v47 =	vor.u32 $0x2E, v33;
	_ =	sdelay $0x3  }
0x6a4: {  	[tilespmem:v46+s14+$0x0] =	vst.idx.msk vm0, v34  }
0x6a5: {  	v34 =	vld.idx.msk [tilespmem:v47+s16+$0x0], vm0  }
0x6a6: {  	v48 =	vor.u32 $0x2F, v33;
	_ =	sdelay $0x3  }
0x6a7: {  	[tilespmem:v47+s14+$0x0] =	vst.idx.msk vm0, v34  }
0x6a8: {  	v34 =	vld.idx.msk [tilespmem:v48+s16+$0x0], vm0  }
0x6a9: {  	v49 =	vor.u32 $0x30, v33;
	_ =	sdelay $0x3  }
0x6aa: {  	[tilespmem:v48+s14+$0x0] =	vst.idx.msk vm0, v34  }
0x6ab: {  	v34 =	vld.idx.msk [tilespmem:v49+s16+$0x0], vm0  }
0x6ac: {  	v50 =	vor.u32 $0x31, v33;
	_ =	sdelay $0x3  }
0x6ad: {  	[tilespmem:v49+s14+$0x0] =	vst.idx.msk vm0, v34  }
0x6ae: {  	v34 =	vld.idx.msk [tilespmem:v50+s16+$0x0], vm0  }
0x6af: {  	v51 =	vor.u32 $0x32, v33;
	_ =	sdelay $0x3  }
0x6b0: {  	[tilespmem:v50+s14+$0x0] =	vst.idx.msk vm0, v34  }
0x6b1: {  	v34 =	vld.idx.msk [tilespmem:v51+s16+$0x0], vm0  }
0x6b2: {  	v52 =	vor.u32 $0x33, v33;
	_ =	sdelay $0x3  }
0x6b3: {  	[tilespmem:v51+s14+$0x0] =	vst.idx.msk vm0, v34  }
0x6b4: {  	v34 =	vld.idx.msk [tilespmem:v52+s16+$0x0], vm0  }
0x6b5: {  	v53 =	vor.u32 $0x34, v33;
	_ =	sdelay $0x3  }
0x6b6: {  	[tilespmem:v52+s14+$0x0] =	vst.idx.msk vm0, v34  }
0x6b7: {  	v34 =	vld.idx.msk [tilespmem:v53+s16+$0x0], vm0  }
0x6b8: {  	v54 =	vor.u32 $0x35, v33;
	_ =	sdelay $0x3  }
0x6b9: {  	[tilespmem:v53+s14+$0x0] =	vst.idx.msk vm0, v34  }
0x6ba: {  	v34 =	vld.idx.msk [tilespmem:v54+s16+$0x0], vm0  }
0x6bb: {  	v55 =	vor.u32 $0x36, v33;
	_ =	sdelay $0x3  }
0x6bc: {  	[tilespmem:v54+s14+$0x0] =	vst.idx.msk vm0, v34  }
0x6bd: {  	v34 =	vld.idx.msk [tilespmem:v55+s16+$0x0], vm0  }
0x6be: {  	v56 =	vor.u32 $0x37, v33;
	_ =	sdelay $0x3  }
0x6bf: {  	[tilespmem:v55+s14+$0x0] =	vst.idx.msk vm0, v34  }
0x6c0: {  	v34 =	vld.idx.msk [tilespmem:v56+s16+$0x0], vm0  }
0x6c1: {  	v57 =	vor.u32 $0x38, v33;
	_ =	sdelay $0x3  }
0x6c2: {  	[tilespmem:v56+s14+$0x0] =	vst.idx.msk vm0, v34  }
0x6c3: {  	v34 =	vld.idx.msk [tilespmem:v57+s16+$0x0], vm0  }
0x6c4: {  	v58 =	vor.u32 $0x39, v33;
	_ =	sdelay $0x3  }
0x6c5: {  	[tilespmem:v57+s14+$0x0] =	vst.idx.msk vm0, v34  }
0x6c6: {  	v34 =	vld.idx.msk [tilespmem:v58+s16+$0x0], vm0  }
0x6c7: {  	v59 =	vor.u32 $0x3A, v33;
	_ =	sdelay $0x3  }
0x6c8: {  	[tilespmem:v58+s14+$0x0] =	vst.idx.msk vm0, v34  }
0x6c9: {  	v34 =	vld.idx.msk [tilespmem:v59+s16+$0x0], vm0  }
0x6ca: {  	v60 =	vor.u32 $0x3B, v33;
	_ =	sdelay $0x3  }
0x6cb: {  	[tilespmem:v59+s14+$0x0] =	vst.idx.msk vm0, v34  }
0x6cc: {  	v34 =	vld.idx.msk [tilespmem:v60+s16+$0x0], vm0  }
0x6cd: {  	v61 =	vor.u32 $0x3C, v33;
	_ =	sdelay $0x3  }
0x6ce: {  	[tilespmem:v60+s14+$0x0] =	vst.idx.msk vm0, v34  }
0x6cf: {  	v34 =	vld.idx.msk [tilespmem:v61+s16+$0x0], vm0  }
0x6d0: {  	v62 =	vor.u32 $0x3D, v33;
	_ =	sdelay $0x3  }
0x6d1: {  	[tilespmem:v61+s14+$0x0] =	vst.idx.msk vm0, v34  }
0x6d2: {  	v34 =	vld.idx.msk [tilespmem:v62+s16+$0x0], vm0  }
0x6d3: {  	v63 =	vor.u32 $0x3E, v33;
	_ =	sdelay $0x3  }
0x6d4: {  	[tilespmem:v62+s14+$0x0] =	vst.idx.msk vm0, v34  }
0x6d5: {  	v34 =	vld.idx.msk [tilespmem:v63+s16+$0x0], vm0  }
0x6d6: {  	v33 =	vor.u32 $0x3F, v33;
	_ =	sdelay $0x3  }
0x6d7: {  	[tilespmem:v63+s14+$0x0] =	vst.idx.msk vm0, v34  }
0x6d8: {  	v34 =	vld.idx.msk [tilespmem:v33+s16+$0x0], vm0;
	_ =	sdelay $0x4  }
0x6d9: {  	[tilespmem:v33+s14+$0x0] =	vst.idx.msk vm0, v34  }
0x6da: {  	[hbm4b:s9+s3] =	stream.linear.scatter [tilespmem:s26], [sflag:$0x3], $0x2000, $0x38;
	[tilespmem:$0x10800] =	vst v63  }
0x6db: {  	_ =	swait.ge [sflag:s0], $0x2000  }
0x6dc: {  	[sflag:s0] =	ssyncset.done $0x0  }
0x6dd: {  	[sflag:s0] =	ssyncadd.s32 $0xFFFFE000  }
0x6de: {  	_ =	swait.ge [sflag:s0], $0x2000  }
0x6df: {  	[sflag:s0] =	ssyncset.done $0x0  }
0x6e0: {  	s2 =	sadd.s32 $0x1, s2;
	[sflag:s0] =	ssyncadd.s32 $0xFFFFE000  }
0x6e1: {  	p0 =	sne.s32 s2, s10;
	_ =	swait.ge [sflag:s0], $0x2000  }
.Ltmp4:
0x6e2: {  	[sflag:s0] =	ssyncset.done $0x0;
	(pc) =	sbr.rel @p0 .LBB2_1-.Ltmp4, $4  }
0x6e3: {  	[sflag:s0] =	ssyncadd.s32 $0xFFFFE000  }
0x6e4: {  	_ =	swait.ge [sflag:s0], $0x2000  }
0x6e5: {  	[sflag:s0] =	ssyncset.done $0x0  }
0x6e6: {  	[sflag:s0] =	ssyncadd.s32 $0xFFFFE000  }
0x6e7: {  	_ =	sfence.sel $0x180000  }
0x6e8: {  	[bflag:$0x0] =	sbarrier.arrive $0xFFFF  }
0x6e9: {  	_ =	strace $0x90000047  }
0x6ea: {  	s0 =	stileid.u32;
	[bflag:$0x2] =	sbarrier.arrive $0xFFFF  }
0x6eb: {  	p0 =	sne.s32 s0, $0x0;
	s0 =	rddreg [dreg:$0x3]  }
0x6ec: {  	s0 =	sadd.s32 @!p0 $0x100000, s0  }
0x6ed: {  	[sflag:s0] =	ssyncadd.tile.s32 @!p0 $0x1;
	_ =	shalt  }
.Lfunc_end2:
_tile_overlayer_lowered:
.L_overlay_start_2:
0x6ee: {  	(tag) =	ssettag $0x2  }
0x6ef: {  	s0 =	rddreg [dreg:$0x0];
	s2 =	stileid.u32  }
0x6f0: {  	s1 =	rddreg [dreg:$0x1];
	p0 =	sne.s32 s2, $0x0  }
0x6f1: {  	s3 =	rddreg [dreg:$0x2];
	[bflag:$0x3] =	sbarrier.arrive $0xFFFF;
	s2 =	simm.s32 @!p0 $0x1C04  }
0x6f2: {  	[timem:s3], [sflag:s2] =	dma.local @!p0 [hbm:s0], s1  }
0x6f3: {  	s0 =	simm.s32 @!p0 $0x4  }
0x6f4: {  	_ =	swait.ge @!p0 [sflag:s0], s1  }
0x6f5: {  	s1 =	ssub.s32 @!p0 $0x0, s1;
	[sflag:s0] =	ssyncset.done @!p0 $0x0  }
0x6f6: {  	[sflag:s0] =	ssyncadd.s32 @!p0 s1  }
0x6f7: {  	[bflag:$0x3] =	sbarrier.arrive $0xFFFF  }
0x6f8: {  	_ =	shalt  }

</sc_bundles>
